<compile_context>
chip_gen: v7x
topology: tpu7x:2x2x1
jax: 0.10.2.dev20260603
libtpu: 0.0.44.dev20260713+nightly
codegen_flags: <defaults>
</compile_context>

<pallas_src>
import functools

import jax
import jax.numpy as jnp
from jax import lax
from jax.experimental import pallas as pl
from jax.experimental.pallas import tpu as pltpu
from jax.experimental.pallas import tpu_sc as plsc

LENGTH = 1000000
DIM = 64
BATCH = 16384

NUM_CORES = 2
NUM_SUBCORES = 16
NUM_WORKERS = NUM_CORES * NUM_SUBCORES
B_PER_W = BATCH // NUM_WORKERS
LANES = 16
CHUNK = 128
NCHUNKS = B_PER_W // CHUNK


def _sc_gather_body(xs_hbm, ti_hbm, tg_hbm, out_in_hbm, out_gt_hbm,
                    xs_v, idx_v, in0_v, in1_v, gt0_v, gt1_v,
                    sem_a0, sem_a1, sem_b0, sem_b1, sem_wa, sem_wb):
    wid = lax.axis_index("s") * NUM_CORES + lax.axis_index("c")
    base = wid * B_PER_W

    pltpu.sync_copy(xs_hbm.at[pl.ds(base, B_PER_W)], xs_v)

    scale = jnp.float32(LENGTH)
    for j in range(B_PER_W // LANES):
        v = xs_v[pl.ds(j * LANES, LANES)] * scale
        iv = v.astype(jnp.int32)
        iv = jnp.minimum(jnp.maximum(iv, 0), LENGTH - 1)
        idx_v[pl.ds(j * LANES, LANES)] = iv

    bufs_in = [in0_v, in1_v]
    bufs_gt = [gt0_v, gt1_v]
    sems_in = [sem_a0, sem_a1]
    sems_gt = [sem_b0, sem_b1]

    def issue_chunk(table_hbm, buf, sem, k):
        def issue(j, carry):
            off = pl.multiple_of(k * CHUNK + j * LANES, LANES)
            dst = j * LANES
            iv = idx_v[pl.ds(off, LANES)]
            for l in range(LANES):
                r = iv[l]
                pltpu.async_copy(table_hbm.at[pl.ds(r, 1)],
                                 buf.at[pl.ds(dst + l, 1)], sem)
            return carry

        lax.fori_loop(0, CHUNK // LANES, issue, 0)

    def drain_chunk(table_hbm, buf, sem):
        pltpu.make_async_copy(table_hbm.at[pl.ds(0, CHUNK)], buf, sem).wait()

    for k in range(2):
        issue_chunk(ti_hbm, bufs_in[k], sems_in[k], k)
        issue_chunk(tg_hbm, bufs_gt[k], sems_gt[k], k)

    tail = []
    for k in range(NCHUNKS):
        b = k % 2
        drain_chunk(ti_hbm, bufs_in[b], sems_in[b])
        wb_a = pltpu.async_copy(
            bufs_in[b], out_in_hbm.at[pl.ds(base + k * CHUNK, CHUNK)], sem_wa)
        drain_chunk(tg_hbm, bufs_gt[b], sems_gt[b])
        wb_b = pltpu.async_copy(
            bufs_gt[b], out_gt_hbm.at[pl.ds(base + k * CHUNK, CHUNK)], sem_wb)
        if k + 2 < NCHUNKS:
            wb_a.wait()
            issue_chunk(ti_hbm, bufs_in[b], sems_in[b], k + 2)
            wb_b.wait()
            issue_chunk(tg_hbm, bufs_gt[b], sems_gt[b], k + 2)
        else:
            tail.append(wb_a)
            tail.append(wb_b)

    for wb in tail:
        wb.wait()


@jax.jit
def kernel(xs, table_input, table_gt):
    mesh = plsc.VectorSubcoreMesh(core_axis_name="c", subcore_axis_name="s")
    run = functools.partial(
        pl.kernel,
        out_type=(
            jax.ShapeDtypeStruct((BATCH, DIM), jnp.float32),
            jax.ShapeDtypeStruct((BATCH, DIM), jnp.float32),
        ),
        mesh=mesh,
        scratch_types=[
            pltpu.VMEM((B_PER_W,), jnp.float32),
            pltpu.VMEM((B_PER_W,), jnp.int32),
            pltpu.VMEM((CHUNK, DIM), jnp.float32),
            pltpu.VMEM((CHUNK, DIM), jnp.float32),
            pltpu.VMEM((CHUNK, DIM), jnp.float32),
            pltpu.VMEM((CHUNK, DIM), jnp.float32),
            pltpu.SemaphoreType.DMA,
            pltpu.SemaphoreType.DMA,
            pltpu.SemaphoreType.DMA,
            pltpu.SemaphoreType.DMA,
            pltpu.SemaphoreType.DMA,
            pltpu.SemaphoreType.DMA,
        ],
    )(_sc_gather_body)
    return run(xs, table_input, table_gt)

# --- scband reference (transcript-rebuilt; emitter-appended) ---
"""Pipeline reference for scband-input-tensor-89498528514815 (READ-ONLY COPY).

The authoritative reference and input builder live on the scoring server;
editing this copy changes nothing except your own understanding.
"""

import jax, jax.numpy as jnp
import numpy as np

LENGTH = 1000000
DIM = 64
BATCH = 16384

def setup_inputs(seed: int = 0) -> dict:
    key = jax.random.key(seed)
    k1, k2, k3 = jax.random.split(key, 3)
    table_input = jax.random.normal(k1, (LENGTH, DIM), dtype=jnp.float32)
    table_gt = jax.random.normal(k2, (LENGTH, DIM), dtype=jnp.float32)
    xs = jax.random.uniform(k3, (BATCH,), dtype=jnp.float32)
    return {"xs": xs, "table_input": table_input, "table_gt": table_gt}

def reference(xs, table_input, table_gt):
    # Faithful translation of InputTensor.forward (mask is None)
    length = table_input.shape[0]
    xs_scaled = xs * jnp.array([length], dtype=jnp.float32)
    indices = xs_scaled.astype(jnp.int32)
    # NOTE: original torch code calls indices.clamp(...) without assignment (a no-op),
    # but indices from uniform[0,1) * length are in-range; we clip for gather safety
    # which matches JAX's default clamped gather semantics anyway.
    indices = jnp.clip(indices, 0, length - 1)
    out_input = jnp.take(table_input, indices, axis=0)
    out_gt = jnp.take(table_gt, indices, axis=0)
    return (out_input, out_gt)

if __name__ == "__main__":
    import jax
    _d = setup_inputs()
    print(jax.jit(kernel)(*tuple(_d.values())))

</pallas_src>

<mosaic_0001>
#map = affine_map<(d0, d1) -> (0)>
#map1 = affine_map<(d0, d1) -> (0, 0)>
module attributes {stable_mosaic.version = 14 : i64} {
  func.func @_sc_gather_body(%arg0: i32, %arg1: i32, %arg2: memref<16384xf32, #tpu.memory_space<hbm>>, %arg3: memref<1000000x64xf32, #tpu.memory_space<hbm>>, %arg4: memref<1000000x64xf32, #tpu.memory_space<hbm>>, %arg5: memref<16384x64xf32, #tpu.memory_space<hbm>>, %arg6: memref<16384x64xf32, #tpu.memory_space<hbm>>, %arg7: memref<512xf32, #tpu.memory_space<vmem>>, %arg8: memref<512xi32, #tpu.memory_space<vmem>>, %arg9: memref<128x64xf32, #tpu.memory_space<vmem>>, %arg10: memref<128x64xf32, #tpu.memory_space<vmem>>, %arg11: memref<128x64xf32, #tpu.memory_space<vmem>>, %arg12: memref<128x64xf32, #tpu.memory_space<vmem>>, %arg13: memref<!tpu.dma_semaphore, #tpu.memory_space<semaphore_mem>>, %arg14: memref<!tpu.dma_semaphore, #tpu.memory_space<semaphore_mem>>, %arg15: memref<!tpu.dma_semaphore, #tpu.memory_space<semaphore_mem>>, %arg16: memref<!tpu.dma_semaphore, #tpu.memory_space<semaphore_mem>>, %arg17: memref<!tpu.dma_semaphore, #tpu.memory_space<semaphore_mem>>, %arg18: memref<!tpu.dma_semaphore, #tpu.memory_space<semaphore_mem>>) attributes {dimension_semantics = [#tpu.dimension_semantics<core_parallel>, #tpu.dimension_semantics<subcore_parallel>], iteration_bounds = array<i64: 2, 16>, scalar_prefetch = 0 : i64, scratch_operands = 12 : i64, tpu.core_type = #tpu.core_type<sc_vector_subcore>, window_params = [{transform_indices = #map}, {transform_indices = #map1}, {transform_indices = #map1}, {transform_indices = #map1}, {transform_indices = #map1}]} {
    %mul3A = arith.constant 2 : i32
    %mul3A_0 = arith.muli %arg1, %mul3A : i32
    %add3A = arith.addi %mul3A_0, %arg0 : i32
    %mul3A_1 = arith.constant 512 : i32
    %mul3A_2 = arith.muli %add3A, %mul3A_1 : i32
    "tpu.region"() ({
      %run_scoped3A = tpu.sem_alloc : memref<!tpu.dma_semaphore, #tpu.memory_space<semaphore_mem>>
      %dma_start3A_715 = tpu.memref_slice %arg2[%mul3A_2] : memref<16384xf32, #tpu.memory_space<hbm>> -> memref<512xf32, #tpu.memory_space<hbm>>
      %dma_start3A_716 = tpu.memref_slice %arg2[%mul3A_2] : memref<16384xf32, #tpu.memory_space<hbm>> -> memref<512xf32, #tpu.memory_space<hbm>>
      tpu.enqueue_dma source(%dma_start3A_716 : memref<512xf32, #tpu.memory_space<hbm>>) target(%arg7 : memref<512xf32, #tpu.memory_space<vmem>>) target_semaphore(%run_scoped3A : memref<!tpu.dma_semaphore, #tpu.memory_space<semaphore_mem>>)
      %dma_wait3A_717 = tpu.memref_slice %arg2[%mul3A_2] : memref<16384xf32, #tpu.memory_space<hbm>> -> memref<512xf32, #tpu.memory_space<hbm>>
      %dma_wait3A_718 = tpu.memref_slice %arg2[%mul3A_2] : memref<16384xf32, #tpu.memory_space<hbm>> -> memref<512xf32, #tpu.memory_space<hbm>>
      tpu.wait_dma2 semaphore(%run_scoped3A : memref<!tpu.dma_semaphore, #tpu.memory_space<semaphore_mem>>) src(%dma_wait3A_718 : memref<512xf32, #tpu.memory_space<hbm>>) dst(%arg7 : memref<512xf32, #tpu.memory_space<vmem>>)
      tpu.yield
    }) : () -> ()
    %get3A = arith.constant 0 : index
    %get3A_3 = tpu.vector_load %arg7[%get3A] {strides = array<i32>} : memref<512xf32, #tpu.memory_space<vmem>>, vector<16xf32>,
    %get3A_4 = vector.shape_cast %get3A_3 : vector<16xf32> to vector<16xf32>
    %mul3A_5 = arith.constant 1.000000e+06 : f32
    %mul3A_6 = vector.broadcast %mul3A_5 : f32 to vector<16xf32>
    %mul3A_7 = arith.mulf %get3A_4, %mul3A_6 : vector<16xf32>
    %convert_element_type3A = arith.fptosi %mul3A_7 : vector<16xf32> to vector<16xi32>
    %max3A = arith.constant 0 : i32
    %max3A_8 = vector.broadcast %max3A : i32 to vector<16xi32>
    %max3A_9 = arith.maxsi %convert_element_type3A, %max3A_8 : vector<16xi32>
    %min3A = arith.constant 999999 : i32
    %min3A_10 = vector.broadcast %min3A : i32 to vector<16xi32>
    %min3A_11 = arith.minsi %max3A_9, %min3A_10 : vector<16xi32>
    %swap3A = arith.constant 0 : index
    %swap3A_12 = tpu.vector_load %arg8[%swap3A] {strides = array<i32>} : memref<512xi32, #tpu.memory_space<vmem>>, vector<16xi32>,
    %swap3A_13 = vector.shape_cast %swap3A_12 : vector<16xi32> to vector<16xi32>
    %swap3A_14 = vector.shape_cast %min3A_11 : vector<16xi32> to vector<16xi32>
    tpu.vector_store %arg8[%swap3A], %swap3A_14 {strides = array<i32>} : memref<512xi32, #tpu.memory_space<vmem>>, vector<16xi32>,
    %get3A_15 = arith.constant 16 : index
    %get3A_16 = tpu.vector_load %arg7[%get3A_15] {strides = array<i32>} : memref<512xf32, #tpu.memory_space<vmem>>, vector<16xf32>,
    %get3A_17 = vector.shape_cast %get3A_16 : vector<16xf32> to vector<16xf32>
    %mul3A_18 = arith.constant 1.000000e+06 : f32
    %mul3A_19 = vector.broadcast %mul3A_18 : f32 to vector<16xf32>
    %mul3A_20 = arith.mulf %get3A_17, %mul3A_19 : vector<16xf32>
    %convert_element_type3A_21 = arith.fptosi %mul3A_20 : vector<16xf32> to vector<16xi32>
    %max3A_22 = arith.constant 0 : i32
    %max3A_23 = vector.broadcast %max3A_22 : i32 to vector<16xi32>
    %max3A_24 = arith.maxsi %convert_element_type3A_21, %max3A_23 : vector<16xi32>
    %min3A_25 = arith.constant 999999 : i32
    %min3A_26 = vector.broadcast %min3A_25 : i32 to vector<16xi32>
    %min3A_27 = arith.minsi %max3A_24, %min3A_26 : vector<16xi32>
    %swap3A_28 = arith.constant 16 : index
    %swap3A_29 = tpu.vector_load %arg8[%swap3A_28] {strides = array<i32>} : memref<512xi32, #tpu.memory_space<vmem>>, vector<16xi32>,
    %swap3A_30 = vector.shape_cast %swap3A_29 : vector<16xi32> to vector<16xi32>
    %swap3A_31 = vector.shape_cast %min3A_27 : vector<16xi32> to vector<16xi32>
    tpu.vector_store %arg8[%swap3A_28], %swap3A_31 {strides = array<i32>} : memref<512xi32, #tpu.memory_space<vmem>>, vector<16xi32>,
    %get3A_32 = arith.constant 32 : index
    %get3A_33 = tpu.vector_load %arg7[%get3A_32] {strides = array<i32>} : memref<512xf32, #tpu.memory_space<vmem>>, vector<16xf32>,
    %get3A_34 = vector.shape_cast %get3A_33 : vector<16xf32> to vector<16xf32>
    %mul3A_35 = arith.constant 1.000000e+06 : f32
    %mul3A_36 = vector.broadcast %mul3A_35 : f32 to vector<16xf32>
    %mul3A_37 = arith.mulf %get3A_34, %mul3A_36 : vector<16xf32>
    %convert_element_type3A_38 = arith.fptosi %mul3A_37 : vector<16xf32> to vector<16xi32>
    %max3A_39 = arith.constant 0 : i32
    %max3A_40 = vector.broadcast %max3A_39 : i32 to vector<16xi32>
    %max3A_41 = arith.maxsi %convert_element_type3A_38, %max3A_40 : vector<16xi32>
    %min3A_42 = arith.constant 999999 : i32
    %min3A_43 = vector.broadcast %min3A_42 : i32 to vector<16xi32>
    %min3A_44 = arith.minsi %max3A_41, %min3A_43 : vector<16xi32>
    %swap3A_45 = arith.constant 32 : index
    %swap3A_46 = tpu.vector_load %arg8[%swap3A_45] {strides = array<i32>} : memref<512xi32, #tpu.memory_space<vmem>>, vector<16xi32>,
    %swap3A_47 = vector.shape_cast %swap3A_46 : vector<16xi32> to vector<16xi32>
    %swap3A_48 = vector.shape_cast %min3A_44 : vector<16xi32> to vector<16xi32>
    tpu.vector_store %arg8[%swap3A_45], %swap3A_48 {strides = array<i32>} : memref<512xi32, #tpu.memory_space<vmem>>, vector<16xi32>,
    %get3A_49 = arith.constant 48 : index
    %get3A_50 = tpu.vector_load %arg7[%get3A_49] {strides = array<i32>} : memref<512xf32, #tpu.memory_space<vmem>>, vector<16xf32>,
    %get3A_51 = vector.shape_cast %get3A_50 : vector<16xf32> to vector<16xf32>
    %mul3A_52 = arith.constant 1.000000e+06 : f32
    %mul3A_53 = vector.broadcast %mul3A_52 : f32 to vector<16xf32>
    %mul3A_54 = arith.mulf %get3A_51, %mul3A_53 : vector<16xf32>
    %convert_element_type3A_55 = arith.fptosi %mul3A_54 : vector<16xf32> to vector<16xi32>
    %max3A_56 = arith.constant 0 : i32
    %max3A_57 = vector.broadcast %max3A_56 : i32 to vector<16xi32>
    %max3A_58 = arith.maxsi %convert_element_type3A_55, %max3A_57 : vector<16xi32>
    %min3A_59 = arith.constant 999999 : i32
    %min3A_60 = vector.broadcast %min3A_59 : i32 to vector<16xi32>
    %min3A_61 = arith.minsi %max3A_58, %min3A_60 : vector<16xi32>
    %swap3A_62 = arith.constant 48 : index
    %swap3A_63 = tpu.vector_load %arg8[%swap3A_62] {strides = array<i32>} : memref<512xi32, #tpu.memory_space<vmem>>, vector<16xi32>,
    %swap3A_64 = vector.shape_cast %swap3A_63 : vector<16xi32> to vector<16xi32>
    %swap3A_65 = vector.shape_cast %min3A_61 : vector<16xi32> to vector<16xi32>
    tpu.vector_store %arg8[%swap3A_62], %swap3A_65 {strides = array<i32>} : memref<512xi32, #tpu.memory_space<vmem>>, vector<16xi32>,
    %get3A_66 = arith.constant 64 : index
    %get3A_67 = tpu.vector_load %arg7[%get3A_66] {strides = array<i32>} : memref<512xf32, #tpu.memory_space<vmem>>, vector<16xf32>,
    %get3A_68 = vector.shape_cast %get3A_67 : vector<16xf32> to vector<16xf32>
    %mul3A_69 = arith.constant 1.000000e+06 : f32
    %mul3A_70 = vector.broadcast %mul3A_69 : f32 to vector<16xf32>
    %mul3A_71 = arith.mulf %get3A_68, %mul3A_70 : vector<16xf32>
    %convert_element_type3A_72 = arith.fptosi %mul3A_71 : vector<16xf32> to vector<16xi32>
    %max3A_73 = arith.constant 0 : i32
    %max3A_74 = vector.broadcast %max3A_73 : i32 to vector<16xi32>
    %max3A_75 = arith.maxsi %convert_element_type3A_72, %max3A_74 : vector<16xi32>
    %min3A_76 = arith.constant 999999 : i32
    %min3A_77 = vector.broadcast %min3A_76 : i32 to vector<16xi32>
    %min3A_78 = arith.minsi %max3A_75, %min3A_77 : vector<16xi32>
    %swap3A_79 = arith.constant 64 : index
    %swap3A_80 = tpu.vector_load %arg8[%swap3A_79] {strides = array<i32>} : memref<512xi32, #tpu.memory_space<vmem>>, vector<16xi32>,
    %swap3A_81 = vector.shape_cast %swap3A_80 : vector<16xi32> to vector<16xi32>
    %swap3A_82 = vector.shape_cast %min3A_78 : vector<16xi32> to vector<16xi32>
    tpu.vector_store %arg8[%swap3A_79], %swap3A_82 {strides = array<i32>} : memref<512xi32, #tpu.memory_space<vmem>>, vector<16xi32>,
    %get3A_83 = arith.constant 80 : index
    %get3A_84 = tpu.vector_load %arg7[%get3A_83] {strides = array<i32>} : memref<512xf32, #tpu.memory_space<vmem>>, vector<16xf32>,
    %get3A_85 = vector.shape_cast %get3A_84 : vector<16xf32> to vector<16xf32>
    %mul3A_86 = arith.constant 1.000000e+06 : f32
    %mul3A_87 = vector.broadcast %mul3A_86 : f32 to vector<16xf32>
    %mul3A_88 = arith.mulf %get3A_85, %mul3A_87 : vector<16xf32>
    %convert_element_type3A_89 = arith.fptosi %mul3A_88 : vector<16xf32> to vector<16xi32>
    %max3A_90 = arith.constant 0 : i32
    %max3A_91 = vector.broadcast %max3A_90 : i32 to vector<16xi32>
    %max3A_92 = arith.maxsi %convert_element_type3A_89, %max3A_91 : vector<16xi32>
    %min3A_93 = arith.constant 999999 : i32
    %min3A_94 = vector.broadcast %min3A_93 : i32 to vector<16xi32>
    %min3A_95 = arith.minsi %max3A_92, %min3A_94 : vector<16xi32>
    %swap3A_96 = arith.constant 80 : index
    %swap3A_97 = tpu.vector_load %arg8[%swap3A_96] {strides = array<i32>} : memref<512xi32, #tpu.memory_space<vmem>>, vector<16xi32>,
    %swap3A_98 = vector.shape_cast %swap3A_97 : vector<16xi32> to vector<16xi32>
    %swap3A_99 = vector.shape_cast %min3A_95 : vector<16xi32> to vector<16xi32>
    tpu.vector_store %arg8[%swap3A_96], %swap3A_99 {strides = array<i32>} : memref<512xi32, #tpu.memory_space<vmem>>, vector<16xi32>,
    %get3A_100 = arith.constant 96 : index
    %get3A_101 = tpu.vector_load %arg7[%get3A_100] {strides = array<i32>} : memref<512xf32, #tpu.memory_space<vmem>>, vector<16xf32>,
    %get3A_102 = vector.shape_cast %get3A_101 : vector<16xf32> to vector<16xf32>
    %mul3A_103 = arith.constant 1.000000e+06 : f32
    %mul3A_104 = vector.broadcast %mul3A_103 : f32 to vector<16xf32>
    %mul3A_105 = arith.mulf %get3A_102, %mul3A_104 : vector<16xf32>
    %convert_element_type3A_106 = arith.fptosi %mul3A_105 : vector<16xf32> to vector<16xi32>
    %max3A_107 = arith.constant 0 : i32
    %max3A_108 = vector.broadcast %max3A_107 : i32 to vector<16xi32>
    %max3A_109 = arith.maxsi %convert_element_type3A_106, %max3A_108 : vector<16xi32>
    %min3A_110 = arith.constant 999999 : i32
    %min3A_111 = vector.broadcast %min3A_110 : i32 to vector<16xi32>
    %min3A_112 = arith.minsi %max3A_109, %min3A_111 : vector<16xi32>
    %swap3A_113 = arith.constant 96 : index
    %swap3A_114 = tpu.vector_load %arg8[%swap3A_113] {strides = array<i32>} : memref<512xi32, #tpu.memory_space<vmem>>, vector<16xi32>,
    %swap3A_115 = vector.shape_cast %swap3A_114 : vector<16xi32> to vector<16xi32>
    %swap3A_116 = vector.shape_cast %min3A_112 : vector<16xi32> to vector<16xi32>
    tpu.vector_store %arg8[%swap3A_113], %swap3A_116 {strides = array<i32>} : memref<512xi32, #tpu.memory_space<vmem>>, vector<16xi32>,
    %get3A_117 = arith.constant 112 : index
    %get3A_118 = tpu.vector_load %arg7[%get3A_117] {strides = array<i32>} : memref<512xf32, #tpu.memory_space<vmem>>, vector<16xf32>,
    %get3A_119 = vector.shape_cast %get3A_118 : vector<16xf32> to vector<16xf32>
    %mul3A_120 = arith.constant 1.000000e+06 : f32
    %mul3A_121 = vector.broadcast %mul3A_120 : f32 to vector<16xf32>
    %mul3A_122 = arith.mulf %get3A_119, %mul3A_121 : vector<16xf32>
    %convert_element_type3A_123 = arith.fptosi %mul3A_122 : vector<16xf32> to vector<16xi32>
    %max3A_124 = arith.constant 0 : i32
    %max3A_125 = vector.broadcast %max3A_124 : i32 to vector<16xi32>
    %max3A_126 = arith.maxsi %convert_element_type3A_123, %max3A_125 : vector<16xi32>
    %min3A_127 = arith.constant 999999 : i32
    %min3A_128 = vector.broadcast %min3A_127 : i32 to vector<16xi32>
    %min3A_129 = arith.minsi %max3A_126, %min3A_128 : vector<16xi32>
    %swap3A_130 = arith.constant 112 : index
    %swap3A_131 = tpu.vector_load %arg8[%swap3A_130] {strides = array<i32>} : memref<512xi32, #tpu.memory_space<vmem>>, vector<16xi32>,
    %swap3A_132 = vector.shape_cast %swap3A_131 : vector<16xi32> to vector<16xi32>
    %swap3A_133 = vector.shape_cast %min3A_129 : vector<16xi32> to vector<16xi32>
    tpu.vector_store %arg8[%swap3A_130], %swap3A_133 {strides = array<i32>} : memref<512xi32, #tpu.memory_space<vmem>>, vector<16xi32>,
    %get3A_134 = arith.constant 128 : index
    %get3A_135 = tpu.vector_load %arg7[%get3A_134] {strides = array<i32>} : memref<512xf32, #tpu.memory_space<vmem>>, vector<16xf32>,
    %get3A_136 = vector.shape_cast %get3A_135 : vector<16xf32> to vector<16xf32>
    %mul3A_137 = arith.constant 1.000000e+06 : f32
    %mul3A_138 = vector.broadcast %mul3A_137 : f32 to vector<16xf32>
    %mul3A_139 = arith.mulf %get3A_136, %mul3A_138 : vector<16xf32>
    %convert_element_type3A_140 = arith.fptosi %mul3A_139 : vector<16xf32> to vector<16xi32>
    %max3A_141 = arith.constant 0 : i32
    %max3A_142 = vector.broadcast %max3A_141 : i32 to vector<16xi32>
    %max3A_143 = arith.maxsi %convert_element_type3A_140, %max3A_142 : vector<16xi32>
    %min3A_144 = arith.constant 999999 : i32
    %min3A_145 = vector.broadcast %min3A_144 : i32 to vector<16xi32>
    %min3A_146 = arith.minsi %max3A_143, %min3A_145 : vector<16xi32>
    %swap3A_147 = arith.constant 128 : index
    %swap3A_148 = tpu.vector_load %arg8[%swap3A_147] {strides = array<i32>} : memref<512xi32, #tpu.memory_space<vmem>>, vector<16xi32>,
    %swap3A_149 = vector.shape_cast %swap3A_148 : vector<16xi32> to vector<16xi32>
    %swap3A_150 = vector.shape_cast %min3A_146 : vector<16xi32> to vector<16xi32>
    tpu.vector_store %arg8[%swap3A_147], %swap3A_150 {strides = array<i32>} : memref<512xi32, #tpu.memory_space<vmem>>, vector<16xi32>,
    %get3A_151 = arith.constant 144 : index
    %get3A_152 = tpu.vector_load %arg7[%get3A_151] {strides = array<i32>} : memref<512xf32, #tpu.memory_space<vmem>>, vector<16xf32>,
    %get3A_153 = vector.shape_cast %get3A_152 : vector<16xf32> to vector<16xf32>
    %mul3A_154 = arith.constant 1.000000e+06 : f32
    %mul3A_155 = vector.broadcast %mul3A_154 : f32 to vector<16xf32>
    %mul3A_156 = arith.mulf %get3A_153, %mul3A_155 : vector<16xf32>
    %convert_element_type3A_157 = arith.fptosi %mul3A_156 : vector<16xf32> to vector<16xi32>
    %max3A_158 = arith.constant 0 : i32
    %max3A_159 = vector.broadcast %max3A_158 : i32 to vector<16xi32>
    %max3A_160 = arith.maxsi %convert_element_type3A_157, %max3A_159 : vector<16xi32>
    %min3A_161 = arith.constant 999999 : i32
    %min3A_162 = vector.broadcast %min3A_161 : i32 to vector<16xi32>
    %min3A_163 = arith.minsi %max3A_160, %min3A_162 : vector<16xi32>
    %swap3A_164 = arith.constant 144 : index
    %swap3A_165 = tpu.vector_load %arg8[%swap3A_164] {strides = array<i32>} : memref<512xi32, #tpu.memory_space<vmem>>, vector<16xi32>,
    %swap3A_166 = vector.shape_cast %swap3A_165 : vector<16xi32> to vector<16xi32>
    %swap3A_167 = vector.shape_cast %min3A_163 : vector<16xi32> to vector<16xi32>
    tpu.vector_store %arg8[%swap3A_164], %swap3A_167 {strides = array<i32>} : memref<512xi32, #tpu.memory_space<vmem>>, vector<16xi32>,
    %get3A_168 = arith.constant 160 : index
    %get3A_169 = tpu.vector_load %arg7[%get3A_168] {strides = array<i32>} : memref<512xf32, #tpu.memory_space<vmem>>, vector<16xf32>,
    %get3A_170 = vector.shape_cast %get3A_169 : vector<16xf32> to vector<16xf32>
    %mul3A_171 = arith.constant 1.000000e+06 : f32
    %mul3A_172 = vector.broadcast %mul3A_171 : f32 to vector<16xf32>
    %mul3A_173 = arith.mulf %get3A_170, %mul3A_172 : vector<16xf32>
    %convert_element_type3A_174 = arith.fptosi %mul3A_173 : vector<16xf32> to vector<16xi32>
    %max3A_175 = arith.constant 0 : i32
    %max3A_176 = vector.broadcast %max3A_175 : i32 to vector<16xi32>
    %max3A_177 = arith.maxsi %convert_element_type3A_174, %max3A_176 : vector<16xi32>
    %min3A_178 = arith.constant 999999 : i32
    %min3A_179 = vector.broadcast %min3A_178 : i32 to vector<16xi32>
    %min3A_180 = arith.minsi %max3A_177, %min3A_179 : vector<16xi32>
    %swap3A_181 = arith.constant 160 : index
    %swap3A_182 = tpu.vector_load %arg8[%swap3A_181] {strides = array<i32>} : memref<512xi32, #tpu.memory_space<vmem>>, vector<16xi32>,
    %swap3A_183 = vector.shape_cast %swap3A_182 : vector<16xi32> to vector<16xi32>
    %swap3A_184 = vector.shape_cast %min3A_180 : vector<16xi32> to vector<16xi32>
    tpu.vector_store %arg8[%swap3A_181], %swap3A_184 {strides = array<i32>} : memref<512xi32, #tpu.memory_space<vmem>>, vector<16xi32>,
    %get3A_185 = arith.constant 176 : index
    %get3A_186 = tpu.vector_load %arg7[%get3A_185] {strides = array<i32>} : memref<512xf32, #tpu.memory_space<vmem>>, vector<16xf32>,
    %get3A_187 = vector.shape_cast %get3A_186 : vector<16xf32> to vector<16xf32>
    %mul3A_188 = arith.constant 1.000000e+06 : f32
    %mul3A_189 = vector.broadcast %mul3A_188 : f32 to vector<16xf32>
    %mul3A_190 = arith.mulf %get3A_187, %mul3A_189 : vector<16xf32>
    %convert_element_type3A_191 = arith.fptosi %mul3A_190 : vector<16xf32> to vector<16xi32>
    %max3A_192 = arith.constant 0 : i32
    %max3A_193 = vector.broadcast %max3A_192 : i32 to vector<16xi32>
    %max3A_194 = arith.maxsi %convert_element_type3A_191, %max3A_193 : vector<16xi32>
    %min3A_195 = arith.constant 999999 : i32
    %min3A_196 = vector.broadcast %min3A_195 : i32 to vector<16xi32>
    %min3A_197 = arith.minsi %max3A_194, %min3A_196 : vector<16xi32>
    %swap3A_198 = arith.constant 176 : index
    %swap3A_199 = tpu.vector_load %arg8[%swap3A_198] {strides = array<i32>} : memref<512xi32, #tpu.memory_space<vmem>>, vector<16xi32>,
    %swap3A_200 = vector.shape_cast %swap3A_199 : vector<16xi32> to vector<16xi32>
    %swap3A_201 = vector.shape_cast %min3A_197 : vector<16xi32> to vector<16xi32>
    tpu.vector_store %arg8[%swap3A_198], %swap3A_201 {strides = array<i32>} : memref<512xi32, #tpu.memory_space<vmem>>, vector<16xi32>,
    %get3A_202 = arith.constant 192 : index
    %get3A_203 = tpu.vector_load %arg7[%get3A_202] {strides = array<i32>} : memref<512xf32, #tpu.memory_space<vmem>>, vector<16xf32>,
    %get3A_204 = vector.shape_cast %get3A_203 : vector<16xf32> to vector<16xf32>
    %mul3A_205 = arith.constant 1.000000e+06 : f32
    %mul3A_206 = vector.broadcast %mul3A_205 : f32 to vector<16xf32>
    %mul3A_207 = arith.mulf %get3A_204, %mul3A_206 : vector<16xf32>
    %convert_element_type3A_208 = arith.fptosi %mul3A_207 : vector<16xf32> to vector<16xi32>
    %max3A_209 = arith.constant 0 : i32
    %max3A_210 = vector.broadcast %max3A_209 : i32 to vector<16xi32>
    %max3A_211 = arith.maxsi %convert_element_type3A_208, %max3A_210 : vector<16xi32>
    %min3A_212 = arith.constant 999999 : i32
    %min3A_213 = vector.broadcast %min3A_212 : i32 to vector<16xi32>
    %min3A_214 = arith.minsi %max3A_211, %min3A_213 : vector<16xi32>
    %swap3A_215 = arith.constant 192 : index
    %swap3A_216 = tpu.vector_load %arg8[%swap3A_215] {strides = array<i32>} : memref<512xi32, #tpu.memory_space<vmem>>, vector<16xi32>,
    %swap3A_217 = vector.shape_cast %swap3A_216 : vector<16xi32> to vector<16xi32>
    %swap3A_218 = vector.shape_cast %min3A_214 : vector<16xi32> to vector<16xi32>
    tpu.vector_store %arg8[%swap3A_215], %swap3A_218 {strides = array<i32>} : memref<512xi32, #tpu.memory_space<vmem>>, vector<16xi32>,
    %get3A_219 = arith.constant 208 : index
    %get3A_220 = tpu.vector_load %arg7[%get3A_219] {strides = array<i32>} : memref<512xf32, #tpu.memory_space<vmem>>, vector<16xf32>,
    %get3A_221 = vector.shape_cast %get3A_220 : vector<16xf32> to vector<16xf32>
    %mul3A_222 = arith.constant 1.000000e+06 : f32
    %mul3A_223 = vector.broadcast %mul3A_222 : f32 to vector<16xf32>
    %mul3A_224 = arith.mulf %get3A_221, %mul3A_223 : vector<16xf32>
    %convert_element_type3A_225 = arith.fptosi %mul3A_224 : vector<16xf32> to vector<16xi32>
    %max3A_226 = arith.constant 0 : i32
    %max3A_227 = vector.broadcast %max3A_226 : i32 to vector<16xi32>
    %max3A_228 = arith.maxsi %convert_element_type3A_225, %max3A_227 : vector<16xi32>
    %min3A_229 = arith.constant 999999 : i32
    %min3A_230 = vector.broadcast %min3A_229 : i32 to vector<16xi32>
    %min3A_231 = arith.minsi %max3A_228, %min3A_230 : vector<16xi32>
    %swap3A_232 = arith.constant 208 : index
    %swap3A_233 = tpu.vector_load %arg8[%swap3A_232] {strides = array<i32>} : memref<512xi32, #tpu.memory_space<vmem>>, vector<16xi32>,
    %swap3A_234 = vector.shape_cast %swap3A_233 : vector<16xi32> to vector<16xi32>
    %swap3A_235 = vector.shape_cast %min3A_231 : vector<16xi32> to vector<16xi32>
    tpu.vector_store %arg8[%swap3A_232], %swap3A_235 {strides = array<i32>} : memref<512xi32, #tpu.memory_space<vmem>>, vector<16xi32>,
    %get3A_236 = arith.constant 224 : index
    %get3A_237 = tpu.vector_load %arg7[%get3A_236] {strides = array<i32>} : memref<512xf32, #tpu.memory_space<vmem>>, vector<16xf32>,
    %get3A_238 = vector.shape_cast %get3A_237 : vector<16xf32> to vector<16xf32>
    %mul3A_239 = arith.constant 1.000000e+06 : f32
    %mul3A_240 = vector.broadcast %mul3A_239 : f32 to vector<16xf32>
    %mul3A_241 = arith.mulf %get3A_238, %mul3A_240 : vector<16xf32>
    %convert_element_type3A_242 = arith.fptosi %mul3A_241 : vector<16xf32> to vector<16xi32>
    %max3A_243 = arith.constant 0 : i32
    %max3A_244 = vector.broadcast %max3A_243 : i32 to vector<16xi32>
    %max3A_245 = arith.maxsi %convert_element_type3A_242, %max3A_244 : vector<16xi32>
    %min3A_246 = arith.constant 999999 : i32
    %min3A_247 = vector.broadcast %min3A_246 : i32 to vector<16xi32>
    %min3A_248 = arith.minsi %max3A_245, %min3A_247 : vector<16xi32>
    %swap3A_249 = arith.constant 224 : index
    %swap3A_250 = tpu.vector_load %arg8[%swap3A_249] {strides = array<i32>} : memref<512xi32, #tpu.memory_space<vmem>>, vector<16xi32>,
    %swap3A_251 = vector.shape_cast %swap3A_250 : vector<16xi32> to vector<16xi32>
    %swap3A_252 = vector.shape_cast %min3A_248 : vector<16xi32> to vector<16xi32>
    tpu.vector_store %arg8[%swap3A_249], %swap3A_252 {strides = array<i32>} : memref<512xi32, #tpu.memory_space<vmem>>, vector<16xi32>,
    %get3A_253 = arith.constant 240 : index
    %get3A_254 = tpu.vector_load %arg7[%get3A_253] {strides = array<i32>} : memref<512xf32, #tpu.memory_space<vmem>>, vector<16xf32>,
    %get3A_255 = vector.shape_cast %get3A_254 : vector<16xf32> to vector<16xf32>
    %mul3A_256 = arith.constant 1.000000e+06 : f32
    %mul3A_257 = vector.broadcast %mul3A_256 : f32 to vector<16xf32>
    %mul3A_258 = arith.mulf %get3A_255, %mul3A_257 : vector<16xf32>
    %convert_element_type3A_259 = arith.fptosi %mul3A_258 : vector<16xf32> to vector<16xi32>
    %max3A_260 = arith.constant 0 : i32
    %max3A_261 = vector.broadcast %max3A_260 : i32 to vector<16xi32>
    %max3A_262 = arith.maxsi %convert_element_type3A_259, %max3A_261 : vector<16xi32>
    %min3A_263 = arith.constant 999999 : i32
    %min3A_264 = vector.broadcast %min3A_263 : i32 to vector<16xi32>
    %min3A_265 = arith.minsi %max3A_262, %min3A_264 : vector<16xi32>
    %swap3A_266 = arith.constant 240 : index
    %swap3A_267 = tpu.vector_load %arg8[%swap3A_266] {strides = array<i32>} : memref<512xi32, #tpu.memory_space<vmem>>, vector<16xi32>,
    %swap3A_268 = vector.shape_cast %swap3A_267 : vector<16xi32> to vector<16xi32>
    %swap3A_269 = vector.shape_cast %min3A_265 : vector<16xi32> to vector<16xi32>
    tpu.vector_store %arg8[%swap3A_266], %swap3A_269 {strides = array<i32>} : memref<512xi32, #tpu.memory_space<vmem>>, vector<16xi32>,
    %get3A_270 = arith.constant 256 : index
    %get3A_271 = tpu.vector_load %arg7[%get3A_270] {strides = array<i32>} : memref<512xf32, #tpu.memory_space<vmem>>, vector<16xf32>,
    %get3A_272 = vector.shape_cast %get3A_271 : vector<16xf32> to vector<16xf32>
    %mul3A_273 = arith.constant 1.000000e+06 : f32
    %mul3A_274 = vector.broadcast %mul3A_273 : f32 to vector<16xf32>
    %mul3A_275 = arith.mulf %get3A_272, %mul3A_274 : vector<16xf32>
    %convert_element_type3A_276 = arith.fptosi %mul3A_275 : vector<16xf32> to vector<16xi32>
    %max3A_277 = arith.constant 0 : i32
    %max3A_278 = vector.broadcast %max3A_277 : i32 to vector<16xi32>
    %max3A_279 = arith.maxsi %convert_element_type3A_276, %max3A_278 : vector<16xi32>
    %min3A_280 = arith.constant 999999 : i32
    %min3A_281 = vector.broadcast %min3A_280 : i32 to vector<16xi32>
    %min3A_282 = arith.minsi %max3A_279, %min3A_281 : vector<16xi32>
    %swap3A_283 = arith.constant 256 : index
    %swap3A_284 = tpu.vector_load %arg8[%swap3A_283] {strides = array<i32>} : memref<512xi32, #tpu.memory_space<vmem>>, vector<16xi32>,
    %swap3A_285 = vector.shape_cast %swap3A_284 : vector<16xi32> to vector<16xi32>
    %swap3A_286 = vector.shape_cast %min3A_282 : vector<16xi32> to vector<16xi32>
    tpu.vector_store %arg8[%swap3A_283], %swap3A_286 {strides = array<i32>} : memref<512xi32, #tpu.memory_space<vmem>>, vector<16xi32>,
    %get3A_287 = arith.constant 272 : index
    %get3A_288 = tpu.vector_load %arg7[%get3A_287] {strides = array<i32>} : memref<512xf32, #tpu.memory_space<vmem>>, vector<16xf32>,
    %get3A_289 = vector.shape_cast %get3A_288 : vector<16xf32> to vector<16xf32>
    %mul3A_290 = arith.constant 1.000000e+06 : f32
    %mul3A_291 = vector.broadcast %mul3A_290 : f32 to vector<16xf32>
    %mul3A_292 = arith.mulf %get3A_289, %mul3A_291 : vector<16xf32>
    %convert_element_type3A_293 = arith.fptosi %mul3A_292 : vector<16xf32> to vector<16xi32>
    %max3A_294 = arith.constant 0 : i32
    %max3A_295 = vector.broadcast %max3A_294 : i32 to vector<16xi32>
    %max3A_296 = arith.maxsi %convert_element_type3A_293, %max3A_295 : vector<16xi32>
    %min3A_297 = arith.constant 999999 : i32
    %min3A_298 = vector.broadcast %min3A_297 : i32 to vector<16xi32>
    %min3A_299 = arith.minsi %max3A_296, %min3A_298 : vector<16xi32>
    %swap3A_300 = arith.constant 272 : index
    %swap3A_301 = tpu.vector_load %arg8[%swap3A_300] {strides = array<i32>} : memref<512xi32, #tpu.memory_space<vmem>>, vector<16xi32>,
    %swap3A_302 = vector.shape_cast %swap3A_301 : vector<16xi32> to vector<16xi32>
    %swap3A_303 = vector.shape_cast %min3A_299 : vector<16xi32> to vector<16xi32>
    tpu.vector_store %arg8[%swap3A_300], %swap3A_303 {strides = array<i32>} : memref<512xi32, #tpu.memory_space<vmem>>, vector<16xi32>,
    %get3A_304 = arith.constant 288 : index
    %get3A_305 = tpu.vector_load %arg7[%get3A_304] {strides = array<i32>} : memref<512xf32, #tpu.memory_space<vmem>>, vector<16xf32>,
    %get3A_306 = vector.shape_cast %get3A_305 : vector<16xf32> to vector<16xf32>
    %mul3A_307 = arith.constant 1.000000e+06 : f32
    %mul3A_308 = vector.broadcast %mul3A_307 : f32 to vector<16xf32>
    %mul3A_309 = arith.mulf %get3A_306, %mul3A_308 : vector<16xf32>
    %convert_element_type3A_310 = arith.fptosi %mul3A_309 : vector<16xf32> to vector<16xi32>
    %max3A_311 = arith.constant 0 : i32
    %max3A_312 = vector.broadcast %max3A_311 : i32 to vector<16xi32>
    %max3A_313 = arith.maxsi %convert_element_type3A_310, %max3A_312 : vector<16xi32>
    %min3A_314 = arith.constant 999999 : i32
    %min3A_315 = vector.broadcast %min3A_314 : i32 to vector<16xi32>
    %min3A_316 = arith.minsi %max3A_313, %min3A_315 : vector<16xi32>
    %swap3A_317 = arith.constant 288 : index
    %swap3A_318 = tpu.vector_load %arg8[%swap3A_317] {strides = array<i32>} : memref<512xi32, #tpu.memory_space<vmem>>, vector<16xi32>,
    %swap3A_319 = vector.shape_cast %swap3A_318 : vector<16xi32> to vector<16xi32>
    %swap3A_320 = vector.shape_cast %min3A_316 : vector<16xi32> to vector<16xi32>
    tpu.vector_store %arg8[%swap3A_317], %swap3A_320 {strides = array<i32>} : memref<512xi32, #tpu.memory_space<vmem>>, vector<16xi32>,
    %get3A_321 = arith.constant 304 : index
    %get3A_322 = tpu.vector_load %arg7[%get3A_321] {strides = array<i32>} : memref<512xf32, #tpu.memory_space<vmem>>, vector<16xf32>,
    %get3A_323 = vector.shape_cast %get3A_322 : vector<16xf32> to vector<16xf32>
    %mul3A_324 = arith.constant 1.000000e+06 : f32
    %mul3A_325 = vector.broadcast %mul3A_324 : f32 to vector<16xf32>
    %mul3A_326 = arith.mulf %get3A_323, %mul3A_325 : vector<16xf32>
    %convert_element_type3A_327 = arith.fptosi %mul3A_326 : vector<16xf32> to vector<16xi32>
    %max3A_328 = arith.constant 0 : i32
    %max3A_329 = vector.broadcast %max3A_328 : i32 to vector<16xi32>
    %max3A_330 = arith.maxsi %convert_element_type3A_327, %max3A_329 : vector<16xi32>
    %min3A_331 = arith.constant 999999 : i32
    %min3A_332 = vector.broadcast %min3A_331 : i32 to vector<16xi32>
    %min3A_333 = arith.minsi %max3A_330, %min3A_332 : vector<16xi32>
    %swap3A_334 = arith.constant 304 : index
    %swap3A_335 = tpu.vector_load %arg8[%swap3A_334] {strides = array<i32>} : memref<512xi32, #tpu.memory_space<vmem>>, vector<16xi32>,
    %swap3A_336 = vector.shape_cast %swap3A_335 : vector<16xi32> to vector<16xi32>
    %swap3A_337 = vector.shape_cast %min3A_333 : vector<16xi32> to vector<16xi32>
    tpu.vector_store %arg8[%swap3A_334], %swap3A_337 {strides = array<i32>} : memref<512xi32, #tpu.memory_space<vmem>>, vector<16xi32>,
    %get3A_338 = arith.constant 320 : index
    %get3A_339 = tpu.vector_load %arg7[%get3A_338] {strides = array<i32>} : memref<512xf32, #tpu.memory_space<vmem>>, vector<16xf32>,
    %get3A_340 = vector.shape_cast %get3A_339 : vector<16xf32> to vector<16xf32>
    %mul3A_341 = arith.constant 1.000000e+06 : f32
    %mul3A_342 = vector.broadcast %mul3A_341 : f32 to vector<16xf32>
    %mul3A_343 = arith.mulf %get3A_340, %mul3A_342 : vector<16xf32>
    %convert_element_type3A_344 = arith.fptosi %mul3A_343 : vector<16xf32> to vector<16xi32>
    %max3A_345 = arith.constant 0 : i32
    %max3A_346 = vector.broadcast %max3A_345 : i32 to vector<16xi32>
    %max3A_347 = arith.maxsi %convert_element_type3A_344, %max3A_346 : vector<16xi32>
    %min3A_348 = arith.constant 999999 : i32
    %min3A_349 = vector.broadcast %min3A_348 : i32 to vector<16xi32>
    %min3A_350 = arith.minsi %max3A_347, %min3A_349 : vector<16xi32>
    %swap3A_351 = arith.constant 320 : index
    %swap3A_352 = tpu.vector_load %arg8[%swap3A_351] {strides = array<i32>} : memref<512xi32, #tpu.memory_space<vmem>>, vector<16xi32>,
    %swap3A_353 = vector.shape_cast %swap3A_352 : vector<16xi32> to vector<16xi32>
    %swap3A_354 = vector.shape_cast %min3A_350 : vector<16xi32> to vector<16xi32>
    tpu.vector_store %arg8[%swap3A_351], %swap3A_354 {strides = array<i32>} : memref<512xi32, #tpu.memory_space<vmem>>, vector<16xi32>,
    %get3A_355 = arith.constant 336 : index
    %get3A_356 = tpu.vector_load %arg7[%get3A_355] {strides = array<i32>} : memref<512xf32, #tpu.memory_space<vmem>>, vector<16xf32>,
    %get3A_357 = vector.shape_cast %get3A_356 : vector<16xf32> to vector<16xf32>
    %mul3A_358 = arith.constant 1.000000e+06 : f32
    %mul3A_359 = vector.broadcast %mul3A_358 : f32 to vector<16xf32>
    %mul3A_360 = arith.mulf %get3A_357, %mul3A_359 : vector<16xf32>
    %convert_element_type3A_361 = arith.fptosi %mul3A_360 : vector<16xf32> to vector<16xi32>
    %max3A_362 = arith.constant 0 : i32
    %max3A_363 = vector.broadcast %max3A_362 : i32 to vector<16xi32>
    %max3A_364 = arith.maxsi %convert_element_type3A_361, %max3A_363 : vector<16xi32>
    %min3A_365 = arith.constant 999999 : i32
    %min3A_366 = vector.broadcast %min3A_365 : i32 to vector<16xi32>
    %min3A_367 = arith.minsi %max3A_364, %min3A_366 : vector<16xi32>
    %swap3A_368 = arith.constant 336 : index
    %swap3A_369 = tpu.vector_load %arg8[%swap3A_368] {strides = array<i32>} : memref<512xi32, #tpu.memory_space<vmem>>, vector<16xi32>,
    %swap3A_370 = vector.shape_cast %swap3A_369 : vector<16xi32> to vector<16xi32>
    %swap3A_371 = vector.shape_cast %min3A_367 : vector<16xi32> to vector<16xi32>
    tpu.vector_store %arg8[%swap3A_368], %swap3A_371 {strides = array<i32>} : memref<512xi32, #tpu.memory_space<vmem>>, vector<16xi32>,
    %get3A_372 = arith.constant 352 : index
    %get3A_373 = tpu.vector_load %arg7[%get3A_372] {strides = array<i32>} : memref<512xf32, #tpu.memory_space<vmem>>, vector<16xf32>,
    %get3A_374 = vector.shape_cast %get3A_373 : vector<16xf32> to vector<16xf32>
    %mul3A_375 = arith.constant 1.000000e+06 : f32
    %mul3A_376 = vector.broadcast %mul3A_375 : f32 to vector<16xf32>
    %mul3A_377 = arith.mulf %get3A_374, %mul3A_376 : vector<16xf32>
    %convert_element_type3A_378 = arith.fptosi %mul3A_377 : vector<16xf32> to vector<16xi32>
    %max3A_379 = arith.constant 0 : i32
    %max3A_380 = vector.broadcast %max3A_379 : i32 to vector<16xi32>
    %max3A_381 = arith.maxsi %convert_element_type3A_378, %max3A_380 : vector<16xi32>
    %min3A_382 = arith.constant 999999 : i32
    %min3A_383 = vector.broadcast %min3A_382 : i32 to vector<16xi32>
    %min3A_384 = arith.minsi %max3A_381, %min3A_383 : vector<16xi32>
    %swap3A_385 = arith.constant 352 : index
    %swap3A_386 = tpu.vector_load %arg8[%swap3A_385] {strides = array<i32>} : memref<512xi32, #tpu.memory_space<vmem>>, vector<16xi32>,
    %swap3A_387 = vector.shape_cast %swap3A_386 : vector<16xi32> to vector<16xi32>
    %swap3A_388 = vector.shape_cast %min3A_384 : vector<16xi32> to vector<16xi32>
    tpu.vector_store %arg8[%swap3A_385], %swap3A_388 {strides = array<i32>} : memref<512xi32, #tpu.memory_space<vmem>>, vector<16xi32>,
    %get3A_389 = arith.constant 368 : index
    %get3A_390 = tpu.vector_load %arg7[%get3A_389] {strides = array<i32>} : memref<512xf32, #tpu.memory_space<vmem>>, vector<16xf32>,
    %get3A_391 = vector.shape_cast %get3A_390 : vector<16xf32> to vector<16xf32>
    %mul3A_392 = arith.constant 1.000000e+06 : f32
    %mul3A_393 = vector.broadcast %mul3A_392 : f32 to vector<16xf32>
    %mul3A_394 = arith.mulf %get3A_391, %mul3A_393 : vector<16xf32>
    %convert_element_type3A_395 = arith.fptosi %mul3A_394 : vector<16xf32> to vector<16xi32>
    %max3A_396 = arith.constant 0 : i32
    %max3A_397 = vector.broadcast %max3A_396 : i32 to vector<16xi32>
    %max3A_398 = arith.maxsi %convert_element_type3A_395, %max3A_397 : vector<16xi32>
    %min3A_399 = arith.constant 999999 : i32
    %min3A_400 = vector.broadcast %min3A_399 : i32 to vector<16xi32>
    %min3A_401 = arith.minsi %max3A_398, %min3A_400 : vector<16xi32>
    %swap3A_402 = arith.constant 368 : index
    %swap3A_403 = tpu.vector_load %arg8[%swap3A_402] {strides = array<i32>} : memref<512xi32, #tpu.memory_space<vmem>>, vector<16xi32>,
    %swap3A_404 = vector.shape_cast %swap3A_403 : vector<16xi32> to vector<16xi32>
    %swap3A_405 = vector.shape_cast %min3A_401 : vector<16xi32> to vector<16xi32>
    tpu.vector_store %arg8[%swap3A_402], %swap3A_405 {strides = array<i32>} : memref<512xi32, #tpu.memory_space<vmem>>, vector<16xi32>,
    %get3A_406 = arith.constant 384 : index
    %get3A_407 = tpu.vector_load %arg7[%get3A_406] {strides = array<i32>} : memref<512xf32, #tpu.memory_space<vmem>>, vector<16xf32>,
    %get3A_408 = vector.shape_cast %get3A_407 : vector<16xf32> to vector<16xf32>
    %mul3A_409 = arith.constant 1.000000e+06 : f32
    %mul3A_410 = vector.broadcast %mul3A_409 : f32 to vector<16xf32>
    %mul3A_411 = arith.mulf %get3A_408, %mul3A_410 : vector<16xf32>
    %convert_element_type3A_412 = arith.fptosi %mul3A_411 : vector<16xf32> to vector<16xi32>
    %max3A_413 = arith.constant 0 : i32
    %max3A_414 = vector.broadcast %max3A_413 : i32 to vector<16xi32>
    %max3A_415 = arith.maxsi %convert_element_type3A_412, %max3A_414 : vector<16xi32>
    %min3A_416 = arith.constant 999999 : i32
    %min3A_417 = vector.broadcast %min3A_416 : i32 to vector<16xi32>
    %min3A_418 = arith.minsi %max3A_415, %min3A_417 : vector<16xi32>
    %swap3A_419 = arith.constant 384 : index
    %swap3A_420 = tpu.vector_load %arg8[%swap3A_419] {strides = array<i32>} : memref<512xi32, #tpu.memory_space<vmem>>, vector<16xi32>,
    %swap3A_421 = vector.shape_cast %swap3A_420 : vector<16xi32> to vector<16xi32>
    %swap3A_422 = vector.shape_cast %min3A_418 : vector<16xi32> to vector<16xi32>
    tpu.vector_store %arg8[%swap3A_419], %swap3A_422 {strides = array<i32>} : memref<512xi32, #tpu.memory_space<vmem>>, vector<16xi32>,
    %get3A_423 = arith.constant 400 : index
    %get3A_424 = tpu.vector_load %arg7[%get3A_423] {strides = array<i32>} : memref<512xf32, #tpu.memory_space<vmem>>, vector<16xf32>,
    %get3A_425 = vector.shape_cast %get3A_424 : vector<16xf32> to vector<16xf32>
    %mul3A_426 = arith.constant 1.000000e+06 : f32
    %mul3A_427 = vector.broadcast %mul3A_426 : f32 to vector<16xf32>
    %mul3A_428 = arith.mulf %get3A_425, %mul3A_427 : vector<16xf32>
    %convert_element_type3A_429 = arith.fptosi %mul3A_428 : vector<16xf32> to vector<16xi32>
    %max3A_430 = arith.constant 0 : i32
    %max3A_431 = vector.broadcast %max3A_430 : i32 to vector<16xi32>
    %max3A_432 = arith.maxsi %convert_element_type3A_429, %max3A_431 : vector<16xi32>
    %min3A_433 = arith.constant 999999 : i32
    %min3A_434 = vector.broadcast %min3A_433 : i32 to vector<16xi32>
    %min3A_435 = arith.minsi %max3A_432, %min3A_434 : vector<16xi32>
    %swap3A_436 = arith.constant 400 : index
    %swap3A_437 = tpu.vector_load %arg8[%swap3A_436] {strides = array<i32>} : memref<512xi32, #tpu.memory_space<vmem>>, vector<16xi32>,
    %swap3A_438 = vector.shape_cast %swap3A_437 : vector<16xi32> to vector<16xi32>
    %swap3A_439 = vector.shape_cast %min3A_435 : vector<16xi32> to vector<16xi32>
    tpu.vector_store %arg8[%swap3A_436], %swap3A_439 {strides = array<i32>} : memref<512xi32, #tpu.memory_space<vmem>>, vector<16xi32>,
    %get3A_440 = arith.constant 416 : index
    %get3A_441 = tpu.vector_load %arg7[%get3A_440] {strides = array<i32>} : memref<512xf32, #tpu.memory_space<vmem>>, vector<16xf32>,
    %get3A_442 = vector.shape_cast %get3A_441 : vector<16xf32> to vector<16xf32>
    %mul3A_443 = arith.constant 1.000000e+06 : f32
    %mul3A_444 = vector.broadcast %mul3A_443 : f32 to vector<16xf32>
    %mul3A_445 = arith.mulf %get3A_442, %mul3A_444 : vector<16xf32>
    %convert_element_type3A_446 = arith.fptosi %mul3A_445 : vector<16xf32> to vector<16xi32>
    %max3A_447 = arith.constant 0 : i32
    %max3A_448 = vector.broadcast %max3A_447 : i32 to vector<16xi32>
    %max3A_449 = arith.maxsi %convert_element_type3A_446, %max3A_448 : vector<16xi32>
    %min3A_450 = arith.constant 999999 : i32
    %min3A_451 = vector.broadcast %min3A_450 : i32 to vector<16xi32>
    %min3A_452 = arith.minsi %max3A_449, %min3A_451 : vector<16xi32>
    %swap3A_453 = arith.constant 416 : index
    %swap3A_454 = tpu.vector_load %arg8[%swap3A_453] {strides = array<i32>} : memref<512xi32, #tpu.memory_space<vmem>>, vector<16xi32>,
    %swap3A_455 = vector.shape_cast %swap3A_454 : vector<16xi32> to vector<16xi32>
    %swap3A_456 = vector.shape_cast %min3A_452 : vector<16xi32> to vector<16xi32>
    tpu.vector_store %arg8[%swap3A_453], %swap3A_456 {strides = array<i32>} : memref<512xi32, #tpu.memory_space<vmem>>, vector<16xi32>,
    %get3A_457 = arith.constant 432 : index
    %get3A_458 = tpu.vector_load %arg7[%get3A_457] {strides = array<i32>} : memref<512xf32, #tpu.memory_space<vmem>>, vector<16xf32>,
    %get3A_459 = vector.shape_cast %get3A_458 : vector<16xf32> to vector<16xf32>
    %mul3A_460 = arith.constant 1.000000e+06 : f32
    %mul3A_461 = vector.broadcast %mul3A_460 : f32 to vector<16xf32>
    %mul3A_462 = arith.mulf %get3A_459, %mul3A_461 : vector<16xf32>
    %convert_element_type3A_463 = arith.fptosi %mul3A_462 : vector<16xf32> to vector<16xi32>
    %max3A_464 = arith.constant 0 : i32
    %max3A_465 = vector.broadcast %max3A_464 : i32 to vector<16xi32>
    %max3A_466 = arith.maxsi %convert_element_type3A_463, %max3A_465 : vector<16xi32>
    %min3A_467 = arith.constant 999999 : i32
    %min3A_468 = vector.broadcast %min3A_467 : i32 to vector<16xi32>
    %min3A_469 = arith.minsi %max3A_466, %min3A_468 : vector<16xi32>
    %swap3A_470 = arith.constant 432 : index
    %swap3A_471 = tpu.vector_load %arg8[%swap3A_470] {strides = array<i32>} : memref<512xi32, #tpu.memory_space<vmem>>, vector<16xi32>,
    %swap3A_472 = vector.shape_cast %swap3A_471 : vector<16xi32> to vector<16xi32>
    %swap3A_473 = vector.shape_cast %min3A_469 : vector<16xi32> to vector<16xi32>
    tpu.vector_store %arg8[%swap3A_470], %swap3A_473 {strides = array<i32>} : memref<512xi32, #tpu.memory_space<vmem>>, vector<16xi32>,
    %get3A_474 = arith.constant 448 : index
    %get3A_475 = tpu.vector_load %arg7[%get3A_474] {strides = array<i32>} : memref<512xf32, #tpu.memory_space<vmem>>, vector<16xf32>,
    %get3A_476 = vector.shape_cast %get3A_475 : vector<16xf32> to vector<16xf32>
    %mul3A_477 = arith.constant 1.000000e+06 : f32
    %mul3A_478 = vector.broadcast %mul3A_477 : f32 to vector<16xf32>
    %mul3A_479 = arith.mulf %get3A_476, %mul3A_478 : vector<16xf32>
    %convert_element_type3A_480 = arith.fptosi %mul3A_479 : vector<16xf32> to vector<16xi32>
    %max3A_481 = arith.constant 0 : i32
    %max3A_482 = vector.broadcast %max3A_481 : i32 to vector<16xi32>
    %max3A_483 = arith.maxsi %convert_element_type3A_480, %max3A_482 : vector<16xi32>
    %min3A_484 = arith.constant 999999 : i32
    %min3A_485 = vector.broadcast %min3A_484 : i32 to vector<16xi32>
    %min3A_486 = arith.minsi %max3A_483, %min3A_485 : vector<16xi32>
    %swap3A_487 = arith.constant 448 : index
    %swap3A_488 = tpu.vector_load %arg8[%swap3A_487] {strides = array<i32>} : memref<512xi32, #tpu.memory_space<vmem>>, vector<16xi32>,
    %swap3A_489 = vector.shape_cast %swap3A_488 : vector<16xi32> to vector<16xi32>
    %swap3A_490 = vector.shape_cast %min3A_486 : vector<16xi32> to vector<16xi32>
    tpu.vector_store %arg8[%swap3A_487], %swap3A_490 {strides = array<i32>} : memref<512xi32, #tpu.memory_space<vmem>>, vector<16xi32>,
    %get3A_491 = arith.constant 464 : index
    %get3A_492 = tpu.vector_load %arg7[%get3A_491] {strides = array<i32>} : memref<512xf32, #tpu.memory_space<vmem>>, vector<16xf32>,
    %get3A_493 = vector.shape_cast %get3A_492 : vector<16xf32> to vector<16xf32>
    %mul3A_494 = arith.constant 1.000000e+06 : f32
    %mul3A_495 = vector.broadcast %mul3A_494 : f32 to vector<16xf32>
    %mul3A_496 = arith.mulf %get3A_493, %mul3A_495 : vector<16xf32>
    %convert_element_type3A_497 = arith.fptosi %mul3A_496 : vector<16xf32> to vector<16xi32>
    %max3A_498 = arith.constant 0 : i32
    %max3A_499 = vector.broadcast %max3A_498 : i32 to vector<16xi32>
    %max3A_500 = arith.maxsi %convert_element_type3A_497, %max3A_499 : vector<16xi32>
    %min3A_501 = arith.constant 999999 : i32
    %min3A_502 = vector.broadcast %min3A_501 : i32 to vector<16xi32>
    %min3A_503 = arith.minsi %max3A_500, %min3A_502 : vector<16xi32>
    %swap3A_504 = arith.constant 464 : index
    %swap3A_505 = tpu.vector_load %arg8[%swap3A_504] {strides = array<i32>} : memref<512xi32, #tpu.memory_space<vmem>>, vector<16xi32>,
    %swap3A_506 = vector.shape_cast %swap3A_505 : vector<16xi32> to vector<16xi32>
    %swap3A_507 = vector.shape_cast %min3A_503 : vector<16xi32> to vector<16xi32>
    tpu.vector_store %arg8[%swap3A_504], %swap3A_507 {strides = array<i32>} : memref<512xi32, #tpu.memory_space<vmem>>, vector<16xi32>,
    %get3A_508 = arith.constant 480 : index
    %get3A_509 = tpu.vector_load %arg7[%get3A_508] {strides = array<i32>} : memref<512xf32, #tpu.memory_space<vmem>>, vector<16xf32>,
    %get3A_510 = vector.shape_cast %get3A_509 : vector<16xf32> to vector<16xf32>
    %mul3A_511 = arith.constant 1.000000e+06 : f32
    %mul3A_512 = vector.broadcast %mul3A_511 : f32 to vector<16xf32>
    %mul3A_513 = arith.mulf %get3A_510, %mul3A_512 : vector<16xf32>
    %convert_element_type3A_514 = arith.fptosi %mul3A_513 : vector<16xf32> to vector<16xi32>
    %max3A_515 = arith.constant 0 : i32
    %max3A_516 = vector.broadcast %max3A_515 : i32 to vector<16xi32>
    %max3A_517 = arith.maxsi %convert_element_type3A_514, %max3A_516 : vector<16xi32>
    %min3A_518 = arith.constant 999999 : i32
    %min3A_519 = vector.broadcast %min3A_518 : i32 to vector<16xi32>
    %min3A_520 = arith.minsi %max3A_517, %min3A_519 : vector<16xi32>
    %swap3A_521 = arith.constant 480 : index
    %swap3A_522 = tpu.vector_load %arg8[%swap3A_521] {strides = array<i32>} : memref<512xi32, #tpu.memory_space<vmem>>, vector<16xi32>,
    %swap3A_523 = vector.shape_cast %swap3A_522 : vector<16xi32> to vector<16xi32>
    %swap3A_524 = vector.shape_cast %min3A_520 : vector<16xi32> to vector<16xi32>
    tpu.vector_store %arg8[%swap3A_521], %swap3A_524 {strides = array<i32>} : memref<512xi32, #tpu.memory_space<vmem>>, vector<16xi32>,
    %get3A_525 = arith.constant 496 : index
    %get3A_526 = tpu.vector_load %arg7[%get3A_525] {strides = array<i32>} : memref<512xf32, #tpu.memory_space<vmem>>, vector<16xf32>,
    %get3A_527 = vector.shape_cast %get3A_526 : vector<16xf32> to vector<16xf32>
    %mul3A_528 = arith.constant 1.000000e+06 : f32
    %mul3A_529 = vector.broadcast %mul3A_528 : f32 to vector<16xf32>
    %mul3A_530 = arith.mulf %get3A_527, %mul3A_529 : vector<16xf32>
    %convert_element_type3A_531 = arith.fptosi %mul3A_530 : vector<16xf32> to vector<16xi32>
    %max3A_532 = arith.constant 0 : i32
    %max3A_533 = vector.broadcast %max3A_532 : i32 to vector<16xi32>
    %max3A_534 = arith.maxsi %convert_element_type3A_531, %max3A_533 : vector<16xi32>
    %min3A_535 = arith.constant 999999 : i32
    %min3A_536 = vector.broadcast %min3A_535 : i32 to vector<16xi32>
    %min3A_537 = arith.minsi %max3A_534, %min3A_536 : vector<16xi32>
    %swap3A_538 = arith.constant 496 : index
    %swap3A_539 = tpu.vector_load %arg8[%swap3A_538] {strides = array<i32>} : memref<512xi32, #tpu.memory_space<vmem>>, vector<16xi32>,
    %swap3A_540 = vector.shape_cast %swap3A_539 : vector<16xi32> to vector<16xi32>
    %swap3A_541 = vector.shape_cast %min3A_537 : vector<16xi32> to vector<16xi32>
    tpu.vector_store %arg8[%swap3A_538], %swap3A_541 {strides = array<i32>} : memref<512xi32, #tpu.memory_space<vmem>>, vector<16xi32>,
    %scan3A = arith.constant 0 : i32
    %scan3A_542 = arith.constant 0 : i32
    %scan3A_543 = arith.constant 8 : i32
    %scan3A_544 = arith.addi %scan3A_542, %scan3A_543 : i32
    %scan3A_545 = arith.constant 1 : i32
    scf.for %scan3A_715 = %scan3A_542 to %scan3A_544 step %scan3A_545  : i32 {
      %mul3A_716 = arith.constant 16 : i32
      %mul3A_717 = arith.muli %scan3A_715, %mul3A_716 : i32
      %add3A_718 = arith.constant 0 : i32
      %add3A_719 = arith.addi %add3A_718, %mul3A_717 : i32
      %multiple_of3A = tpu.assume_multiple %add3A_719, 16 : i32
      %mul3A_720 = arith.constant 16 : i32
      %mul3A_721 = arith.muli %scan3A_715, %mul3A_720 : i32
      %get3A_722 = arith.index_cast %multiple_of3A : i32 to index
      %get3A_723 = tpu.vector_load %arg8[%get3A_722] {strides = array<i32>} : memref<512xi32, #tpu.memory_space<vmem>>, vector<16xi32>,
      %get3A_724 = vector.shape_cast %get3A_723 : vector<16xi32> to vector<16xi32>
      %slice3A = vector.extract_strided_slice %get3A_724 {offsets = [0], sizes = [1], strides = [1]} : vector<16xi32> to vector<1xi32>
      %squeeze3A = vector.extract %slice3A[0] : i32 from vector<1xi32>
      %add3A_725 = arith.constant 0 : i32
      %add3A_726 = arith.addi %mul3A_721, %add3A_725 : i32
      %dma_start3A_727 = arith.constant 0 : i32
      %dma_start3A_728 = tpu.memref_slice %arg9[%add3A_726, %dma_start3A_727] : memref<128x64xf32, #tpu.memory_space<vmem>> -> memref<1x64xf32, #tpu.memory_space<vmem>>
      %dma_start3A_729 = arith.constant 0 : i32
      %dma_start3A_730 = tpu.memref_slice %arg3[%squeeze3A, %dma_start3A_729] : memref<1000000x64xf32, #tpu.memory_space<hbm>> -> memref<1x64xf32, #tpu.memory_space<hbm>>
      %dma_start3A_731 = arith.constant 0 : i32
      %dma_start3A_732 = tpu.memref_slice %arg9[%add3A_726, %dma_start3A_731] : memref<128x64xf32, #tpu.memory_space<vmem>> -> memref<1x64xf32, #tpu.memory_space<vmem>>
      %dma_start3A_733 = arith.constant 0 : i32
      %dma_start3A_734 = tpu.memref_slice %arg3[%squeeze3A, %dma_start3A_733] : memref<1000000x64xf32, #tpu.memory_space<hbm>> -> memref<1x64xf32, #tpu.memory_space<hbm>>
      tpu.enqueue_dma source(%dma_start3A_734 : memref<1x64xf32, #tpu.memory_space<hbm>>) target(%dma_start3A_732 : memref<1x64xf32, #tpu.memory_space<vmem>>) target_semaphore(%arg13 : memref<!tpu.dma_semaphore, #tpu.memory_space<semaphore_mem>>)
      %slice3A_735 = vector.extract_strided_slice %get3A_724 {offsets = [1], sizes = [1], strides = [1]} : vector<16xi32> to vector<1xi32>
      %squeeze3A_736 = vector.extract %slice3A_735[0] : i32 from vector<1xi32>
      %add3A_737 = arith.constant 1 : i32
      %add3A_738 = arith.addi %mul3A_721, %add3A_737 : i32
      %dma_start3A_739 = arith.constant 0 : i32
      %dma_start3A_740 = tpu.memref_slice %arg9[%add3A_738, %dma_start3A_739] : memref<128x64xf32, #tpu.memory_space<vmem>> -> memref<1x64xf32, #tpu.memory_space<vmem>>
      %dma_start3A_741 = arith.constant 0 : i32
      %dma_start3A_742 = tpu.memref_slice %arg3[%squeeze3A_736, %dma_start3A_741] : memref<1000000x64xf32, #tpu.memory_space<hbm>> -> memref<1x64xf32, #tpu.memory_space<hbm>>
      %dma_start3A_743 = arith.constant 0 : i32
      %dma_start3A_744 = tpu.memref_slice %arg9[%add3A_738, %dma_start3A_743] : memref<128x64xf32, #tpu.memory_space<vmem>> -> memref<1x64xf32, #tpu.memory_space<vmem>>
      %dma_start3A_745 = arith.constant 0 : i32
      %dma_start3A_746 = tpu.memref_slice %arg3[%squeeze3A_736, %dma_start3A_745] : memref<1000000x64xf32, #tpu.memory_space<hbm>> -> memref<1x64xf32, #tpu.memory_space<hbm>>
      tpu.enqueue_dma source(%dma_start3A_746 : memref<1x64xf32, #tpu.memory_space<hbm>>) target(%dma_start3A_744 : memref<1x64xf32, #tpu.memory_space<vmem>>) target_semaphore(%arg13 : memref<!tpu.dma_semaphore, #tpu.memory_space<semaphore_mem>>)
      %slice3A_747 = vector.extract_strided_slice %get3A_724 {offsets = [2], sizes = [1], strides = [1]} : vector<16xi32> to vector<1xi32>
      %squeeze3A_748 = vector.extract %slice3A_747[0] : i32 from vector<1xi32>
      %add3A_749 = arith.constant 2 : i32
      %add3A_750 = arith.addi %mul3A_721, %add3A_749 : i32
      %dma_start3A_751 = arith.constant 0 : i32
      %dma_start3A_752 = tpu.memref_slice %arg9[%add3A_750, %dma_start3A_751] : memref<128x64xf32, #tpu.memory_space<vmem>> -> memref<1x64xf32, #tpu.memory_space<vmem>>
      %dma_start3A_753 = arith.constant 0 : i32
      %dma_start3A_754 = tpu.memref_slice %arg3[%squeeze3A_748, %dma_start3A_753] : memref<1000000x64xf32, #tpu.memory_space<hbm>> -> memref<1x64xf32, #tpu.memory_space<hbm>>
      %dma_start3A_755 = arith.constant 0 : i32
      %dma_start3A_756 = tpu.memref_slice %arg9[%add3A_750, %dma_start3A_755] : memref<128x64xf32, #tpu.memory_space<vmem>> -> memref<1x64xf32, #tpu.memory_space<vmem>>
      %dma_start3A_757 = arith.constant 0 : i32
      %dma_start3A_758 = tpu.memref_slice %arg3[%squeeze3A_748, %dma_start3A_757] : memref<1000000x64xf32, #tpu.memory_space<hbm>> -> memref<1x64xf32, #tpu.memory_space<hbm>>
      tpu.enqueue_dma source(%dma_start3A_758 : memref<1x64xf32, #tpu.memory_space<hbm>>) target(%dma_start3A_756 : memref<1x64xf32, #tpu.memory_space<vmem>>) target_semaphore(%arg13 : memref<!tpu.dma_semaphore, #tpu.memory_space<semaphore_mem>>)
      %slice3A_759 = vector.extract_strided_slice %get3A_724 {offsets = [3], sizes = [1], strides = [1]} : vector<16xi32> to vector<1xi32>
      %squeeze3A_760 = vector.extract %slice3A_759[0] : i32 from vector<1xi32>
      %add3A_761 = arith.constant 3 : i32
      %add3A_762 = arith.addi %mul3A_721, %add3A_761 : i32
      %dma_start3A_763 = arith.constant 0 : i32
      %dma_start3A_764 = tpu.memref_slice %arg9[%add3A_762, %dma_start3A_763] : memref<128x64xf32, #tpu.memory_space<vmem>> -> memref<1x64xf32, #tpu.memory_space<vmem>>
      %dma_start3A_765 = arith.constant 0 : i32
      %dma_start3A_766 = tpu.memref_slice %arg3[%squeeze3A_760, %dma_start3A_765] : memref<1000000x64xf32, #tpu.memory_space<hbm>> -> memref<1x64xf32, #tpu.memory_space<hbm>>
      %dma_start3A_767 = arith.constant 0 : i32
      %dma_start3A_768 = tpu.memref_slice %arg9[%add3A_762, %dma_start3A_767] : memref<128x64xf32, #tpu.memory_space<vmem>> -> memref<1x64xf32, #tpu.memory_space<vmem>>
      %dma_start3A_769 = arith.constant 0 : i32
      %dma_start3A_770 = tpu.memref_slice %arg3[%squeeze3A_760, %dma_start3A_769] : memref<1000000x64xf32, #tpu.memory_space<hbm>> -> memref<1x64xf32, #tpu.memory_space<hbm>>
      tpu.enqueue_dma source(%dma_start3A_770 : memref<1x64xf32, #tpu.memory_space<hbm>>) target(%dma_start3A_768 : memref<1x64xf32, #tpu.memory_space<vmem>>) target_semaphore(%arg13 : memref<!tpu.dma_semaphore, #tpu.memory_space<semaphore_mem>>)
      %slice3A_771 = vector.extract_strided_slice %get3A_724 {offsets = [4], sizes = [1], strides = [1]} : vector<16xi32> to vector<1xi32>
      %squeeze3A_772 = vector.extract %slice3A_771[0] : i32 from vector<1xi32>
      %add3A_773 = arith.constant 4 : i32
      %add3A_774 = arith.addi %mul3A_721, %add3A_773 : i32
      %dma_start3A_775 = arith.constant 0 : i32
      %dma_start3A_776 = tpu.memref_slice %arg9[%add3A_774, %dma_start3A_775] : memref<128x64xf32, #tpu.memory_space<vmem>> -> memref<1x64xf32, #tpu.memory_space<vmem>>
      %dma_start3A_777 = arith.constant 0 : i32
      %dma_start3A_778 = tpu.memref_slice %arg3[%squeeze3A_772, %dma_start3A_777] : memref<1000000x64xf32, #tpu.memory_space<hbm>> -> memref<1x64xf32, #tpu.memory_space<hbm>>
      %dma_start3A_779 = arith.constant 0 : i32
      %dma_start3A_780 = tpu.memref_slice %arg9[%add3A_774, %dma_start3A_779] : memref<128x64xf32, #tpu.memory_space<vmem>> -> memref<1x64xf32, #tpu.memory_space<vmem>>
      %dma_start3A_781 = arith.constant 0 : i32
      %dma_start3A_782 = tpu.memref_slice %arg3[%squeeze3A_772, %dma_start3A_781] : memref<1000000x64xf32, #tpu.memory_space<hbm>> -> memref<1x64xf32, #tpu.memory_space<hbm>>
      tpu.enqueue_dma source(%dma_start3A_782 : memref<1x64xf32, #tpu.memory_space<hbm>>) target(%dma_start3A_780 : memref<1x64xf32, #tpu.memory_space<vmem>>) target_semaphore(%arg13 : memref<!tpu.dma_semaphore, #tpu.memory_space<semaphore_mem>>)
      %slice3A_783 = vector.extract_strided_slice %get3A_724 {offsets = [5], sizes = [1], strides = [1]} : vector<16xi32> to vector<1xi32>
      %squeeze3A_784 = vector.extract %slice3A_783[0] : i32 from vector<1xi32>
      %add3A_785 = arith.constant 5 : i32
      %add3A_786 = arith.addi %mul3A_721, %add3A_785 : i32
      %dma_start3A_787 = arith.constant 0 : i32
      %dma_start3A_788 = tpu.memref_slice %arg9[%add3A_786, %dma_start3A_787] : memref<128x64xf32, #tpu.memory_space<vmem>> -> memref<1x64xf32, #tpu.memory_space<vmem>>
      %dma_start3A_789 = arith.constant 0 : i32
      %dma_start3A_790 = tpu.memref_slice %arg3[%squeeze3A_784, %dma_start3A_789] : memref<1000000x64xf32, #tpu.memory_space<hbm>> -> memref<1x64xf32, #tpu.memory_space<hbm>>
      %dma_start3A_791 = arith.constant 0 : i32
      %dma_start3A_792 = tpu.memref_slice %arg9[%add3A_786, %dma_start3A_791] : memref<128x64xf32, #tpu.memory_space<vmem>> -> memref<1x64xf32, #tpu.memory_space<vmem>>
      %dma_start3A_793 = arith.constant 0 : i32
      %dma_start3A_794 = tpu.memref_slice %arg3[%squeeze3A_784, %dma_start3A_793] : memref<1000000x64xf32, #tpu.memory_space<hbm>> -> memref<1x64xf32, #tpu.memory_space<hbm>>
      tpu.enqueue_dma source(%dma_start3A_794 : memref<1x64xf32, #tpu.memory_space<hbm>>) target(%dma_start3A_792 : memref<1x64xf32, #tpu.memory_space<vmem>>) target_semaphore(%arg13 : memref<!tpu.dma_semaphore, #tpu.memory_space<semaphore_mem>>)
      %slice3A_795 = vector.extract_strided_slice %get3A_724 {offsets = [6], sizes = [1], strides = [1]} : vector<16xi32> to vector<1xi32>
      %squeeze3A_796 = vector.extract %slice3A_795[0] : i32 from vector<1xi32>
      %add3A_797 = arith.constant 6 : i32
      %add3A_798 = arith.addi %mul3A_721, %add3A_797 : i32
      %dma_start3A_799 = arith.constant 0 : i32
      %dma_start3A_800 = tpu.memref_slice %arg9[%add3A_798, %dma_start3A_799] : memref<128x64xf32, #tpu.memory_space<vmem>> -> memref<1x64xf32, #tpu.memory_space<vmem>>
      %dma_start3A_801 = arith.constant 0 : i32
      %dma_start3A_802 = tpu.memref_slice %arg3[%squeeze3A_796, %dma_start3A_801] : memref<1000000x64xf32, #tpu.memory_space<hbm>> -> memref<1x64xf32, #tpu.memory_space<hbm>>
      %dma_start3A_803 = arith.constant 0 : i32
      %dma_start3A_804 = tpu.memref_slice %arg9[%add3A_798, %dma_start3A_803] : memref<128x64xf32, #tpu.memory_space<vmem>> -> memref<1x64xf32, #tpu.memory_space<vmem>>
      %dma_start3A_805 = arith.constant 0 : i32
      %dma_start3A_806 = tpu.memref_slice %arg3[%squeeze3A_796, %dma_start3A_805] : memref<1000000x64xf32, #tpu.memory_space<hbm>> -> memref<1x64xf32, #tpu.memory_space<hbm>>
      tpu.enqueue_dma source(%dma_start3A_806 : memref<1x64xf32, #tpu.memory_space<hbm>>) target(%dma_start3A_804 : memref<1x64xf32, #tpu.memory_space<vmem>>) target_semaphore(%arg13 : memref<!tpu.dma_semaphore, #tpu.memory_space<semaphore_mem>>)
      %slice3A_807 = vector.extract_strided_slice %get3A_724 {offsets = [7], sizes = [1], strides = [1]} : vector<16xi32> to vector<1xi32>
      %squeeze3A_808 = vector.extract %slice3A_807[0] : i32 from vector<1xi32>
      %add3A_809 = arith.constant 7 : i32
      %add3A_810 = arith.addi %mul3A_721, %add3A_809 : i32
      %dma_start3A_811 = arith.constant 0 : i32
      %dma_start3A_812 = tpu.memref_slice %arg9[%add3A_810, %dma_start3A_811] : memref<128x64xf32, #tpu.memory_space<vmem>> -> memref<1x64xf32, #tpu.memory_space<vmem>>
      %dma_start3A_813 = arith.constant 0 : i32
      %dma_start3A_814 = tpu.memref_slice %arg3[%squeeze3A_808, %dma_start3A_813] : memref<1000000x64xf32, #tpu.memory_space<hbm>> -> memref<1x64xf32, #tpu.memory_space<hbm>>
      %dma_start3A_815 = arith.constant 0 : i32
      %dma_start3A_816 = tpu.memref_slice %arg9[%add3A_810, %dma_start3A_815] : memref<128x64xf32, #tpu.memory_space<vmem>> -> memref<1x64xf32, #tpu.memory_space<vmem>>
      %dma_start3A_817 = arith.constant 0 : i32
      %dma_start3A_818 = tpu.memref_slice %arg3[%squeeze3A_808, %dma_start3A_817] : memref<1000000x64xf32, #tpu.memory_space<hbm>> -> memref<1x64xf32, #tpu.memory_space<hbm>>
      tpu.enqueue_dma source(%dma_start3A_818 : memref<1x64xf32, #tpu.memory_space<hbm>>) target(%dma_start3A_816 : memref<1x64xf32, #tpu.memory_space<vmem>>) target_semaphore(%arg13 : memref<!tpu.dma_semaphore, #tpu.memory_space<semaphore_mem>>)
      %slice3A_819 = vector.extract_strided_slice %get3A_724 {offsets = [8], sizes = [1], strides = [1]} : vector<16xi32> to vector<1xi32>
      %squeeze3A_820 = vector.extract %slice3A_819[0] : i32 from vector<1xi32>
      %add3A_821 = arith.constant 8 : i32
      %add3A_822 = arith.addi %mul3A_721, %add3A_821 : i32
      %dma_start3A_823 = arith.constant 0 : i32
      %dma_start3A_824 = tpu.memref_slice %arg9[%add3A_822, %dma_start3A_823] : memref<128x64xf32, #tpu.memory_space<vmem>> -> memref<1x64xf32, #tpu.memory_space<vmem>>
      %dma_start3A_825 = arith.constant 0 : i32
      %dma_start3A_826 = tpu.memref_slice %arg3[%squeeze3A_820, %dma_start3A_825] : memref<1000000x64xf32, #tpu.memory_space<hbm>> -> memref<1x64xf32, #tpu.memory_space<hbm>>
      %dma_start3A_827 = arith.constant 0 : i32
      %dma_start3A_828 = tpu.memref_slice %arg9[%add3A_822, %dma_start3A_827] : memref<128x64xf32, #tpu.memory_space<vmem>> -> memref<1x64xf32, #tpu.memory_space<vmem>>
      %dma_start3A_829 = arith.constant 0 : i32
      %dma_start3A_830 = tpu.memref_slice %arg3[%squeeze3A_820, %dma_start3A_829] : memref<1000000x64xf32, #tpu.memory_space<hbm>> -> memref<1x64xf32, #tpu.memory_space<hbm>>
      tpu.enqueue_dma source(%dma_start3A_830 : memref<1x64xf32, #tpu.memory_space<hbm>>) target(%dma_start3A_828 : memref<1x64xf32, #tpu.memory_space<vmem>>) target_semaphore(%arg13 : memref<!tpu.dma_semaphore, #tpu.memory_space<semaphore_mem>>)
      %slice3A_831 = vector.extract_strided_slice %get3A_724 {offsets = [9], sizes = [1], strides = [1]} : vector<16xi32> to vector<1xi32>
      %squeeze3A_832 = vector.extract %slice3A_831[0] : i32 from vector<1xi32>
      %add3A_833 = arith.constant 9 : i32
      %add3A_834 = arith.addi %mul3A_721, %add3A_833 : i32
      %dma_start3A_835 = arith.constant 0 : i32
      %dma_start3A_836 = tpu.memref_slice %arg9[%add3A_834, %dma_start3A_835] : memref<128x64xf32, #tpu.memory_space<vmem>> -> memref<1x64xf32, #tpu.memory_space<vmem>>
      %dma_start3A_837 = arith.constant 0 : i32
      %dma_start3A_838 = tpu.memref_slice %arg3[%squeeze3A_832, %dma_start3A_837] : memref<1000000x64xf32, #tpu.memory_space<hbm>> -> memref<1x64xf32, #tpu.memory_space<hbm>>
      %dma_start3A_839 = arith.constant 0 : i32
      %dma_start3A_840 = tpu.memref_slice %arg9[%add3A_834, %dma_start3A_839] : memref<128x64xf32, #tpu.memory_space<vmem>> -> memref<1x64xf32, #tpu.memory_space<vmem>>
      %dma_start3A_841 = arith.constant 0 : i32
      %dma_start3A_842 = tpu.memref_slice %arg3[%squeeze3A_832, %dma_start3A_841] : memref<1000000x64xf32, #tpu.memory_space<hbm>> -> memref<1x64xf32, #tpu.memory_space<hbm>>
      tpu.enqueue_dma source(%dma_start3A_842 : memref<1x64xf32, #tpu.memory_space<hbm>>) target(%dma_start3A_840 : memref<1x64xf32, #tpu.memory_space<vmem>>) target_semaphore(%arg13 : memref<!tpu.dma_semaphore, #tpu.memory_space<semaphore_mem>>)
      %slice3A_843 = vector.extract_strided_slice %get3A_724 {offsets = [10], sizes = [1], strides = [1]} : vector<16xi32> to vector<1xi32>
      %squeeze3A_844 = vector.extract %slice3A_843[0] : i32 from vector<1xi32>
      %add3A_845 = arith.constant 10 : i32
      %add3A_846 = arith.addi %mul3A_721, %add3A_845 : i32
      %dma_start3A_847 = arith.constant 0 : i32
      %dma_start3A_848 = tpu.memref_slice %arg9[%add3A_846, %dma_start3A_847] : memref<128x64xf32, #tpu.memory_space<vmem>> -> memref<1x64xf32, #tpu.memory_space<vmem>>
      %dma_start3A_849 = arith.constant 0 : i32
      %dma_start3A_850 = tpu.memref_slice %arg3[%squeeze3A_844, %dma_start3A_849] : memref<1000000x64xf32, #tpu.memory_space<hbm>> -> memref<1x64xf32, #tpu.memory_space<hbm>>
      %dma_start3A_851 = arith.constant 0 : i32
      %dma_start3A_852 = tpu.memref_slice %arg9[%add3A_846, %dma_start3A_851] : memref<128x64xf32, #tpu.memory_space<vmem>> -> memref<1x64xf32, #tpu.memory_space<vmem>>
      %dma_start3A_853 = arith.constant 0 : i32
      %dma_start3A_854 = tpu.memref_slice %arg3[%squeeze3A_844, %dma_start3A_853] : memref<1000000x64xf32, #tpu.memory_space<hbm>> -> memref<1x64xf32, #tpu.memory_space<hbm>>
      tpu.enqueue_dma source(%dma_start3A_854 : memref<1x64xf32, #tpu.memory_space<hbm>>) target(%dma_start3A_852 : memref<1x64xf32, #tpu.memory_space<vmem>>) target_semaphore(%arg13 : memref<!tpu.dma_semaphore, #tpu.memory_space<semaphore_mem>>)
      %slice3A_855 = vector.extract_strided_slice %get3A_724 {offsets = [11], sizes = [1], strides = [1]} : vector<16xi32> to vector<1xi32>
      %squeeze3A_856 = vector.extract %slice3A_855[0] : i32 from vector<1xi32>
      %add3A_857 = arith.constant 11 : i32
      %add3A_858 = arith.addi %mul3A_721, %add3A_857 : i32
      %dma_start3A_859 = arith.constant 0 : i32
      %dma_start3A_860 = tpu.memref_slice %arg9[%add3A_858, %dma_start3A_859] : memref<128x64xf32, #tpu.memory_space<vmem>> -> memref<1x64xf32, #tpu.memory_space<vmem>>
      %dma_start3A_861 = arith.constant 0 : i32
      %dma_start3A_862 = tpu.memref_slice %arg3[%squeeze3A_856, %dma_start3A_861] : memref<1000000x64xf32, #tpu.memory_space<hbm>> -> memref<1x64xf32, #tpu.memory_space<hbm>>
      %dma_start3A_863 = arith.constant 0 : i32
      %dma_start3A_864 = tpu.memref_slice %arg9[%add3A_858, %dma_start3A_863] : memref<128x64xf32, #tpu.memory_space<vmem>> -> memref<1x64xf32, #tpu.memory_space<vmem>>
      %dma_start3A_865 = arith.constant 0 : i32
      %dma_start3A_866 = tpu.memref_slice %arg3[%squeeze3A_856, %dma_start3A_865] : memref<1000000x64xf32, #tpu.memory_space<hbm>> -> memref<1x64xf32, #tpu.memory_space<hbm>>
      tpu.enqueue_dma source(%dma_start3A_866 : memref<1x64xf32, #tpu.memory_space<hbm>>) target(%dma_start3A_864 : memref<1x64xf32, #tpu.memory_space<vmem>>) target_semaphore(%arg13 : memref<!tpu.dma_semaphore, #tpu.memory_space<semaphore_mem>>)
      %slice3A_867 = vector.extract_strided_slice %get3A_724 {offsets = [12], sizes = [1], strides = [1]} : vector<16xi32> to vector<1xi32>
      %squeeze3A_868 = vector.extract %slice3A_867[0] : i32 from vector<1xi32>
      %add3A_869 = arith.constant 12 : i32
      %add3A_870 = arith.addi %mul3A_721, %add3A_869 : i32
      %dma_start3A_871 = arith.constant 0 : i32
      %dma_start3A_872 = tpu.memref_slice %arg9[%add3A_870, %dma_start3A_871] : memref<128x64xf32, #tpu.memory_space<vmem>> -> memref<1x64xf32, #tpu.memory_space<vmem>>
      %dma_start3A_873 = arith.constant 0 : i32
      %dma_start3A_874 = tpu.memref_slice %arg3[%squeeze3A_868, %dma_start3A_873] : memref<1000000x64xf32, #tpu.memory_space<hbm>> -> memref<1x64xf32, #tpu.memory_space<hbm>>
      %dma_start3A_875 = arith.constant 0 : i32
      %dma_start3A_876 = tpu.memref_slice %arg9[%add3A_870, %dma_start3A_875] : memref<128x64xf32, #tpu.memory_space<vmem>> -> memref<1x64xf32, #tpu.memory_space<vmem>>
      %dma_start3A_877 = arith.constant 0 : i32
      %dma_start3A_878 = tpu.memref_slice %arg3[%squeeze3A_868, %dma_start3A_877] : memref<1000000x64xf32, #tpu.memory_space<hbm>> -> memref<1x64xf32, #tpu.memory_space<hbm>>
      tpu.enqueue_dma source(%dma_start3A_878 : memref<1x64xf32, #tpu.memory_space<hbm>>) target(%dma_start3A_876 : memref<1x64xf32, #tpu.memory_space<vmem>>) target_semaphore(%arg13 : memref<!tpu.dma_semaphore, #tpu.memory_space<semaphore_mem>>)
      %slice3A_879 = vector.extract_strided_slice %get3A_724 {offsets = [13], sizes = [1], strides = [1]} : vector<16xi32> to vector<1xi32>
      %squeeze3A_880 = vector.extract %slice3A_879[0] : i32 from vector<1xi32>
      %add3A_881 = arith.constant 13 : i32
      %add3A_882 = arith.addi %mul3A_721, %add3A_881 : i32
      %dma_start3A_883 = arith.constant 0 : i32
      %dma_start3A_884 = tpu.memref_slice %arg9[%add3A_882, %dma_start3A_883] : memref<128x64xf32, #tpu.memory_space<vmem>> -> memref<1x64xf32, #tpu.memory_space<vmem>>
      %dma_start3A_885 = arith.constant 0 : i32
      %dma_start3A_886 = tpu.memref_slice %arg3[%squeeze3A_880, %dma_start3A_885] : memref<1000000x64xf32, #tpu.memory_space<hbm>> -> memref<1x64xf32, #tpu.memory_space<hbm>>
      %dma_start3A_887 = arith.constant 0 : i32
      %dma_start3A_888 = tpu.memref_slice %arg9[%add3A_882, %dma_start3A_887] : memref<128x64xf32, #tpu.memory_space<vmem>> -> memref<1x64xf32, #tpu.memory_space<vmem>>
      %dma_start3A_889 = arith.constant 0 : i32
      %dma_start3A_890 = tpu.memref_slice %arg3[%squeeze3A_880, %dma_start3A_889] : memref<1000000x64xf32, #tpu.memory_space<hbm>> -> memref<1x64xf32, #tpu.memory_space<hbm>>
      tpu.enqueue_dma source(%dma_start3A_890 : memref<1x64xf32, #tpu.memory_space<hbm>>) target(%dma_start3A_888 : memref<1x64xf32, #tpu.memory_space<vmem>>) target_semaphore(%arg13 : memref<!tpu.dma_semaphore, #tpu.memory_space<semaphore_mem>>)
      %slice3A_891 = vector.extract_strided_slice %get3A_724 {offsets = [14], sizes = [1], strides = [1]} : vector<16xi32> to vector<1xi32>
      %squeeze3A_892 = vector.extract %slice3A_891[0] : i32 from vector<1xi32>
      %add3A_893 = arith.constant 14 : i32
      %add3A_894 = arith.addi %mul3A_721, %add3A_893 : i32
      %dma_start3A_895 = arith.constant 0 : i32
      %dma_start3A_896 = tpu.memref_slice %arg9[%add3A_894, %dma_start3A_895] : memref<128x64xf32, #tpu.memory_space<vmem>> -> memref<1x64xf32, #tpu.memory_space<vmem>>
      %dma_start3A_897 = arith.constant 0 : i32
      %dma_start3A_898 = tpu.memref_slice %arg3[%squeeze3A_892, %dma_start3A_897] : memref<1000000x64xf32, #tpu.memory_space<hbm>> -> memref<1x64xf32, #tpu.memory_space<hbm>>
      %dma_start3A_899 = arith.constant 0 : i32
      %dma_start3A_900 = tpu.memref_slice %arg9[%add3A_894, %dma_start3A_899] : memref<128x64xf32, #tpu.memory_space<vmem>> -> memref<1x64xf32, #tpu.memory_space<vmem>>
      %dma_start3A_901 = arith.constant 0 : i32
      %dma_start3A_902 = tpu.memref_slice %arg3[%squeeze3A_892, %dma_start3A_901] : memref<1000000x64xf32, #tpu.memory_space<hbm>> -> memref<1x64xf32, #tpu.memory_space<hbm>>
      tpu.enqueue_dma source(%dma_start3A_902 : memref<1x64xf32, #tpu.memory_space<hbm>>) target(%dma_start3A_900 : memref<1x64xf32, #tpu.memory_space<vmem>>) target_semaphore(%arg13 : memref<!tpu.dma_semaphore, #tpu.memory_space<semaphore_mem>>)
      %slice3A_903 = vector.extract_strided_slice %get3A_724 {offsets = [15], sizes = [1], strides = [1]} : vector<16xi32> to vector<1xi32>
      %squeeze3A_904 = vector.extract %slice3A_903[0] : i32 from vector<1xi32>
      %add3A_905 = arith.constant 15 : i32
      %add3A_906 = arith.addi %mul3A_721, %add3A_905 : i32
      %dma_start3A_907 = arith.constant 0 : i32
      %dma_start3A_908 = tpu.memref_slice %arg9[%add3A_906, %dma_start3A_907] : memref<128x64xf32, #tpu.memory_space<vmem>> -> memref<1x64xf32, #tpu.memory_space<vmem>>
      %dma_start3A_909 = arith.constant 0 : i32
      %dma_start3A_910 = tpu.memref_slice %arg3[%squeeze3A_904, %dma_start3A_909] : memref<1000000x64xf32, #tpu.memory_space<hbm>> -> memref<1x64xf32, #tpu.memory_space<hbm>>
      %dma_start3A_911 = arith.constant 0 : i32
      %dma_start3A_912 = tpu.memref_slice %arg9[%add3A_906, %dma_start3A_911] : memref<128x64xf32, #tpu.memory_space<vmem>> -> memref<1x64xf32, #tpu.memory_space<vmem>>
      %dma_start3A_913 = arith.constant 0 : i32
      %dma_start3A_914 = tpu.memref_slice %arg3[%squeeze3A_904, %dma_start3A_913] : memref<1000000x64xf32, #tpu.memory_space<hbm>> -> memref<1x64xf32, #tpu.memory_space<hbm>>
      tpu.enqueue_dma source(%dma_start3A_914 : memref<1x64xf32, #tpu.memory_space<hbm>>) target(%dma_start3A_912 : memref<1x64xf32, #tpu.memory_space<vmem>>) target_semaphore(%arg13 : memref<!tpu.dma_semaphore, #tpu.memory_space<semaphore_mem>>)
    }
    %scan3A_546 = arith.constant 8 : i32
    %scan3A_547 = arith.constant 0 : i32
    %scan3A_548 = arith.constant 0 : i32
    %scan3A_549 = arith.constant 8 : i32
    %scan3A_550 = arith.addi %scan3A_548, %scan3A_549 : i32
    %scan3A_551 = arith.constant 1 : i32
    scf.for %scan3A_715 = %scan3A_548 to %scan3A_550 step %scan3A_551  : i32 {
      %mul3A_716 = arith.constant 16 : i32
      %mul3A_717 = arith.muli %scan3A_715, %mul3A_716 : i32
      %add3A_718 = arith.constant 0 : i32
      %add3A_719 = arith.addi %add3A_718, %mul3A_717 : i32
      %multiple_of3A = tpu.assume_multiple %add3A_719, 16 : i32
      %mul3A_720 = arith.constant 16 : i32
      %mul3A_721 = arith.muli %scan3A_715, %mul3A_720 : i32
      %get3A_722 = arith.index_cast %multiple_of3A : i32 to index
      %get3A_723 = tpu.vector_load %arg8[%get3A_722] {strides = array<i32>} : memref<512xi32, #tpu.memory_space<vmem>>, vector<16xi32>,
      %get3A_724 = vector.shape_cast %get3A_723 : vector<16xi32> to vector<16xi32>
      %slice3A = vector.extract_strided_slice %get3A_724 {offsets = [0], sizes = [1], strides = [1]} : vector<16xi32> to vector<1xi32>
      %squeeze3A = vector.extract %slice3A[0] : i32 from vector<1xi32>
      %add3A_725 = arith.constant 0 : i32
      %add3A_726 = arith.addi %mul3A_721, %add3A_725 : i32
      %dma_start3A_727 = arith.constant 0 : i32
      %dma_start3A_728 = tpu.memref_slice %arg11[%add3A_726, %dma_start3A_727] : memref<128x64xf32, #tpu.memory_space<vmem>> -> memref<1x64xf32, #tpu.memory_space<vmem>>
      %dma_start3A_729 = arith.constant 0 : i32
      %dma_start3A_730 = tpu.memref_slice %arg4[%squeeze3A, %dma_start3A_729] : memref<1000000x64xf32, #tpu.memory_space<hbm>> -> memref<1x64xf32, #tpu.memory_space<hbm>>
      %dma_start3A_731 = arith.constant 0 : i32
      %dma_start3A_732 = tpu.memref_slice %arg11[%add3A_726, %dma_start3A_731] : memref<128x64xf32, #tpu.memory_space<vmem>> -> memref<1x64xf32, #tpu.memory_space<vmem>>
      %dma_start3A_733 = arith.constant 0 : i32
      %dma_start3A_734 = tpu.memref_slice %arg4[%squeeze3A, %dma_start3A_733] : memref<1000000x64xf32, #tpu.memory_space<hbm>> -> memref<1x64xf32, #tpu.memory_space<hbm>>
      tpu.enqueue_dma source(%dma_start3A_734 : memref<1x64xf32, #tpu.memory_space<hbm>>) target(%dma_start3A_732 : memref<1x64xf32, #tpu.memory_space<vmem>>) target_semaphore(%arg15 : memref<!tpu.dma_semaphore, #tpu.memory_space<semaphore_mem>>)
      %slice3A_735 = vector.extract_strided_slice %get3A_724 {offsets = [1], sizes = [1], strides = [1]} : vector<16xi32> to vector<1xi32>
      %squeeze3A_736 = vector.extract %slice3A_735[0] : i32 from vector<1xi32>
      %add3A_737 = arith.constant 1 : i32
      %add3A_738 = arith.addi %mul3A_721, %add3A_737 : i32
      %dma_start3A_739 = arith.constant 0 : i32
      %dma_start3A_740 = tpu.memref_slice %arg11[%add3A_738, %dma_start3A_739] : memref<128x64xf32, #tpu.memory_space<vmem>> -> memref<1x64xf32, #tpu.memory_space<vmem>>
      %dma_start3A_741 = arith.constant 0 : i32
      %dma_start3A_742 = tpu.memref_slice %arg4[%squeeze3A_736, %dma_start3A_741] : memref<1000000x64xf32, #tpu.memory_space<hbm>> -> memref<1x64xf32, #tpu.memory_space<hbm>>
      %dma_start3A_743 = arith.constant 0 : i32
      %dma_start3A_744 = tpu.memref_slice %arg11[%add3A_738, %dma_start3A_743] : memref<128x64xf32, #tpu.memory_space<vmem>> -> memref<1x64xf32, #tpu.memory_space<vmem>>
      %dma_start3A_745 = arith.constant 0 : i32
      %dma_start3A_746 = tpu.memref_slice %arg4[%squeeze3A_736, %dma_start3A_745] : memref<1000000x64xf32, #tpu.memory_space<hbm>> -> memref<1x64xf32, #tpu.memory_space<hbm>>
      tpu.enqueue_dma source(%dma_start3A_746 : memref<1x64xf32, #tpu.memory_space<hbm>>) target(%dma_start3A_744 : memref<1x64xf32, #tpu.memory_space<vmem>>) target_semaphore(%arg15 : memref<!tpu.dma_semaphore, #tpu.memory_space<semaphore_mem>>)
      %slice3A_747 = vector.extract_strided_slice %get3A_724 {offsets = [2], sizes = [1], strides = [1]} : vector<16xi32> to vector<1xi32>
      %squeeze3A_748 = vector.extract %slice3A_747[0] : i32 from vector<1xi32>
      %add3A_749 = arith.constant 2 : i32
      %add3A_750 = arith.addi %mul3A_721, %add3A_749 : i32
      %dma_start3A_751 = arith.constant 0 : i32
      %dma_start3A_752 = tpu.memref_slice %arg11[%add3A_750, %dma_start3A_751] : memref<128x64xf32, #tpu.memory_space<vmem>> -> memref<1x64xf32, #tpu.memory_space<vmem>>
      %dma_start3A_753 = arith.constant 0 : i32
      %dma_start3A_754 = tpu.memref_slice %arg4[%squeeze3A_748, %dma_start3A_753] : memref<1000000x64xf32, #tpu.memory_space<hbm>> -> memref<1x64xf32, #tpu.memory_space<hbm>>
      %dma_start3A_755 = arith.constant 0 : i32
      %dma_start3A_756 = tpu.memref_slice %arg11[%add3A_750, %dma_start3A_755] : memref<128x64xf32, #tpu.memory_space<vmem>> -> memref<1x64xf32, #tpu.memory_space<vmem>>
      %dma_start3A_757 = arith.constant 0 : i32
      %dma_start3A_758 = tpu.memref_slice %arg4[%squeeze3A_748, %dma_start3A_757] : memref<1000000x64xf32, #tpu.memory_space<hbm>> -> memref<1x64xf32, #tpu.memory_space<hbm>>
      tpu.enqueue_dma source(%dma_start3A_758 : memref<1x64xf32, #tpu.memory_space<hbm>>) target(%dma_start3A_756 : memref<1x64xf32, #tpu.memory_space<vmem>>) target_semaphore(%arg15 : memref<!tpu.dma_semaphore, #tpu.memory_space<semaphore_mem>>)
      %slice3A_759 = vector.extract_strided_slice %get3A_724 {offsets = [3], sizes = [1], strides = [1]} : vector<16xi32> to vector<1xi32>
      %squeeze3A_760 = vector.extract %slice3A_759[0] : i32 from vector<1xi32>
      %add3A_761 = arith.constant 3 : i32
      %add3A_762 = arith.addi %mul3A_721, %add3A_761 : i32
      %dma_start3A_763 = arith.constant 0 : i32
      %dma_start3A_764 = tpu.memref_slice %arg11[%add3A_762, %dma_start3A_763] : memref<128x64xf32, #tpu.memory_space<vmem>> -> memref<1x64xf32, #tpu.memory_space<vmem>>
      %dma_start3A_765 = arith.constant 0 : i32
      %dma_start3A_766 = tpu.memref_slice %arg4[%squeeze3A_760, %dma_start3A_765] : memref<1000000x64xf32, #tpu.memory_space<hbm>> -> memref<1x64xf32, #tpu.memory_space<hbm>>
      %dma_start3A_767 = arith.constant 0 : i32
      %dma_start3A_768 = tpu.memref_slice %arg11[%add3A_762, %dma_start3A_767] : memref<128x64xf32, #tpu.memory_space<vmem>> -> memref<1x64xf32, #tpu.memory_space<vmem>>
      %dma_start3A_769 = arith.constant 0 : i32
      %dma_start3A_770 = tpu.memref_slice %arg4[%squeeze3A_760, %dma_start3A_769] : memref<1000000x64xf32, #tpu.memory_space<hbm>> -> memref<1x64xf32, #tpu.memory_space<hbm>>
      tpu.enqueue_dma source(%dma_start3A_770 : memref<1x64xf32, #tpu.memory_space<hbm>>) target(%dma_start3A_768 : memref<1x64xf32, #tpu.memory_space<vmem>>) target_semaphore(%arg15 : memref<!tpu.dma_semaphore, #tpu.memory_space<semaphore_mem>>)
      %slice3A_771 = vector.extract_strided_slice %get3A_724 {offsets = [4], sizes = [1], strides = [1]} : vector<16xi32> to vector<1xi32>
      %squeeze3A_772 = vector.extract %slice3A_771[0] : i32 from vector<1xi32>
      %add3A_773 = arith.constant 4 : i32
      %add3A_774 = arith.addi %mul3A_721, %add3A_773 : i32
      %dma_start3A_775 = arith.constant 0 : i32
      %dma_start3A_776 = tpu.memref_slice %arg11[%add3A_774, %dma_start3A_775] : memref<128x64xf32, #tpu.memory_space<vmem>> -> memref<1x64xf32, #tpu.memory_space<vmem>>
      %dma_start3A_777 = arith.constant 0 : i32
      %dma_start3A_778 = tpu.memref_slice %arg4[%squeeze3A_772, %dma_start3A_777] : memref<1000000x64xf32, #tpu.memory_space<hbm>> -> memref<1x64xf32, #tpu.memory_space<hbm>>
      %dma_start3A_779 = arith.constant 0 : i32
      %dma_start3A_780 = tpu.memref_slice %arg11[%add3A_774, %dma_start3A_779] : memref<128x64xf32, #tpu.memory_space<vmem>> -> memref<1x64xf32, #tpu.memory_space<vmem>>
      %dma_start3A_781 = arith.constant 0 : i32
      %dma_start3A_782 = tpu.memref_slice %arg4[%squeeze3A_772, %dma_start3A_781] : memref<1000000x64xf32, #tpu.memory_space<hbm>> -> memref<1x64xf32, #tpu.memory_space<hbm>>
      tpu.enqueue_dma source(%dma_start3A_782 : memref<1x64xf32, #tpu.memory_space<hbm>>) target(%dma_start3A_780 : memref<1x64xf32, #tpu.memory_space<vmem>>) target_semaphore(%arg15 : memref<!tpu.dma_semaphore, #tpu.memory_space<semaphore_mem>>)
      %slice3A_783 = vector.extract_strided_slice %get3A_724 {offsets = [5], sizes = [1], strides = [1]} : vector<16xi32> to vector<1xi32>
      %squeeze3A_784 = vector.extract %slice3A_783[0] : i32 from vector<1xi32>
      %add3A_785 = arith.constant 5 : i32
      %add3A_786 = arith.addi %mul3A_721, %add3A_785 : i32
      %dma_start3A_787 = arith.constant 0 : i32
      %dma_start3A_788 = tpu.memref_slice %arg11[%add3A_786, %dma_start3A_787] : memref<128x64xf32, #tpu.memory_space<vmem>> -> memref<1x64xf32, #tpu.memory_space<vmem>>
      %dma_start3A_789 = arith.constant 0 : i32
      %dma_start3A_790 = tpu.memref_slice %arg4[%squeeze3A_784, %dma_start3A_789] : memref<1000000x64xf32, #tpu.memory_space<hbm>> -> memref<1x64xf32, #tpu.memory_space<hbm>>
      %dma_start3A_791 = arith.constant 0 : i32
      %dma_start3A_792 = tpu.memref_slice %arg11[%add3A_786, %dma_start3A_791] : memref<128x64xf32, #tpu.memory_space<vmem>> -> memref<1x64xf32, #tpu.memory_space<vmem>>
      %dma_start3A_793 = arith.constant 0 : i32
      %dma_start3A_794 = tpu.memref_slice %arg4[%squeeze3A_784, %dma_start3A_793] : memref<1000000x64xf32, #tpu.memory_space<hbm>> -> memref<1x64xf32, #tpu.memory_space<hbm>>
      tpu.enqueue_dma source(%dma_start3A_794 : memref<1x64xf32, #tpu.memory_space<hbm>>) target(%dma_start3A_792 : memref<1x64xf32, #tpu.memory_space<vmem>>) target_semaphore(%arg15 : memref<!tpu.dma_semaphore, #tpu.memory_space<semaphore_mem>>)
      %slice3A_795 = vector.extract_strided_slice %get3A_724 {offsets = [6], sizes = [1], strides = [1]} : vector<16xi32> to vector<1xi32>
      %squeeze3A_796 = vector.extract %slice3A_795[0] : i32 from vector<1xi32>
      %add3A_797 = arith.constant 6 : i32
      %add3A_798 = arith.addi %mul3A_721, %add3A_797 : i32
      %dma_start3A_799 = arith.constant 0 : i32
      %dma_start3A_800 = tpu.memref_slice %arg11[%add3A_798, %dma_start3A_799] : memref<128x64xf32, #tpu.memory_space<vmem>> -> memref<1x64xf32, #tpu.memory_space<vmem>>
      %dma_start3A_801 = arith.constant 0 : i32
      %dma_start3A_802 = tpu.memref_slice %arg4[%squeeze3A_796, %dma_start3A_801] : memref<1000000x64xf32, #tpu.memory_space<hbm>> -> memref<1x64xf32, #tpu.memory_space<hbm>>
      %dma_start3A_803 = arith.constant 0 : i32
      %dma_start3A_804 = tpu.memref_slice %arg11[%add3A_798, %dma_start3A_803] : memref<128x64xf32, #tpu.memory_space<vmem>> -> memref<1x64xf32, #tpu.memory_space<vmem>>
      %dma_start3A_805 = arith.constant 0 : i32
      %dma_start3A_806 = tpu.memref_slice %arg4[%squeeze3A_796, %dma_start3A_805] : memref<1000000x64xf32, #tpu.memory_space<hbm>> -> memref<1x64xf32, #tpu.memory_space<hbm>>
      tpu.enqueue_dma source(%dma_start3A_806 : memref<1x64xf32, #tpu.memory_space<hbm>>) target(%dma_start3A_804 : memref<1x64xf32, #tpu.memory_space<vmem>>) target_semaphore(%arg15 : memref<!tpu.dma_semaphore, #tpu.memory_space<semaphore_mem>>)
      %slice3A_807 = vector.extract_strided_slice %get3A_724 {offsets = [7], sizes = [1], strides = [1]} : vector<16xi32> to vector<1xi32>
      %squeeze3A_808 = vector.extract %slice3A_807[0] : i32 from vector<1xi32>
      %add3A_809 = arith.constant 7 : i32
      %add3A_810 = arith.addi %mul3A_721, %add3A_809 : i32
      %dma_start3A_811 = arith.constant 0 : i32
      %dma_start3A_812 = tpu.memref_slice %arg11[%add3A_810, %dma_start3A_811] : memref<128x64xf32, #tpu.memory_space<vmem>> -> memref<1x64xf32, #tpu.memory_space<vmem>>
      %dma_start3A_813 = arith.constant 0 : i32
      %dma_start3A_814 = tpu.memref_slice %arg4[%squeeze3A_808, %dma_start3A_813] : memref<1000000x64xf32, #tpu.memory_space<hbm>> -> memref<1x64xf32, #tpu.memory_space<hbm>>
      %dma_start3A_815 = arith.constant 0 : i32
      %dma_start3A_816 = tpu.memref_slice %arg11[%add3A_810, %dma_start3A_815] : memref<128x64xf32, #tpu.memory_space<vmem>> -> memref<1x64xf32, #tpu.memory_space<vmem>>
      %dma_start3A_817 = arith.constant 0 : i32
      %dma_start3A_818 = tpu.memref_slice %arg4[%squeeze3A_808, %dma_start3A_817] : memref<1000000x64xf32, #tpu.memory_space<hbm>> -> memref<1x64xf32, #tpu.memory_space<hbm>>
      tpu.enqueue_dma source(%dma_start3A_818 : memref<1x64xf32, #tpu.memory_space<hbm>>) target(%dma_start3A_816 : memref<1x64xf32, #tpu.memory_space<vmem>>) target_semaphore(%arg15 : memref<!tpu.dma_semaphore, #tpu.memory_space<semaphore_mem>>)
      %slice3A_819 = vector.extract_strided_slice %get3A_724 {offsets = [8], sizes = [1], strides = [1]} : vector<16xi32> to vector<1xi32>
      %squeeze3A_820 = vector.extract %slice3A_819[0] : i32 from vector<1xi32>
      %add3A_821 = arith.constant 8 : i32
      %add3A_822 = arith.addi %mul3A_721, %add3A_821 : i32
      %dma_start3A_823 = arith.constant 0 : i32
      %dma_start3A_824 = tpu.memref_slice %arg11[%add3A_822, %dma_start3A_823] : memref<128x64xf32, #tpu.memory_space<vmem>> -> memref<1x64xf32, #tpu.memory_space<vmem>>
      %dma_start3A_825 = arith.constant 0 : i32
      %dma_start3A_826 = tpu.memref_slice %arg4[%squeeze3A_820, %dma_start3A_825] : memref<1000000x64xf32, #tpu.memory_space<hbm>> -> memref<1x64xf32, #tpu.memory_space<hbm>>
      %dma_start3A_827 = arith.constant 0 : i32
      %dma_start3A_828 = tpu.memref_slice %arg11[%add3A_822, %dma_start3A_827] : memref<128x64xf32, #tpu.memory_space<vmem>> -> memref<1x64xf32, #tpu.memory_space<vmem>>
      %dma_start3A_829 = arith.constant 0 : i32
      %dma_start3A_830 = tpu.memref_slice %arg4[%squeeze3A_820, %dma_start3A_829] : memref<1000000x64xf32, #tpu.memory_space<hbm>> -> memref<1x64xf32, #tpu.memory_space<hbm>>
      tpu.enqueue_dma source(%dma_start3A_830 : memref<1x64xf32, #tpu.memory_space<hbm>>) target(%dma_start3A_828 : memref<1x64xf32, #tpu.memory_space<vmem>>) target_semaphore(%arg15 : memref<!tpu.dma_semaphore, #tpu.memory_space<semaphore_mem>>)
      %slice3A_831 = vector.extract_strided_slice %get3A_724 {offsets = [9], sizes = [1], strides = [1]} : vector<16xi32> to vector<1xi32>
      %squeeze3A_832 = vector.extract %slice3A_831[0] : i32 from vector<1xi32>
      %add3A_833 = arith.constant 9 : i32
      %add3A_834 = arith.addi %mul3A_721, %add3A_833 : i32
      %dma_start3A_835 = arith.constant 0 : i32
      %dma_start3A_836 = tpu.memref_slice %arg11[%add3A_834, %dma_start3A_835] : memref<128x64xf32, #tpu.memory_space<vmem>> -> memref<1x64xf32, #tpu.memory_space<vmem>>
      %dma_start3A_837 = arith.constant 0 : i32
      %dma_start3A_838 = tpu.memref_slice %arg4[%squeeze3A_832, %dma_start3A_837] : memref<1000000x64xf32, #tpu.memory_space<hbm>> -> memref<1x64xf32, #tpu.memory_space<hbm>>
      %dma_start3A_839 = arith.constant 0 : i32
      %dma_start3A_840 = tpu.memref_slice %arg11[%add3A_834, %dma_start3A_839] : memref<128x64xf32, #tpu.memory_space<vmem>> -> memref<1x64xf32, #tpu.memory_space<vmem>>
      %dma_start3A_841 = arith.constant 0 : i32
      %dma_start3A_842 = tpu.memref_slice %arg4[%squeeze3A_832, %dma_start3A_841] : memref<1000000x64xf32, #tpu.memory_space<hbm>> -> memref<1x64xf32, #tpu.memory_space<hbm>>
      tpu.enqueue_dma source(%dma_start3A_842 : memref<1x64xf32, #tpu.memory_space<hbm>>) target(%dma_start3A_840 : memref<1x64xf32, #tpu.memory_space<vmem>>) target_semaphore(%arg15 : memref<!tpu.dma_semaphore, #tpu.memory_space<semaphore_mem>>)
      %slice3A_843 = vector.extract_strided_slice %get3A_724 {offsets = [10], sizes = [1], strides = [1]} : vector<16xi32> to vector<1xi32>
      %squeeze3A_844 = vector.extract %slice3A_843[0] : i32 from vector<1xi32>
      %add3A_845 = arith.constant 10 : i32
      %add3A_846 = arith.addi %mul3A_721, %add3A_845 : i32
      %dma_start3A_847 = arith.constant 0 : i32
      %dma_start3A_848 = tpu.memref_slice %arg11[%add3A_846, %dma_start3A_847] : memref<128x64xf32, #tpu.memory_space<vmem>> -> memref<1x64xf32, #tpu.memory_space<vmem>>
      %dma_start3A_849 = arith.constant 0 : i32
      %dma_start3A_850 = tpu.memref_slice %arg4[%squeeze3A_844, %dma_start3A_849] : memref<1000000x64xf32, #tpu.memory_space<hbm>> -> memref<1x64xf32, #tpu.memory_space<hbm>>
      %dma_start3A_851 = arith.constant 0 : i32
      %dma_start3A_852 = tpu.memref_slice %arg11[%add3A_846, %dma_start3A_851] : memref<128x64xf32, #tpu.memory_space<vmem>> -> memref<1x64xf32, #tpu.memory_space<vmem>>
      %dma_start3A_853 = arith.constant 0 : i32
      %dma_start3A_854 = tpu.memref_slice %arg4[%squeeze3A_844, %dma_start3A_853] : memref<1000000x64xf32, #tpu.memory_space<hbm>> -> memref<1x64xf32, #tpu.memory_space<hbm>>
      tpu.enqueue_dma source(%dma_start3A_854 : memref<1x64xf32, #tpu.memory_space<hbm>>) target(%dma_start3A_852 : memref<1x64xf32, #tpu.memory_space<vmem>>) target_semaphore(%arg15 : memref<!tpu.dma_semaphore, #tpu.memory_space<semaphore_mem>>)
      %slice3A_855 = vector.extract_strided_slice %get3A_724 {offsets = [11], sizes = [1], strides = [1]} : vector<16xi32> to vector<1xi32>
      %squeeze3A_856 = vector.extract %slice3A_855[0] : i32 from vector<1xi32>
      %add3A_857 = arith.constant 11 : i32
      %add3A_858 = arith.addi %mul3A_721, %add3A_857 : i32
      %dma_start3A_859 = arith.constant 0 : i32
      %dma_start3A_860 = tpu.memref_slice %arg11[%add3A_858, %dma_start3A_859] : memref<128x64xf32, #tpu.memory_space<vmem>> -> memref<1x64xf32, #tpu.memory_space<vmem>>
      %dma_start3A_861 = arith.constant 0 : i32
      %dma_start3A_862 = tpu.memref_slice %arg4[%squeeze3A_856, %dma_start3A_861] : memref<1000000x64xf32, #tpu.memory_space<hbm>> -> memref<1x64xf32, #tpu.memory_space<hbm>>
      %dma_start3A_863 = arith.constant 0 : i32
      %dma_start3A_864 = tpu.memref_slice %arg11[%add3A_858, %dma_start3A_863] : memref<128x64xf32, #tpu.memory_space<vmem>> -> memref<1x64xf32, #tpu.memory_space<vmem>>
      %dma_start3A_865 = arith.constant 0 : i32
      %dma_start3A_866 = tpu.memref_slice %arg4[%squeeze3A_856, %dma_start3A_865] : memref<1000000x64xf32, #tpu.memory_space<hbm>> -> memref<1x64xf32, #tpu.memory_space<hbm>>
      tpu.enqueue_dma source(%dma_start3A_866 : memref<1x64xf32, #tpu.memory_space<hbm>>) target(%dma_start3A_864 : memref<1x64xf32, #tpu.memory_space<vmem>>) target_semaphore(%arg15 : memref<!tpu.dma_semaphore, #tpu.memory_space<semaphore_mem>>)
      %slice3A_867 = vector.extract_strided_slice %get3A_724 {offsets = [12], sizes = [1], strides = [1]} : vector<16xi32> to vector<1xi32>
      %squeeze3A_868 = vector.extract %slice3A_867[0] : i32 from vector<1xi32>
      %add3A_869 = arith.constant 12 : i32
      %add3A_870 = arith.addi %mul3A_721, %add3A_869 : i32
      %dma_start3A_871 = arith.constant 0 : i32
      %dma_start3A_872 = tpu.memref_slice %arg11[%add3A_870, %dma_start3A_871] : memref<128x64xf32, #tpu.memory_space<vmem>> -> memref<1x64xf32, #tpu.memory_space<vmem>>
      %dma_start3A_873 = arith.constant 0 : i32
      %dma_start3A_874 = tpu.memref_slice %arg4[%squeeze3A_868, %dma_start3A_873] : memref<1000000x64xf32, #tpu.memory_space<hbm>> -> memref<1x64xf32, #tpu.memory_space<hbm>>
      %dma_start3A_875 = arith.constant 0 : i32
      %dma_start3A_876 = tpu.memref_slice %arg11[%add3A_870, %dma_start3A_875] : memref<128x64xf32, #tpu.memory_space<vmem>> -> memref<1x64xf32, #tpu.memory_space<vmem>>
      %dma_start3A_877 = arith.constant 0 : i32
      %dma_start3A_878 = tpu.memref_slice %arg4[%squeeze3A_868, %dma_start3A_877] : memref<1000000x64xf32, #tpu.memory_space<hbm>> -> memref<1x64xf32, #tpu.memory_space<hbm>>
      tpu.enqueue_dma source(%dma_start3A_878 : memref<1x64xf32, #tpu.memory_space<hbm>>) target(%dma_start3A_876 : memref<1x64xf32, #tpu.memory_space<vmem>>) target_semaphore(%arg15 : memref<!tpu.dma_semaphore, #tpu.memory_space<semaphore_mem>>)
      %slice3A_879 = vector.extract_strided_slice %get3A_724 {offsets = [13], sizes = [1], strides = [1]} : vector<16xi32> to vector<1xi32>
      %squeeze3A_880 = vector.extract %slice3A_879[0] : i32 from vector<1xi32>
      %add3A_881 = arith.constant 13 : i32
      %add3A_882 = arith.addi %mul3A_721, %add3A_881 : i32
      %dma_start3A_883 = arith.constant 0 : i32
      %dma_start3A_884 = tpu.memref_slice %arg11[%add3A_882, %dma_start3A_883] : memref<128x64xf32, #tpu.memory_space<vmem>> -> memref<1x64xf32, #tpu.memory_space<vmem>>
      %dma_start3A_885 = arith.constant 0 : i32
      %dma_start3A_886 = tpu.memref_slice %arg4[%squeeze3A_880, %dma_start3A_885] : memref<1000000x64xf32, #tpu.memory_space<hbm>> -> memref<1x64xf32, #tpu.memory_space<hbm>>
      %dma_start3A_887 = arith.constant 0 : i32
      %dma_start3A_888 = tpu.memref_slice %arg11[%add3A_882, %dma_start3A_887] : memref<128x64xf32, #tpu.memory_space<vmem>> -> memref<1x64xf32, #tpu.memory_space<vmem>>
      %dma_start3A_889 = arith.constant 0 : i32
      %dma_start3A_890 = tpu.memref_slice %arg4[%squeeze3A_880, %dma_start3A_889] : memref<1000000x64xf32, #tpu.memory_space<hbm>> -> memref<1x64xf32, #tpu.memory_space<hbm>>
      tpu.enqueue_dma source(%dma_start3A_890 : memref<1x64xf32, #tpu.memory_space<hbm>>) target(%dma_start3A_888 : memref<1x64xf32, #tpu.memory_space<vmem>>) target_semaphore(%arg15 : memref<!tpu.dma_semaphore, #tpu.memory_space<semaphore_mem>>)
      %slice3A_891 = vector.extract_strided_slice %get3A_724 {offsets = [14], sizes = [1], strides = [1]} : vector<16xi32> to vector<1xi32>
      %squeeze3A_892 = vector.extract %slice3A_891[0] : i32 from vector<1xi32>
      %add3A_893 = arith.constant 14 : i32
      %add3A_894 = arith.addi %mul3A_721, %add3A_893 : i32
      %dma_start3A_895 = arith.constant 0 : i32
      %dma_start3A_896 = tpu.memref_slice %arg11[%add3A_894, %dma_start3A_895] : memref<128x64xf32, #tpu.memory_space<vmem>> -> memref<1x64xf32, #tpu.memory_space<vmem>>
      %dma_start3A_897 = arith.constant 0 : i32
      %dma_start3A_898 = tpu.memref_slice %arg4[%squeeze3A_892, %dma_start3A_897] : memref<1000000x64xf32, #tpu.memory_space<hbm>> -> memref<1x64xf32, #tpu.memory_space<hbm>>
      %dma_start3A_899 = arith.constant 0 : i32
      %dma_start3A_900 = tpu.memref_slice %arg11[%add3A_894, %dma_start3A_899] : memref<128x64xf32, #tpu.memory_space<vmem>> -> memref<1x64xf32, #tpu.memory_space<vmem>>
      %dma_start3A_901 = arith.constant 0 : i32
      %dma_start3A_902 = tpu.memref_slice %arg4[%squeeze3A_892, %dma_start3A_901] : memref<1000000x64xf32, #tpu.memory_space<hbm>> -> memref<1x64xf32, #tpu.memory_space<hbm>>
      tpu.enqueue_dma source(%dma_start3A_902 : memref<1x64xf32, #tpu.memory_space<hbm>>) target(%dma_start3A_900 : memref<1x64xf32, #tpu.memory_space<vmem>>) target_semaphore(%arg15 : memref<!tpu.dma_semaphore, #tpu.memory_space<semaphore_mem>>)
      %slice3A_903 = vector.extract_strided_slice %get3A_724 {offsets = [15], sizes = [1], strides = [1]} : vector<16xi32> to vector<1xi32>
      %squeeze3A_904 = vector.extract %slice3A_903[0] : i32 from vector<1xi32>
      %add3A_905 = arith.constant 15 : i32
      %add3A_906 = arith.addi %mul3A_721, %add3A_905 : i32
      %dma_start3A_907 = arith.constant 0 : i32
      %dma_start3A_908 = tpu.memref_slice %arg11[%add3A_906, %dma_start3A_907] : memref<128x64xf32, #tpu.memory_space<vmem>> -> memref<1x64xf32, #tpu.memory_space<vmem>>
      %dma_start3A_909 = arith.constant 0 : i32
      %dma_start3A_910 = tpu.memref_slice %arg4[%squeeze3A_904, %dma_start3A_909] : memref<1000000x64xf32, #tpu.memory_space<hbm>> -> memref<1x64xf32, #tpu.memory_space<hbm>>
      %dma_start3A_911 = arith.constant 0 : i32
      %dma_start3A_912 = tpu.memref_slice %arg11[%add3A_906, %dma_start3A_911] : memref<128x64xf32, #tpu.memory_space<vmem>> -> memref<1x64xf32, #tpu.memory_space<vmem>>
      %dma_start3A_913 = arith.constant 0 : i32
      %dma_start3A_914 = tpu.memref_slice %arg4[%squeeze3A_904, %dma_start3A_913] : memref<1000000x64xf32, #tpu.memory_space<hbm>> -> memref<1x64xf32, #tpu.memory_space<hbm>>
      tpu.enqueue_dma source(%dma_start3A_914 : memref<1x64xf32, #tpu.memory_space<hbm>>) target(%dma_start3A_912 : memref<1x64xf32, #tpu.memory_space<vmem>>) target_semaphore(%arg15 : memref<!tpu.dma_semaphore, #tpu.memory_space<semaphore_mem>>)
    }
    %scan3A_552 = arith.constant 8 : i32
    %scan3A_553 = arith.constant 0 : i32
    %scan3A_554 = arith.constant 0 : i32
    %scan3A_555 = arith.constant 8 : i32
    %scan3A_556 = arith.addi %scan3A_554, %scan3A_555 : i32
    %scan3A_557 = arith.constant 1 : i32
    scf.for %scan3A_715 = %scan3A_554 to %scan3A_556 step %scan3A_557  : i32 {
      %mul3A_716 = arith.constant 16 : i32
      %mul3A_717 = arith.muli %scan3A_715, %mul3A_716 : i32
      %add3A_718 = arith.constant 128 : i32
      %add3A_719 = arith.addi %add3A_718, %mul3A_717 : i32
      %multiple_of3A = tpu.assume_multiple %add3A_719, 16 : i32
      %mul3A_720 = arith.constant 16 : i32
      %mul3A_721 = arith.muli %scan3A_715, %mul3A_720 : i32
      %get3A_722 = arith.index_cast %multiple_of3A : i32 to index
      %get3A_723 = tpu.vector_load %arg8[%get3A_722] {strides = array<i32>} : memref<512xi32, #tpu.memory_space<vmem>>, vector<16xi32>,
      %get3A_724 = vector.shape_cast %get3A_723 : vector<16xi32> to vector<16xi32>
      %slice3A = vector.extract_strided_slice %get3A_724 {offsets = [0], sizes = [1], strides = [1]} : vector<16xi32> to vector<1xi32>
      %squeeze3A = vector.extract %slice3A[0] : i32 from vector<1xi32>
      %add3A_725 = arith.constant 0 : i32
      %add3A_726 = arith.addi %mul3A_721, %add3A_725 : i32
      %dma_start3A_727 = arith.constant 0 : i32
      %dma_start3A_728 = tpu.memref_slice %arg10[%add3A_726, %dma_start3A_727] : memref<128x64xf32, #tpu.memory_space<vmem>> -> memref<1x64xf32, #tpu.memory_space<vmem>>
      %dma_start3A_729 = arith.constant 0 : i32
      %dma_start3A_730 = tpu.memref_slice %arg3[%squeeze3A, %dma_start3A_729] : memref<1000000x64xf32, #tpu.memory_space<hbm>> -> memref<1x64xf32, #tpu.memory_space<hbm>>
      %dma_start3A_731 = arith.constant 0 : i32
      %dma_start3A_732 = tpu.memref_slice %arg10[%add3A_726, %dma_start3A_731] : memref<128x64xf32, #tpu.memory_space<vmem>> -> memref<1x64xf32, #tpu.memory_space<vmem>>
      %dma_start3A_733 = arith.constant 0 : i32
      %dma_start3A_734 = tpu.memref_slice %arg3[%squeeze3A, %dma_start3A_733] : memref<1000000x64xf32, #tpu.memory_space<hbm>> -> memref<1x64xf32, #tpu.memory_space<hbm>>
      tpu.enqueue_dma source(%dma_start3A_734 : memref<1x64xf32, #tpu.memory_space<hbm>>) target(%dma_start3A_732 : memref<1x64xf32, #tpu.memory_space<vmem>>) target_semaphore(%arg14 : memref<!tpu.dma_semaphore, #tpu.memory_space<semaphore_mem>>)
      %slice3A_735 = vector.extract_strided_slice %get3A_724 {offsets = [1], sizes = [1], strides = [1]} : vector<16xi32> to vector<1xi32>
      %squeeze3A_736 = vector.extract %slice3A_735[0] : i32 from vector<1xi32>
      %add3A_737 = arith.constant 1 : i32
      %add3A_738 = arith.addi %mul3A_721, %add3A_737 : i32
      %dma_start3A_739 = arith.constant 0 : i32
      %dma_start3A_740 = tpu.memref_slice %arg10[%add3A_738, %dma_start3A_739] : memref<128x64xf32, #tpu.memory_space<vmem>> -> memref<1x64xf32, #tpu.memory_space<vmem>>
      %dma_start3A_741 = arith.constant 0 : i32
      %dma_start3A_742 = tpu.memref_slice %arg3[%squeeze3A_736, %dma_start3A_741] : memref<1000000x64xf32, #tpu.memory_space<hbm>> -> memref<1x64xf32, #tpu.memory_space<hbm>>
      %dma_start3A_743 = arith.constant 0 : i32
      %dma_start3A_744 = tpu.memref_slice %arg10[%add3A_738, %dma_start3A_743] : memref<128x64xf32, #tpu.memory_space<vmem>> -> memref<1x64xf32, #tpu.memory_space<vmem>>
      %dma_start3A_745 = arith.constant 0 : i32
      %dma_start3A_746 = tpu.memref_slice %arg3[%squeeze3A_736, %dma_start3A_745] : memref<1000000x64xf32, #tpu.memory_space<hbm>> -> memref<1x64xf32, #tpu.memory_space<hbm>>
      tpu.enqueue_dma source(%dma_start3A_746 : memref<1x64xf32, #tpu.memory_space<hbm>>) target(%dma_start3A_744 : memref<1x64xf32, #tpu.memory_space<vmem>>) target_semaphore(%arg14 : memref<!tpu.dma_semaphore, #tpu.memory_space<semaphore_mem>>)
      %slice3A_747 = vector.extract_strided_slice %get3A_724 {offsets = [2], sizes = [1], strides = [1]} : vector<16xi32> to vector<1xi32>
      %squeeze3A_748 = vector.extract %slice3A_747[0] : i32 from vector<1xi32>
      %add3A_749 = arith.constant 2 : i32
      %add3A_750 = arith.addi %mul3A_721, %add3A_749 : i32
      %dma_start3A_751 = arith.constant 0 : i32
      %dma_start3A_752 = tpu.memref_slice %arg10[%add3A_750, %dma_start3A_751] : memref<128x64xf32, #tpu.memory_space<vmem>> -> memref<1x64xf32, #tpu.memory_space<vmem>>
      %dma_start3A_753 = arith.constant 0 : i32
      %dma_start3A_754 = tpu.memref_slice %arg3[%squeeze3A_748, %dma_start3A_753] : memref<1000000x64xf32, #tpu.memory_space<hbm>> -> memref<1x64xf32, #tpu.memory_space<hbm>>
      %dma_start3A_755 = arith.constant 0 : i32
      %dma_start3A_756 = tpu.memref_slice %arg10[%add3A_750, %dma_start3A_755] : memref<128x64xf32, #tpu.memory_space<vmem>> -> memref<1x64xf32, #tpu.memory_space<vmem>>
      %dma_start3A_757 = arith.constant 0 : i32
      %dma_start3A_758 = tpu.memref_slice %arg3[%squeeze3A_748, %dma_start3A_757] : memref<1000000x64xf32, #tpu.memory_space<hbm>> -> memref<1x64xf32, #tpu.memory_space<hbm>>
      tpu.enqueue_dma source(%dma_start3A_758 : memref<1x64xf32, #tpu.memory_space<hbm>>) target(%dma_start3A_756 : memref<1x64xf32, #tpu.memory_space<vmem>>) target_semaphore(%arg14 : memref<!tpu.dma_semaphore, #tpu.memory_space<semaphore_mem>>)
      %slice3A_759 = vector.extract_strided_slice %get3A_724 {offsets = [3], sizes = [1], strides = [1]} : vector<16xi32> to vector<1xi32>
      %squeeze3A_760 = vector.extract %slice3A_759[0] : i32 from vector<1xi32>
      %add3A_761 = arith.constant 3 : i32
      %add3A_762 = arith.addi %mul3A_721, %add3A_761 : i32
      %dma_start3A_763 = arith.constant 0 : i32
      %dma_start3A_764 = tpu.memref_slice %arg10[%add3A_762, %dma_start3A_763] : memref<128x64xf32, #tpu.memory_space<vmem>> -> memref<1x64xf32, #tpu.memory_space<vmem>>
      %dma_start3A_765 = arith.constant 0 : i32
      %dma_start3A_766 = tpu.memref_slice %arg3[%squeeze3A_760, %dma_start3A_765] : memref<1000000x64xf32, #tpu.memory_space<hbm>> -> memref<1x64xf32, #tpu.memory_space<hbm>>
      %dma_start3A_767 = arith.constant 0 : i32
      %dma_start3A_768 = tpu.memref_slice %arg10[%add3A_762, %dma_start3A_767] : memref<128x64xf32, #tpu.memory_space<vmem>> -> memref<1x64xf32, #tpu.memory_space<vmem>>
      %dma_start3A_769 = arith.constant 0 : i32
      %dma_start3A_770 = tpu.memref_slice %arg3[%squeeze3A_760, %dma_start3A_769] : memref<1000000x64xf32, #tpu.memory_space<hbm>> -> memref<1x64xf32, #tpu.memory_space<hbm>>
      tpu.enqueue_dma source(%dma_start3A_770 : memref<1x64xf32, #tpu.memory_space<hbm>>) target(%dma_start3A_768 : memref<1x64xf32, #tpu.memory_space<vmem>>) target_semaphore(%arg14 : memref<!tpu.dma_semaphore, #tpu.memory_space<semaphore_mem>>)
      %slice3A_771 = vector.extract_strided_slice %get3A_724 {offsets = [4], sizes = [1], strides = [1]} : vector<16xi32> to vector<1xi32>
      %squeeze3A_772 = vector.extract %slice3A_771[0] : i32 from vector<1xi32>
      %add3A_773 = arith.constant 4 : i32
      %add3A_774 = arith.addi %mul3A_721, %add3A_773 : i32
      %dma_start3A_775 = arith.constant 0 : i32
      %dma_start3A_776 = tpu.memref_slice %arg10[%add3A_774, %dma_start3A_775] : memref<128x64xf32, #tpu.memory_space<vmem>> -> memref<1x64xf32, #tpu.memory_space<vmem>>
      %dma_start3A_777 = arith.constant 0 : i32
      %dma_start3A_778 = tpu.memref_slice %arg3[%squeeze3A_772, %dma_start3A_777] : memref<1000000x64xf32, #tpu.memory_space<hbm>> -> memref<1x64xf32, #tpu.memory_space<hbm>>
      %dma_start3A_779 = arith.constant 0 : i32
      %dma_start3A_780 = tpu.memref_slice %arg10[%add3A_774, %dma_start3A_779] : memref<128x64xf32, #tpu.memory_space<vmem>> -> memref<1x64xf32, #tpu.memory_space<vmem>>
      %dma_start3A_781 = arith.constant 0 : i32
      %dma_start3A_782 = tpu.memref_slice %arg3[%squeeze3A_772, %dma_start3A_781] : memref<1000000x64xf32, #tpu.memory_space<hbm>> -> memref<1x64xf32, #tpu.memory_space<hbm>>
      tpu.enqueue_dma source(%dma_start3A_782 : memref<1x64xf32, #tpu.memory_space<hbm>>) target(%dma_start3A_780 : memref<1x64xf32, #tpu.memory_space<vmem>>) target_semaphore(%arg14 : memref<!tpu.dma_semaphore, #tpu.memory_space<semaphore_mem>>)
      %slice3A_783 = vector.extract_strided_slice %get3A_724 {offsets = [5], sizes = [1], strides = [1]} : vector<16xi32> to vector<1xi32>
      %squeeze3A_784 = vector.extract %slice3A_783[0] : i32 from vector<1xi32>
      %add3A_785 = arith.constant 5 : i32
      %add3A_786 = arith.addi %mul3A_721, %add3A_785 : i32
      %dma_start3A_787 = arith.constant 0 : i32
      %dma_start3A_788 = tpu.memref_slice %arg10[%add3A_786, %dma_start3A_787] : memref<128x64xf32, #tpu.memory_space<vmem>> -> memref<1x64xf32, #tpu.memory_space<vmem>>
      %dma_start3A_789 = arith.constant 0 : i32
      %dma_start3A_790 = tpu.memref_slice %arg3[%squeeze3A_784, %dma_start3A_789] : memref<1000000x64xf32, #tpu.memory_space<hbm>> -> memref<1x64xf32, #tpu.memory_space<hbm>>
      %dma_start3A_791 = arith.constant 0 : i32
      %dma_start3A_792 = tpu.memref_slice %arg10[%add3A_786, %dma_start3A_791] : memref<128x64xf32, #tpu.memory_space<vmem>> -> memref<1x64xf32, #tpu.memory_space<vmem>>
      %dma_start3A_793 = arith.constant 0 : i32
      %dma_start3A_794 = tpu.memref_slice %arg3[%squeeze3A_784, %dma_start3A_793] : memref<1000000x64xf32, #tpu.memory_space<hbm>> -> memref<1x64xf32, #tpu.memory_space<hbm>>
      tpu.enqueue_dma source(%dma_start3A_794 : memref<1x64xf32, #tpu.memory_space<hbm>>) target(%dma_start3A_792 : memref<1x64xf32, #tpu.memory_space<vmem>>) target_semaphore(%arg14 : memref<!tpu.dma_semaphore, #tpu.memory_space<semaphore_mem>>)
      %slice3A_795 = vector.extract_strided_slice %get3A_724 {offsets = [6], sizes = [1], strides = [1]} : vector<16xi32> to vector<1xi32>
      %squeeze3A_796 = vector.extract %slice3A_795[0] : i32 from vector<1xi32>
      %add3A_797 = arith.constant 6 : i32
      %add3A_798 = arith.addi %mul3A_721, %add3A_797 : i32
      %dma_start3A_799 = arith.constant 0 : i32
      %dma_start3A_800 = tpu.memref_slice %arg10[%add3A_798, %dma_start3A_799] : memref<128x64xf32, #tpu.memory_space<vmem>> -> memref<1x64xf32, #tpu.memory_space<vmem>>
      %dma_start3A_801 = arith.constant 0 : i32
      %dma_start3A_802 = tpu.memref_slice %arg3[%squeeze3A_796, %dma_start3A_801] : memref<1000000x64xf32, #tpu.memory_space<hbm>> -> memref<1x64xf32, #tpu.memory_space<hbm>>
      %dma_start3A_803 = arith.constant 0 : i32
      %dma_start3A_804 = tpu.memref_slice %arg10[%add3A_798, %dma_start3A_803] : memref<128x64xf32, #tpu.memory_space<vmem>> -> memref<1x64xf32, #tpu.memory_space<vmem>>
      %dma_start3A_805 = arith.constant 0 : i32
      %dma_start3A_806 = tpu.memref_slice %arg3[%squeeze3A_796, %dma_start3A_805] : memref<1000000x64xf32, #tpu.memory_space<hbm>> -> memref<1x64xf32, #tpu.memory_space<hbm>>
      tpu.enqueue_dma source(%dma_start3A_806 : memref<1x64xf32, #tpu.memory_space<hbm>>) target(%dma_start3A_804 : memref<1x64xf32, #tpu.memory_space<vmem>>) target_semaphore(%arg14 : memref<!tpu.dma_semaphore, #tpu.memory_space<semaphore_mem>>)
      %slice3A_807 = vector.extract_strided_slice %get3A_724 {offsets = [7], sizes = [1], strides = [1]} : vector<16xi32> to vector<1xi32>
      %squeeze3A_808 = vector.extract %slice3A_807[0] : i32 from vector<1xi32>
      %add3A_809 = arith.constant 7 : i32
      %add3A_810 = arith.addi %mul3A_721, %add3A_809 : i32
      %dma_start3A_811 = arith.constant 0 : i32
      %dma_start3A_812 = tpu.memref_slice %arg10[%add3A_810, %dma_start3A_811] : memref<128x64xf32, #tpu.memory_space<vmem>> -> memref<1x64xf32, #tpu.memory_space<vmem>>
      %dma_start3A_813 = arith.constant 0 : i32
      %dma_start3A_814 = tpu.memref_slice %arg3[%squeeze3A_808, %dma_start3A_813] : memref<1000000x64xf32, #tpu.memory_space<hbm>> -> memref<1x64xf32, #tpu.memory_space<hbm>>
      %dma_start3A_815 = arith.constant 0 : i32
      %dma_start3A_816 = tpu.memref_slice %arg10[%add3A_810, %dma_start3A_815] : memref<128x64xf32, #tpu.memory_space<vmem>> -> memref<1x64xf32, #tpu.memory_space<vmem>>
      %dma_start3A_817 = arith.constant 0 : i32
      %dma_start3A_818 = tpu.memref_slice %arg3[%squeeze3A_808, %dma_start3A_817] : memref<1000000x64xf32, #tpu.memory_space<hbm>> -> memref<1x64xf32, #tpu.memory_space<hbm>>
      tpu.enqueue_dma source(%dma_start3A_818 : memref<1x64xf32, #tpu.memory_space<hbm>>) target(%dma_start3A_816 : memref<1x64xf32, #tpu.memory_space<vmem>>) target_semaphore(%arg14 : memref<!tpu.dma_semaphore, #tpu.memory_space<semaphore_mem>>)
      %slice3A_819 = vector.extract_strided_slice %get3A_724 {offsets = [8], sizes = [1], strides = [1]} : vector<16xi32> to vector<1xi32>
      %squeeze3A_820 = vector.extract %slice3A_819[0] : i32 from vector<1xi32>
      %add3A_821 = arith.constant 8 : i32
      %add3A_822 = arith.addi %mul3A_721, %add3A_821 : i32
      %dma_start3A_823 = arith.constant 0 : i32
      %dma_start3A_824 = tpu.memref_slice %arg10[%add3A_822, %dma_start3A_823] : memref<128x64xf32, #tpu.memory_space<vmem>> -> memref<1x64xf32, #tpu.memory_space<vmem>>
      %dma_start3A_825 = arith.constant 0 : i32
      %dma_start3A_826 = tpu.memref_slice %arg3[%squeeze3A_820, %dma_start3A_825] : memref<1000000x64xf32, #tpu.memory_space<hbm>> -> memref<1x64xf32, #tpu.memory_space<hbm>>
      %dma_start3A_827 = arith.constant 0 : i32
      %dma_start3A_828 = tpu.memref_slice %arg10[%add3A_822, %dma_start3A_827] : memref<128x64xf32, #tpu.memory_space<vmem>> -> memref<1x64xf32, #tpu.memory_space<vmem>>
      %dma_start3A_829 = arith.constant 0 : i32
      %dma_start3A_830 = tpu.memref_slice %arg3[%squeeze3A_820, %dma_start3A_829] : memref<1000000x64xf32, #tpu.memory_space<hbm>> -> memref<1x64xf32, #tpu.memory_space<hbm>>
      tpu.enqueue_dma source(%dma_start3A_830 : memref<1x64xf32, #tpu.memory_space<hbm>>) target(%dma_start3A_828 : memref<1x64xf32, #tpu.memory_space<vmem>>) target_semaphore(%arg14 : memref<!tpu.dma_semaphore, #tpu.memory_space<semaphore_mem>>)
      %slice3A_831 = vector.extract_strided_slice %get3A_724 {offsets = [9], sizes = [1], strides = [1]} : vector<16xi32> to vector<1xi32>
      %squeeze3A_832 = vector.extract %slice3A_831[0] : i32 from vector<1xi32>
      %add3A_833 = arith.constant 9 : i32
      %add3A_834 = arith.addi %mul3A_721, %add3A_833 : i32
      %dma_start3A_835 = arith.constant 0 : i32
      %dma_start3A_836 = tpu.memref_slice %arg10[%add3A_834, %dma_start3A_835] : memref<128x64xf32, #tpu.memory_space<vmem>> -> memref<1x64xf32, #tpu.memory_space<vmem>>
      %dma_start3A_837 = arith.constant 0 : i32
      %dma_start3A_838 = tpu.memref_slice %arg3[%squeeze3A_832, %dma_start3A_837] : memref<1000000x64xf32, #tpu.memory_space<hbm>> -> memref<1x64xf32, #tpu.memory_space<hbm>>
      %dma_start3A_839 = arith.constant 0 : i32
      %dma_start3A_840 = tpu.memref_slice %arg10[%add3A_834, %dma_start3A_839] : memref<128x64xf32, #tpu.memory_space<vmem>> -> memref<1x64xf32, #tpu.memory_space<vmem>>
      %dma_start3A_841 = arith.constant 0 : i32
      %dma_start3A_842 = tpu.memref_slice %arg3[%squeeze3A_832, %dma_start3A_841] : memref<1000000x64xf32, #tpu.memory_space<hbm>> -> memref<1x64xf32, #tpu.memory_space<hbm>>
      tpu.enqueue_dma source(%dma_start3A_842 : memref<1x64xf32, #tpu.memory_space<hbm>>) target(%dma_start3A_840 : memref<1x64xf32, #tpu.memory_space<vmem>>) target_semaphore(%arg14 : memref<!tpu.dma_semaphore, #tpu.memory_space<semaphore_mem>>)
      %slice3A_843 = vector.extract_strided_slice %get3A_724 {offsets = [10], sizes = [1], strides = [1]} : vector<16xi32> to vector<1xi32>
      %squeeze3A_844 = vector.extract %slice3A_843[0] : i32 from vector<1xi32>
      %add3A_845 = arith.constant 10 : i32
      %add3A_846 = arith.addi %mul3A_721, %add3A_845 : i32
      %dma_start3A_847 = arith.constant 0 : i32
      %dma_start3A_848 = tpu.memref_slice %arg10[%add3A_846, %dma_start3A_847] : memref<128x64xf32, #tpu.memory_space<vmem>> -> memref<1x64xf32, #tpu.memory_space<vmem>>
      %dma_start3A_849 = arith.constant 0 : i32
      %dma_start3A_850 = tpu.memref_slice %arg3[%squeeze3A_844, %dma_start3A_849] : memref<1000000x64xf32, #tpu.memory_space<hbm>> -> memref<1x64xf32, #tpu.memory_space<hbm>>
      %dma_start3A_851 = arith.constant 0 : i32
      %dma_start3A_852 = tpu.memref_slice %arg10[%add3A_846, %dma_start3A_851] : memref<128x64xf32, #tpu.memory_space<vmem>> -> memref<1x64xf32, #tpu.memory_space<vmem>>
      %dma_start3A_853 = arith.constant 0 : i32
      %dma_start3A_854 = tpu.memref_slice %arg3[%squeeze3A_844, %dma_start3A_853] : memref<1000000x64xf32, #tpu.memory_space<hbm>> -> memref<1x64xf32, #tpu.memory_space<hbm>>
      tpu.enqueue_dma source(%dma_start3A_854 : memref<1x64xf32, #tpu.memory_space<hbm>>) target(%dma_start3A_852 : memref<1x64xf32, #tpu.memory_space<vmem>>) target_semaphore(%arg14 : memref<!tpu.dma_semaphore, #tpu.memory_space<semaphore_mem>>)
      %slice3A_855 = vector.extract_strided_slice %get3A_724 {offsets = [11], sizes = [1], strides = [1]} : vector<16xi32> to vector<1xi32>
      %squeeze3A_856 = vector.extract %slice3A_855[0] : i32 from vector<1xi32>
      %add3A_857 = arith.constant 11 : i32
      %add3A_858 = arith.addi %mul3A_721, %add3A_857 : i32
      %dma_start3A_859 = arith.constant 0 : i32
      %dma_start3A_860 = tpu.memref_slice %arg10[%add3A_858, %dma_start3A_859] : memref<128x64xf32, #tpu.memory_space<vmem>> -> memref<1x64xf32, #tpu.memory_space<vmem>>
      %dma_start3A_861 = arith.constant 0 : i32
      %dma_start3A_862 = tpu.memref_slice %arg3[%squeeze3A_856, %dma_start3A_861] : memref<1000000x64xf32, #tpu.memory_space<hbm>> -> memref<1x64xf32, #tpu.memory_space<hbm>>
      %dma_start3A_863 = arith.constant 0 : i32
      %dma_start3A_864 = tpu.memref_slice %arg10[%add3A_858, %dma_start3A_863] : memref<128x64xf32, #tpu.memory_space<vmem>> -> memref<1x64xf32, #tpu.memory_space<vmem>>
      %dma_start3A_865 = arith.constant 0 : i32
      %dma_start3A_866 = tpu.memref_slice %arg3[%squeeze3A_856, %dma_start3A_865] : memref<1000000x64xf32, #tpu.memory_space<hbm>> -> memref<1x64xf32, #tpu.memory_space<hbm>>
      tpu.enqueue_dma source(%dma_start3A_866 : memref<1x64xf32, #tpu.memory_space<hbm>>) target(%dma_start3A_864 : memref<1x64xf32, #tpu.memory_space<vmem>>) target_semaphore(%arg14 : memref<!tpu.dma_semaphore, #tpu.memory_space<semaphore_mem>>)
      %slice3A_867 = vector.extract_strided_slice %get3A_724 {offsets = [12], sizes = [1], strides = [1]} : vector<16xi32> to vector<1xi32>
      %squeeze3A_868 = vector.extract %slice3A_867[0] : i32 from vector<1xi32>
      %add3A_869 = arith.constant 12 : i32
      %add3A_870 = arith.addi %mul3A_721, %add3A_869 : i32
      %dma_start3A_871 = arith.constant 0 : i32
      %dma_start3A_872 = tpu.memref_slice %arg10[%add3A_870, %dma_start3A_871] : memref<128x64xf32, #tpu.memory_space<vmem>> -> memref<1x64xf32, #tpu.memory_space<vmem>>
      %dma_start3A_873 = arith.constant 0 : i32
      %dma_start3A_874 = tpu.memref_slice %arg3[%squeeze3A_868, %dma_start3A_873] : memref<1000000x64xf32, #tpu.memory_space<hbm>> -> memref<1x64xf32, #tpu.memory_space<hbm>>
      %dma_start3A_875 = arith.constant 0 : i32
      %dma_start3A_876 = tpu.memref_slice %arg10[%add3A_870, %dma_start3A_875] : memref<128x64xf32, #tpu.memory_space<vmem>> -> memref<1x64xf32, #tpu.memory_space<vmem>>
      %dma_start3A_877 = arith.constant 0 : i32
      %dma_start3A_878 = tpu.memref_slice %arg3[%squeeze3A_868, %dma_start3A_877] : memref<1000000x64xf32, #tpu.memory_space<hbm>> -> memref<1x64xf32, #tpu.memory_space<hbm>>
      tpu.enqueue_dma source(%dma_start3A_878 : memref<1x64xf32, #tpu.memory_space<hbm>>) target(%dma_start3A_876 : memref<1x64xf32, #tpu.memory_space<vmem>>) target_semaphore(%arg14 : memref<!tpu.dma_semaphore, #tpu.memory_space<semaphore_mem>>)
      %slice3A_879 = vector.extract_strided_slice %get3A_724 {offsets = [13], sizes = [1], strides = [1]} : vector<16xi32> to vector<1xi32>
      %squeeze3A_880 = vector.extract %slice3A_879[0] : i32 from vector<1xi32>
      %add3A_881 = arith.constant 13 : i32
      %add3A_882 = arith.addi %mul3A_721, %add3A_881 : i32
      %dma_start3A_883 = arith.constant 0 : i32
      %dma_start3A_884 = tpu.memref_slice %arg10[%add3A_882, %dma_start3A_883] : memref<128x64xf32, #tpu.memory_space<vmem>> -> memref<1x64xf32, #tpu.memory_space<vmem>>
      %dma_start3A_885 = arith.constant 0 : i32
      %dma_start3A_886 = tpu.memref_slice %arg3[%squeeze3A_880, %dma_start3A_885] : memref<1000000x64xf32, #tpu.memory_space<hbm>> -> memref<1x64xf32, #tpu.memory_space<hbm>>
      %dma_start3A_887 = arith.constant 0 : i32
      %dma_start3A_888 = tpu.memref_slice %arg10[%add3A_882, %dma_start3A_887] : memref<128x64xf32, #tpu.memory_space<vmem>> -> memref<1x64xf32, #tpu.memory_space<vmem>>
      %dma_start3A_889 = arith.constant 0 : i32
      %dma_start3A_890 = tpu.memref_slice %arg3[%squeeze3A_880, %dma_start3A_889] : memref<1000000x64xf32, #tpu.memory_space<hbm>> -> memref<1x64xf32, #tpu.memory_space<hbm>>
      tpu.enqueue_dma source(%dma_start3A_890 : memref<1x64xf32, #tpu.memory_space<hbm>>) target(%dma_start3A_888 : memref<1x64xf32, #tpu.memory_space<vmem>>) target_semaphore(%arg14 : memref<!tpu.dma_semaphore, #tpu.memory_space<semaphore_mem>>)
      %slice3A_891 = vector.extract_strided_slice %get3A_724 {offsets = [14], sizes = [1], strides = [1]} : vector<16xi32> to vector<1xi32>
      %squeeze3A_892 = vector.extract %slice3A_891[0] : i32 from vector<1xi32>
      %add3A_893 = arith.constant 14 : i32
      %add3A_894 = arith.addi %mul3A_721, %add3A_893 : i32
      %dma_start3A_895 = arith.constant 0 : i32
      %dma_start3A_896 = tpu.memref_slice %arg10[%add3A_894, %dma_start3A_895] : memref<128x64xf32, #tpu.memory_space<vmem>> -> memref<1x64xf32, #tpu.memory_space<vmem>>
      %dma_start3A_897 = arith.constant 0 : i32
      %dma_start3A_898 = tpu.memref_slice %arg3[%squeeze3A_892, %dma_start3A_897] : memref<1000000x64xf32, #tpu.memory_space<hbm>> -> memref<1x64xf32, #tpu.memory_space<hbm>>
      %dma_start3A_899 = arith.constant 0 : i32
      %dma_start3A_900 = tpu.memref_slice %arg10[%add3A_894, %dma_start3A_899] : memref<128x64xf32, #tpu.memory_space<vmem>> -> memref<1x64xf32, #tpu.memory_space<vmem>>
      %dma_start3A_901 = arith.constant 0 : i32
      %dma_start3A_902 = tpu.memref_slice %arg3[%squeeze3A_892, %dma_start3A_901] : memref<1000000x64xf32, #tpu.memory_space<hbm>> -> memref<1x64xf32, #tpu.memory_space<hbm>>
      tpu.enqueue_dma source(%dma_start3A_902 : memref<1x64xf32, #tpu.memory_space<hbm>>) target(%dma_start3A_900 : memref<1x64xf32, #tpu.memory_space<vmem>>) target_semaphore(%arg14 : memref<!tpu.dma_semaphore, #tpu.memory_space<semaphore_mem>>)
      %slice3A_903 = vector.extract_strided_slice %get3A_724 {offsets = [15], sizes = [1], strides = [1]} : vector<16xi32> to vector<1xi32>
      %squeeze3A_904 = vector.extract %slice3A_903[0] : i32 from vector<1xi32>
      %add3A_905 = arith.constant 15 : i32
      %add3A_906 = arith.addi %mul3A_721, %add3A_905 : i32
      %dma_start3A_907 = arith.constant 0 : i32
      %dma_start3A_908 = tpu.memref_slice %arg10[%add3A_906, %dma_start3A_907] : memref<128x64xf32, #tpu.memory_space<vmem>> -> memref<1x64xf32, #tpu.memory_space<vmem>>
      %dma_start3A_909 = arith.constant 0 : i32
      %dma_start3A_910 = tpu.memref_slice %arg3[%squeeze3A_904, %dma_start3A_909] : memref<1000000x64xf32, #tpu.memory_space<hbm>> -> memref<1x64xf32, #tpu.memory_space<hbm>>
      %dma_start3A_911 = arith.constant 0 : i32
      %dma_start3A_912 = tpu.memref_slice %arg10[%add3A_906, %dma_start3A_911] : memref<128x64xf32, #tpu.memory_space<vmem>> -> memref<1x64xf32, #tpu.memory_space<vmem>>
      %dma_start3A_913 = arith.constant 0 : i32
      %dma_start3A_914 = tpu.memref_slice %arg3[%squeeze3A_904, %dma_start3A_913] : memref<1000000x64xf32, #tpu.memory_space<hbm>> -> memref<1x64xf32, #tpu.memory_space<hbm>>
      tpu.enqueue_dma source(%dma_start3A_914 : memref<1x64xf32, #tpu.memory_space<hbm>>) target(%dma_start3A_912 : memref<1x64xf32, #tpu.memory_space<vmem>>) target_semaphore(%arg14 : memref<!tpu.dma_semaphore, #tpu.memory_space<semaphore_mem>>)
    }
    %scan3A_558 = arith.constant 8 : i32
    %scan3A_559 = arith.constant 0 : i32
    %scan3A_560 = arith.constant 0 : i32
    %scan3A_561 = arith.constant 8 : i32
    %scan3A_562 = arith.addi %scan3A_560, %scan3A_561 : i32
    %scan3A_563 = arith.constant 1 : i32
    scf.for %scan3A_715 = %scan3A_560 to %scan3A_562 step %scan3A_563  : i32 {
      %mul3A_716 = arith.constant 16 : i32
      %mul3A_717 = arith.muli %scan3A_715, %mul3A_716 : i32
      %add3A_718 = arith.constant 128 : i32
      %add3A_719 = arith.addi %add3A_718, %mul3A_717 : i32
      %multiple_of3A = tpu.assume_multiple %add3A_719, 16 : i32
      %mul3A_720 = arith.constant 16 : i32
      %mul3A_721 = arith.muli %scan3A_715, %mul3A_720 : i32
      %get3A_722 = arith.index_cast %multiple_of3A : i32 to index
      %get3A_723 = tpu.vector_load %arg8[%get3A_722] {strides = array<i32>} : memref<512xi32, #tpu.memory_space<vmem>>, vector<16xi32>,
      %get3A_724 = vector.shape_cast %get3A_723 : vector<16xi32> to vector<16xi32>
      %slice3A = vector.extract_strided_slice %get3A_724 {offsets = [0], sizes = [1], strides = [1]} : vector<16xi32> to vector<1xi32>
      %squeeze3A = vector.extract %slice3A[0] : i32 from vector<1xi32>
      %add3A_725 = arith.constant 0 : i32
      %add3A_726 = arith.addi %mul3A_721, %add3A_725 : i32
      %dma_start3A_727 = arith.constant 0 : i32
      %dma_start3A_728 = tpu.memref_slice %arg12[%add3A_726, %dma_start3A_727] : memref<128x64xf32, #tpu.memory_space<vmem>> -> memref<1x64xf32, #tpu.memory_space<vmem>>
      %dma_start3A_729 = arith.constant 0 : i32
      %dma_start3A_730 = tpu.memref_slice %arg4[%squeeze3A, %dma_start3A_729] : memref<1000000x64xf32, #tpu.memory_space<hbm>> -> memref<1x64xf32, #tpu.memory_space<hbm>>
      %dma_start3A_731 = arith.constant 0 : i32
      %dma_start3A_732 = tpu.memref_slice %arg12[%add3A_726, %dma_start3A_731] : memref<128x64xf32, #tpu.memory_space<vmem>> -> memref<1x64xf32, #tpu.memory_space<vmem>>
      %dma_start3A_733 = arith.constant 0 : i32
      %dma_start3A_734 = tpu.memref_slice %arg4[%squeeze3A, %dma_start3A_733] : memref<1000000x64xf32, #tpu.memory_space<hbm>> -> memref<1x64xf32, #tpu.memory_space<hbm>>
      tpu.enqueue_dma source(%dma_start3A_734 : memref<1x64xf32, #tpu.memory_space<hbm>>) target(%dma_start3A_732 : memref<1x64xf32, #tpu.memory_space<vmem>>) target_semaphore(%arg16 : memref<!tpu.dma_semaphore, #tpu.memory_space<semaphore_mem>>)
      %slice3A_735 = vector.extract_strided_slice %get3A_724 {offsets = [1], sizes = [1], strides = [1]} : vector<16xi32> to vector<1xi32>
      %squeeze3A_736 = vector.extract %slice3A_735[0] : i32 from vector<1xi32>
      %add3A_737 = arith.constant 1 : i32
      %add3A_738 = arith.addi %mul3A_721, %add3A_737 : i32
      %dma_start3A_739 = arith.constant 0 : i32
      %dma_start3A_740 = tpu.memref_slice %arg12[%add3A_738, %dma_start3A_739] : memref<128x64xf32, #tpu.memory_space<vmem>> -> memref<1x64xf32, #tpu.memory_space<vmem>>
      %dma_start3A_741 = arith.constant 0 : i32
      %dma_start3A_742 = tpu.memref_slice %arg4[%squeeze3A_736, %dma_start3A_741] : memref<1000000x64xf32, #tpu.memory_space<hbm>> -> memref<1x64xf32, #tpu.memory_space<hbm>>
      %dma_start3A_743 = arith.constant 0 : i32
      %dma_start3A_744 = tpu.memref_slice %arg12[%add3A_738, %dma_start3A_743] : memref<128x64xf32, #tpu.memory_space<vmem>> -> memref<1x64xf32, #tpu.memory_space<vmem>>
      %dma_start3A_745 = arith.constant 0 : i32
      %dma_start3A_746 = tpu.memref_slice %arg4[%squeeze3A_736, %dma_start3A_745] : memref<1000000x64xf32, #tpu.memory_space<hbm>> -> memref<1x64xf32, #tpu.memory_space<hbm>>
      tpu.enqueue_dma source(%dma_start3A_746 : memref<1x64xf32, #tpu.memory_space<hbm>>) target(%dma_start3A_744 : memref<1x64xf32, #tpu.memory_space<vmem>>) target_semaphore(%arg16 : memref<!tpu.dma_semaphore, #tpu.memory_space<semaphore_mem>>)
      %slice3A_747 = vector.extract_strided_slice %get3A_724 {offsets = [2], sizes = [1], strides = [1]} : vector<16xi32> to vector<1xi32>
      %squeeze3A_748 = vector.extract %slice3A_747[0] : i32 from vector<1xi32>
      %add3A_749 = arith.constant 2 : i32
      %add3A_750 = arith.addi %mul3A_721, %add3A_749 : i32
      %dma_start3A_751 = arith.constant 0 : i32
      %dma_start3A_752 = tpu.memref_slice %arg12[%add3A_750, %dma_start3A_751] : memref<128x64xf32, #tpu.memory_space<vmem>> -> memref<1x64xf32, #tpu.memory_space<vmem>>
      %dma_start3A_753 = arith.constant 0 : i32
      %dma_start3A_754 = tpu.memref_slice %arg4[%squeeze3A_748, %dma_start3A_753] : memref<1000000x64xf32, #tpu.memory_space<hbm>> -> memref<1x64xf32, #tpu.memory_space<hbm>>
      %dma_start3A_755 = arith.constant 0 : i32
      %dma_start3A_756 = tpu.memref_slice %arg12[%add3A_750, %dma_start3A_755] : memref<128x64xf32, #tpu.memory_space<vmem>> -> memref<1x64xf32, #tpu.memory_space<vmem>>
      %dma_start3A_757 = arith.constant 0 : i32
      %dma_start3A_758 = tpu.memref_slice %arg4[%squeeze3A_748, %dma_start3A_757] : memref<1000000x64xf32, #tpu.memory_space<hbm>> -> memref<1x64xf32, #tpu.memory_space<hbm>>
      tpu.enqueue_dma source(%dma_start3A_758 : memref<1x64xf32, #tpu.memory_space<hbm>>) target(%dma_start3A_756 : memref<1x64xf32, #tpu.memory_space<vmem>>) target_semaphore(%arg16 : memref<!tpu.dma_semaphore, #tpu.memory_space<semaphore_mem>>)
      %slice3A_759 = vector.extract_strided_slice %get3A_724 {offsets = [3], sizes = [1], strides = [1]} : vector<16xi32> to vector<1xi32>
      %squeeze3A_760 = vector.extract %slice3A_759[0] : i32 from vector<1xi32>
      %add3A_761 = arith.constant 3 : i32
      %add3A_762 = arith.addi %mul3A_721, %add3A_761 : i32
      %dma_start3A_763 = arith.constant 0 : i32
      %dma_start3A_764 = tpu.memref_slice %arg12[%add3A_762, %dma_start3A_763] : memref<128x64xf32, #tpu.memory_space<vmem>> -> memref<1x64xf32, #tpu.memory_space<vmem>>
      %dma_start3A_765 = arith.constant 0 : i32
      %dma_start3A_766 = tpu.memref_slice %arg4[%squeeze3A_760, %dma_start3A_765] : memref<1000000x64xf32, #tpu.memory_space<hbm>> -> memref<1x64xf32, #tpu.memory_space<hbm>>
      %dma_start3A_767 = arith.constant 0 : i32
      %dma_start3A_768 = tpu.memref_slice %arg12[%add3A_762, %dma_start3A_767] : memref<128x64xf32, #tpu.memory_space<vmem>> -> memref<1x64xf32, #tpu.memory_space<vmem>>
      %dma_start3A_769 = arith.constant 0 : i32
      %dma_start3A_770 = tpu.memref_slice %arg4[%squeeze3A_760, %dma_start3A_769] : memref<1000000x64xf32, #tpu.memory_space<hbm>> -> memref<1x64xf32, #tpu.memory_space<hbm>>
      tpu.enqueue_dma source(%dma_start3A_770 : memref<1x64xf32, #tpu.memory_space<hbm>>) target(%dma_start3A_768 : memref<1x64xf32, #tpu.memory_space<vmem>>) target_semaphore(%arg16 : memref<!tpu.dma_semaphore, #tpu.memory_space<semaphore_mem>>)
      %slice3A_771 = vector.extract_strided_slice %get3A_724 {offsets = [4], sizes = [1], strides = [1]} : vector<16xi32> to vector<1xi32>
      %squeeze3A_772 = vector.extract %slice3A_771[0] : i32 from vector<1xi32>
      %add3A_773 = arith.constant 4 : i32
      %add3A_774 = arith.addi %mul3A_721, %add3A_773 : i32
      %dma_start3A_775 = arith.constant 0 : i32
      %dma_start3A_776 = tpu.memref_slice %arg12[%add3A_774, %dma_start3A_775] : memref<128x64xf32, #tpu.memory_space<vmem>> -> memref<1x64xf32, #tpu.memory_space<vmem>>
      %dma_start3A_777 = arith.constant 0 : i32
      %dma_start3A_778 = tpu.memref_slice %arg4[%squeeze3A_772, %dma_start3A_777] : memref<1000000x64xf32, #tpu.memory_space<hbm>> -> memref<1x64xf32, #tpu.memory_space<hbm>>
      %dma_start3A_779 = arith.constant 0 : i32
      %dma_start3A_780 = tpu.memref_slice %arg12[%add3A_774, %dma_start3A_779] : memref<128x64xf32, #tpu.memory_space<vmem>> -> memref<1x64xf32, #tpu.memory_space<vmem>>
      %dma_start3A_781 = arith.constant 0 : i32
      %dma_start3A_782 = tpu.memref_slice %arg4[%squeeze3A_772, %dma_start3A_781] : memref<1000000x64xf32, #tpu.memory_space<hbm>> -> memref<1x64xf32, #tpu.memory_space<hbm>>
      tpu.enqueue_dma source(%dma_start3A_782 : memref<1x64xf32, #tpu.memory_space<hbm>>) target(%dma_start3A_780 : memref<1x64xf32, #tpu.memory_space<vmem>>) target_semaphore(%arg16 : memref<!tpu.dma_semaphore, #tpu.memory_space<semaphore_mem>>)
      %slice3A_783 = vector.extract_strided_slice %get3A_724 {offsets = [5], sizes = [1], strides = [1]} : vector<16xi32> to vector<1xi32>
      %squeeze3A_784 = vector.extract %slice3A_783[0] : i32 from vector<1xi32>
      %add3A_785 = arith.constant 5 : i32
      %add3A_786 = arith.addi %mul3A_721, %add3A_785 : i32
      %dma_start3A_787 = arith.constant 0 : i32
      %dma_start3A_788 = tpu.memref_slice %arg12[%add3A_786, %dma_start3A_787] : memref<128x64xf32, #tpu.memory_space<vmem>> -> memref<1x64xf32, #tpu.memory_space<vmem>>
      %dma_start3A_789 = arith.constant 0 : i32
      %dma_start3A_790 = tpu.memref_slice %arg4[%squeeze3A_784, %dma_start3A_789] : memref<1000000x64xf32, #tpu.memory_space<hbm>> -> memref<1x64xf32, #tpu.memory_space<hbm>>
      %dma_start3A_791 = arith.constant 0 : i32
      %dma_start3A_792 = tpu.memref_slice %arg12[%add3A_786, %dma_start3A_791] : memref<128x64xf32, #tpu.memory_space<vmem>> -> memref<1x64xf32, #tpu.memory_space<vmem>>
      %dma_start3A_793 = arith.constant 0 : i32
      %dma_start3A_794 = tpu.memref_slice %arg4[%squeeze3A_784, %dma_start3A_793] : memref<1000000x64xf32, #tpu.memory_space<hbm>> -> memref<1x64xf32, #tpu.memory_space<hbm>>
      tpu.enqueue_dma source(%dma_start3A_794 : memref<1x64xf32, #tpu.memory_space<hbm>>) target(%dma_start3A_792 : memref<1x64xf32, #tpu.memory_space<vmem>>) target_semaphore(%arg16 : memref<!tpu.dma_semaphore, #tpu.memory_space<semaphore_mem>>)
      %slice3A_795 = vector.extract_strided_slice %get3A_724 {offsets = [6], sizes = [1], strides = [1]} : vector<16xi32> to vector<1xi32>
      %squeeze3A_796 = vector.extract %slice3A_795[0] : i32 from vector<1xi32>
      %add3A_797 = arith.constant 6 : i32
      %add3A_798 = arith.addi %mul3A_721, %add3A_797 : i32
      %dma_start3A_799 = arith.constant 0 : i32
      %dma_start3A_800 = tpu.memref_slice %arg12[%add3A_798, %dma_start3A_799] : memref<128x64xf32, #tpu.memory_space<vmem>> -> memref<1x64xf32, #tpu.memory_space<vmem>>
      %dma_start3A_801 = arith.constant 0 : i32
      %dma_start3A_802 = tpu.memref_slice %arg4[%squeeze3A_796, %dma_start3A_801] : memref<1000000x64xf32, #tpu.memory_space<hbm>> -> memref<1x64xf32, #tpu.memory_space<hbm>>
      %dma_start3A_803 = arith.constant 0 : i32
      %dma_start3A_804 = tpu.memref_slice %arg12[%add3A_798, %dma_start3A_803] : memref<128x64xf32, #tpu.memory_space<vmem>> -> memref<1x64xf32, #tpu.memory_space<vmem>>
      %dma_start3A_805 = arith.constant 0 : i32
      %dma_start3A_806 = tpu.memref_slice %arg4[%squeeze3A_796, %dma_start3A_805] : memref<1000000x64xf32, #tpu.memory_space<hbm>> -> memref<1x64xf32, #tpu.memory_space<hbm>>
      tpu.enqueue_dma source(%dma_start3A_806 : memref<1x64xf32, #tpu.memory_space<hbm>>) target(%dma_start3A_804 : memref<1x64xf32, #tpu.memory_space<vmem>>) target_semaphore(%arg16 : memref<!tpu.dma_semaphore, #tpu.memory_space<semaphore_mem>>)
      %slice3A_807 = vector.extract_strided_slice %get3A_724 {offsets = [7], sizes = [1], strides = [1]} : vector<16xi32> to vector<1xi32>
      %squeeze3A_808 = vector.extract %slice3A_807[0] : i32 from vector<1xi32>
      %add3A_809 = arith.constant 7 : i32
      %add3A_810 = arith.addi %mul3A_721, %add3A_809 : i32
      %dma_start3A_811 = arith.constant 0 : i32
      %dma_start3A_812 = tpu.memref_slice %arg12[%add3A_810, %dma_start3A_811] : memref<128x64xf32, #tpu.memory_space<vmem>> -> memref<1x64xf32, #tpu.memory_space<vmem>>
      %dma_start3A_813 = arith.constant 0 : i32
      %dma_start3A_814 = tpu.memref_slice %arg4[%squeeze3A_808, %dma_start3A_813] : memref<1000000x64xf32, #tpu.memory_space<hbm>> -> memref<1x64xf32, #tpu.memory_space<hbm>>
      %dma_start3A_815 = arith.constant 0 : i32
      %dma_start3A_816 = tpu.memref_slice %arg12[%add3A_810, %dma_start3A_815] : memref<128x64xf32, #tpu.memory_space<vmem>> -> memref<1x64xf32, #tpu.memory_space<vmem>>
      %dma_start3A_817 = arith.constant 0 : i32
      %dma_start3A_818 = tpu.memref_slice %arg4[%squeeze3A_808, %dma_start3A_817] : memref<1000000x64xf32, #tpu.memory_space<hbm>> -> memref<1x64xf32, #tpu.memory_space<hbm>>
      tpu.enqueue_dma source(%dma_start3A_818 : memref<1x64xf32, #tpu.memory_space<hbm>>) target(%dma_start3A_816 : memref<1x64xf32, #tpu.memory_space<vmem>>) target_semaphore(%arg16 : memref<!tpu.dma_semaphore, #tpu.memory_space<semaphore_mem>>)
      %slice3A_819 = vector.extract_strided_slice %get3A_724 {offsets = [8], sizes = [1], strides = [1]} : vector<16xi32> to vector<1xi32>
      %squeeze3A_820 = vector.extract %slice3A_819[0] : i32 from vector<1xi32>
      %add3A_821 = arith.constant 8 : i32
      %add3A_822 = arith.addi %mul3A_721, %add3A_821 : i32
      %dma_start3A_823 = arith.constant 0 : i32
      %dma_start3A_824 = tpu.memref_slice %arg12[%add3A_822, %dma_start3A_823] : memref<128x64xf32, #tpu.memory_space<vmem>> -> memref<1x64xf32, #tpu.memory_space<vmem>>
      %dma_start3A_825 = arith.constant 0 : i32
      %dma_start3A_826 = tpu.memref_slice %arg4[%squeeze3A_820, %dma_start3A_825] : memref<1000000x64xf32, #tpu.memory_space<hbm>> -> memref<1x64xf32, #tpu.memory_space<hbm>>
      %dma_start3A_827 = arith.constant 0 : i32
      %dma_start3A_828 = tpu.memref_slice %arg12[%add3A_822, %dma_start3A_827] : memref<128x64xf32, #tpu.memory_space<vmem>> -> memref<1x64xf32, #tpu.memory_space<vmem>>
      %dma_start3A_829 = arith.constant 0 : i32
      %dma_start3A_830 = tpu.memref_slice %arg4[%squeeze3A_820, %dma_start3A_829] : memref<1000000x64xf32, #tpu.memory_space<hbm>> -> memref<1x64xf32, #tpu.memory_space<hbm>>
      tpu.enqueue_dma source(%dma_start3A_830 : memref<1x64xf32, #tpu.memory_space<hbm>>) target(%dma_start3A_828 : memref<1x64xf32, #tpu.memory_space<vmem>>) target_semaphore(%arg16 : memref<!tpu.dma_semaphore, #tpu.memory_space<semaphore_mem>>)
      %slice3A_831 = vector.extract_strided_slice %get3A_724 {offsets = [9], sizes = [1], strides = [1]} : vector<16xi32> to vector<1xi32>
      %squeeze3A_832 = vector.extract %slice3A_831[0] : i32 from vector<1xi32>
      %add3A_833 = arith.constant 9 : i32
      %add3A_834 = arith.addi %mul3A_721, %add3A_833 : i32
      %dma_start3A_835 = arith.constant 0 : i32
      %dma_start3A_836 = tpu.memref_slice %arg12[%add3A_834, %dma_start3A_835] : memref<128x64xf32, #tpu.memory_space<vmem>> -> memref<1x64xf32, #tpu.memory_space<vmem>>
      %dma_start3A_837 = arith.constant 0 : i32
      %dma_start3A_838 = tpu.memref_slice %arg4[%squeeze3A_832, %dma_start3A_837] : memref<1000000x64xf32, #tpu.memory_space<hbm>> -> memref<1x64xf32, #tpu.memory_space<hbm>>
      %dma_start3A_839 = arith.constant 0 : i32
      %dma_start3A_840 = tpu.memref_slice %arg12[%add3A_834, %dma_start3A_839] : memref<128x64xf32, #tpu.memory_space<vmem>> -> memref<1x64xf32, #tpu.memory_space<vmem>>
      %dma_start3A_841 = arith.constant 0 : i32
      %dma_start3A_842 = tpu.memref_slice %arg4[%squeeze3A_832, %dma_start3A_841] : memref<1000000x64xf32, #tpu.memory_space<hbm>> -> memref<1x64xf32, #tpu.memory_space<hbm>>
      tpu.enqueue_dma source(%dma_start3A_842 : memref<1x64xf32, #tpu.memory_space<hbm>>) target(%dma_start3A_840 : memref<1x64xf32, #tpu.memory_space<vmem>>) target_semaphore(%arg16 : memref<!tpu.dma_semaphore, #tpu.memory_space<semaphore_mem>>)
      %slice3A_843 = vector.extract_strided_slice %get3A_724 {offsets = [10], sizes = [1], strides = [1]} : vector<16xi32> to vector<1xi32>
      %squeeze3A_844 = vector.extract %slice3A_843[0] : i32 from vector<1xi32>
      %add3A_845 = arith.constant 10 : i32
      %add3A_846 = arith.addi %mul3A_721, %add3A_845 : i32
      %dma_start3A_847 = arith.constant 0 : i32
      %dma_start3A_848 = tpu.memref_slice %arg12[%add3A_846, %dma_start3A_847] : memref<128x64xf32, #tpu.memory_space<vmem>> -> memref<1x64xf32, #tpu.memory_space<vmem>>
      %dma_start3A_849 = arith.constant 0 : i32
      %dma_start3A_850 = tpu.memref_slice %arg4[%squeeze3A_844, %dma_start3A_849] : memref<1000000x64xf32, #tpu.memory_space<hbm>> -> memref<1x64xf32, #tpu.memory_space<hbm>>
      %dma_start3A_851 = arith.constant 0 : i32
      %dma_start3A_852 = tpu.memref_slice %arg12[%add3A_846, %dma_start3A_851] : memref<128x64xf32, #tpu.memory_space<vmem>> -> memref<1x64xf32, #tpu.memory_space<vmem>>
      %dma_start3A_853 = arith.constant 0 : i32
      %dma_start3A_854 = tpu.memref_slice %arg4[%squeeze3A_844, %dma_start3A_853] : memref<1000000x64xf32, #tpu.memory_space<hbm>> -> memref<1x64xf32, #tpu.memory_space<hbm>>
      tpu.enqueue_dma source(%dma_start3A_854 : memref<1x64xf32, #tpu.memory_space<hbm>>) target(%dma_start3A_852 : memref<1x64xf32, #tpu.memory_space<vmem>>) target_semaphore(%arg16 : memref<!tpu.dma_semaphore, #tpu.memory_space<semaphore_mem>>)
      %slice3A_855 = vector.extract_strided_slice %get3A_724 {offsets = [11], sizes = [1], strides = [1]} : vector<16xi32> to vector<1xi32>
      %squeeze3A_856 = vector.extract %slice3A_855[0] : i32 from vector<1xi32>
      %add3A_857 = arith.constant 11 : i32
      %add3A_858 = arith.addi %mul3A_721, %add3A_857 : i32
      %dma_start3A_859 = arith.constant 0 : i32
      %dma_start3A_860 = tpu.memref_slice %arg12[%add3A_858, %dma_start3A_859] : memref<128x64xf32, #tpu.memory_space<vmem>> -> memref<1x64xf32, #tpu.memory_space<vmem>>
      %dma_start3A_861 = arith.constant 0 : i32
      %dma_start3A_862 = tpu.memref_slice %arg4[%squeeze3A_856, %dma_start3A_861] : memref<1000000x64xf32, #tpu.memory_space<hbm>> -> memref<1x64xf32, #tpu.memory_space<hbm>>
      %dma_start3A_863 = arith.constant 0 : i32
      %dma_start3A_864 = tpu.memref_slice %arg12[%add3A_858, %dma_start3A_863] : memref<128x64xf32, #tpu.memory_space<vmem>> -> memref<1x64xf32, #tpu.memory_space<vmem>>
      %dma_start3A_865 = arith.constant 0 : i32
      %dma_start3A_866 = tpu.memref_slice %arg4[%squeeze3A_856, %dma_start3A_865] : memref<1000000x64xf32, #tpu.memory_space<hbm>> -> memref<1x64xf32, #tpu.memory_space<hbm>>
      tpu.enqueue_dma source(%dma_start3A_866 : memref<1x64xf32, #tpu.memory_space<hbm>>) target(%dma_start3A_864 : memref<1x64xf32, #tpu.memory_space<vmem>>) target_semaphore(%arg16 : memref<!tpu.dma_semaphore, #tpu.memory_space<semaphore_mem>>)
      %slice3A_867 = vector.extract_strided_slice %get3A_724 {offsets = [12], sizes = [1], strides = [1]} : vector<16xi32> to vector<1xi32>
      %squeeze3A_868 = vector.extract %slice3A_867[0] : i32 from vector<1xi32>
      %add3A_869 = arith.constant 12 : i32
      %add3A_870 = arith.addi %mul3A_721, %add3A_869 : i32
      %dma_start3A_871 = arith.constant 0 : i32
      %dma_start3A_872 = tpu.memref_slice %arg12[%add3A_870, %dma_start3A_871] : memref<128x64xf32, #tpu.memory_space<vmem>> -> memref<1x64xf32, #tpu.memory_space<vmem>>
      %dma_start3A_873 = arith.constant 0 : i32
      %dma_start3A_874 = tpu.memref_slice %arg4[%squeeze3A_868, %dma_start3A_873] : memref<1000000x64xf32, #tpu.memory_space<hbm>> -> memref<1x64xf32, #tpu.memory_space<hbm>>
      %dma_start3A_875 = arith.constant 0 : i32
      %dma_start3A_876 = tpu.memref_slice %arg12[%add3A_870, %dma_start3A_875] : memref<128x64xf32, #tpu.memory_space<vmem>> -> memref<1x64xf32, #tpu.memory_space<vmem>>
      %dma_start3A_877 = arith.constant 0 : i32
      %dma_start3A_878 = tpu.memref_slice %arg4[%squeeze3A_868, %dma_start3A_877] : memref<1000000x64xf32, #tpu.memory_space<hbm>> -> memref<1x64xf32, #tpu.memory_space<hbm>>
      tpu.enqueue_dma source(%dma_start3A_878 : memref<1x64xf32, #tpu.memory_space<hbm>>) target(%dma_start3A_876 : memref<1x64xf32, #tpu.memory_space<vmem>>) target_semaphore(%arg16 : memref<!tpu.dma_semaphore, #tpu.memory_space<semaphore_mem>>)
      %slice3A_879 = vector.extract_strided_slice %get3A_724 {offsets = [13], sizes = [1], strides = [1]} : vector<16xi32> to vector<1xi32>
      %squeeze3A_880 = vector.extract %slice3A_879[0] : i32 from vector<1xi32>
      %add3A_881 = arith.constant 13 : i32
      %add3A_882 = arith.addi %mul3A_721, %add3A_881 : i32
      %dma_start3A_883 = arith.constant 0 : i32
      %dma_start3A_884 = tpu.memref_slice %arg12[%add3A_882, %dma_start3A_883] : memref<128x64xf32, #tpu.memory_space<vmem>> -> memref<1x64xf32, #tpu.memory_space<vmem>>
      %dma_start3A_885 = arith.constant 0 : i32
      %dma_start3A_886 = tpu.memref_slice %arg4[%squeeze3A_880, %dma_start3A_885] : memref<1000000x64xf32, #tpu.memory_space<hbm>> -> memref<1x64xf32, #tpu.memory_space<hbm>>
      %dma_start3A_887 = arith.constant 0 : i32
      %dma_start3A_888 = tpu.memref_slice %arg12[%add3A_882, %dma_start3A_887] : memref<128x64xf32, #tpu.memory_space<vmem>> -> memref<1x64xf32, #tpu.memory_space<vmem>>
      %dma_start3A_889 = arith.constant 0 : i32
      %dma_start3A_890 = tpu.memref_slice %arg4[%squeeze3A_880, %dma_start3A_889] : memref<1000000x64xf32, #tpu.memory_space<hbm>> -> memref<1x64xf32, #tpu.memory_space<hbm>>
      tpu.enqueue_dma source(%dma_start3A_890 : memref<1x64xf32, #tpu.memory_space<hbm>>) target(%dma_start3A_888 : memref<1x64xf32, #tpu.memory_space<vmem>>) target_semaphore(%arg16 : memref<!tpu.dma_semaphore, #tpu.memory_space<semaphore_mem>>)
      %slice3A_891 = vector.extract_strided_slice %get3A_724 {offsets = [14], sizes = [1], strides = [1]} : vector<16xi32> to vector<1xi32>
      %squeeze3A_892 = vector.extract %slice3A_891[0] : i32 from vector<1xi32>
      %add3A_893 = arith.constant 14 : i32
      %add3A_894 = arith.addi %mul3A_721, %add3A_893 : i32
      %dma_start3A_895 = arith.constant 0 : i32
      %dma_start3A_896 = tpu.memref_slice %arg12[%add3A_894, %dma_start3A_895] : memref<128x64xf32, #tpu.memory_space<vmem>> -> memref<1x64xf32, #tpu.memory_space<vmem>>
      %dma_start3A_897 = arith.constant 0 : i32
      %dma_start3A_898 = tpu.memref_slice %arg4[%squeeze3A_892, %dma_start3A_897] : memref<1000000x64xf32, #tpu.memory_space<hbm>> -> memref<1x64xf32, #tpu.memory_space<hbm>>
      %dma_start3A_899 = arith.constant 0 : i32
      %dma_start3A_900 = tpu.memref_slice %arg12[%add3A_894, %dma_start3A_899] : memref<128x64xf32, #tpu.memory_space<vmem>> -> memref<1x64xf32, #tpu.memory_space<vmem>>
      %dma_start3A_901 = arith.constant 0 : i32
      %dma_start3A_902 = tpu.memref_slice %arg4[%squeeze3A_892, %dma_start3A_901] : memref<1000000x64xf32, #tpu.memory_space<hbm>> -> memref<1x64xf32, #tpu.memory_space<hbm>>
      tpu.enqueue_dma source(%dma_start3A_902 : memref<1x64xf32, #tpu.memory_space<hbm>>) target(%dma_start3A_900 : memref<1x64xf32, #tpu.memory_space<vmem>>) target_semaphore(%arg16 : memref<!tpu.dma_semaphore, #tpu.memory_space<semaphore_mem>>)
      %slice3A_903 = vector.extract_strided_slice %get3A_724 {offsets = [15], sizes = [1], strides = [1]} : vector<16xi32> to vector<1xi32>
      %squeeze3A_904 = vector.extract %slice3A_903[0] : i32 from vector<1xi32>
      %add3A_905 = arith.constant 15 : i32
      %add3A_906 = arith.addi %mul3A_721, %add3A_905 : i32
      %dma_start3A_907 = arith.constant 0 : i32
      %dma_start3A_908 = tpu.memref_slice %arg12[%add3A_906, %dma_start3A_907] : memref<128x64xf32, #tpu.memory_space<vmem>> -> memref<1x64xf32, #tpu.memory_space<vmem>>
      %dma_start3A_909 = arith.constant 0 : i32
      %dma_start3A_910 = tpu.memref_slice %arg4[%squeeze3A_904, %dma_start3A_909] : memref<1000000x64xf32, #tpu.memory_space<hbm>> -> memref<1x64xf32, #tpu.memory_space<hbm>>
      %dma_start3A_911 = arith.constant 0 : i32
      %dma_start3A_912 = tpu.memref_slice %arg12[%add3A_906, %dma_start3A_911] : memref<128x64xf32, #tpu.memory_space<vmem>> -> memref<1x64xf32, #tpu.memory_space<vmem>>
      %dma_start3A_913 = arith.constant 0 : i32
      %dma_start3A_914 = tpu.memref_slice %arg4[%squeeze3A_904, %dma_start3A_913] : memref<1000000x64xf32, #tpu.memory_space<hbm>> -> memref<1x64xf32, #tpu.memory_space<hbm>>
      tpu.enqueue_dma source(%dma_start3A_914 : memref<1x64xf32, #tpu.memory_space<hbm>>) target(%dma_start3A_912 : memref<1x64xf32, #tpu.memory_space<vmem>>) target_semaphore(%arg16 : memref<!tpu.dma_semaphore, #tpu.memory_space<semaphore_mem>>)
    }
    %scan3A_564 = arith.constant 8 : i32
    %dma_wait3A = arith.constant 0 : i32
    %dma_wait3A_565 = arith.constant 0 : i32
    %dma_wait3A_566 = tpu.memref_slice %arg3[%dma_wait3A, %dma_wait3A_565] : memref<1000000x64xf32, #tpu.memory_space<hbm>> -> memref<128x64xf32, #tpu.memory_space<hbm>>
    %dma_wait3A_567 = arith.constant 0 : i32
    %dma_wait3A_568 = arith.constant 0 : i32
    %dma_wait3A_569 = tpu.memref_slice %arg3[%dma_wait3A_567, %dma_wait3A_568] : memref<1000000x64xf32, #tpu.memory_space<hbm>> -> memref<128x64xf32, #tpu.memory_space<hbm>>
    tpu.wait_dma2 semaphore(%arg13 : memref<!tpu.dma_semaphore, #tpu.memory_space<semaphore_mem>>) src(%dma_wait3A_569 : memref<128x64xf32, #tpu.memory_space<hbm>>) dst(%arg9 : memref<128x64xf32, #tpu.memory_space<vmem>>)
    %add3A_570 = arith.constant 0 : i32
    %add3A_571 = arith.addi %mul3A_2, %add3A_570 : i32
    %dma_start3A = arith.constant 0 : i32
    %dma_start3A_572 = tpu.memref_slice %arg5[%add3A_571, %dma_start3A] : memref<16384x64xf32, #tpu.memory_space<hbm>> -> memref<128x64xf32, #tpu.memory_space<hbm>>
    %dma_start3A_573 = arith.constant 0 : i32
    %dma_start3A_574 = tpu.memref_slice %arg5[%add3A_571, %dma_start3A_573] : memref<16384x64xf32, #tpu.memory_space<hbm>> -> memref<128x64xf32, #tpu.memory_space<hbm>>
    tpu.enqueue_dma source(%arg9 : memref<128x64xf32, #tpu.memory_space<vmem>>) target(%dma_start3A_574 : memref<128x64xf32, #tpu.memory_space<hbm>>) target_semaphore(%arg17 : memref<!tpu.dma_semaphore, #tpu.memory_space<semaphore_mem>>)
    %dma_wait3A_575 = arith.constant 0 : i32
    %dma_wait3A_576 = arith.constant 0 : i32
    %dma_wait3A_577 = tpu.memref_slice %arg4[%dma_wait3A_575, %dma_wait3A_576] : memref<1000000x64xf32, #tpu.memory_space<hbm>> -> memref<128x64xf32, #tpu.memory_space<hbm>>
    %dma_wait3A_578 = arith.constant 0 : i32
    %dma_wait3A_579 = arith.constant 0 : i32
    %dma_wait3A_580 = tpu.memref_slice %arg4[%dma_wait3A_578, %dma_wait3A_579] : memref<1000000x64xf32, #tpu.memory_space<hbm>> -> memref<128x64xf32, #tpu.memory_space<hbm>>
    tpu.wait_dma2 semaphore(%arg15 : memref<!tpu.dma_semaphore, #tpu.memory_space<semaphore_mem>>) src(%dma_wait3A_580 : memref<128x64xf32, #tpu.memory_space<hbm>>) dst(%arg11 : memref<128x64xf32, #tpu.memory_space<vmem>>)
    %add3A_581 = arith.constant 0 : i32
    %add3A_582 = arith.addi %mul3A_2, %add3A_581 : i32
    %dma_start3A_583 = arith.constant 0 : i32
    %dma_start3A_584 = tpu.memref_slice %arg6[%add3A_582, %dma_start3A_583] : memref<16384x64xf32, #tpu.memory_space<hbm>> -> memref<128x64xf32, #tpu.memory_space<hbm>>
    %dma_start3A_585 = arith.constant 0 : i32
    %dma_start3A_586 = tpu.memref_slice %arg6[%add3A_582, %dma_start3A_585] : memref<16384x64xf32, #tpu.memory_space<hbm>> -> memref<128x64xf32, #tpu.memory_space<hbm>>
    tpu.enqueue_dma source(%arg11 : memref<128x64xf32, #tpu.memory_space<vmem>>) target(%dma_start3A_586 : memref<128x64xf32, #tpu.memory_space<hbm>>) target_semaphore(%arg18 : memref<!tpu.dma_semaphore, #tpu.memory_space<semaphore_mem>>)
    %dma_wait3A_587 = arith.constant 0 : i32
    %dma_wait3A_588 = tpu.memref_slice %arg5[%add3A_571, %dma_wait3A_587] : memref<16384x64xf32, #tpu.memory_space<hbm>> -> memref<128x64xf32, #tpu.memory_space<hbm>>
    %dma_wait3A_589 = arith.constant 0 : i32
    %dma_wait3A_590 = tpu.memref_slice %arg5[%add3A_571, %dma_wait3A_589] : memref<16384x64xf32, #tpu.memory_space<hbm>> -> memref<128x64xf32, #tpu.memory_space<hbm>>
    tpu.wait_dma2 semaphore(%arg17 : memref<!tpu.dma_semaphore, #tpu.memory_space<semaphore_mem>>) src(%arg9 : memref<128x64xf32, #tpu.memory_space<vmem>>) dst(%dma_wait3A_590 : memref<128x64xf32, #tpu.memory_space<hbm>>)
    %scan3A_591 = arith.constant 0 : i32
    %scan3A_592 = arith.constant 0 : i32
    %scan3A_593 = arith.constant 8 : i32
    %scan3A_594 = arith.addi %scan3A_592, %scan3A_593 : i32
    %scan3A_595 = arith.constant 1 : i32
    scf.for %scan3A_715 = %scan3A_592 to %scan3A_594 step %scan3A_595  : i32 {
      %mul3A_716 = arith.constant 16 : i32
      %mul3A_717 = arith.muli %scan3A_715, %mul3A_716 : i32
      %add3A_718 = arith.constant 256 : i32
      %add3A_719 = arith.addi %add3A_718, %mul3A_717 : i32
      %multiple_of3A = tpu.assume_multiple %add3A_719, 16 : i32
      %mul3A_720 = arith.constant 16 : i32
      %mul3A_721 = arith.muli %scan3A_715, %mul3A_720 : i32
      %get3A_722 = arith.index_cast %multiple_of3A : i32 to index
      %get3A_723 = tpu.vector_load %arg8[%get3A_722] {strides = array<i32>} : memref<512xi32, #tpu.memory_space<vmem>>, vector<16xi32>,
      %get3A_724 = vector.shape_cast %get3A_723 : vector<16xi32> to vector<16xi32>
      %slice3A = vector.extract_strided_slice %get3A_724 {offsets = [0], sizes = [1], strides = [1]} : vector<16xi32> to vector<1xi32>
      %squeeze3A = vector.extract %slice3A[0] : i32 from vector<1xi32>
      %add3A_725 = arith.constant 0 : i32
      %add3A_726 = arith.addi %mul3A_721, %add3A_725 : i32
      %dma_start3A_727 = arith.constant 0 : i32
      %dma_start3A_728 = tpu.memref_slice %arg9[%add3A_726, %dma_start3A_727] : memref<128x64xf32, #tpu.memory_space<vmem>> -> memref<1x64xf32, #tpu.memory_space<vmem>>
      %dma_start3A_729 = arith.constant 0 : i32
      %dma_start3A_730 = tpu.memref_slice %arg3[%squeeze3A, %dma_start3A_729] : memref<1000000x64xf32, #tpu.memory_space<hbm>> -> memref<1x64xf32, #tpu.memory_space<hbm>>
      %dma_start3A_731 = arith.constant 0 : i32
      %dma_start3A_732 = tpu.memref_slice %arg9[%add3A_726, %dma_start3A_731] : memref<128x64xf32, #tpu.memory_space<vmem>> -> memref<1x64xf32, #tpu.memory_space<vmem>>
      %dma_start3A_733 = arith.constant 0 : i32
      %dma_start3A_734 = tpu.memref_slice %arg3[%squeeze3A, %dma_start3A_733] : memref<1000000x64xf32, #tpu.memory_space<hbm>> -> memref<1x64xf32, #tpu.memory_space<hbm>>
      tpu.enqueue_dma source(%dma_start3A_734 : memref<1x64xf32, #tpu.memory_space<hbm>>) target(%dma_start3A_732 : memref<1x64xf32, #tpu.memory_space<vmem>>) target_semaphore(%arg13 : memref<!tpu.dma_semaphore, #tpu.memory_space<semaphore_mem>>)
      %slice3A_735 = vector.extract_strided_slice %get3A_724 {offsets = [1], sizes = [1], strides = [1]} : vector<16xi32> to vector<1xi32>
      %squeeze3A_736 = vector.extract %slice3A_735[0] : i32 from vector<1xi32>
      %add3A_737 = arith.constant 1 : i32
      %add3A_738 = arith.addi %mul3A_721, %add3A_737 : i32
      %dma_start3A_739 = arith.constant 0 : i32
      %dma_start3A_740 = tpu.memref_slice %arg9[%add3A_738, %dma_start3A_739] : memref<128x64xf32, #tpu.memory_space<vmem>> -> memref<1x64xf32, #tpu.memory_space<vmem>>
      %dma_start3A_741 = arith.constant 0 : i32
      %dma_start3A_742 = tpu.memref_slice %arg3[%squeeze3A_736, %dma_start3A_741] : memref<1000000x64xf32, #tpu.memory_space<hbm>> -> memref<1x64xf32, #tpu.memory_space<hbm>>
      %dma_start3A_743 = arith.constant 0 : i32
      %dma_start3A_744 = tpu.memref_slice %arg9[%add3A_738, %dma_start3A_743] : memref<128x64xf32, #tpu.memory_space<vmem>> -> memref<1x64xf32, #tpu.memory_space<vmem>>
      %dma_start3A_745 = arith.constant 0 : i32
      %dma_start3A_746 = tpu.memref_slice %arg3[%squeeze3A_736, %dma_start3A_745] : memref<1000000x64xf32, #tpu.memory_space<hbm>> -> memref<1x64xf32, #tpu.memory_space<hbm>>
      tpu.enqueue_dma source(%dma_start3A_746 : memref<1x64xf32, #tpu.memory_space<hbm>>) target(%dma_start3A_744 : memref<1x64xf32, #tpu.memory_space<vmem>>) target_semaphore(%arg13 : memref<!tpu.dma_semaphore, #tpu.memory_space<semaphore_mem>>)
      %slice3A_747 = vector.extract_strided_slice %get3A_724 {offsets = [2], sizes = [1], strides = [1]} : vector<16xi32> to vector<1xi32>
      %squeeze3A_748 = vector.extract %slice3A_747[0] : i32 from vector<1xi32>
      %add3A_749 = arith.constant 2 : i32
      %add3A_750 = arith.addi %mul3A_721, %add3A_749 : i32
      %dma_start3A_751 = arith.constant 0 : i32
      %dma_start3A_752 = tpu.memref_slice %arg9[%add3A_750, %dma_start3A_751] : memref<128x64xf32, #tpu.memory_space<vmem>> -> memref<1x64xf32, #tpu.memory_space<vmem>>
      %dma_start3A_753 = arith.constant 0 : i32
      %dma_start3A_754 = tpu.memref_slice %arg3[%squeeze3A_748, %dma_start3A_753] : memref<1000000x64xf32, #tpu.memory_space<hbm>> -> memref<1x64xf32, #tpu.memory_space<hbm>>
      %dma_start3A_755 = arith.constant 0 : i32
      %dma_start3A_756 = tpu.memref_slice %arg9[%add3A_750, %dma_start3A_755] : memref<128x64xf32, #tpu.memory_space<vmem>> -> memref<1x64xf32, #tpu.memory_space<vmem>>
      %dma_start3A_757 = arith.constant 0 : i32
      %dma_start3A_758 = tpu.memref_slice %arg3[%squeeze3A_748, %dma_start3A_757] : memref<1000000x64xf32, #tpu.memory_space<hbm>> -> memref<1x64xf32, #tpu.memory_space<hbm>>
      tpu.enqueue_dma source(%dma_start3A_758 : memref<1x64xf32, #tpu.memory_space<hbm>>) target(%dma_start3A_756 : memref<1x64xf32, #tpu.memory_space<vmem>>) target_semaphore(%arg13 : memref<!tpu.dma_semaphore, #tpu.memory_space<semaphore_mem>>)
      %slice3A_759 = vector.extract_strided_slice %get3A_724 {offsets = [3], sizes = [1], strides = [1]} : vector<16xi32> to vector<1xi32>
      %squeeze3A_760 = vector.extract %slice3A_759[0] : i32 from vector<1xi32>
      %add3A_761 = arith.constant 3 : i32
      %add3A_762 = arith.addi %mul3A_721, %add3A_761 : i32
      %dma_start3A_763 = arith.constant 0 : i32
      %dma_start3A_764 = tpu.memref_slice %arg9[%add3A_762, %dma_start3A_763] : memref<128x64xf32, #tpu.memory_space<vmem>> -> memref<1x64xf32, #tpu.memory_space<vmem>>
      %dma_start3A_765 = arith.constant 0 : i32
      %dma_start3A_766 = tpu.memref_slice %arg3[%squeeze3A_760, %dma_start3A_765] : memref<1000000x64xf32, #tpu.memory_space<hbm>> -> memref<1x64xf32, #tpu.memory_space<hbm>>
      %dma_start3A_767 = arith.constant 0 : i32
      %dma_start3A_768 = tpu.memref_slice %arg9[%add3A_762, %dma_start3A_767] : memref<128x64xf32, #tpu.memory_space<vmem>> -> memref<1x64xf32, #tpu.memory_space<vmem>>
      %dma_start3A_769 = arith.constant 0 : i32
      %dma_start3A_770 = tpu.memref_slice %arg3[%squeeze3A_760, %dma_start3A_769] : memref<1000000x64xf32, #tpu.memory_space<hbm>> -> memref<1x64xf32, #tpu.memory_space<hbm>>
      tpu.enqueue_dma source(%dma_start3A_770 : memref<1x64xf32, #tpu.memory_space<hbm>>) target(%dma_start3A_768 : memref<1x64xf32, #tpu.memory_space<vmem>>) target_semaphore(%arg13 : memref<!tpu.dma_semaphore, #tpu.memory_space<semaphore_mem>>)
      %slice3A_771 = vector.extract_strided_slice %get3A_724 {offsets = [4], sizes = [1], strides = [1]} : vector<16xi32> to vector<1xi32>
      %squeeze3A_772 = vector.extract %slice3A_771[0] : i32 from vector<1xi32>
      %add3A_773 = arith.constant 4 : i32
      %add3A_774 = arith.addi %mul3A_721, %add3A_773 : i32
      %dma_start3A_775 = arith.constant 0 : i32
      %dma_start3A_776 = tpu.memref_slice %arg9[%add3A_774, %dma_start3A_775] : memref<128x64xf32, #tpu.memory_space<vmem>> -> memref<1x64xf32, #tpu.memory_space<vmem>>
      %dma_start3A_777 = arith.constant 0 : i32
      %dma_start3A_778 = tpu.memref_slice %arg3[%squeeze3A_772, %dma_start3A_777] : memref<1000000x64xf32, #tpu.memory_space<hbm>> -> memref<1x64xf32, #tpu.memory_space<hbm>>
      %dma_start3A_779 = arith.constant 0 : i32
      %dma_start3A_780 = tpu.memref_slice %arg9[%add3A_774, %dma_start3A_779] : memref<128x64xf32, #tpu.memory_space<vmem>> -> memref<1x64xf32, #tpu.memory_space<vmem>>
      %dma_start3A_781 = arith.constant 0 : i32
      %dma_start3A_782 = tpu.memref_slice %arg3[%squeeze3A_772, %dma_start3A_781] : memref<1000000x64xf32, #tpu.memory_space<hbm>> -> memref<1x64xf32, #tpu.memory_space<hbm>>
      tpu.enqueue_dma source(%dma_start3A_782 : memref<1x64xf32, #tpu.memory_space<hbm>>) target(%dma_start3A_780 : memref<1x64xf32, #tpu.memory_space<vmem>>) target_semaphore(%arg13 : memref<!tpu.dma_semaphore, #tpu.memory_space<semaphore_mem>>)
      %slice3A_783 = vector.extract_strided_slice %get3A_724 {offsets = [5], sizes = [1], strides = [1]} : vector<16xi32> to vector<1xi32>
      %squeeze3A_784 = vector.extract %slice3A_783[0] : i32 from vector<1xi32>
      %add3A_785 = arith.constant 5 : i32
      %add3A_786 = arith.addi %mul3A_721, %add3A_785 : i32
      %dma_start3A_787 = arith.constant 0 : i32
      %dma_start3A_788 = tpu.memref_slice %arg9[%add3A_786, %dma_start3A_787] : memref<128x64xf32, #tpu.memory_space<vmem>> -> memref<1x64xf32, #tpu.memory_space<vmem>>
      %dma_start3A_789 = arith.constant 0 : i32
      %dma_start3A_790 = tpu.memref_slice %arg3[%squeeze3A_784, %dma_start3A_789] : memref<1000000x64xf32, #tpu.memory_space<hbm>> -> memref<1x64xf32, #tpu.memory_space<hbm>>
      %dma_start3A_791 = arith.constant 0 : i32
      %dma_start3A_792 = tpu.memref_slice %arg9[%add3A_786, %dma_start3A_791] : memref<128x64xf32, #tpu.memory_space<vmem>> -> memref<1x64xf32, #tpu.memory_space<vmem>>
      %dma_start3A_793 = arith.constant 0 : i32
      %dma_start3A_794 = tpu.memref_slice %arg3[%squeeze3A_784, %dma_start3A_793] : memref<1000000x64xf32, #tpu.memory_space<hbm>> -> memref<1x64xf32, #tpu.memory_space<hbm>>
      tpu.enqueue_dma source(%dma_start3A_794 : memref<1x64xf32, #tpu.memory_space<hbm>>) target(%dma_start3A_792 : memref<1x64xf32, #tpu.memory_space<vmem>>) target_semaphore(%arg13 : memref<!tpu.dma_semaphore, #tpu.memory_space<semaphore_mem>>)
      %slice3A_795 = vector.extract_strided_slice %get3A_724 {offsets = [6], sizes = [1], strides = [1]} : vector<16xi32> to vector<1xi32>
      %squeeze3A_796 = vector.extract %slice3A_795[0] : i32 from vector<1xi32>
      %add3A_797 = arith.constant 6 : i32
      %add3A_798 = arith.addi %mul3A_721, %add3A_797 : i32
      %dma_start3A_799 = arith.constant 0 : i32
      %dma_start3A_800 = tpu.memref_slice %arg9[%add3A_798, %dma_start3A_799] : memref<128x64xf32, #tpu.memory_space<vmem>> -> memref<1x64xf32, #tpu.memory_space<vmem>>
      %dma_start3A_801 = arith.constant 0 : i32
      %dma_start3A_802 = tpu.memref_slice %arg3[%squeeze3A_796, %dma_start3A_801] : memref<1000000x64xf32, #tpu.memory_space<hbm>> -> memref<1x64xf32, #tpu.memory_space<hbm>>
      %dma_start3A_803 = arith.constant 0 : i32
      %dma_start3A_804 = tpu.memref_slice %arg9[%add3A_798, %dma_start3A_803] : memref<128x64xf32, #tpu.memory_space<vmem>> -> memref<1x64xf32, #tpu.memory_space<vmem>>
      %dma_start3A_805 = arith.constant 0 : i32
      %dma_start3A_806 = tpu.memref_slice %arg3[%squeeze3A_796, %dma_start3A_805] : memref<1000000x64xf32, #tpu.memory_space<hbm>> -> memref<1x64xf32, #tpu.memory_space<hbm>>
      tpu.enqueue_dma source(%dma_start3A_806 : memref<1x64xf32, #tpu.memory_space<hbm>>) target(%dma_start3A_804 : memref<1x64xf32, #tpu.memory_space<vmem>>) target_semaphore(%arg13 : memref<!tpu.dma_semaphore, #tpu.memory_space<semaphore_mem>>)
      %slice3A_807 = vector.extract_strided_slice %get3A_724 {offsets = [7], sizes = [1], strides = [1]} : vector<16xi32> to vector<1xi32>
      %squeeze3A_808 = vector.extract %slice3A_807[0] : i32 from vector<1xi32>
      %add3A_809 = arith.constant 7 : i32
      %add3A_810 = arith.addi %mul3A_721, %add3A_809 : i32
      %dma_start3A_811 = arith.constant 0 : i32
      %dma_start3A_812 = tpu.memref_slice %arg9[%add3A_810, %dma_start3A_811] : memref<128x64xf32, #tpu.memory_space<vmem>> -> memref<1x64xf32, #tpu.memory_space<vmem>>
      %dma_start3A_813 = arith.constant 0 : i32
      %dma_start3A_814 = tpu.memref_slice %arg3[%squeeze3A_808, %dma_start3A_813] : memref<1000000x64xf32, #tpu.memory_space<hbm>> -> memref<1x64xf32, #tpu.memory_space<hbm>>
      %dma_start3A_815 = arith.constant 0 : i32
      %dma_start3A_816 = tpu.memref_slice %arg9[%add3A_810, %dma_start3A_815] : memref<128x64xf32, #tpu.memory_space<vmem>> -> memref<1x64xf32, #tpu.memory_space<vmem>>
      %dma_start3A_817 = arith.constant 0 : i32
      %dma_start3A_818 = tpu.memref_slice %arg3[%squeeze3A_808, %dma_start3A_817] : memref<1000000x64xf32, #tpu.memory_space<hbm>> -> memref<1x64xf32, #tpu.memory_space<hbm>>
      tpu.enqueue_dma source(%dma_start3A_818 : memref<1x64xf32, #tpu.memory_space<hbm>>) target(%dma_start3A_816 : memref<1x64xf32, #tpu.memory_space<vmem>>) target_semaphore(%arg13 : memref<!tpu.dma_semaphore, #tpu.memory_space<semaphore_mem>>)
      %slice3A_819 = vector.extract_strided_slice %get3A_724 {offsets = [8], sizes = [1], strides = [1]} : vector<16xi32> to vector<1xi32>
      %squeeze3A_820 = vector.extract %slice3A_819[0] : i32 from vector<1xi32>
      %add3A_821 = arith.constant 8 : i32
      %add3A_822 = arith.addi %mul3A_721, %add3A_821 : i32
      %dma_start3A_823 = arith.constant 0 : i32
      %dma_start3A_824 = tpu.memref_slice %arg9[%add3A_822, %dma_start3A_823] : memref<128x64xf32, #tpu.memory_space<vmem>> -> memref<1x64xf32, #tpu.memory_space<vmem>>
      %dma_start3A_825 = arith.constant 0 : i32
      %dma_start3A_826 = tpu.memref_slice %arg3[%squeeze3A_820, %dma_start3A_825] : memref<1000000x64xf32, #tpu.memory_space<hbm>> -> memref<1x64xf32, #tpu.memory_space<hbm>>
      %dma_start3A_827 = arith.constant 0 : i32
      %dma_start3A_828 = tpu.memref_slice %arg9[%add3A_822, %dma_start3A_827] : memref<128x64xf32, #tpu.memory_space<vmem>> -> memref<1x64xf32, #tpu.memory_space<vmem>>
      %dma_start3A_829 = arith.constant 0 : i32
      %dma_start3A_830 = tpu.memref_slice %arg3[%squeeze3A_820, %dma_start3A_829] : memref<1000000x64xf32, #tpu.memory_space<hbm>> -> memref<1x64xf32, #tpu.memory_space<hbm>>
      tpu.enqueue_dma source(%dma_start3A_830 : memref<1x64xf32, #tpu.memory_space<hbm>>) target(%dma_start3A_828 : memref<1x64xf32, #tpu.memory_space<vmem>>) target_semaphore(%arg13 : memref<!tpu.dma_semaphore, #tpu.memory_space<semaphore_mem>>)
      %slice3A_831 = vector.extract_strided_slice %get3A_724 {offsets = [9], sizes = [1], strides = [1]} : vector<16xi32> to vector<1xi32>
      %squeeze3A_832 = vector.extract %slice3A_831[0] : i32 from vector<1xi32>
      %add3A_833 = arith.constant 9 : i32
      %add3A_834 = arith.addi %mul3A_721, %add3A_833 : i32
      %dma_start3A_835 = arith.constant 0 : i32
      %dma_start3A_836 = tpu.memref_slice %arg9[%add3A_834, %dma_start3A_835] : memref<128x64xf32, #tpu.memory_space<vmem>> -> memref<1x64xf32, #tpu.memory_space<vmem>>
      %dma_start3A_837 = arith.constant 0 : i32
      %dma_start3A_838 = tpu.memref_slice %arg3[%squeeze3A_832, %dma_start3A_837] : memref<1000000x64xf32, #tpu.memory_space<hbm>> -> memref<1x64xf32, #tpu.memory_space<hbm>>
      %dma_start3A_839 = arith.constant 0 : i32
      %dma_start3A_840 = tpu.memref_slice %arg9[%add3A_834, %dma_start3A_839] : memref<128x64xf32, #tpu.memory_space<vmem>> -> memref<1x64xf32, #tpu.memory_space<vmem>>
      %dma_start3A_841 = arith.constant 0 : i32
      %dma_start3A_842 = tpu.memref_slice %arg3[%squeeze3A_832, %dma_start3A_841] : memref<1000000x64xf32, #tpu.memory_space<hbm>> -> memref<1x64xf32, #tpu.memory_space<hbm>>
      tpu.enqueue_dma source(%dma_start3A_842 : memref<1x64xf32, #tpu.memory_space<hbm>>) target(%dma_start3A_840 : memref<1x64xf32, #tpu.memory_space<vmem>>) target_semaphore(%arg13 : memref<!tpu.dma_semaphore, #tpu.memory_space<semaphore_mem>>)
      %slice3A_843 = vector.extract_strided_slice %get3A_724 {offsets = [10], sizes = [1], strides = [1]} : vector<16xi32> to vector<1xi32>
      %squeeze3A_844 = vector.extract %slice3A_843[0] : i32 from vector<1xi32>
      %add3A_845 = arith.constant 10 : i32
      %add3A_846 = arith.addi %mul3A_721, %add3A_845 : i32
      %dma_start3A_847 = arith.constant 0 : i32
      %dma_start3A_848 = tpu.memref_slice %arg9[%add3A_846, %dma_start3A_847] : memref<128x64xf32, #tpu.memory_space<vmem>> -> memref<1x64xf32, #tpu.memory_space<vmem>>
      %dma_start3A_849 = arith.constant 0 : i32
      %dma_start3A_850 = tpu.memref_slice %arg3[%squeeze3A_844, %dma_start3A_849] : memref<1000000x64xf32, #tpu.memory_space<hbm>> -> memref<1x64xf32, #tpu.memory_space<hbm>>
      %dma_start3A_851 = arith.constant 0 : i32
      %dma_start3A_852 = tpu.memref_slice %arg9[%add3A_846, %dma_start3A_851] : memref<128x64xf32, #tpu.memory_space<vmem>> -> memref<1x64xf32, #tpu.memory_space<vmem>>
      %dma_start3A_853 = arith.constant 0 : i32
      %dma_start3A_854 = tpu.memref_slice %arg3[%squeeze3A_844, %dma_start3A_853] : memref<1000000x64xf32, #tpu.memory_space<hbm>> -> memref<1x64xf32, #tpu.memory_space<hbm>>
      tpu.enqueue_dma source(%dma_start3A_854 : memref<1x64xf32, #tpu.memory_space<hbm>>) target(%dma_start3A_852 : memref<1x64xf32, #tpu.memory_space<vmem>>) target_semaphore(%arg13 : memref<!tpu.dma_semaphore, #tpu.memory_space<semaphore_mem>>)
      %slice3A_855 = vector.extract_strided_slice %get3A_724 {offsets = [11], sizes = [1], strides = [1]} : vector<16xi32> to vector<1xi32>
      %squeeze3A_856 = vector.extract %slice3A_855[0] : i32 from vector<1xi32>
      %add3A_857 = arith.constant 11 : i32
      %add3A_858 = arith.addi %mul3A_721, %add3A_857 : i32
      %dma_start3A_859 = arith.constant 0 : i32
      %dma_start3A_860 = tpu.memref_slice %arg9[%add3A_858, %dma_start3A_859] : memref<128x64xf32, #tpu.memory_space<vmem>> -> memref<1x64xf32, #tpu.memory_space<vmem>>
      %dma_start3A_861 = arith.constant 0 : i32
      %dma_start3A_862 = tpu.memref_slice %arg3[%squeeze3A_856, %dma_start3A_861] : memref<1000000x64xf32, #tpu.memory_space<hbm>> -> memref<1x64xf32, #tpu.memory_space<hbm>>
      %dma_start3A_863 = arith.constant 0 : i32
      %dma_start3A_864 = tpu.memref_slice %arg9[%add3A_858, %dma_start3A_863] : memref<128x64xf32, #tpu.memory_space<vmem>> -> memref<1x64xf32, #tpu.memory_space<vmem>>
      %dma_start3A_865 = arith.constant 0 : i32
      %dma_start3A_866 = tpu.memref_slice %arg3[%squeeze3A_856, %dma_start3A_865] : memref<1000000x64xf32, #tpu.memory_space<hbm>> -> memref<1x64xf32, #tpu.memory_space<hbm>>
      tpu.enqueue_dma source(%dma_start3A_866 : memref<1x64xf32, #tpu.memory_space<hbm>>) target(%dma_start3A_864 : memref<1x64xf32, #tpu.memory_space<vmem>>) target_semaphore(%arg13 : memref<!tpu.dma_semaphore, #tpu.memory_space<semaphore_mem>>)
      %slice3A_867 = vector.extract_strided_slice %get3A_724 {offsets = [12], sizes = [1], strides = [1]} : vector<16xi32> to vector<1xi32>
      %squeeze3A_868 = vector.extract %slice3A_867[0] : i32 from vector<1xi32>
      %add3A_869 = arith.constant 12 : i32
      %add3A_870 = arith.addi %mul3A_721, %add3A_869 : i32
      %dma_start3A_871 = arith.constant 0 : i32
      %dma_start3A_872 = tpu.memref_slice %arg9[%add3A_870, %dma_start3A_871] : memref<128x64xf32, #tpu.memory_space<vmem>> -> memref<1x64xf32, #tpu.memory_space<vmem>>
      %dma_start3A_873 = arith.constant 0 : i32
      %dma_start3A_874 = tpu.memref_slice %arg3[%squeeze3A_868, %dma_start3A_873] : memref<1000000x64xf32, #tpu.memory_space<hbm>> -> memref<1x64xf32, #tpu.memory_space<hbm>>
      %dma_start3A_875 = arith.constant 0 : i32
      %dma_start3A_876 = tpu.memref_slice %arg9[%add3A_870, %dma_start3A_875] : memref<128x64xf32, #tpu.memory_space<vmem>> -> memref<1x64xf32, #tpu.memory_space<vmem>>
      %dma_start3A_877 = arith.constant 0 : i32
      %dma_start3A_878 = tpu.memref_slice %arg3[%squeeze3A_868, %dma_start3A_877] : memref<1000000x64xf32, #tpu.memory_space<hbm>> -> memref<1x64xf32, #tpu.memory_space<hbm>>
      tpu.enqueue_dma source(%dma_start3A_878 : memref<1x64xf32, #tpu.memory_space<hbm>>) target(%dma_start3A_876 : memref<1x64xf32, #tpu.memory_space<vmem>>) target_semaphore(%arg13 : memref<!tpu.dma_semaphore, #tpu.memory_space<semaphore_mem>>)
      %slice3A_879 = vector.extract_strided_slice %get3A_724 {offsets = [13], sizes = [1], strides = [1]} : vector<16xi32> to vector<1xi32>
      %squeeze3A_880 = vector.extract %slice3A_879[0] : i32 from vector<1xi32>
      %add3A_881 = arith.constant 13 : i32
      %add3A_882 = arith.addi %mul3A_721, %add3A_881 : i32
      %dma_start3A_883 = arith.constant 0 : i32
      %dma_start3A_884 = tpu.memref_slice %arg9[%add3A_882, %dma_start3A_883] : memref<128x64xf32, #tpu.memory_space<vmem>> -> memref<1x64xf32, #tpu.memory_space<vmem>>
      %dma_start3A_885 = arith.constant 0 : i32
      %dma_start3A_886 = tpu.memref_slice %arg3[%squeeze3A_880, %dma_start3A_885] : memref<1000000x64xf32, #tpu.memory_space<hbm>> -> memref<1x64xf32, #tpu.memory_space<hbm>>
      %dma_start3A_887 = arith.constant 0 : i32
      %dma_start3A_888 = tpu.memref_slice %arg9[%add3A_882, %dma_start3A_887] : memref<128x64xf32, #tpu.memory_space<vmem>> -> memref<1x64xf32, #tpu.memory_space<vmem>>
      %dma_start3A_889 = arith.constant 0 : i32
      %dma_start3A_890 = tpu.memref_slice %arg3[%squeeze3A_880, %dma_start3A_889] : memref<1000000x64xf32, #tpu.memory_space<hbm>> -> memref<1x64xf32, #tpu.memory_space<hbm>>
      tpu.enqueue_dma source(%dma_start3A_890 : memref<1x64xf32, #tpu.memory_space<hbm>>) target(%dma_start3A_888 : memref<1x64xf32, #tpu.memory_space<vmem>>) target_semaphore(%arg13 : memref<!tpu.dma_semaphore, #tpu.memory_space<semaphore_mem>>)
      %slice3A_891 = vector.extract_strided_slice %get3A_724 {offsets = [14], sizes = [1], strides = [1]} : vector<16xi32> to vector<1xi32>
      %squeeze3A_892 = vector.extract %slice3A_891[0] : i32 from vector<1xi32>
      %add3A_893 = arith.constant 14 : i32
      %add3A_894 = arith.addi %mul3A_721, %add3A_893 : i32
      %dma_start3A_895 = arith.constant 0 : i32
      %dma_start3A_896 = tpu.memref_slice %arg9[%add3A_894, %dma_start3A_895] : memref<128x64xf32, #tpu.memory_space<vmem>> -> memref<1x64xf32, #tpu.memory_space<vmem>>
      %dma_start3A_897 = arith.constant 0 : i32
      %dma_start3A_898 = tpu.memref_slice %arg3[%squeeze3A_892, %dma_start3A_897] : memref<1000000x64xf32, #tpu.memory_space<hbm>> -> memref<1x64xf32, #tpu.memory_space<hbm>>
      %dma_start3A_899 = arith.constant 0 : i32
      %dma_start3A_900 = tpu.memref_slice %arg9[%add3A_894, %dma_start3A_899] : memref<128x64xf32, #tpu.memory_space<vmem>> -> memref<1x64xf32, #tpu.memory_space<vmem>>
      %dma_start3A_901 = arith.constant 0 : i32
      %dma_start3A_902 = tpu.memref_slice %arg3[%squeeze3A_892, %dma_start3A_901] : memref<1000000x64xf32, #tpu.memory_space<hbm>> -> memref<1x64xf32, #tpu.memory_space<hbm>>
      tpu.enqueue_dma source(%dma_start3A_902 : memref<1x64xf32, #tpu.memory_space<hbm>>) target(%dma_start3A_900 : memref<1x64xf32, #tpu.memory_space<vmem>>) target_semaphore(%arg13 : memref<!tpu.dma_semaphore, #tpu.memory_space<semaphore_mem>>)
      %slice3A_903 = vector.extract_strided_slice %get3A_724 {offsets = [15], sizes = [1], strides = [1]} : vector<16xi32> to vector<1xi32>
      %squeeze3A_904 = vector.extract %slice3A_903[0] : i32 from vector<1xi32>
      %add3A_905 = arith.constant 15 : i32
      %add3A_906 = arith.addi %mul3A_721, %add3A_905 : i32
      %dma_start3A_907 = arith.constant 0 : i32
      %dma_start3A_908 = tpu.memref_slice %arg9[%add3A_906, %dma_start3A_907] : memref<128x64xf32, #tpu.memory_space<vmem>> -> memref<1x64xf32, #tpu.memory_space<vmem>>
      %dma_start3A_909 = arith.constant 0 : i32
      %dma_start3A_910 = tpu.memref_slice %arg3[%squeeze3A_904, %dma_start3A_909] : memref<1000000x64xf32, #tpu.memory_space<hbm>> -> memref<1x64xf32, #tpu.memory_space<hbm>>
      %dma_start3A_911 = arith.constant 0 : i32
      %dma_start3A_912 = tpu.memref_slice %arg9[%add3A_906, %dma_start3A_911] : memref<128x64xf32, #tpu.memory_space<vmem>> -> memref<1x64xf32, #tpu.memory_space<vmem>>
      %dma_start3A_913 = arith.constant 0 : i32
      %dma_start3A_914 = tpu.memref_slice %arg3[%squeeze3A_904, %dma_start3A_913] : memref<1000000x64xf32, #tpu.memory_space<hbm>> -> memref<1x64xf32, #tpu.memory_space<hbm>>
      tpu.enqueue_dma source(%dma_start3A_914 : memref<1x64xf32, #tpu.memory_space<hbm>>) target(%dma_start3A_912 : memref<1x64xf32, #tpu.memory_space<vmem>>) target_semaphore(%arg13 : memref<!tpu.dma_semaphore, #tpu.memory_space<semaphore_mem>>)
    }
    %scan3A_596 = arith.constant 8 : i32
    %dma_wait3A_597 = arith.constant 0 : i32
    %dma_wait3A_598 = tpu.memref_slice %arg6[%add3A_582, %dma_wait3A_597] : memref<16384x64xf32, #tpu.memory_space<hbm>> -> memref<128x64xf32, #tpu.memory_space<hbm>>
    %dma_wait3A_599 = arith.constant 0 : i32
    %dma_wait3A_600 = tpu.memref_slice %arg6[%add3A_582, %dma_wait3A_599] : memref<16384x64xf32, #tpu.memory_space<hbm>> -> memref<128x64xf32, #tpu.memory_space<hbm>>
    tpu.wait_dma2 semaphore(%arg18 : memref<!tpu.dma_semaphore, #tpu.memory_space<semaphore_mem>>) src(%arg11 : memref<128x64xf32, #tpu.memory_space<vmem>>) dst(%dma_wait3A_600 : memref<128x64xf32, #tpu.memory_space<hbm>>)
    %scan3A_601 = arith.constant 0 : i32
    %scan3A_602 = arith.constant 0 : i32
    %scan3A_603 = arith.constant 8 : i32
    %scan3A_604 = arith.addi %scan3A_602, %scan3A_603 : i32
    %scan3A_605 = arith.constant 1 : i32
    scf.for %scan3A_715 = %scan3A_602 to %scan3A_604 step %scan3A_605  : i32 {
      %mul3A_716 = arith.constant 16 : i32
      %mul3A_717 = arith.muli %scan3A_715, %mul3A_716 : i32
      %add3A_718 = arith.constant 256 : i32
      %add3A_719 = arith.addi %add3A_718, %mul3A_717 : i32
      %multiple_of3A = tpu.assume_multiple %add3A_719, 16 : i32
      %mul3A_720 = arith.constant 16 : i32
      %mul3A_721 = arith.muli %scan3A_715, %mul3A_720 : i32
      %get3A_722 = arith.index_cast %multiple_of3A : i32 to index
      %get3A_723 = tpu.vector_load %arg8[%get3A_722] {strides = array<i32>} : memref<512xi32, #tpu.memory_space<vmem>>, vector<16xi32>,
      %get3A_724 = vector.shape_cast %get3A_723 : vector<16xi32> to vector<16xi32>
      %slice3A = vector.extract_strided_slice %get3A_724 {offsets = [0], sizes = [1], strides = [1]} : vector<16xi32> to vector<1xi32>
      %squeeze3A = vector.extract %slice3A[0] : i32 from vector<1xi32>
      %add3A_725 = arith.constant 0 : i32
      %add3A_726 = arith.addi %mul3A_721, %add3A_725 : i32
      %dma_start3A_727 = arith.constant 0 : i32
      %dma_start3A_728 = tpu.memref_slice %arg11[%add3A_726, %dma_start3A_727] : memref<128x64xf32, #tpu.memory_space<vmem>> -> memref<1x64xf32, #tpu.memory_space<vmem>>
      %dma_start3A_729 = arith.constant 0 : i32
      %dma_start3A_730 = tpu.memref_slice %arg4[%squeeze3A, %dma_start3A_729] : memref<1000000x64xf32, #tpu.memory_space<hbm>> -> memref<1x64xf32, #tpu.memory_space<hbm>>
      %dma_start3A_731 = arith.constant 0 : i32
      %dma_start3A_732 = tpu.memref_slice %arg11[%add3A_726, %dma_start3A_731] : memref<128x64xf32, #tpu.memory_space<vmem>> -> memref<1x64xf32, #tpu.memory_space<vmem>>
      %dma_start3A_733 = arith.constant 0 : i32
      %dma_start3A_734 = tpu.memref_slice %arg4[%squeeze3A, %dma_start3A_733] : memref<1000000x64xf32, #tpu.memory_space<hbm>> -> memref<1x64xf32, #tpu.memory_space<hbm>>
      tpu.enqueue_dma source(%dma_start3A_734 : memref<1x64xf32, #tpu.memory_space<hbm>>) target(%dma_start3A_732 : memref<1x64xf32, #tpu.memory_space<vmem>>) target_semaphore(%arg15 : memref<!tpu.dma_semaphore, #tpu.memory_space<semaphore_mem>>)
      %slice3A_735 = vector.extract_strided_slice %get3A_724 {offsets = [1], sizes = [1], strides = [1]} : vector<16xi32> to vector<1xi32>
      %squeeze3A_736 = vector.extract %slice3A_735[0] : i32 from vector<1xi32>
      %add3A_737 = arith.constant 1 : i32
      %add3A_738 = arith.addi %mul3A_721, %add3A_737 : i32
      %dma_start3A_739 = arith.constant 0 : i32
      %dma_start3A_740 = tpu.memref_slice %arg11[%add3A_738, %dma_start3A_739] : memref<128x64xf32, #tpu.memory_space<vmem>> -> memref<1x64xf32, #tpu.memory_space<vmem>>
      %dma_start3A_741 = arith.constant 0 : i32
      %dma_start3A_742 = tpu.memref_slice %arg4[%squeeze3A_736, %dma_start3A_741] : memref<1000000x64xf32, #tpu.memory_space<hbm>> -> memref<1x64xf32, #tpu.memory_space<hbm>>
      %dma_start3A_743 = arith.constant 0 : i32
      %dma_start3A_744 = tpu.memref_slice %arg11[%add3A_738, %dma_start3A_743] : memref<128x64xf32, #tpu.memory_space<vmem>> -> memref<1x64xf32, #tpu.memory_space<vmem>>
      %dma_start3A_745 = arith.constant 0 : i32
      %dma_start3A_746 = tpu.memref_slice %arg4[%squeeze3A_736, %dma_start3A_745] : memref<1000000x64xf32, #tpu.memory_space<hbm>> -> memref<1x64xf32, #tpu.memory_space<hbm>>
      tpu.enqueue_dma source(%dma_start3A_746 : memref<1x64xf32, #tpu.memory_space<hbm>>) target(%dma_start3A_744 : memref<1x64xf32, #tpu.memory_space<vmem>>) target_semaphore(%arg15 : memref<!tpu.dma_semaphore, #tpu.memory_space<semaphore_mem>>)
      %slice3A_747 = vector.extract_strided_slice %get3A_724 {offsets = [2], sizes = [1], strides = [1]} : vector<16xi32> to vector<1xi32>
      %squeeze3A_748 = vector.extract %slice3A_747[0] : i32 from vector<1xi32>
      %add3A_749 = arith.constant 2 : i32
      %add3A_750 = arith.addi %mul3A_721, %add3A_749 : i32
      %dma_start3A_751 = arith.constant 0 : i32
      %dma_start3A_752 = tpu.memref_slice %arg11[%add3A_750, %dma_start3A_751] : memref<128x64xf32, #tpu.memory_space<vmem>> -> memref<1x64xf32, #tpu.memory_space<vmem>>
      %dma_start3A_753 = arith.constant 0 : i32
      %dma_start3A_754 = tpu.memref_slice %arg4[%squeeze3A_748, %dma_start3A_753] : memref<1000000x64xf32, #tpu.memory_space<hbm>> -> memref<1x64xf32, #tpu.memory_space<hbm>>
      %dma_start3A_755 = arith.constant 0 : i32
      %dma_start3A_756 = tpu.memref_slice %arg11[%add3A_750, %dma_start3A_755] : memref<128x64xf32, #tpu.memory_space<vmem>> -> memref<1x64xf32, #tpu.memory_space<vmem>>
      %dma_start3A_757 = arith.constant 0 : i32
      %dma_start3A_758 = tpu.memref_slice %arg4[%squeeze3A_748, %dma_start3A_757] : memref<1000000x64xf32, #tpu.memory_space<hbm>> -> memref<1x64xf32, #tpu.memory_space<hbm>>
      tpu.enqueue_dma source(%dma_start3A_758 : memref<1x64xf32, #tpu.memory_space<hbm>>) target(%dma_start3A_756 : memref<1x64xf32, #tpu.memory_space<vmem>>) target_semaphore(%arg15 : memref<!tpu.dma_semaphore, #tpu.memory_space<semaphore_mem>>)
      %slice3A_759 = vector.extract_strided_slice %get3A_724 {offsets = [3], sizes = [1], strides = [1]} : vector<16xi32> to vector<1xi32>
      %squeeze3A_760 = vector.extract %slice3A_759[0] : i32 from vector<1xi32>
      %add3A_761 = arith.constant 3 : i32
      %add3A_762 = arith.addi %mul3A_721, %add3A_761 : i32
      %dma_start3A_763 = arith.constant 0 : i32
      %dma_start3A_764 = tpu.memref_slice %arg11[%add3A_762, %dma_start3A_763] : memref<128x64xf32, #tpu.memory_space<vmem>> -> memref<1x64xf32, #tpu.memory_space<vmem>>
      %dma_start3A_765 = arith.constant 0 : i32
      %dma_start3A_766 = tpu.memref_slice %arg4[%squeeze3A_760, %dma_start3A_765] : memref<1000000x64xf32, #tpu.memory_space<hbm>> -> memref<1x64xf32, #tpu.memory_space<hbm>>
      %dma_start3A_767 = arith.constant 0 : i32
      %dma_start3A_768 = tpu.memref_slice %arg11[%add3A_762, %dma_start3A_767] : memref<128x64xf32, #tpu.memory_space<vmem>> -> memref<1x64xf32, #tpu.memory_space<vmem>>
      %dma_start3A_769 = arith.constant 0 : i32
      %dma_start3A_770 = tpu.memref_slice %arg4[%squeeze3A_760, %dma_start3A_769] : memref<1000000x64xf32, #tpu.memory_space<hbm>> -> memref<1x64xf32, #tpu.memory_space<hbm>>
      tpu.enqueue_dma source(%dma_start3A_770 : memref<1x64xf32, #tpu.memory_space<hbm>>) target(%dma_start3A_768 : memref<1x64xf32, #tpu.memory_space<vmem>>) target_semaphore(%arg15 : memref<!tpu.dma_semaphore, #tpu.memory_space<semaphore_mem>>)
      %slice3A_771 = vector.extract_strided_slice %get3A_724 {offsets = [4], sizes = [1], strides = [1]} : vector<16xi32> to vector<1xi32>
      %squeeze3A_772 = vector.extract %slice3A_771[0] : i32 from vector<1xi32>
      %add3A_773 = arith.constant 4 : i32
      %add3A_774 = arith.addi %mul3A_721, %add3A_773 : i32
      %dma_start3A_775 = arith.constant 0 : i32
      %dma_start3A_776 = tpu.memref_slice %arg11[%add3A_774, %dma_start3A_775] : memref<128x64xf32, #tpu.memory_space<vmem>> -> memref<1x64xf32, #tpu.memory_space<vmem>>
      %dma_start3A_777 = arith.constant 0 : i32
      %dma_start3A_778 = tpu.memref_slice %arg4[%squeeze3A_772, %dma_start3A_777] : memref<1000000x64xf32, #tpu.memory_space<hbm>> -> memref<1x64xf32, #tpu.memory_space<hbm>>
      %dma_start3A_779 = arith.constant 0 : i32
      %dma_start3A_780 = tpu.memref_slice %arg11[%add3A_774, %dma_start3A_779] : memref<128x64xf32, #tpu.memory_space<vmem>> -> memref<1x64xf32, #tpu.memory_space<vmem>>
      %dma_start3A_781 = arith.constant 0 : i32
      %dma_start3A_782 = tpu.memref_slice %arg4[%squeeze3A_772, %dma_start3A_781] : memref<1000000x64xf32, #tpu.memory_space<hbm>> -> memref<1x64xf32, #tpu.memory_space<hbm>>
      tpu.enqueue_dma source(%dma_start3A_782 : memref<1x64xf32, #tpu.memory_space<hbm>>) target(%dma_start3A_780 : memref<1x64xf32, #tpu.memory_space<vmem>>) target_semaphore(%arg15 : memref<!tpu.dma_semaphore, #tpu.memory_space<semaphore_mem>>)
      %slice3A_783 = vector.extract_strided_slice %get3A_724 {offsets = [5], sizes = [1], strides = [1]} : vector<16xi32> to vector<1xi32>
      %squeeze3A_784 = vector.extract %slice3A_783[0] : i32 from vector<1xi32>
      %add3A_785 = arith.constant 5 : i32
      %add3A_786 = arith.addi %mul3A_721, %add3A_785 : i32
      %dma_start3A_787 = arith.constant 0 : i32
      %dma_start3A_788 = tpu.memref_slice %arg11[%add3A_786, %dma_start3A_787] : memref<128x64xf32, #tpu.memory_space<vmem>> -> memref<1x64xf32, #tpu.memory_space<vmem>>
      %dma_start3A_789 = arith.constant 0 : i32
      %dma_start3A_790 = tpu.memref_slice %arg4[%squeeze3A_784, %dma_start3A_789] : memref<1000000x64xf32, #tpu.memory_space<hbm>> -> memref<1x64xf32, #tpu.memory_space<hbm>>
      %dma_start3A_791 = arith.constant 0 : i32
      %dma_start3A_792 = tpu.memref_slice %arg11[%add3A_786, %dma_start3A_791] : memref<128x64xf32, #tpu.memory_space<vmem>> -> memref<1x64xf32, #tpu.memory_space<vmem>>
      %dma_start3A_793 = arith.constant 0 : i32
      %dma_start3A_794 = tpu.memref_slice %arg4[%squeeze3A_784, %dma_start3A_793] : memref<1000000x64xf32, #tpu.memory_space<hbm>> -> memref<1x64xf32, #tpu.memory_space<hbm>>
      tpu.enqueue_dma source(%dma_start3A_794 : memref<1x64xf32, #tpu.memory_space<hbm>>) target(%dma_start3A_792 : memref<1x64xf32, #tpu.memory_space<vmem>>) target_semaphore(%arg15 : memref<!tpu.dma_semaphore, #tpu.memory_space<semaphore_mem>>)
      %slice3A_795 = vector.extract_strided_slice %get3A_724 {offsets = [6], sizes = [1], strides = [1]} : vector<16xi32> to vector<1xi32>
      %squeeze3A_796 = vector.extract %slice3A_795[0] : i32 from vector<1xi32>
      %add3A_797 = arith.constant 6 : i32
      %add3A_798 = arith.addi %mul3A_721, %add3A_797 : i32
      %dma_start3A_799 = arith.constant 0 : i32
      %dma_start3A_800 = tpu.memref_slice %arg11[%add3A_798, %dma_start3A_799] : memref<128x64xf32, #tpu.memory_space<vmem>> -> memref<1x64xf32, #tpu.memory_space<vmem>>
      %dma_start3A_801 = arith.constant 0 : i32
      %dma_start3A_802 = tpu.memref_slice %arg4[%squeeze3A_796, %dma_start3A_801] : memref<1000000x64xf32, #tpu.memory_space<hbm>> -> memref<1x64xf32, #tpu.memory_space<hbm>>
      %dma_start3A_803 = arith.constant 0 : i32
      %dma_start3A_804 = tpu.memref_slice %arg11[%add3A_798, %dma_start3A_803] : memref<128x64xf32, #tpu.memory_space<vmem>> -> memref<1x64xf32, #tpu.memory_space<vmem>>
      %dma_start3A_805 = arith.constant 0 : i32
      %dma_start3A_806 = tpu.memref_slice %arg4[%squeeze3A_796, %dma_start3A_805] : memref<1000000x64xf32, #tpu.memory_space<hbm>> -> memref<1x64xf32, #tpu.memory_space<hbm>>
      tpu.enqueue_dma source(%dma_start3A_806 : memref<1x64xf32, #tpu.memory_space<hbm>>) target(%dma_start3A_804 : memref<1x64xf32, #tpu.memory_space<vmem>>) target_semaphore(%arg15 : memref<!tpu.dma_semaphore, #tpu.memory_space<semaphore_mem>>)
      %slice3A_807 = vector.extract_strided_slice %get3A_724 {offsets = [7], sizes = [1], strides = [1]} : vector<16xi32> to vector<1xi32>
      %squeeze3A_808 = vector.extract %slice3A_807[0] : i32 from vector<1xi32>
      %add3A_809 = arith.constant 7 : i32
      %add3A_810 = arith.addi %mul3A_721, %add3A_809 : i32
      %dma_start3A_811 = arith.constant 0 : i32
      %dma_start3A_812 = tpu.memref_slice %arg11[%add3A_810, %dma_start3A_811] : memref<128x64xf32, #tpu.memory_space<vmem>> -> memref<1x64xf32, #tpu.memory_space<vmem>>
      %dma_start3A_813 = arith.constant 0 : i32
      %dma_start3A_814 = tpu.memref_slice %arg4[%squeeze3A_808, %dma_start3A_813] : memref<1000000x64xf32, #tpu.memory_space<hbm>> -> memref<1x64xf32, #tpu.memory_space<hbm>>
      %dma_start3A_815 = arith.constant 0 : i32
      %dma_start3A_816 = tpu.memref_slice %arg11[%add3A_810, %dma_start3A_815] : memref<128x64xf32, #tpu.memory_space<vmem>> -> memref<1x64xf32, #tpu.memory_space<vmem>>
      %dma_start3A_817 = arith.constant 0 : i32
      %dma_start3A_818 = tpu.memref_slice %arg4[%squeeze3A_808, %dma_start3A_817] : memref<1000000x64xf32, #tpu.memory_space<hbm>> -> memref<1x64xf32, #tpu.memory_space<hbm>>
      tpu.enqueue_dma source(%dma_start3A_818 : memref<1x64xf32, #tpu.memory_space<hbm>>) target(%dma_start3A_816 : memref<1x64xf32, #tpu.memory_space<vmem>>) target_semaphore(%arg15 : memref<!tpu.dma_semaphore, #tpu.memory_space<semaphore_mem>>)
      %slice3A_819 = vector.extract_strided_slice %get3A_724 {offsets = [8], sizes = [1], strides = [1]} : vector<16xi32> to vector<1xi32>
      %squeeze3A_820 = vector.extract %slice3A_819[0] : i32 from vector<1xi32>
      %add3A_821 = arith.constant 8 : i32
      %add3A_822 = arith.addi %mul3A_721, %add3A_821 : i32
      %dma_start3A_823 = arith.constant 0 : i32
      %dma_start3A_824 = tpu.memref_slice %arg11[%add3A_822, %dma_start3A_823] : memref<128x64xf32, #tpu.memory_space<vmem>> -> memref<1x64xf32, #tpu.memory_space<vmem>>
      %dma_start3A_825 = arith.constant 0 : i32
      %dma_start3A_826 = tpu.memref_slice %arg4[%squeeze3A_820, %dma_start3A_825] : memref<1000000x64xf32, #tpu.memory_space<hbm>> -> memref<1x64xf32, #tpu.memory_space<hbm>>
      %dma_start3A_827 = arith.constant 0 : i32
      %dma_start3A_828 = tpu.memref_slice %arg11[%add3A_822, %dma_start3A_827] : memref<128x64xf32, #tpu.memory_space<vmem>> -> memref<1x64xf32, #tpu.memory_space<vmem>>
      %dma_start3A_829 = arith.constant 0 : i32
      %dma_start3A_830 = tpu.memref_slice %arg4[%squeeze3A_820, %dma_start3A_829] : memref<1000000x64xf32, #tpu.memory_space<hbm>> -> memref<1x64xf32, #tpu.memory_space<hbm>>
      tpu.enqueue_dma source(%dma_start3A_830 : memref<1x64xf32, #tpu.memory_space<hbm>>) target(%dma_start3A_828 : memref<1x64xf32, #tpu.memory_space<vmem>>) target_semaphore(%arg15 : memref<!tpu.dma_semaphore, #tpu.memory_space<semaphore_mem>>)
      %slice3A_831 = vector.extract_strided_slice %get3A_724 {offsets = [9], sizes = [1], strides = [1]} : vector<16xi32> to vector<1xi32>
      %squeeze3A_832 = vector.extract %slice3A_831[0] : i32 from vector<1xi32>
      %add3A_833 = arith.constant 9 : i32
      %add3A_834 = arith.addi %mul3A_721, %add3A_833 : i32
      %dma_start3A_835 = arith.constant 0 : i32
      %dma_start3A_836 = tpu.memref_slice %arg11[%add3A_834, %dma_start3A_835] : memref<128x64xf32, #tpu.memory_space<vmem>> -> memref<1x64xf32, #tpu.memory_space<vmem>>
      %dma_start3A_837 = arith.constant 0 : i32
      %dma_start3A_838 = tpu.memref_slice %arg4[%squeeze3A_832, %dma_start3A_837] : memref<1000000x64xf32, #tpu.memory_space<hbm>> -> memref<1x64xf32, #tpu.memory_space<hbm>>
      %dma_start3A_839 = arith.constant 0 : i32
      %dma_start3A_840 = tpu.memref_slice %arg11[%add3A_834, %dma_start3A_839] : memref<128x64xf32, #tpu.memory_space<vmem>> -> memref<1x64xf32, #tpu.memory_space<vmem>>
      %dma_start3A_841 = arith.constant 0 : i32
      %dma_start3A_842 = tpu.memref_slice %arg4[%squeeze3A_832, %dma_start3A_841] : memref<1000000x64xf32, #tpu.memory_space<hbm>> -> memref<1x64xf32, #tpu.memory_space<hbm>>
      tpu.enqueue_dma source(%dma_start3A_842 : memref<1x64xf32, #tpu.memory_space<hbm>>) target(%dma_start3A_840 : memref<1x64xf32, #tpu.memory_space<vmem>>) target_semaphore(%arg15 : memref<!tpu.dma_semaphore, #tpu.memory_space<semaphore_mem>>)
      %slice3A_843 = vector.extract_strided_slice %get3A_724 {offsets = [10], sizes = [1], strides = [1]} : vector<16xi32> to vector<1xi32>
      %squeeze3A_844 = vector.extract %slice3A_843[0] : i32 from vector<1xi32>
      %add3A_845 = arith.constant 10 : i32
      %add3A_846 = arith.addi %mul3A_721, %add3A_845 : i32
      %dma_start3A_847 = arith.constant 0 : i32
      %dma_start3A_848 = tpu.memref_slice %arg11[%add3A_846, %dma_start3A_847] : memref<128x64xf32, #tpu.memory_space<vmem>> -> memref<1x64xf32, #tpu.memory_space<vmem>>
      %dma_start3A_849 = arith.constant 0 : i32
      %dma_start3A_850 = tpu.memref_slice %arg4[%squeeze3A_844, %dma_start3A_849] : memref<1000000x64xf32, #tpu.memory_space<hbm>> -> memref<1x64xf32, #tpu.memory_space<hbm>>
      %dma_start3A_851 = arith.constant 0 : i32
      %dma_start3A_852 = tpu.memref_slice %arg11[%add3A_846, %dma_start3A_851] : memref<128x64xf32, #tpu.memory_space<vmem>> -> memref<1x64xf32, #tpu.memory_space<vmem>>
      %dma_start3A_853 = arith.constant 0 : i32
      %dma_start3A_854 = tpu.memref_slice %arg4[%squeeze3A_844, %dma_start3A_853] : memref<1000000x64xf32, #tpu.memory_space<hbm>> -> memref<1x64xf32, #tpu.memory_space<hbm>>
      tpu.enqueue_dma source(%dma_start3A_854 : memref<1x64xf32, #tpu.memory_space<hbm>>) target(%dma_start3A_852 : memref<1x64xf32, #tpu.memory_space<vmem>>) target_semaphore(%arg15 : memref<!tpu.dma_semaphore, #tpu.memory_space<semaphore_mem>>)
      %slice3A_855 = vector.extract_strided_slice %get3A_724 {offsets = [11], sizes = [1], strides = [1]} : vector<16xi32> to vector<1xi32>
      %squeeze3A_856 = vector.extract %slice3A_855[0] : i32 from vector<1xi32>
      %add3A_857 = arith.constant 11 : i32
      %add3A_858 = arith.addi %mul3A_721, %add3A_857 : i32
      %dma_start3A_859 = arith.constant 0 : i32
      %dma_start3A_860 = tpu.memref_slice %arg11[%add3A_858, %dma_start3A_859] : memref<128x64xf32, #tpu.memory_space<vmem>> -> memref<1x64xf32, #tpu.memory_space<vmem>>
      %dma_start3A_861 = arith.constant 0 : i32
      %dma_start3A_862 = tpu.memref_slice %arg4[%squeeze3A_856, %dma_start3A_861] : memref<1000000x64xf32, #tpu.memory_space<hbm>> -> memref<1x64xf32, #tpu.memory_space<hbm>>
      %dma_start3A_863 = arith.constant 0 : i32
      %dma_start3A_864 = tpu.memref_slice %arg11[%add3A_858, %dma_start3A_863] : memref<128x64xf32, #tpu.memory_space<vmem>> -> memref<1x64xf32, #tpu.memory_space<vmem>>
      %dma_start3A_865 = arith.constant 0 : i32
      %dma_start3A_866 = tpu.memref_slice %arg4[%squeeze3A_856, %dma_start3A_865] : memref<1000000x64xf32, #tpu.memory_space<hbm>> -> memref<1x64xf32, #tpu.memory_space<hbm>>
      tpu.enqueue_dma source(%dma_start3A_866 : memref<1x64xf32, #tpu.memory_space<hbm>>) target(%dma_start3A_864 : memref<1x64xf32, #tpu.memory_space<vmem>>) target_semaphore(%arg15 : memref<!tpu.dma_semaphore, #tpu.memory_space<semaphore_mem>>)
      %slice3A_867 = vector.extract_strided_slice %get3A_724 {offsets = [12], sizes = [1], strides = [1]} : vector<16xi32> to vector<1xi32>
      %squeeze3A_868 = vector.extract %slice3A_867[0] : i32 from vector<1xi32>
      %add3A_869 = arith.constant 12 : i32
      %add3A_870 = arith.addi %mul3A_721, %add3A_869 : i32
      %dma_start3A_871 = arith.constant 0 : i32
      %dma_start3A_872 = tpu.memref_slice %arg11[%add3A_870, %dma_start3A_871] : memref<128x64xf32, #tpu.memory_space<vmem>> -> memref<1x64xf32, #tpu.memory_space<vmem>>
      %dma_start3A_873 = arith.constant 0 : i32
      %dma_start3A_874 = tpu.memref_slice %arg4[%squeeze3A_868, %dma_start3A_873] : memref<1000000x64xf32, #tpu.memory_space<hbm>> -> memref<1x64xf32, #tpu.memory_space<hbm>>
      %dma_start3A_875 = arith.constant 0 : i32
      %dma_start3A_876 = tpu.memref_slice %arg11[%add3A_870, %dma_start3A_875] : memref<128x64xf32, #tpu.memory_space<vmem>> -> memref<1x64xf32, #tpu.memory_space<vmem>>
      %dma_start3A_877 = arith.constant 0 : i32
      %dma_start3A_878 = tpu.memref_slice %arg4[%squeeze3A_868, %dma_start3A_877] : memref<1000000x64xf32, #tpu.memory_space<hbm>> -> memref<1x64xf32, #tpu.memory_space<hbm>>
      tpu.enqueue_dma source(%dma_start3A_878 : memref<1x64xf32, #tpu.memory_space<hbm>>) target(%dma_start3A_876 : memref<1x64xf32, #tpu.memory_space<vmem>>) target_semaphore(%arg15 : memref<!tpu.dma_semaphore, #tpu.memory_space<semaphore_mem>>)
      %slice3A_879 = vector.extract_strided_slice %get3A_724 {offsets = [13], sizes = [1], strides = [1]} : vector<16xi32> to vector<1xi32>
      %squeeze3A_880 = vector.extract %slice3A_879[0] : i32 from vector<1xi32>
      %add3A_881 = arith.constant 13 : i32
      %add3A_882 = arith.addi %mul3A_721, %add3A_881 : i32
      %dma_start3A_883 = arith.constant 0 : i32
      %dma_start3A_884 = tpu.memref_slice %arg11[%add3A_882, %dma_start3A_883] : memref<128x64xf32, #tpu.memory_space<vmem>> -> memref<1x64xf32, #tpu.memory_space<vmem>>
      %dma_start3A_885 = arith.constant 0 : i32
      %dma_start3A_886 = tpu.memref_slice %arg4[%squeeze3A_880, %dma_start3A_885] : memref<1000000x64xf32, #tpu.memory_space<hbm>> -> memref<1x64xf32, #tpu.memory_space<hbm>>
      %dma_start3A_887 = arith.constant 0 : i32
      %dma_start3A_888 = tpu.memref_slice %arg11[%add3A_882, %dma_start3A_887] : memref<128x64xf32, #tpu.memory_space<vmem>> -> memref<1x64xf32, #tpu.memory_space<vmem>>
      %dma_start3A_889 = arith.constant 0 : i32
      %dma_start3A_890 = tpu.memref_slice %arg4[%squeeze3A_880, %dma_start3A_889] : memref<1000000x64xf32, #tpu.memory_space<hbm>> -> memref<1x64xf32, #tpu.memory_space<hbm>>
      tpu.enqueue_dma source(%dma_start3A_890 : memref<1x64xf32, #tpu.memory_space<hbm>>) target(%dma_start3A_888 : memref<1x64xf32, #tpu.memory_space<vmem>>) target_semaphore(%arg15 : memref<!tpu.dma_semaphore, #tpu.memory_space<semaphore_mem>>)
      %slice3A_891 = vector.extract_strided_slice %get3A_724 {offsets = [14], sizes = [1], strides = [1]} : vector<16xi32> to vector<1xi32>
      %squeeze3A_892 = vector.extract %slice3A_891[0] : i32 from vector<1xi32>
      %add3A_893 = arith.constant 14 : i32
      %add3A_894 = arith.addi %mul3A_721, %add3A_893 : i32
      %dma_start3A_895 = arith.constant 0 : i32
      %dma_start3A_896 = tpu.memref_slice %arg11[%add3A_894, %dma_start3A_895] : memref<128x64xf32, #tpu.memory_space<vmem>> -> memref<1x64xf32, #tpu.memory_space<vmem>>
      %dma_start3A_897 = arith.constant 0 : i32
      %dma_start3A_898 = tpu.memref_slice %arg4[%squeeze3A_892, %dma_start3A_897] : memref<1000000x64xf32, #tpu.memory_space<hbm>> -> memref<1x64xf32, #tpu.memory_space<hbm>>
      %dma_start3A_899 = arith.constant 0 : i32
      %dma_start3A_900 = tpu.memref_slice %arg11[%add3A_894, %dma_start3A_899] : memref<128x64xf32, #tpu.memory_space<vmem>> -> memref<1x64xf32, #tpu.memory_space<vmem>>
      %dma_start3A_901 = arith.constant 0 : i32
      %dma_start3A_902 = tpu.memref_slice %arg4[%squeeze3A_892, %dma_start3A_901] : memref<1000000x64xf32, #tpu.memory_space<hbm>> -> memref<1x64xf32, #tpu.memory_space<hbm>>
      tpu.enqueue_dma source(%dma_start3A_902 : memref<1x64xf32, #tpu.memory_space<hbm>>) target(%dma_start3A_900 : memref<1x64xf32, #tpu.memory_space<vmem>>) target_semaphore(%arg15 : memref<!tpu.dma_semaphore, #tpu.memory_space<semaphore_mem>>)
      %slice3A_903 = vector.extract_strided_slice %get3A_724 {offsets = [15], sizes = [1], strides = [1]} : vector<16xi32> to vector<1xi32>
      %squeeze3A_904 = vector.extract %slice3A_903[0] : i32 from vector<1xi32>
      %add3A_905 = arith.constant 15 : i32
      %add3A_906 = arith.addi %mul3A_721, %add3A_905 : i32
      %dma_start3A_907 = arith.constant 0 : i32
      %dma_start3A_908 = tpu.memref_slice %arg11[%add3A_906, %dma_start3A_907] : memref<128x64xf32, #tpu.memory_space<vmem>> -> memref<1x64xf32, #tpu.memory_space<vmem>>
      %dma_start3A_909 = arith.constant 0 : i32
      %dma_start3A_910 = tpu.memref_slice %arg4[%squeeze3A_904, %dma_start3A_909] : memref<1000000x64xf32, #tpu.memory_space<hbm>> -> memref<1x64xf32, #tpu.memory_space<hbm>>
      %dma_start3A_911 = arith.constant 0 : i32
      %dma_start3A_912 = tpu.memref_slice %arg11[%add3A_906, %dma_start3A_911] : memref<128x64xf32, #tpu.memory_space<vmem>> -> memref<1x64xf32, #tpu.memory_space<vmem>>
      %dma_start3A_913 = arith.constant 0 : i32
      %dma_start3A_914 = tpu.memref_slice %arg4[%squeeze3A_904, %dma_start3A_913] : memref<1000000x64xf32, #tpu.memory_space<hbm>> -> memref<1x64xf32, #tpu.memory_space<hbm>>
      tpu.enqueue_dma source(%dma_start3A_914 : memref<1x64xf32, #tpu.memory_space<hbm>>) target(%dma_start3A_912 : memref<1x64xf32, #tpu.memory_space<vmem>>) target_semaphore(%arg15 : memref<!tpu.dma_semaphore, #tpu.memory_space<semaphore_mem>>)
    }
    %scan3A_606 = arith.constant 8 : i32
    %dma_wait3A_607 = arith.constant 0 : i32
    %dma_wait3A_608 = arith.constant 0 : i32
    %dma_wait3A_609 = tpu.memref_slice %arg3[%dma_wait3A_607, %dma_wait3A_608] : memref<1000000x64xf32, #tpu.memory_space<hbm>> -> memref<128x64xf32, #tpu.memory_space<hbm>>
    %dma_wait3A_610 = arith.constant 0 : i32
    %dma_wait3A_611 = arith.constant 0 : i32
    %dma_wait3A_612 = tpu.memref_slice %arg3[%dma_wait3A_610, %dma_wait3A_611] : memref<1000000x64xf32, #tpu.memory_space<hbm>> -> memref<128x64xf32, #tpu.memory_space<hbm>>
    tpu.wait_dma2 semaphore(%arg14 : memref<!tpu.dma_semaphore, #tpu.memory_space<semaphore_mem>>) src(%dma_wait3A_612 : memref<128x64xf32, #tpu.memory_space<hbm>>) dst(%arg10 : memref<128x64xf32, #tpu.memory_space<vmem>>)
    %add3A_613 = arith.constant 128 : i32
    %add3A_614 = arith.addi %mul3A_2, %add3A_613 : i32
    %dma_start3A_615 = arith.constant 0 : i32
    %dma_start3A_616 = tpu.memref_slice %arg5[%add3A_614, %dma_start3A_615] : memref<16384x64xf32, #tpu.memory_space<hbm>> -> memref<128x64xf32, #tpu.memory_space<hbm>>
    %dma_start3A_617 = arith.constant 0 : i32
    %dma_start3A_618 = tpu.memref_slice %arg5[%add3A_614, %dma_start3A_617] : memref<16384x64xf32, #tpu.memory_space<hbm>> -> memref<128x64xf32, #tpu.memory_space<hbm>>
    tpu.enqueue_dma source(%arg10 : memref<128x64xf32, #tpu.memory_space<vmem>>) target(%dma_start3A_618 : memref<128x64xf32, #tpu.memory_space<hbm>>) target_semaphore(%arg17 : memref<!tpu.dma_semaphore, #tpu.memory_space<semaphore_mem>>)
    %dma_wait3A_619 = arith.constant 0 : i32
    %dma_wait3A_620 = arith.constant 0 : i32
    %dma_wait3A_621 = tpu.memref_slice %arg4[%dma_wait3A_619, %dma_wait3A_620] : memref<1000000x64xf32, #tpu.memory_space<hbm>> -> memref<128x64xf32, #tpu.memory_space<hbm>>
    %dma_wait3A_622 = arith.constant 0 : i32
    %dma_wait3A_623 = arith.constant 0 : i32
    %dma_wait3A_624 = tpu.memref_slice %arg4[%dma_wait3A_622, %dma_wait3A_623] : memref<1000000x64xf32, #tpu.memory_space<hbm>> -> memref<128x64xf32, #tpu.memory_space<hbm>>
    tpu.wait_dma2 semaphore(%arg16 : memref<!tpu.dma_semaphore, #tpu.memory_space<semaphore_mem>>) src(%dma_wait3A_624 : memref<128x64xf32, #tpu.memory_space<hbm>>) dst(%arg12 : memref<128x64xf32, #tpu.memory_space<vmem>>)
    %add3A_625 = arith.constant 128 : i32
    %add3A_626 = arith.addi %mul3A_2, %add3A_625 : i32
    %dma_start3A_627 = arith.constant 0 : i32
    %dma_start3A_628 = tpu.memref_slice %arg6[%add3A_626, %dma_start3A_627] : memref<16384x64xf32, #tpu.memory_space<hbm>> -> memref<128x64xf32, #tpu.memory_space<hbm>>
    %dma_start3A_629 = arith.constant 0 : i32
    %dma_start3A_630 = tpu.memref_slice %arg6[%add3A_626, %dma_start3A_629] : memref<16384x64xf32, #tpu.memory_space<hbm>> -> memref<128x64xf32, #tpu.memory_space<hbm>>
    tpu.enqueue_dma source(%arg12 : memref<128x64xf32, #tpu.memory_space<vmem>>) target(%dma_start3A_630 : memref<128x64xf32, #tpu.memory_space<hbm>>) target_semaphore(%arg18 : memref<!tpu.dma_semaphore, #tpu.memory_space<semaphore_mem>>)
    %dma_wait3A_631 = arith.constant 0 : i32
    %dma_wait3A_632 = tpu.memref_slice %arg5[%add3A_614, %dma_wait3A_631] : memref<16384x64xf32, #tpu.memory_space<hbm>> -> memref<128x64xf32, #tpu.memory_space<hbm>>
    %dma_wait3A_633 = arith.constant 0 : i32
    %dma_wait3A_634 = tpu.memref_slice %arg5[%add3A_614, %dma_wait3A_633] : memref<16384x64xf32, #tpu.memory_space<hbm>> -> memref<128x64xf32, #tpu.memory_space<hbm>>
    tpu.wait_dma2 semaphore(%arg17 : memref<!tpu.dma_semaphore, #tpu.memory_space<semaphore_mem>>) src(%arg10 : memref<128x64xf32, #tpu.memory_space<vmem>>) dst(%dma_wait3A_634 : memref<128x64xf32, #tpu.memory_space<hbm>>)
    %scan3A_635 = arith.constant 0 : i32
    %scan3A_636 = arith.constant 0 : i32
    %scan3A_637 = arith.constant 8 : i32
    %scan3A_638 = arith.addi %scan3A_636, %scan3A_637 : i32
    %scan3A_639 = arith.constant 1 : i32
    scf.for %scan3A_715 = %scan3A_636 to %scan3A_638 step %scan3A_639  : i32 {
      %mul3A_716 = arith.constant 16 : i32
      %mul3A_717 = arith.muli %scan3A_715, %mul3A_716 : i32
      %add3A_718 = arith.constant 384 : i32
      %add3A_719 = arith.addi %add3A_718, %mul3A_717 : i32
      %multiple_of3A = tpu.assume_multiple %add3A_719, 16 : i32
      %mul3A_720 = arith.constant 16 : i32
      %mul3A_721 = arith.muli %scan3A_715, %mul3A_720 : i32
      %get3A_722 = arith.index_cast %multiple_of3A : i32 to index
      %get3A_723 = tpu.vector_load %arg8[%get3A_722] {strides = array<i32>} : memref<512xi32, #tpu.memory_space<vmem>>, vector<16xi32>,
      %get3A_724 = vector.shape_cast %get3A_723 : vector<16xi32> to vector<16xi32>
      %slice3A = vector.extract_strided_slice %get3A_724 {offsets = [0], sizes = [1], strides = [1]} : vector<16xi32> to vector<1xi32>
      %squeeze3A = vector.extract %slice3A[0] : i32 from vector<1xi32>
      %add3A_725 = arith.constant 0 : i32
      %add3A_726 = arith.addi %mul3A_721, %add3A_725 : i32
      %dma_start3A_727 = arith.constant 0 : i32
      %dma_start3A_728 = tpu.memref_slice %arg10[%add3A_726, %dma_start3A_727] : memref<128x64xf32, #tpu.memory_space<vmem>> -> memref<1x64xf32, #tpu.memory_space<vmem>>
      %dma_start3A_729 = arith.constant 0 : i32
      %dma_start3A_730 = tpu.memref_slice %arg3[%squeeze3A, %dma_start3A_729] : memref<1000000x64xf32, #tpu.memory_space<hbm>> -> memref<1x64xf32, #tpu.memory_space<hbm>>
      %dma_start3A_731 = arith.constant 0 : i32
      %dma_start3A_732 = tpu.memref_slice %arg10[%add3A_726, %dma_start3A_731] : memref<128x64xf32, #tpu.memory_space<vmem>> -> memref<1x64xf32, #tpu.memory_space<vmem>>
      %dma_start3A_733 = arith.constant 0 : i32
      %dma_start3A_734 = tpu.memref_slice %arg3[%squeeze3A, %dma_start3A_733] : memref<1000000x64xf32, #tpu.memory_space<hbm>> -> memref<1x64xf32, #tpu.memory_space<hbm>>
      tpu.enqueue_dma source(%dma_start3A_734 : memref<1x64xf32, #tpu.memory_space<hbm>>) target(%dma_start3A_732 : memref<1x64xf32, #tpu.memory_space<vmem>>) target_semaphore(%arg14 : memref<!tpu.dma_semaphore, #tpu.memory_space<semaphore_mem>>)
      %slice3A_735 = vector.extract_strided_slice %get3A_724 {offsets = [1], sizes = [1], strides = [1]} : vector<16xi32> to vector<1xi32>
      %squeeze3A_736 = vector.extract %slice3A_735[0] : i32 from vector<1xi32>
      %add3A_737 = arith.constant 1 : i32
      %add3A_738 = arith.addi %mul3A_721, %add3A_737 : i32
      %dma_start3A_739 = arith.constant 0 : i32
      %dma_start3A_740 = tpu.memref_slice %arg10[%add3A_738, %dma_start3A_739] : memref<128x64xf32, #tpu.memory_space<vmem>> -> memref<1x64xf32, #tpu.memory_space<vmem>>
      %dma_start3A_741 = arith.constant 0 : i32
      %dma_start3A_742 = tpu.memref_slice %arg3[%squeeze3A_736, %dma_start3A_741] : memref<1000000x64xf32, #tpu.memory_space<hbm>> -> memref<1x64xf32, #tpu.memory_space<hbm>>
      %dma_start3A_743 = arith.constant 0 : i32
      %dma_start3A_744 = tpu.memref_slice %arg10[%add3A_738, %dma_start3A_743] : memref<128x64xf32, #tpu.memory_space<vmem>> -> memref<1x64xf32, #tpu.memory_space<vmem>>
      %dma_start3A_745 = arith.constant 0 : i32
      %dma_start3A_746 = tpu.memref_slice %arg3[%squeeze3A_736, %dma_start3A_745] : memref<1000000x64xf32, #tpu.memory_space<hbm>> -> memref<1x64xf32, #tpu.memory_space<hbm>>
      tpu.enqueue_dma source(%dma_start3A_746 : memref<1x64xf32, #tpu.memory_space<hbm>>) target(%dma_start3A_744 : memref<1x64xf32, #tpu.memory_space<vmem>>) target_semaphore(%arg14 : memref<!tpu.dma_semaphore, #tpu.memory_space<semaphore_mem>>)
      %slice3A_747 = vector.extract_strided_slice %get3A_724 {offsets = [2], sizes = [1], strides = [1]} : vector<16xi32> to vector<1xi32>
      %squeeze3A_748 = vector.extract %slice3A_747[0] : i32 from vector<1xi32>
      %add3A_749 = arith.constant 2 : i32
      %add3A_750 = arith.addi %mul3A_721, %add3A_749 : i32
      %dma_start3A_751 = arith.constant 0 : i32
      %dma_start3A_752 = tpu.memref_slice %arg10[%add3A_750, %dma_start3A_751] : memref<128x64xf32, #tpu.memory_space<vmem>> -> memref<1x64xf32, #tpu.memory_space<vmem>>
      %dma_start3A_753 = arith.constant 0 : i32
      %dma_start3A_754 = tpu.memref_slice %arg3[%squeeze3A_748, %dma_start3A_753] : memref<1000000x64xf32, #tpu.memory_space<hbm>> -> memref<1x64xf32, #tpu.memory_space<hbm>>
      %dma_start3A_755 = arith.constant 0 : i32
      %dma_start3A_756 = tpu.memref_slice %arg10[%add3A_750, %dma_start3A_755] : memref<128x64xf32, #tpu.memory_space<vmem>> -> memref<1x64xf32, #tpu.memory_space<vmem>>
      %dma_start3A_757 = arith.constant 0 : i32
      %dma_start3A_758 = tpu.memref_slice %arg3[%squeeze3A_748, %dma_start3A_757] : memref<1000000x64xf32, #tpu.memory_space<hbm>> -> memref<1x64xf32, #tpu.memory_space<hbm>>
      tpu.enqueue_dma source(%dma_start3A_758 : memref<1x64xf32, #tpu.memory_space<hbm>>) target(%dma_start3A_756 : memref<1x64xf32, #tpu.memory_space<vmem>>) target_semaphore(%arg14 : memref<!tpu.dma_semaphore, #tpu.memory_space<semaphore_mem>>)
      %slice3A_759 = vector.extract_strided_slice %get3A_724 {offsets = [3], sizes = [1], strides = [1]} : vector<16xi32> to vector<1xi32>
      %squeeze3A_760 = vector.extract %slice3A_759[0] : i32 from vector<1xi32>
      %add3A_761 = arith.constant 3 : i32
      %add3A_762 = arith.addi %mul3A_721, %add3A_761 : i32
      %dma_start3A_763 = arith.constant 0 : i32
      %dma_start3A_764 = tpu.memref_slice %arg10[%add3A_762, %dma_start3A_763] : memref<128x64xf32, #tpu.memory_space<vmem>> -> memref<1x64xf32, #tpu.memory_space<vmem>>
      %dma_start3A_765 = arith.constant 0 : i32
      %dma_start3A_766 = tpu.memref_slice %arg3[%squeeze3A_760, %dma_start3A_765] : memref<1000000x64xf32, #tpu.memory_space<hbm>> -> memref<1x64xf32, #tpu.memory_space<hbm>>
      %dma_start3A_767 = arith.constant 0 : i32
      %dma_start3A_768 = tpu.memref_slice %arg10[%add3A_762, %dma_start3A_767] : memref<128x64xf32, #tpu.memory_space<vmem>> -> memref<1x64xf32, #tpu.memory_space<vmem>>
      %dma_start3A_769 = arith.constant 0 : i32
      %dma_start3A_770 = tpu.memref_slice %arg3[%squeeze3A_760, %dma_start3A_769] : memref<1000000x64xf32, #tpu.memory_space<hbm>> -> memref<1x64xf32, #tpu.memory_space<hbm>>
      tpu.enqueue_dma source(%dma_start3A_770 : memref<1x64xf32, #tpu.memory_space<hbm>>) target(%dma_start3A_768 : memref<1x64xf32, #tpu.memory_space<vmem>>) target_semaphore(%arg14 : memref<!tpu.dma_semaphore, #tpu.memory_space<semaphore_mem>>)
      %slice3A_771 = vector.extract_strided_slice %get3A_724 {offsets = [4], sizes = [1], strides = [1]} : vector<16xi32> to vector<1xi32>
      %squeeze3A_772 = vector.extract %slice3A_771[0] : i32 from vector<1xi32>
      %add3A_773 = arith.constant 4 : i32
      %add3A_774 = arith.addi %mul3A_721, %add3A_773 : i32
      %dma_start3A_775 = arith.constant 0 : i32
      %dma_start3A_776 = tpu.memref_slice %arg10[%add3A_774, %dma_start3A_775] : memref<128x64xf32, #tpu.memory_space<vmem>> -> memref<1x64xf32, #tpu.memory_space<vmem>>
      %dma_start3A_777 = arith.constant 0 : i32
      %dma_start3A_778 = tpu.memref_slice %arg3[%squeeze3A_772, %dma_start3A_777] : memref<1000000x64xf32, #tpu.memory_space<hbm>> -> memref<1x64xf32, #tpu.memory_space<hbm>>
      %dma_start3A_779 = arith.constant 0 : i32
      %dma_start3A_780 = tpu.memref_slice %arg10[%add3A_774, %dma_start3A_779] : memref<128x64xf32, #tpu.memory_space<vmem>> -> memref<1x64xf32, #tpu.memory_space<vmem>>
      %dma_start3A_781 = arith.constant 0 : i32
      %dma_start3A_782 = tpu.memref_slice %arg3[%squeeze3A_772, %dma_start3A_781] : memref<1000000x64xf32, #tpu.memory_space<hbm>> -> memref<1x64xf32, #tpu.memory_space<hbm>>
      tpu.enqueue_dma source(%dma_start3A_782 : memref<1x64xf32, #tpu.memory_space<hbm>>) target(%dma_start3A_780 : memref<1x64xf32, #tpu.memory_space<vmem>>) target_semaphore(%arg14 : memref<!tpu.dma_semaphore, #tpu.memory_space<semaphore_mem>>)
      %slice3A_783 = vector.extract_strided_slice %get3A_724 {offsets = [5], sizes = [1], strides = [1]} : vector<16xi32> to vector<1xi32>
      %squeeze3A_784 = vector.extract %slice3A_783[0] : i32 from vector<1xi32>
      %add3A_785 = arith.constant 5 : i32
      %add3A_786 = arith.addi %mul3A_721, %add3A_785 : i32
      %dma_start3A_787 = arith.constant 0 : i32
      %dma_start3A_788 = tpu.memref_slice %arg10[%add3A_786, %dma_start3A_787] : memref<128x64xf32, #tpu.memory_space<vmem>> -> memref<1x64xf32, #tpu.memory_space<vmem>>
      %dma_start3A_789 = arith.constant 0 : i32
      %dma_start3A_790 = tpu.memref_slice %arg3[%squeeze3A_784, %dma_start3A_789] : memref<1000000x64xf32, #tpu.memory_space<hbm>> -> memref<1x64xf32, #tpu.memory_space<hbm>>
      %dma_start3A_791 = arith.constant 0 : i32
      %dma_start3A_792 = tpu.memref_slice %arg10[%add3A_786, %dma_start3A_791] : memref<128x64xf32, #tpu.memory_space<vmem>> -> memref<1x64xf32, #tpu.memory_space<vmem>>
      %dma_start3A_793 = arith.constant 0 : i32
      %dma_start3A_794 = tpu.memref_slice %arg3[%squeeze3A_784, %dma_start3A_793] : memref<1000000x64xf32, #tpu.memory_space<hbm>> -> memref<1x64xf32, #tpu.memory_space<hbm>>
      tpu.enqueue_dma source(%dma_start3A_794 : memref<1x64xf32, #tpu.memory_space<hbm>>) target(%dma_start3A_792 : memref<1x64xf32, #tpu.memory_space<vmem>>) target_semaphore(%arg14 : memref<!tpu.dma_semaphore, #tpu.memory_space<semaphore_mem>>)
      %slice3A_795 = vector.extract_strided_slice %get3A_724 {offsets = [6], sizes = [1], strides = [1]} : vector<16xi32> to vector<1xi32>
      %squeeze3A_796 = vector.extract %slice3A_795[0] : i32 from vector<1xi32>
      %add3A_797 = arith.constant 6 : i32
      %add3A_798 = arith.addi %mul3A_721, %add3A_797 : i32
      %dma_start3A_799 = arith.constant 0 : i32
      %dma_start3A_800 = tpu.memref_slice %arg10[%add3A_798, %dma_start3A_799] : memref<128x64xf32, #tpu.memory_space<vmem>> -> memref<1x64xf32, #tpu.memory_space<vmem>>
      %dma_start3A_801 = arith.constant 0 : i32
      %dma_start3A_802 = tpu.memref_slice %arg3[%squeeze3A_796, %dma_start3A_801] : memref<1000000x64xf32, #tpu.memory_space<hbm>> -> memref<1x64xf32, #tpu.memory_space<hbm>>
      %dma_start3A_803 = arith.constant 0 : i32
      %dma_start3A_804 = tpu.memref_slice %arg10[%add3A_798, %dma_start3A_803] : memref<128x64xf32, #tpu.memory_space<vmem>> -> memref<1x64xf32, #tpu.memory_space<vmem>>
      %dma_start3A_805 = arith.constant 0 : i32
      %dma_start3A_806 = tpu.memref_slice %arg3[%squeeze3A_796, %dma_start3A_805] : memref<1000000x64xf32, #tpu.memory_space<hbm>> -> memref<1x64xf32, #tpu.memory_space<hbm>>
      tpu.enqueue_dma source(%dma_start3A_806 : memref<1x64xf32, #tpu.memory_space<hbm>>) target(%dma_start3A_804 : memref<1x64xf32, #tpu.memory_space<vmem>>) target_semaphore(%arg14 : memref<!tpu.dma_semaphore, #tpu.memory_space<semaphore_mem>>)
      %slice3A_807 = vector.extract_strided_slice %get3A_724 {offsets = [7], sizes = [1], strides = [1]} : vector<16xi32> to vector<1xi32>
      %squeeze3A_808 = vector.extract %slice3A_807[0] : i32 from vector<1xi32>
      %add3A_809 = arith.constant 7 : i32
      %add3A_810 = arith.addi %mul3A_721, %add3A_809 : i32
      %dma_start3A_811 = arith.constant 0 : i32
      %dma_start3A_812 = tpu.memref_slice %arg10[%add3A_810, %dma_start3A_811] : memref<128x64xf32, #tpu.memory_space<vmem>> -> memref<1x64xf32, #tpu.memory_space<vmem>>
      %dma_start3A_813 = arith.constant 0 : i32
      %dma_start3A_814 = tpu.memref_slice %arg3[%squeeze3A_808, %dma_start3A_813] : memref<1000000x64xf32, #tpu.memory_space<hbm>> -> memref<1x64xf32, #tpu.memory_space<hbm>>
      %dma_start3A_815 = arith.constant 0 : i32
      %dma_start3A_816 = tpu.memref_slice %arg10[%add3A_810, %dma_start3A_815] : memref<128x64xf32, #tpu.memory_space<vmem>> -> memref<1x64xf32, #tpu.memory_space<vmem>>
      %dma_start3A_817 = arith.constant 0 : i32
      %dma_start3A_818 = tpu.memref_slice %arg3[%squeeze3A_808, %dma_start3A_817] : memref<1000000x64xf32, #tpu.memory_space<hbm>> -> memref<1x64xf32, #tpu.memory_space<hbm>>
      tpu.enqueue_dma source(%dma_start3A_818 : memref<1x64xf32, #tpu.memory_space<hbm>>) target(%dma_start3A_816 : memref<1x64xf32, #tpu.memory_space<vmem>>) target_semaphore(%arg14 : memref<!tpu.dma_semaphore, #tpu.memory_space<semaphore_mem>>)
      %slice3A_819 = vector.extract_strided_slice %get3A_724 {offsets = [8], sizes = [1], strides = [1]} : vector<16xi32> to vector<1xi32>
      %squeeze3A_820 = vector.extract %slice3A_819[0] : i32 from vector<1xi32>
      %add3A_821 = arith.constant 8 : i32
      %add3A_822 = arith.addi %mul3A_721, %add3A_821 : i32
      %dma_start3A_823 = arith.constant 0 : i32
      %dma_start3A_824 = tpu.memref_slice %arg10[%add3A_822, %dma_start3A_823] : memref<128x64xf32, #tpu.memory_space<vmem>> -> memref<1x64xf32, #tpu.memory_space<vmem>>
      %dma_start3A_825 = arith.constant 0 : i32
      %dma_start3A_826 = tpu.memref_slice %arg3[%squeeze3A_820, %dma_start3A_825] : memref<1000000x64xf32, #tpu.memory_space<hbm>> -> memref<1x64xf32, #tpu.memory_space<hbm>>
      %dma_start3A_827 = arith.constant 0 : i32
      %dma_start3A_828 = tpu.memref_slice %arg10[%add3A_822, %dma_start3A_827] : memref<128x64xf32, #tpu.memory_space<vmem>> -> memref<1x64xf32, #tpu.memory_space<vmem>>
      %dma_start3A_829 = arith.constant 0 : i32
      %dma_start3A_830 = tpu.memref_slice %arg3[%squeeze3A_820, %dma_start3A_829] : memref<1000000x64xf32, #tpu.memory_space<hbm>> -> memref<1x64xf32, #tpu.memory_space<hbm>>
      tpu.enqueue_dma source(%dma_start3A_830 : memref<1x64xf32, #tpu.memory_space<hbm>>) target(%dma_start3A_828 : memref<1x64xf32, #tpu.memory_space<vmem>>) target_semaphore(%arg14 : memref<!tpu.dma_semaphore, #tpu.memory_space<semaphore_mem>>)
      %slice3A_831 = vector.extract_strided_slice %get3A_724 {offsets = [9], sizes = [1], strides = [1]} : vector<16xi32> to vector<1xi32>
      %squeeze3A_832 = vector.extract %slice3A_831[0] : i32 from vector<1xi32>
      %add3A_833 = arith.constant 9 : i32
      %add3A_834 = arith.addi %mul3A_721, %add3A_833 : i32
      %dma_start3A_835 = arith.constant 0 : i32
      %dma_start3A_836 = tpu.memref_slice %arg10[%add3A_834, %dma_start3A_835] : memref<128x64xf32, #tpu.memory_space<vmem>> -> memref<1x64xf32, #tpu.memory_space<vmem>>
      %dma_start3A_837 = arith.constant 0 : i32
      %dma_start3A_838 = tpu.memref_slice %arg3[%squeeze3A_832, %dma_start3A_837] : memref<1000000x64xf32, #tpu.memory_space<hbm>> -> memref<1x64xf32, #tpu.memory_space<hbm>>
      %dma_start3A_839 = arith.constant 0 : i32
      %dma_start3A_840 = tpu.memref_slice %arg10[%add3A_834, %dma_start3A_839] : memref<128x64xf32, #tpu.memory_space<vmem>> -> memref<1x64xf32, #tpu.memory_space<vmem>>
      %dma_start3A_841 = arith.constant 0 : i32
      %dma_start3A_842 = tpu.memref_slice %arg3[%squeeze3A_832, %dma_start3A_841] : memref<1000000x64xf32, #tpu.memory_space<hbm>> -> memref<1x64xf32, #tpu.memory_space<hbm>>
      tpu.enqueue_dma source(%dma_start3A_842 : memref<1x64xf32, #tpu.memory_space<hbm>>) target(%dma_start3A_840 : memref<1x64xf32, #tpu.memory_space<vmem>>) target_semaphore(%arg14 : memref<!tpu.dma_semaphore, #tpu.memory_space<semaphore_mem>>)
      %slice3A_843 = vector.extract_strided_slice %get3A_724 {offsets = [10], sizes = [1], strides = [1]} : vector<16xi32> to vector<1xi32>
      %squeeze3A_844 = vector.extract %slice3A_843[0] : i32 from vector<1xi32>
      %add3A_845 = arith.constant 10 : i32
      %add3A_846 = arith.addi %mul3A_721, %add3A_845 : i32
      %dma_start3A_847 = arith.constant 0 : i32
      %dma_start3A_848 = tpu.memref_slice %arg10[%add3A_846, %dma_start3A_847] : memref<128x64xf32, #tpu.memory_space<vmem>> -> memref<1x64xf32, #tpu.memory_space<vmem>>
      %dma_start3A_849 = arith.constant 0 : i32
      %dma_start3A_850 = tpu.memref_slice %arg3[%squeeze3A_844, %dma_start3A_849] : memref<1000000x64xf32, #tpu.memory_space<hbm>> -> memref<1x64xf32, #tpu.memory_space<hbm>>
      %dma_start3A_851 = arith.constant 0 : i32
      %dma_start3A_852 = tpu.memref_slice %arg10[%add3A_846, %dma_start3A_851] : memref<128x64xf32, #tpu.memory_space<vmem>> -> memref<1x64xf32, #tpu.memory_space<vmem>>
      %dma_start3A_853 = arith.constant 0 : i32
      %dma_start3A_854 = tpu.memref_slice %arg3[%squeeze3A_844, %dma_start3A_853] : memref<1000000x64xf32, #tpu.memory_space<hbm>> -> memref<1x64xf32, #tpu.memory_space<hbm>>
      tpu.enqueue_dma source(%dma_start3A_854 : memref<1x64xf32, #tpu.memory_space<hbm>>) target(%dma_start3A_852 : memref<1x64xf32, #tpu.memory_space<vmem>>) target_semaphore(%arg14 : memref<!tpu.dma_semaphore, #tpu.memory_space<semaphore_mem>>)
      %slice3A_855 = vector.extract_strided_slice %get3A_724 {offsets = [11], sizes = [1], strides = [1]} : vector<16xi32> to vector<1xi32>
      %squeeze3A_856 = vector.extract %slice3A_855[0] : i32 from vector<1xi32>
      %add3A_857 = arith.constant 11 : i32
      %add3A_858 = arith.addi %mul3A_721, %add3A_857 : i32
      %dma_start3A_859 = arith.constant 0 : i32
      %dma_start3A_860 = tpu.memref_slice %arg10[%add3A_858, %dma_start3A_859] : memref<128x64xf32, #tpu.memory_space<vmem>> -> memref<1x64xf32, #tpu.memory_space<vmem>>
      %dma_start3A_861 = arith.constant 0 : i32
      %dma_start3A_862 = tpu.memref_slice %arg3[%squeeze3A_856, %dma_start3A_861] : memref<1000000x64xf32, #tpu.memory_space<hbm>> -> memref<1x64xf32, #tpu.memory_space<hbm>>
      %dma_start3A_863 = arith.constant 0 : i32
      %dma_start3A_864 = tpu.memref_slice %arg10[%add3A_858, %dma_start3A_863] : memref<128x64xf32, #tpu.memory_space<vmem>> -> memref<1x64xf32, #tpu.memory_space<vmem>>
      %dma_start3A_865 = arith.constant 0 : i32
      %dma_start3A_866 = tpu.memref_slice %arg3[%squeeze3A_856, %dma_start3A_865] : memref<1000000x64xf32, #tpu.memory_space<hbm>> -> memref<1x64xf32, #tpu.memory_space<hbm>>
      tpu.enqueue_dma source(%dma_start3A_866 : memref<1x64xf32, #tpu.memory_space<hbm>>) target(%dma_start3A_864 : memref<1x64xf32, #tpu.memory_space<vmem>>) target_semaphore(%arg14 : memref<!tpu.dma_semaphore, #tpu.memory_space<semaphore_mem>>)
      %slice3A_867 = vector.extract_strided_slice %get3A_724 {offsets = [12], sizes = [1], strides = [1]} : vector<16xi32> to vector<1xi32>
      %squeeze3A_868 = vector.extract %slice3A_867[0] : i32 from vector<1xi32>
      %add3A_869 = arith.constant 12 : i32
      %add3A_870 = arith.addi %mul3A_721, %add3A_869 : i32
      %dma_start3A_871 = arith.constant 0 : i32
      %dma_start3A_872 = tpu.memref_slice %arg10[%add3A_870, %dma_start3A_871] : memref<128x64xf32, #tpu.memory_space<vmem>> -> memref<1x64xf32, #tpu.memory_space<vmem>>
      %dma_start3A_873 = arith.constant 0 : i32
      %dma_start3A_874 = tpu.memref_slice %arg3[%squeeze3A_868, %dma_start3A_873] : memref<1000000x64xf32, #tpu.memory_space<hbm>> -> memref<1x64xf32, #tpu.memory_space<hbm>>
      %dma_start3A_875 = arith.constant 0 : i32
      %dma_start3A_876 = tpu.memref_slice %arg10[%add3A_870, %dma_start3A_875] : memref<128x64xf32, #tpu.memory_space<vmem>> -> memref<1x64xf32, #tpu.memory_space<vmem>>
      %dma_start3A_877 = arith.constant 0 : i32
      %dma_start3A_878 = tpu.memref_slice %arg3[%squeeze3A_868, %dma_start3A_877] : memref<1000000x64xf32, #tpu.memory_space<hbm>> -> memref<1x64xf32, #tpu.memory_space<hbm>>
      tpu.enqueue_dma source(%dma_start3A_878 : memref<1x64xf32, #tpu.memory_space<hbm>>) target(%dma_start3A_876 : memref<1x64xf32, #tpu.memory_space<vmem>>) target_semaphore(%arg14 : memref<!tpu.dma_semaphore, #tpu.memory_space<semaphore_mem>>)
      %slice3A_879 = vector.extract_strided_slice %get3A_724 {offsets = [13], sizes = [1], strides = [1]} : vector<16xi32> to vector<1xi32>
      %squeeze3A_880 = vector.extract %slice3A_879[0] : i32 from vector<1xi32>
      %add3A_881 = arith.constant 13 : i32
      %add3A_882 = arith.addi %mul3A_721, %add3A_881 : i32
      %dma_start3A_883 = arith.constant 0 : i32
      %dma_start3A_884 = tpu.memref_slice %arg10[%add3A_882, %dma_start3A_883] : memref<128x64xf32, #tpu.memory_space<vmem>> -> memref<1x64xf32, #tpu.memory_space<vmem>>
      %dma_start3A_885 = arith.constant 0 : i32
      %dma_start3A_886 = tpu.memref_slice %arg3[%squeeze3A_880, %dma_start3A_885] : memref<1000000x64xf32, #tpu.memory_space<hbm>> -> memref<1x64xf32, #tpu.memory_space<hbm>>
      %dma_start3A_887 = arith.constant 0 : i32
      %dma_start3A_888 = tpu.memref_slice %arg10[%add3A_882, %dma_start3A_887] : memref<128x64xf32, #tpu.memory_space<vmem>> -> memref<1x64xf32, #tpu.memory_space<vmem>>
      %dma_start3A_889 = arith.constant 0 : i32
      %dma_start3A_890 = tpu.memref_slice %arg3[%squeeze3A_880, %dma_start3A_889] : memref<1000000x64xf32, #tpu.memory_space<hbm>> -> memref<1x64xf32, #tpu.memory_space<hbm>>
      tpu.enqueue_dma source(%dma_start3A_890 : memref<1x64xf32, #tpu.memory_space<hbm>>) target(%dma_start3A_888 : memref<1x64xf32, #tpu.memory_space<vmem>>) target_semaphore(%arg14 : memref<!tpu.dma_semaphore, #tpu.memory_space<semaphore_mem>>)
      %slice3A_891 = vector.extract_strided_slice %get3A_724 {offsets = [14], sizes = [1], strides = [1]} : vector<16xi32> to vector<1xi32>
      %squeeze3A_892 = vector.extract %slice3A_891[0] : i32 from vector<1xi32>
      %add3A_893 = arith.constant 14 : i32
      %add3A_894 = arith.addi %mul3A_721, %add3A_893 : i32
      %dma_start3A_895 = arith.constant 0 : i32
      %dma_start3A_896 = tpu.memref_slice %arg10[%add3A_894, %dma_start3A_895] : memref<128x64xf32, #tpu.memory_space<vmem>> -> memref<1x64xf32, #tpu.memory_space<vmem>>
      %dma_start3A_897 = arith.constant 0 : i32
      %dma_start3A_898 = tpu.memref_slice %arg3[%squeeze3A_892, %dma_start3A_897] : memref<1000000x64xf32, #tpu.memory_space<hbm>> -> memref<1x64xf32, #tpu.memory_space<hbm>>
      %dma_start3A_899 = arith.constant 0 : i32
      %dma_start3A_900 = tpu.memref_slice %arg10[%add3A_894, %dma_start3A_899] : memref<128x64xf32, #tpu.memory_space<vmem>> -> memref<1x64xf32, #tpu.memory_space<vmem>>
      %dma_start3A_901 = arith.constant 0 : i32
      %dma_start3A_902 = tpu.memref_slice %arg3[%squeeze3A_892, %dma_start3A_901] : memref<1000000x64xf32, #tpu.memory_space<hbm>> -> memref<1x64xf32, #tpu.memory_space<hbm>>
      tpu.enqueue_dma source(%dma_start3A_902 : memref<1x64xf32, #tpu.memory_space<hbm>>) target(%dma_start3A_900 : memref<1x64xf32, #tpu.memory_space<vmem>>) target_semaphore(%arg14 : memref<!tpu.dma_semaphore, #tpu.memory_space<semaphore_mem>>)
      %slice3A_903 = vector.extract_strided_slice %get3A_724 {offsets = [15], sizes = [1], strides = [1]} : vector<16xi32> to vector<1xi32>
      %squeeze3A_904 = vector.extract %slice3A_903[0] : i32 from vector<1xi32>
      %add3A_905 = arith.constant 15 : i32
      %add3A_906 = arith.addi %mul3A_721, %add3A_905 : i32
      %dma_start3A_907 = arith.constant 0 : i32
      %dma_start3A_908 = tpu.memref_slice %arg10[%add3A_906, %dma_start3A_907] : memref<128x64xf32, #tpu.memory_space<vmem>> -> memref<1x64xf32, #tpu.memory_space<vmem>>
      %dma_start3A_909 = arith.constant 0 : i32
      %dma_start3A_910 = tpu.memref_slice %arg3[%squeeze3A_904, %dma_start3A_909] : memref<1000000x64xf32, #tpu.memory_space<hbm>> -> memref<1x64xf32, #tpu.memory_space<hbm>>
      %dma_start3A_911 = arith.constant 0 : i32
      %dma_start3A_912 = tpu.memref_slice %arg10[%add3A_906, %dma_start3A_911] : memref<128x64xf32, #tpu.memory_space<vmem>> -> memref<1x64xf32, #tpu.memory_space<vmem>>
      %dma_start3A_913 = arith.constant 0 : i32
      %dma_start3A_914 = tpu.memref_slice %arg3[%squeeze3A_904, %dma_start3A_913] : memref<1000000x64xf32, #tpu.memory_space<hbm>> -> memref<1x64xf32, #tpu.memory_space<hbm>>
      tpu.enqueue_dma source(%dma_start3A_914 : memref<1x64xf32, #tpu.memory_space<hbm>>) target(%dma_start3A_912 : memref<1x64xf32, #tpu.memory_space<vmem>>) target_semaphore(%arg14 : memref<!tpu.dma_semaphore, #tpu.memory_space<semaphore_mem>>)
    }
    %scan3A_640 = arith.constant 8 : i32
    %dma_wait3A_641 = arith.constant 0 : i32
    %dma_wait3A_642 = tpu.memref_slice %arg6[%add3A_626, %dma_wait3A_641] : memref<16384x64xf32, #tpu.memory_space<hbm>> -> memref<128x64xf32, #tpu.memory_space<hbm>>
    %dma_wait3A_643 = arith.constant 0 : i32
    %dma_wait3A_644 = tpu.memref_slice %arg6[%add3A_626, %dma_wait3A_643] : memref<16384x64xf32, #tpu.memory_space<hbm>> -> memref<128x64xf32, #tpu.memory_space<hbm>>
    tpu.wait_dma2 semaphore(%arg18 : memref<!tpu.dma_semaphore, #tpu.memory_space<semaphore_mem>>) src(%arg12 : memref<128x64xf32, #tpu.memory_space<vmem>>) dst(%dma_wait3A_644 : memref<128x64xf32, #tpu.memory_space<hbm>>)
    %scan3A_645 = arith.constant 0 : i32
    %scan3A_646 = arith.constant 0 : i32
    %scan3A_647 = arith.constant 8 : i32
    %scan3A_648 = arith.addi %scan3A_646, %scan3A_647 : i32
    %scan3A_649 = arith.constant 1 : i32
    scf.for %scan3A_715 = %scan3A_646 to %scan3A_648 step %scan3A_649  : i32 {
      %mul3A_716 = arith.constant 16 : i32
      %mul3A_717 = arith.muli %scan3A_715, %mul3A_716 : i32
      %add3A_718 = arith.constant 384 : i32
      %add3A_719 = arith.addi %add3A_718, %mul3A_717 : i32
      %multiple_of3A = tpu.assume_multiple %add3A_719, 16 : i32
      %mul3A_720 = arith.constant 16 : i32
      %mul3A_721 = arith.muli %scan3A_715, %mul3A_720 : i32
      %get3A_722 = arith.index_cast %multiple_of3A : i32 to index
      %get3A_723 = tpu.vector_load %arg8[%get3A_722] {strides = array<i32>} : memref<512xi32, #tpu.memory_space<vmem>>, vector<16xi32>,
      %get3A_724 = vector.shape_cast %get3A_723 : vector<16xi32> to vector<16xi32>
      %slice3A = vector.extract_strided_slice %get3A_724 {offsets = [0], sizes = [1], strides = [1]} : vector<16xi32> to vector<1xi32>
      %squeeze3A = vector.extract %slice3A[0] : i32 from vector<1xi32>
      %add3A_725 = arith.constant 0 : i32
      %add3A_726 = arith.addi %mul3A_721, %add3A_725 : i32
      %dma_start3A_727 = arith.constant 0 : i32
      %dma_start3A_728 = tpu.memref_slice %arg12[%add3A_726, %dma_start3A_727] : memref<128x64xf32, #tpu.memory_space<vmem>> -> memref<1x64xf32, #tpu.memory_space<vmem>>
      %dma_start3A_729 = arith.constant 0 : i32
      %dma_start3A_730 = tpu.memref_slice %arg4[%squeeze3A, %dma_start3A_729] : memref<1000000x64xf32, #tpu.memory_space<hbm>> -> memref<1x64xf32, #tpu.memory_space<hbm>>
      %dma_start3A_731 = arith.constant 0 : i32
      %dma_start3A_732 = tpu.memref_slice %arg12[%add3A_726, %dma_start3A_731] : memref<128x64xf32, #tpu.memory_space<vmem>> -> memref<1x64xf32, #tpu.memory_space<vmem>>
      %dma_start3A_733 = arith.constant 0 : i32
      %dma_start3A_734 = tpu.memref_slice %arg4[%squeeze3A, %dma_start3A_733] : memref<1000000x64xf32, #tpu.memory_space<hbm>> -> memref<1x64xf32, #tpu.memory_space<hbm>>
      tpu.enqueue_dma source(%dma_start3A_734 : memref<1x64xf32, #tpu.memory_space<hbm>>) target(%dma_start3A_732 : memref<1x64xf32, #tpu.memory_space<vmem>>) target_semaphore(%arg16 : memref<!tpu.dma_semaphore, #tpu.memory_space<semaphore_mem>>)
      %slice3A_735 = vector.extract_strided_slice %get3A_724 {offsets = [1], sizes = [1], strides = [1]} : vector<16xi32> to vector<1xi32>
      %squeeze3A_736 = vector.extract %slice3A_735[0] : i32 from vector<1xi32>
      %add3A_737 = arith.constant 1 : i32
      %add3A_738 = arith.addi %mul3A_721, %add3A_737 : i32
      %dma_start3A_739 = arith.constant 0 : i32
      %dma_start3A_740 = tpu.memref_slice %arg12[%add3A_738, %dma_start3A_739] : memref<128x64xf32, #tpu.memory_space<vmem>> -> memref<1x64xf32, #tpu.memory_space<vmem>>
      %dma_start3A_741 = arith.constant 0 : i32
      %dma_start3A_742 = tpu.memref_slice %arg4[%squeeze3A_736, %dma_start3A_741] : memref<1000000x64xf32, #tpu.memory_space<hbm>> -> memref<1x64xf32, #tpu.memory_space<hbm>>
      %dma_start3A_743 = arith.constant 0 : i32
      %dma_start3A_744 = tpu.memref_slice %arg12[%add3A_738, %dma_start3A_743] : memref<128x64xf32, #tpu.memory_space<vmem>> -> memref<1x64xf32, #tpu.memory_space<vmem>>
      %dma_start3A_745 = arith.constant 0 : i32
      %dma_start3A_746 = tpu.memref_slice %arg4[%squeeze3A_736, %dma_start3A_745] : memref<1000000x64xf32, #tpu.memory_space<hbm>> -> memref<1x64xf32, #tpu.memory_space<hbm>>
      tpu.enqueue_dma source(%dma_start3A_746 : memref<1x64xf32, #tpu.memory_space<hbm>>) target(%dma_start3A_744 : memref<1x64xf32, #tpu.memory_space<vmem>>) target_semaphore(%arg16 : memref<!tpu.dma_semaphore, #tpu.memory_space<semaphore_mem>>)
      %slice3A_747 = vector.extract_strided_slice %get3A_724 {offsets = [2], sizes = [1], strides = [1]} : vector<16xi32> to vector<1xi32>
      %squeeze3A_748 = vector.extract %slice3A_747[0] : i32 from vector<1xi32>
      %add3A_749 = arith.constant 2 : i32
      %add3A_750 = arith.addi %mul3A_721, %add3A_749 : i32
      %dma_start3A_751 = arith.constant 0 : i32
      %dma_start3A_752 = tpu.memref_slice %arg12[%add3A_750, %dma_start3A_751] : memref<128x64xf32, #tpu.memory_space<vmem>> -> memref<1x64xf32, #tpu.memory_space<vmem>>
      %dma_start3A_753 = arith.constant 0 : i32
      %dma_start3A_754 = tpu.memref_slice %arg4[%squeeze3A_748, %dma_start3A_753] : memref<1000000x64xf32, #tpu.memory_space<hbm>> -> memref<1x64xf32, #tpu.memory_space<hbm>>
      %dma_start3A_755 = arith.constant 0 : i32
      %dma_start3A_756 = tpu.memref_slice %arg12[%add3A_750, %dma_start3A_755] : memref<128x64xf32, #tpu.memory_space<vmem>> -> memref<1x64xf32, #tpu.memory_space<vmem>>
      %dma_start3A_757 = arith.constant 0 : i32
      %dma_start3A_758 = tpu.memref_slice %arg4[%squeeze3A_748, %dma_start3A_757] : memref<1000000x64xf32, #tpu.memory_space<hbm>> -> memref<1x64xf32, #tpu.memory_space<hbm>>
      tpu.enqueue_dma source(%dma_start3A_758 : memref<1x64xf32, #tpu.memory_space<hbm>>) target(%dma_start3A_756 : memref<1x64xf32, #tpu.memory_space<vmem>>) target_semaphore(%arg16 : memref<!tpu.dma_semaphore, #tpu.memory_space<semaphore_mem>>)
      %slice3A_759 = vector.extract_strided_slice %get3A_724 {offsets = [3], sizes = [1], strides = [1]} : vector<16xi32> to vector<1xi32>
      %squeeze3A_760 = vector.extract %slice3A_759[0] : i32 from vector<1xi32>
      %add3A_761 = arith.constant 3 : i32
      %add3A_762 = arith.addi %mul3A_721, %add3A_761 : i32
      %dma_start3A_763 = arith.constant 0 : i32
      %dma_start3A_764 = tpu.memref_slice %arg12[%add3A_762, %dma_start3A_763] : memref<128x64xf32, #tpu.memory_space<vmem>> -> memref<1x64xf32, #tpu.memory_space<vmem>>
      %dma_start3A_765 = arith.constant 0 : i32
      %dma_start3A_766 = tpu.memref_slice %arg4[%squeeze3A_760, %dma_start3A_765] : memref<1000000x64xf32, #tpu.memory_space<hbm>> -> memref<1x64xf32, #tpu.memory_space<hbm>>
      %dma_start3A_767 = arith.constant 0 : i32
      %dma_start3A_768 = tpu.memref_slice %arg12[%add3A_762, %dma_start3A_767] : memref<128x64xf32, #tpu.memory_space<vmem>> -> memref<1x64xf32, #tpu.memory_space<vmem>>
      %dma_start3A_769 = arith.constant 0 : i32
      %dma_start3A_770 = tpu.memref_slice %arg4[%squeeze3A_760, %dma_start3A_769] : memref<1000000x64xf32, #tpu.memory_space<hbm>> -> memref<1x64xf32, #tpu.memory_space<hbm>>
      tpu.enqueue_dma source(%dma_start3A_770 : memref<1x64xf32, #tpu.memory_space<hbm>>) target(%dma_start3A_768 : memref<1x64xf32, #tpu.memory_space<vmem>>) target_semaphore(%arg16 : memref<!tpu.dma_semaphore, #tpu.memory_space<semaphore_mem>>)
      %slice3A_771 = vector.extract_strided_slice %get3A_724 {offsets = [4], sizes = [1], strides = [1]} : vector<16xi32> to vector<1xi32>
      %squeeze3A_772 = vector.extract %slice3A_771[0] : i32 from vector<1xi32>
      %add3A_773 = arith.constant 4 : i32
      %add3A_774 = arith.addi %mul3A_721, %add3A_773 : i32
      %dma_start3A_775 = arith.constant 0 : i32
      %dma_start3A_776 = tpu.memref_slice %arg12[%add3A_774, %dma_start3A_775] : memref<128x64xf32, #tpu.memory_space<vmem>> -> memref<1x64xf32, #tpu.memory_space<vmem>>
      %dma_start3A_777 = arith.constant 0 : i32
      %dma_start3A_778 = tpu.memref_slice %arg4[%squeeze3A_772, %dma_start3A_777] : memref<1000000x64xf32, #tpu.memory_space<hbm>> -> memref<1x64xf32, #tpu.memory_space<hbm>>
      %dma_start3A_779 = arith.constant 0 : i32
      %dma_start3A_780 = tpu.memref_slice %arg12[%add3A_774, %dma_start3A_779] : memref<128x64xf32, #tpu.memory_space<vmem>> -> memref<1x64xf32, #tpu.memory_space<vmem>>
      %dma_start3A_781 = arith.constant 0 : i32
      %dma_start3A_782 = tpu.memref_slice %arg4[%squeeze3A_772, %dma_start3A_781] : memref<1000000x64xf32, #tpu.memory_space<hbm>> -> memref<1x64xf32, #tpu.memory_space<hbm>>
      tpu.enqueue_dma source(%dma_start3A_782 : memref<1x64xf32, #tpu.memory_space<hbm>>) target(%dma_start3A_780 : memref<1x64xf32, #tpu.memory_space<vmem>>) target_semaphore(%arg16 : memref<!tpu.dma_semaphore, #tpu.memory_space<semaphore_mem>>)
      %slice3A_783 = vector.extract_strided_slice %get3A_724 {offsets = [5], sizes = [1], strides = [1]} : vector<16xi32> to vector<1xi32>
      %squeeze3A_784 = vector.extract %slice3A_783[0] : i32 from vector<1xi32>
      %add3A_785 = arith.constant 5 : i32
      %add3A_786 = arith.addi %mul3A_721, %add3A_785 : i32
      %dma_start3A_787 = arith.constant 0 : i32
      %dma_start3A_788 = tpu.memref_slice %arg12[%add3A_786, %dma_start3A_787] : memref<128x64xf32, #tpu.memory_space<vmem>> -> memref<1x64xf32, #tpu.memory_space<vmem>>
      %dma_start3A_789 = arith.constant 0 : i32
      %dma_start3A_790 = tpu.memref_slice %arg4[%squeeze3A_784, %dma_start3A_789] : memref<1000000x64xf32, #tpu.memory_space<hbm>> -> memref<1x64xf32, #tpu.memory_space<hbm>>
      %dma_start3A_791 = arith.constant 0 : i32
      %dma_start3A_792 = tpu.memref_slice %arg12[%add3A_786, %dma_start3A_791] : memref<128x64xf32, #tpu.memory_space<vmem>> -> memref<1x64xf32, #tpu.memory_space<vmem>>
      %dma_start3A_793 = arith.constant 0 : i32
      %dma_start3A_794 = tpu.memref_slice %arg4[%squeeze3A_784, %dma_start3A_793] : memref<1000000x64xf32, #tpu.memory_space<hbm>> -> memref<1x64xf32, #tpu.memory_space<hbm>>
      tpu.enqueue_dma source(%dma_start3A_794 : memref<1x64xf32, #tpu.memory_space<hbm>>) target(%dma_start3A_792 : memref<1x64xf32, #tpu.memory_space<vmem>>) target_semaphore(%arg16 : memref<!tpu.dma_semaphore, #tpu.memory_space<semaphore_mem>>)
      %slice3A_795 = vector.extract_strided_slice %get3A_724 {offsets = [6], sizes = [1], strides = [1]} : vector<16xi32> to vector<1xi32>
      %squeeze3A_796 = vector.extract %slice3A_795[0] : i32 from vector<1xi32>
      %add3A_797 = arith.constant 6 : i32
      %add3A_798 = arith.addi %mul3A_721, %add3A_797 : i32
      %dma_start3A_799 = arith.constant 0 : i32
      %dma_start3A_800 = tpu.memref_slice %arg12[%add3A_798, %dma_start3A_799] : memref<128x64xf32, #tpu.memory_space<vmem>> -> memref<1x64xf32, #tpu.memory_space<vmem>>
      %dma_start3A_801 = arith.constant 0 : i32
      %dma_start3A_802 = tpu.memref_slice %arg4[%squeeze3A_796, %dma_start3A_801] : memref<1000000x64xf32, #tpu.memory_space<hbm>> -> memref<1x64xf32, #tpu.memory_space<hbm>>
      %dma_start3A_803 = arith.constant 0 : i32
      %dma_start3A_804 = tpu.memref_slice %arg12[%add3A_798, %dma_start3A_803] : memref<128x64xf32, #tpu.memory_space<vmem>> -> memref<1x64xf32, #tpu.memory_space<vmem>>
      %dma_start3A_805 = arith.constant 0 : i32
      %dma_start3A_806 = tpu.memref_slice %arg4[%squeeze3A_796, %dma_start3A_805] : memref<1000000x64xf32, #tpu.memory_space<hbm>> -> memref<1x64xf32, #tpu.memory_space<hbm>>
      tpu.enqueue_dma source(%dma_start3A_806 : memref<1x64xf32, #tpu.memory_space<hbm>>) target(%dma_start3A_804 : memref<1x64xf32, #tpu.memory_space<vmem>>) target_semaphore(%arg16 : memref<!tpu.dma_semaphore, #tpu.memory_space<semaphore_mem>>)
      %slice3A_807 = vector.extract_strided_slice %get3A_724 {offsets = [7], sizes = [1], strides = [1]} : vector<16xi32> to vector<1xi32>
      %squeeze3A_808 = vector.extract %slice3A_807[0] : i32 from vector<1xi32>
      %add3A_809 = arith.constant 7 : i32
      %add3A_810 = arith.addi %mul3A_721, %add3A_809 : i32
      %dma_start3A_811 = arith.constant 0 : i32
      %dma_start3A_812 = tpu.memref_slice %arg12[%add3A_810, %dma_start3A_811] : memref<128x64xf32, #tpu.memory_space<vmem>> -> memref<1x64xf32, #tpu.memory_space<vmem>>
      %dma_start3A_813 = arith.constant 0 : i32
      %dma_start3A_814 = tpu.memref_slice %arg4[%squeeze3A_808, %dma_start3A_813] : memref<1000000x64xf32, #tpu.memory_space<hbm>> -> memref<1x64xf32, #tpu.memory_space<hbm>>
      %dma_start3A_815 = arith.constant 0 : i32
      %dma_start3A_816 = tpu.memref_slice %arg12[%add3A_810, %dma_start3A_815] : memref<128x64xf32, #tpu.memory_space<vmem>> -> memref<1x64xf32, #tpu.memory_space<vmem>>
      %dma_start3A_817 = arith.constant 0 : i32
      %dma_start3A_818 = tpu.memref_slice %arg4[%squeeze3A_808, %dma_start3A_817] : memref<1000000x64xf32, #tpu.memory_space<hbm>> -> memref<1x64xf32, #tpu.memory_space<hbm>>
      tpu.enqueue_dma source(%dma_start3A_818 : memref<1x64xf32, #tpu.memory_space<hbm>>) target(%dma_start3A_816 : memref<1x64xf32, #tpu.memory_space<vmem>>) target_semaphore(%arg16 : memref<!tpu.dma_semaphore, #tpu.memory_space<semaphore_mem>>)
      %slice3A_819 = vector.extract_strided_slice %get3A_724 {offsets = [8], sizes = [1], strides = [1]} : vector<16xi32> to vector<1xi32>
      %squeeze3A_820 = vector.extract %slice3A_819[0] : i32 from vector<1xi32>
      %add3A_821 = arith.constant 8 : i32
      %add3A_822 = arith.addi %mul3A_721, %add3A_821 : i32
      %dma_start3A_823 = arith.constant 0 : i32
      %dma_start3A_824 = tpu.memref_slice %arg12[%add3A_822, %dma_start3A_823] : memref<128x64xf32, #tpu.memory_space<vmem>> -> memref<1x64xf32, #tpu.memory_space<vmem>>
      %dma_start3A_825 = arith.constant 0 : i32
      %dma_start3A_826 = tpu.memref_slice %arg4[%squeeze3A_820, %dma_start3A_825] : memref<1000000x64xf32, #tpu.memory_space<hbm>> -> memref<1x64xf32, #tpu.memory_space<hbm>>
      %dma_start3A_827 = arith.constant 0 : i32
      %dma_start3A_828 = tpu.memref_slice %arg12[%add3A_822, %dma_start3A_827] : memref<128x64xf32, #tpu.memory_space<vmem>> -> memref<1x64xf32, #tpu.memory_space<vmem>>
      %dma_start3A_829 = arith.constant 0 : i32
      %dma_start3A_830 = tpu.memref_slice %arg4[%squeeze3A_820, %dma_start3A_829] : memref<1000000x64xf32, #tpu.memory_space<hbm>> -> memref<1x64xf32, #tpu.memory_space<hbm>>
      tpu.enqueue_dma source(%dma_start3A_830 : memref<1x64xf32, #tpu.memory_space<hbm>>) target(%dma_start3A_828 : memref<1x64xf32, #tpu.memory_space<vmem>>) target_semaphore(%arg16 : memref<!tpu.dma_semaphore, #tpu.memory_space<semaphore_mem>>)
      %slice3A_831 = vector.extract_strided_slice %get3A_724 {offsets = [9], sizes = [1], strides = [1]} : vector<16xi32> to vector<1xi32>
      %squeeze3A_832 = vector.extract %slice3A_831[0] : i32 from vector<1xi32>
      %add3A_833 = arith.constant 9 : i32
      %add3A_834 = arith.addi %mul3A_721, %add3A_833 : i32
      %dma_start3A_835 = arith.constant 0 : i32
      %dma_start3A_836 = tpu.memref_slice %arg12[%add3A_834, %dma_start3A_835] : memref<128x64xf32, #tpu.memory_space<vmem>> -> memref<1x64xf32, #tpu.memory_space<vmem>>
      %dma_start3A_837 = arith.constant 0 : i32
      %dma_start3A_838 = tpu.memref_slice %arg4[%squeeze3A_832, %dma_start3A_837] : memref<1000000x64xf32, #tpu.memory_space<hbm>> -> memref<1x64xf32, #tpu.memory_space<hbm>>
      %dma_start3A_839 = arith.constant 0 : i32
      %dma_start3A_840 = tpu.memref_slice %arg12[%add3A_834, %dma_start3A_839] : memref<128x64xf32, #tpu.memory_space<vmem>> -> memref<1x64xf32, #tpu.memory_space<vmem>>
      %dma_start3A_841 = arith.constant 0 : i32
      %dma_start3A_842 = tpu.memref_slice %arg4[%squeeze3A_832, %dma_start3A_841] : memref<1000000x64xf32, #tpu.memory_space<hbm>> -> memref<1x64xf32, #tpu.memory_space<hbm>>
      tpu.enqueue_dma source(%dma_start3A_842 : memref<1x64xf32, #tpu.memory_space<hbm>>) target(%dma_start3A_840 : memref<1x64xf32, #tpu.memory_space<vmem>>) target_semaphore(%arg16 : memref<!tpu.dma_semaphore, #tpu.memory_space<semaphore_mem>>)
      %slice3A_843 = vector.extract_strided_slice %get3A_724 {offsets = [10], sizes = [1], strides = [1]} : vector<16xi32> to vector<1xi32>
      %squeeze3A_844 = vector.extract %slice3A_843[0] : i32 from vector<1xi32>
      %add3A_845 = arith.constant 10 : i32
      %add3A_846 = arith.addi %mul3A_721, %add3A_845 : i32
      %dma_start3A_847 = arith.constant 0 : i32
      %dma_start3A_848 = tpu.memref_slice %arg12[%add3A_846, %dma_start3A_847] : memref<128x64xf32, #tpu.memory_space<vmem>> -> memref<1x64xf32, #tpu.memory_space<vmem>>
      %dma_start3A_849 = arith.constant 0 : i32
      %dma_start3A_850 = tpu.memref_slice %arg4[%squeeze3A_844, %dma_start3A_849] : memref<1000000x64xf32, #tpu.memory_space<hbm>> -> memref<1x64xf32, #tpu.memory_space<hbm>>
      %dma_start3A_851 = arith.constant 0 : i32
      %dma_start3A_852 = tpu.memref_slice %arg12[%add3A_846, %dma_start3A_851] : memref<128x64xf32, #tpu.memory_space<vmem>> -> memref<1x64xf32, #tpu.memory_space<vmem>>
      %dma_start3A_853 = arith.constant 0 : i32
      %dma_start3A_854 = tpu.memref_slice %arg4[%squeeze3A_844, %dma_start3A_853] : memref<1000000x64xf32, #tpu.memory_space<hbm>> -> memref<1x64xf32, #tpu.memory_space<hbm>>
      tpu.enqueue_dma source(%dma_start3A_854 : memref<1x64xf32, #tpu.memory_space<hbm>>) target(%dma_start3A_852 : memref<1x64xf32, #tpu.memory_space<vmem>>) target_semaphore(%arg16 : memref<!tpu.dma_semaphore, #tpu.memory_space<semaphore_mem>>)
      %slice3A_855 = vector.extract_strided_slice %get3A_724 {offsets = [11], sizes = [1], strides = [1]} : vector<16xi32> to vector<1xi32>
      %squeeze3A_856 = vector.extract %slice3A_855[0] : i32 from vector<1xi32>
      %add3A_857 = arith.constant 11 : i32
      %add3A_858 = arith.addi %mul3A_721, %add3A_857 : i32
      %dma_start3A_859 = arith.constant 0 : i32
      %dma_start3A_860 = tpu.memref_slice %arg12[%add3A_858, %dma_start3A_859] : memref<128x64xf32, #tpu.memory_space<vmem>> -> memref<1x64xf32, #tpu.memory_space<vmem>>
      %dma_start3A_861 = arith.constant 0 : i32
      %dma_start3A_862 = tpu.memref_slice %arg4[%squeeze3A_856, %dma_start3A_861] : memref<1000000x64xf32, #tpu.memory_space<hbm>> -> memref<1x64xf32, #tpu.memory_space<hbm>>
      %dma_start3A_863 = arith.constant 0 : i32
      %dma_start3A_864 = tpu.memref_slice %arg12[%add3A_858, %dma_start3A_863] : memref<128x64xf32, #tpu.memory_space<vmem>> -> memref<1x64xf32, #tpu.memory_space<vmem>>
      %dma_start3A_865 = arith.constant 0 : i32
      %dma_start3A_866 = tpu.memref_slice %arg4[%squeeze3A_856, %dma_start3A_865] : memref<1000000x64xf32, #tpu.memory_space<hbm>> -> memref<1x64xf32, #tpu.memory_space<hbm>>
      tpu.enqueue_dma source(%dma_start3A_866 : memref<1x64xf32, #tpu.memory_space<hbm>>) target(%dma_start3A_864 : memref<1x64xf32, #tpu.memory_space<vmem>>) target_semaphore(%arg16 : memref<!tpu.dma_semaphore, #tpu.memory_space<semaphore_mem>>)
      %slice3A_867 = vector.extract_strided_slice %get3A_724 {offsets = [12], sizes = [1], strides = [1]} : vector<16xi32> to vector<1xi32>
      %squeeze3A_868 = vector.extract %slice3A_867[0] : i32 from vector<1xi32>
      %add3A_869 = arith.constant 12 : i32
      %add3A_870 = arith.addi %mul3A_721, %add3A_869 : i32
      %dma_start3A_871 = arith.constant 0 : i32
      %dma_start3A_872 = tpu.memref_slice %arg12[%add3A_870, %dma_start3A_871] : memref<128x64xf32, #tpu.memory_space<vmem>> -> memref<1x64xf32, #tpu.memory_space<vmem>>
      %dma_start3A_873 = arith.constant 0 : i32
      %dma_start3A_874 = tpu.memref_slice %arg4[%squeeze3A_868, %dma_start3A_873] : memref<1000000x64xf32, #tpu.memory_space<hbm>> -> memref<1x64xf32, #tpu.memory_space<hbm>>
      %dma_start3A_875 = arith.constant 0 : i32
      %dma_start3A_876 = tpu.memref_slice %arg12[%add3A_870, %dma_start3A_875] : memref<128x64xf32, #tpu.memory_space<vmem>> -> memref<1x64xf32, #tpu.memory_space<vmem>>
      %dma_start3A_877 = arith.constant 0 : i32
      %dma_start3A_878 = tpu.memref_slice %arg4[%squeeze3A_868, %dma_start3A_877] : memref<1000000x64xf32, #tpu.memory_space<hbm>> -> memref<1x64xf32, #tpu.memory_space<hbm>>
      tpu.enqueue_dma source(%dma_start3A_878 : memref<1x64xf32, #tpu.memory_space<hbm>>) target(%dma_start3A_876 : memref<1x64xf32, #tpu.memory_space<vmem>>) target_semaphore(%arg16 : memref<!tpu.dma_semaphore, #tpu.memory_space<semaphore_mem>>)
      %slice3A_879 = vector.extract_strided_slice %get3A_724 {offsets = [13], sizes = [1], strides = [1]} : vector<16xi32> to vector<1xi32>
      %squeeze3A_880 = vector.extract %slice3A_879[0] : i32 from vector<1xi32>
      %add3A_881 = arith.constant 13 : i32
      %add3A_882 = arith.addi %mul3A_721, %add3A_881 : i32
      %dma_start3A_883 = arith.constant 0 : i32
      %dma_start3A_884 = tpu.memref_slice %arg12[%add3A_882, %dma_start3A_883] : memref<128x64xf32, #tpu.memory_space<vmem>> -> memref<1x64xf32, #tpu.memory_space<vmem>>
      %dma_start3A_885 = arith.constant 0 : i32
      %dma_start3A_886 = tpu.memref_slice %arg4[%squeeze3A_880, %dma_start3A_885] : memref<1000000x64xf32, #tpu.memory_space<hbm>> -> memref<1x64xf32, #tpu.memory_space<hbm>>
      %dma_start3A_887 = arith.constant 0 : i32
      %dma_start3A_888 = tpu.memref_slice %arg12[%add3A_882, %dma_start3A_887] : memref<128x64xf32, #tpu.memory_space<vmem>> -> memref<1x64xf32, #tpu.memory_space<vmem>>
      %dma_start3A_889 = arith.constant 0 : i32
      %dma_start3A_890 = tpu.memref_slice %arg4[%squeeze3A_880, %dma_start3A_889] : memref<1000000x64xf32, #tpu.memory_space<hbm>> -> memref<1x64xf32, #tpu.memory_space<hbm>>
      tpu.enqueue_dma source(%dma_start3A_890 : memref<1x64xf32, #tpu.memory_space<hbm>>) target(%dma_start3A_888 : memref<1x64xf32, #tpu.memory_space<vmem>>) target_semaphore(%arg16 : memref<!tpu.dma_semaphore, #tpu.memory_space<semaphore_mem>>)
      %slice3A_891 = vector.extract_strided_slice %get3A_724 {offsets = [14], sizes = [1], strides = [1]} : vector<16xi32> to vector<1xi32>
      %squeeze3A_892 = vector.extract %slice3A_891[0] : i32 from vector<1xi32>
      %add3A_893 = arith.constant 14 : i32
      %add3A_894 = arith.addi %mul3A_721, %add3A_893 : i32
      %dma_start3A_895 = arith.constant 0 : i32
      %dma_start3A_896 = tpu.memref_slice %arg12[%add3A_894, %dma_start3A_895] : memref<128x64xf32, #tpu.memory_space<vmem>> -> memref<1x64xf32, #tpu.memory_space<vmem>>
      %dma_start3A_897 = arith.constant 0 : i32
      %dma_start3A_898 = tpu.memref_slice %arg4[%squeeze3A_892, %dma_start3A_897] : memref<1000000x64xf32, #tpu.memory_space<hbm>> -> memref<1x64xf32, #tpu.memory_space<hbm>>
      %dma_start3A_899 = arith.constant 0 : i32
      %dma_start3A_900 = tpu.memref_slice %arg12[%add3A_894, %dma_start3A_899] : memref<128x64xf32, #tpu.memory_space<vmem>> -> memref<1x64xf32, #tpu.memory_space<vmem>>
      %dma_start3A_901 = arith.constant 0 : i32
      %dma_start3A_902 = tpu.memref_slice %arg4[%squeeze3A_892, %dma_start3A_901] : memref<1000000x64xf32, #tpu.memory_space<hbm>> -> memref<1x64xf32, #tpu.memory_space<hbm>>
      tpu.enqueue_dma source(%dma_start3A_902 : memref<1x64xf32, #tpu.memory_space<hbm>>) target(%dma_start3A_900 : memref<1x64xf32, #tpu.memory_space<vmem>>) target_semaphore(%arg16 : memref<!tpu.dma_semaphore, #tpu.memory_space<semaphore_mem>>)
      %slice3A_903 = vector.extract_strided_slice %get3A_724 {offsets = [15], sizes = [1], strides = [1]} : vector<16xi32> to vector<1xi32>
      %squeeze3A_904 = vector.extract %slice3A_903[0] : i32 from vector<1xi32>
      %add3A_905 = arith.constant 15 : i32
      %add3A_906 = arith.addi %mul3A_721, %add3A_905 : i32
      %dma_start3A_907 = arith.constant 0 : i32
      %dma_start3A_908 = tpu.memref_slice %arg12[%add3A_906, %dma_start3A_907] : memref<128x64xf32, #tpu.memory_space<vmem>> -> memref<1x64xf32, #tpu.memory_space<vmem>>
      %dma_start3A_909 = arith.constant 0 : i32
      %dma_start3A_910 = tpu.memref_slice %arg4[%squeeze3A_904, %dma_start3A_909] : memref<1000000x64xf32, #tpu.memory_space<hbm>> -> memref<1x64xf32, #tpu.memory_space<hbm>>
      %dma_start3A_911 = arith.constant 0 : i32
      %dma_start3A_912 = tpu.memref_slice %arg12[%add3A_906, %dma_start3A_911] : memref<128x64xf32, #tpu.memory_space<vmem>> -> memref<1x64xf32, #tpu.memory_space<vmem>>
      %dma_start3A_913 = arith.constant 0 : i32
      %dma_start3A_914 = tpu.memref_slice %arg4[%squeeze3A_904, %dma_start3A_913] : memref<1000000x64xf32, #tpu.memory_space<hbm>> -> memref<1x64xf32, #tpu.memory_space<hbm>>
      tpu.enqueue_dma source(%dma_start3A_914 : memref<1x64xf32, #tpu.memory_space<hbm>>) target(%dma_start3A_912 : memref<1x64xf32, #tpu.memory_space<vmem>>) target_semaphore(%arg16 : memref<!tpu.dma_semaphore, #tpu.memory_space<semaphore_mem>>)
    }
    %scan3A_650 = arith.constant 8 : i32
    %dma_wait3A_651 = arith.constant 0 : i32
    %dma_wait3A_652 = arith.constant 0 : i32
    %dma_wait3A_653 = tpu.memref_slice %arg3[%dma_wait3A_651, %dma_wait3A_652] : memref<1000000x64xf32, #tpu.memory_space<hbm>> -> memref<128x64xf32, #tpu.memory_space<hbm>>
    %dma_wait3A_654 = arith.constant 0 : i32
    %dma_wait3A_655 = arith.constant 0 : i32
    %dma_wait3A_656 = tpu.memref_slice %arg3[%dma_wait3A_654, %dma_wait3A_655] : memref<1000000x64xf32, #tpu.memory_space<hbm>> -> memref<128x64xf32, #tpu.memory_space<hbm>>
    tpu.wait_dma2 semaphore(%arg13 : memref<!tpu.dma_semaphore, #tpu.memory_space<semaphore_mem>>) src(%dma_wait3A_656 : memref<128x64xf32, #tpu.memory_space<hbm>>) dst(%arg9 : memref<128x64xf32, #tpu.memory_space<vmem>>)
    %add3A_657 = arith.constant 256 : i32
    %add3A_658 = arith.addi %mul3A_2, %add3A_657 : i32
    %dma_start3A_659 = arith.constant 0 : i32
    %dma_start3A_660 = tpu.memref_slice %arg5[%add3A_658, %dma_start3A_659] : memref<16384x64xf32, #tpu.memory_space<hbm>> -> memref<128x64xf32, #tpu.memory_space<hbm>>
    %dma_start3A_661 = arith.constant 0 : i32
    %dma_start3A_662 = tpu.memref_slice %arg5[%add3A_658, %dma_start3A_661] : memref<16384x64xf32, #tpu.memory_space<hbm>> -> memref<128x64xf32, #tpu.memory_space<hbm>>
    tpu.enqueue_dma source(%arg9 : memref<128x64xf32, #tpu.memory_space<vmem>>) target(%dma_start3A_662 : memref<128x64xf32, #tpu.memory_space<hbm>>) target_semaphore(%arg17 : memref<!tpu.dma_semaphore, #tpu.memory_space<semaphore_mem>>)
    %dma_wait3A_663 = arith.constant 0 : i32
    %dma_wait3A_664 = arith.constant 0 : i32
    %dma_wait3A_665 = tpu.memref_slice %arg4[%dma_wait3A_663, %dma_wait3A_664] : memref<1000000x64xf32, #tpu.memory_space<hbm>> -> memref<128x64xf32, #tpu.memory_space<hbm>>
    %dma_wait3A_666 = arith.constant 0 : i32
    %dma_wait3A_667 = arith.constant 0 : i32
    %dma_wait3A_668 = tpu.memref_slice %arg4[%dma_wait3A_666, %dma_wait3A_667] : memref<1000000x64xf32, #tpu.memory_space<hbm>> -> memref<128x64xf32, #tpu.memory_space<hbm>>
    tpu.wait_dma2 semaphore(%arg15 : memref<!tpu.dma_semaphore, #tpu.memory_space<semaphore_mem>>) src(%dma_wait3A_668 : memref<128x64xf32, #tpu.memory_space<hbm>>) dst(%arg11 : memref<128x64xf32, #tpu.memory_space<vmem>>)
    %add3A_669 = arith.constant 256 : i32
    %add3A_670 = arith.addi %mul3A_2, %add3A_669 : i32
    %dma_start3A_671 = arith.constant 0 : i32
    %dma_start3A_672 = tpu.memref_slice %arg6[%add3A_670, %dma_start3A_671] : memref<16384x64xf32, #tpu.memory_space<hbm>> -> memref<128x64xf32, #tpu.memory_space<hbm>>
    %dma_start3A_673 = arith.constant 0 : i32
    %dma_start3A_674 = tpu.memref_slice %arg6[%add3A_670, %dma_start3A_673] : memref<16384x64xf32, #tpu.memory_space<hbm>> -> memref<128x64xf32, #tpu.memory_space<hbm>>
    tpu.enqueue_dma source(%arg11 : memref<128x64xf32, #tpu.memory_space<vmem>>) target(%dma_start3A_674 : memref<128x64xf32, #tpu.memory_space<hbm>>) target_semaphore(%arg18 : memref<!tpu.dma_semaphore, #tpu.memory_space<semaphore_mem>>)
    %dma_wait3A_675 = arith.constant 0 : i32
    %dma_wait3A_676 = arith.constant 0 : i32
    %dma_wait3A_677 = tpu.memref_slice %arg3[%dma_wait3A_675, %dma_wait3A_676] : memref<1000000x64xf32, #tpu.memory_space<hbm>> -> memref<128x64xf32, #tpu.memory_space<hbm>>
    %dma_wait3A_678 = arith.constant 0 : i32
    %dma_wait3A_679 = arith.constant 0 : i32
    %dma_wait3A_680 = tpu.memref_slice %arg3[%dma_wait3A_678, %dma_wait3A_679] : memref<1000000x64xf32, #tpu.memory_space<hbm>> -> memref<128x64xf32, #tpu.memory_space<hbm>>
    tpu.wait_dma2 semaphore(%arg14 : memref<!tpu.dma_semaphore, #tpu.memory_space<semaphore_mem>>) src(%dma_wait3A_680 : memref<128x64xf32, #tpu.memory_space<hbm>>) dst(%arg10 : memref<128x64xf32, #tpu.memory_space<vmem>>)
    %add3A_681 = arith.constant 384 : i32
    %add3A_682 = arith.addi %mul3A_2, %add3A_681 : i32
    %dma_start3A_683 = arith.constant 0 : i32
    %dma_start3A_684 = tpu.memref_slice %arg5[%add3A_682, %dma_start3A_683] : memref<16384x64xf32, #tpu.memory_space<hbm>> -> memref<128x64xf32, #tpu.memory_space<hbm>>
    %dma_start3A_685 = arith.constant 0 : i32
    %dma_start3A_686 = tpu.memref_slice %arg5[%add3A_682, %dma_start3A_685] : memref<16384x64xf32, #tpu.memory_space<hbm>> -> memref<128x64xf32, #tpu.memory_space<hbm>>
    tpu.enqueue_dma source(%arg10 : memref<128x64xf32, #tpu.memory_space<vmem>>) target(%dma_start3A_686 : memref<128x64xf32, #tpu.memory_space<hbm>>) target_semaphore(%arg17 : memref<!tpu.dma_semaphore, #tpu.memory_space<semaphore_mem>>)
    %dma_wait3A_687 = arith.constant 0 : i32
    %dma_wait3A_688 = arith.constant 0 : i32
    %dma_wait3A_689 = tpu.memref_slice %arg4[%dma_wait3A_687, %dma_wait3A_688] : memref<1000000x64xf32, #tpu.memory_space<hbm>> -> memref<128x64xf32, #tpu.memory_space<hbm>>
    %dma_wait3A_690 = arith.constant 0 : i32
    %dma_wait3A_691 = arith.constant 0 : i32
    %dma_wait3A_692 = tpu.memref_slice %arg4[%dma_wait3A_690, %dma_wait3A_691] : memref<1000000x64xf32, #tpu.memory_space<hbm>> -> memref<128x64xf32, #tpu.memory_space<hbm>>
    tpu.wait_dma2 semaphore(%arg16 : memref<!tpu.dma_semaphore, #tpu.memory_space<semaphore_mem>>) src(%dma_wait3A_692 : memref<128x64xf32, #tpu.memory_space<hbm>>) dst(%arg12 : memref<128x64xf32, #tpu.memory_space<vmem>>)
    %add3A_693 = arith.constant 384 : i32
    %add3A_694 = arith.addi %mul3A_2, %add3A_693 : i32
    %dma_start3A_695 = arith.constant 0 : i32
    %dma_start3A_696 = tpu.memref_slice %arg6[%add3A_694, %dma_start3A_695] : memref<16384x64xf32, #tpu.memory_space<hbm>> -> memref<128x64xf32, #tpu.memory_space<hbm>>
    %dma_start3A_697 = arith.constant 0 : i32
    %dma_start3A_698 = tpu.memref_slice %arg6[%add3A_694, %dma_start3A_697] : memref<16384x64xf32, #tpu.memory_space<hbm>> -> memref<128x64xf32, #tpu.memory_space<hbm>>
    tpu.enqueue_dma source(%arg12 : memref<128x64xf32, #tpu.memory_space<vmem>>) target(%dma_start3A_698 : memref<128x64xf32, #tpu.memory_space<hbm>>) target_semaphore(%arg18 : memref<!tpu.dma_semaphore, #tpu.memory_space<semaphore_mem>>)
    %dma_wait3A_699 = arith.constant 0 : i32
    %dma_wait3A_700 = tpu.memref_slice %arg5[%add3A_658, %dma_wait3A_699] : memref<16384x64xf32, #tpu.memory_space<hbm>> -> memref<128x64xf32, #tpu.memory_space<hbm>>
    %dma_wait3A_701 = arith.constant 0 : i32
    %dma_wait3A_702 = tpu.memref_slice %arg5[%add3A_658, %dma_wait3A_701] : memref<16384x64xf32, #tpu.memory_space<hbm>> -> memref<128x64xf32, #tpu.memory_space<hbm>>
    tpu.wait_dma2 semaphore(%arg17 : memref<!tpu.dma_semaphore, #tpu.memory_space<semaphore_mem>>) src(%arg9 : memref<128x64xf32, #tpu.memory_space<vmem>>) dst(%dma_wait3A_702 : memref<128x64xf32, #tpu.memory_space<hbm>>)
    %dma_wait3A_703 = arith.constant 0 : i32
    %dma_wait3A_704 = tpu.memref_slice %arg6[%add3A_670, %dma_wait3A_703] : memref<16384x64xf32, #tpu.memory_space<hbm>> -> memref<128x64xf32, #tpu.memory_space<hbm>>
    %dma_wait3A_705 = arith.constant 0 : i32
    %dma_wait3A_706 = tpu.memref_slice %arg6[%add3A_670, %dma_wait3A_705] : memref<16384x64xf32, #tpu.memory_space<hbm>> -> memref<128x64xf32, #tpu.memory_space<hbm>>
    tpu.wait_dma2 semaphore(%arg18 : memref<!tpu.dma_semaphore, #tpu.memory_space<semaphore_mem>>) src(%arg11 : memref<128x64xf32, #tpu.memory_space<vmem>>) dst(%dma_wait3A_706 : memref<128x64xf32, #tpu.memory_space<hbm>>)
    %dma_wait3A_707 = arith.constant 0 : i32
    %dma_wait3A_708 = tpu.memref_slice %arg5[%add3A_682, %dma_wait3A_707] : memref<16384x64xf32, #tpu.memory_space<hbm>> -> memref<128x64xf32, #tpu.memory_space<hbm>>
    %dma_wait3A_709 = arith.constant 0 : i32
    %dma_wait3A_710 = tpu.memref_slice %arg5[%add3A_682, %dma_wait3A_709] : memref<16384x64xf32, #tpu.memory_space<hbm>> -> memref<128x64xf32, #tpu.memory_space<hbm>>
    tpu.wait_dma2 semaphore(%arg17 : memref<!tpu.dma_semaphore, #tpu.memory_space<semaphore_mem>>) src(%arg10 : memref<128x64xf32, #tpu.memory_space<vmem>>) dst(%dma_wait3A_710 : memref<128x64xf32, #tpu.memory_space<hbm>>)
    %dma_wait3A_711 = arith.constant 0 : i32
    %dma_wait3A_712 = tpu.memref_slice %arg6[%add3A_694, %dma_wait3A_711] : memref<16384x64xf32, #tpu.memory_space<hbm>> -> memref<128x64xf32, #tpu.memory_space<hbm>>
    %dma_wait3A_713 = arith.constant 0 : i32
    %dma_wait3A_714 = tpu.memref_slice %arg6[%add3A_694, %dma_wait3A_713] : memref<16384x64xf32, #tpu.memory_space<hbm>> -> memref<128x64xf32, #tpu.memory_space<hbm>>
    tpu.wait_dma2 semaphore(%arg18 : memref<!tpu.dma_semaphore, #tpu.memory_space<semaphore_mem>>) src(%arg12 : memref<128x64xf32, #tpu.memory_space<vmem>>) dst(%dma_wait3A_714 : memref<128x64xf32, #tpu.memory_space<hbm>>)
    return
  }
}

</mosaic_0001>

<sc_bundles>
// kernel: kernel.3.cloned.1.call-start
scs
__scs_entry_jumppad:
0x0: {  	(pc) =	sbr.rel $0x88, $3  }
0x1: {  	(tag) =	ssettag $0x0;
	lr =	simm.s32 $0x1  }
0x2: {  	[smem:$0x3F9E] =	sst lr;
	_ =	strace $0xD0000000  }
0x3: {  	_ = 	snop  }
0x4: {  	_ = 	snop  }
0x5: {  	_ = 	snop  }
0x6: {  	_ = 	snop  }
0x7: {  	_ = 	snop  }
__scs_overlays_trampoline_lowered:
0x8: {  	[smem:$0x3FAD] =	sst s0  }
0x9: {  	[smem:$0x3FAE] =	sst s1  }
0xa: {  	[smem:$0x3FAF] =	sst s2  }
0xb: {  	[smem:$0x3FB0] =	sst s3  }
0xc: {  	[smem:$0x3FB1] =	sst s4  }
0xd: {  	[smem:$0x3FB2] =	sst s5  }
0xe: {  	[smem:$0x3FB3] =	sst s6  }
0xf: {  	[smem:$0x3FB4] =	sst s7  }
0x10: {  	[smem:$0x3FB5] =	sst s8  }
0x11: {  	[smem:$0x3FB6] =	sst s9;
	s0 =	simm.s32 @!p0 $0x0  }
0x12: {  	s1 =	sld [smem:$0x3F9C];
	s0 =	simm.s32 @p0 $0x1  }
0x13: {  	[smem:$0x3FB7] =	sst s0;
	s0 =	simm.s32 @!p1 $0x0  }
0x14: {  	s2 =	sld [smem:$0x3F9B];
	s0 =	simm.s32 @p1 $0x1  }
0x15: {  	[smem:$0x3FB8] =	sst s0;
	s0 =	simm.s32 @!p2 $0x0  }
0x16: {  	s3 =	sld [smem:$0x3FDB];
	s0 =	simm.s32 @p2 $0x1  }
0x17: {  	s4 =	simm.s32 $0x1BF5;
	[smem:$0x3FBA] =	sst s0  }
0x18: {  	s0 =	sld [smem:$0x3F9D];
	_ =	swait.ge [sflag:s4], $0x0  }
0x19: {  	s7 =	sld [smem:$0x3F9E]  }
0x1a: {  	s8 =	sadd.s32 $0xFFFFE003, lr  }
0x1b: {  	s9 =	sadd.s32 $0xFFFFFEF7, lr;
	s5 =	simm.s32 $0xFFFFFFFF;
	p2 =	slt.u32 s8, $0xFFFFF086  }
0x1c: {  	p1 =	slt.u32 s9, $0xF7A;
	s5 =	simm.s32 @!p2 $0x0  }
0x1d: {  	s5 =	simm.s32 @p1 $0x1;
	p0 =	seq.s32 s7, s2  }
0x1e: {  	s7 =	smul.u32 @!p0 $0xF7A, s2;
	p2 =	seq.s32 @!p0 s5, $0x0  }
0x1f: {  	s9 =	smul.u32 $0xF7A, s1;
	s8 =	simm.s32 @!p0 $0x1BF5;
	p2 =	por !p2, p0  }
0x20: {  	[sflag:s8] =	ssyncset.s32 @!p0 $0xFFFFF086;
	s6 =	sadd.s32 @!p0 s3, s7;
	s7 =	simm.s32 @!p0 $0x108  }
0x21: {  	s3 =	sadd.s32 s3, s9;
	s6 =	sadd.s32 @!p0 $0x88, s6;
	s7 =	simm.s32 @p2 $0x1082  }
0x22: {  	[simem:s7], [sflag:s8] =	dma.local @!p0 [hbm:s6], $0xF7A  }
0x23: {  	s9 =	sor.u32 $0xD0000000, s2;
	s6 =	simm.s32 $0x108;
	_ =	swait.ge @!p0 [sflag:s8], $0x0  }
0x24: {  	s3 =	sadd.s32 $0x88, s3;
	s6 =	simm.s32 @!p1 $0x1082;
	[sflag:s4] =	ssyncset.s32 $0xFFFFF086  }
0x25: {  	[simem:s6], [sflag:s4] =	dma.local [hbm:s3], $0xF7A  }
0x26: {  	[smem:$0x3F9E] =	sst s1;
	(tag) =	ssettag s2;
	_ =	strace s9  }
0x27: {  	s1 =	sld [smem:$0x3FAE]  }
0x28: {  	s2 =	sld [smem:$0x3FAF]  }
0x29: {  	s4 =	sld [smem:$0x3FB1]  }
0x2a: {  	p0 =	seq.s32 s5, $0x0;
	s5 =	sld [smem:$0x3FB2]  }
0x2b: {  	s6 =	sld [smem:$0x3FB3]  }
0x2c: {  	s7 =	sld [smem:$0x3FB4]  }
0x2d: {  	s3 =	simm.s32 $0x108;
	s8 =	sld [smem:$0x3FB5]  }
0x2e: {  	s3 =	simm.s32 @!p0 $0x1082;
	s9 =	sld [smem:$0x3FB6]  }
0x2f: {  	lr =	sadd.s32 s0, s3;
	s0 =	sld [smem:$0x3FAD]  }
0x30: {  	s3 =	sld [smem:$0x3FB0]  }
0x31: {  	[smem:$0x3FB9] =	sst s10  }
0x32: {  	s10 =	sld [smem:$0x3FB7];
	_ =	sdelay $0x3  }
0x33: {  	p0 =	seq.s32 s10, $0x1;
	s10 =	sld [smem:$0x3FB9];
	_ =	sdelay $0x3  }
0x34: {  	[smem:$0x3FB9] =	sst s10  }
0x35: {  	s10 =	sld [smem:$0x3FB8];
	_ =	sdelay $0x3  }
0x36: {  	p1 =	seq.s32 s10, $0x1;
	s10 =	sld [smem:$0x3FB9];
	_ =	sdelay $0x3  }
0x37: {  	[smem:$0x3FB9] =	sst s10  }
0x38: {  	s10 =	sld [smem:$0x3FBA]  }
0x39: {  	_ = 	snop;
	(pc) =	sbr.ind lr, $3  }
0x3a: {  	_ = 	snop  }
0x3b: {  	_ = 	snop  }
0x3c: {  	p2 =	seq.s32 s10, $0x1;
	s10 =	sld [smem:$0x3FB9]  }
0x3d: {  	_ =	shalt  }
0x3e: {  	_ =	shalt  }
0x3f: {  	_ =	shalt  }
0x40: {  	_ =	shalt  }
0x41: {  	_ =	shalt  }
0x42: {  	_ =	shalt  }
0x43: {  	_ =	shalt  }
0x44: {  	_ =	shalt  }
0x45: {  	_ =	shalt  }
0x46: {  	_ =	shalt  }
0x47: {  	_ =	shalt  }
0x48: {  	_ =	shalt  }
0x49: {  	_ =	shalt  }
0x4a: {  	_ =	shalt  }
0x4b: {  	_ =	shalt  }
0x4c: {  	_ =	shalt  }
0x4d: {  	_ =	shalt  }
0x4e: {  	_ =	shalt  }
0x4f: {  	_ =	shalt  }
0x50: {  	_ =	shalt  }
0x51: {  	_ =	shalt  }
0x52: {  	_ =	shalt  }
0x53: {  	_ =	shalt  }
0x54: {  	_ =	shalt  }
0x55: {  	_ =	shalt  }
0x56: {  	_ =	shalt  }
0x57: {  	_ =	shalt  }
0x58: {  	_ =	shalt  }
0x59: {  	_ =	shalt  }
0x5a: {  	_ =	shalt  }
0x5b: {  	_ =	shalt  }
0x5c: {  	_ =	shalt  }
0x5d: {  	_ =	shalt  }
0x5e: {  	_ =	shalt  }
0x5f: {  	_ =	shalt  }
0x60: {  	_ =	shalt  }
0x61: {  	_ =	shalt  }
0x62: {  	_ =	shalt  }
0x63: {  	_ =	shalt  }
0x64: {  	_ =	shalt  }
0x65: {  	_ =	shalt  }
0x66: {  	_ =	shalt  }
0x67: {  	_ =	shalt  }
0x68: {  	_ =	shalt  }
0x69: {  	_ =	shalt  }
0x6a: {  	_ =	shalt  }
0x6b: {  	_ =	shalt  }
0x6c: {  	_ =	shalt  }
0x6d: {  	_ =	shalt  }
0x6e: {  	_ =	shalt  }
0x6f: {  	_ =	shalt  }
0x70: {  	_ =	shalt  }
0x71: {  	_ =	shalt  }
0x72: {  	_ =	shalt  }
0x73: {  	_ =	shalt  }
0x74: {  	_ =	shalt  }
0x75: {  	_ =	shalt  }
0x76: {  	_ =	shalt  }
0x77: {  	_ =	shalt  }
0x78: {  	_ =	shalt  }
0x79: {  	_ =	shalt  }
0x7a: {  	_ =	shalt  }
0x7b: {  	_ =	shalt  }
0x7c: {  	_ =	shalt  }
0x7d: {  	_ =	shalt  }
0x7e: {  	_ =	shalt  }
0x7f: {  	_ =	shalt  }
0x80: {  	_ =	shalt  }
0x81: {  	_ =	shalt  }
0x82: {  	_ =	shalt  }
0x83: {  	_ =	shalt  }
0x84: {  	_ =	shalt  }
0x85: {  	_ =	shalt  }
0x86: {  	_ =	shalt  }
0x87: {  	_ =	shalt  }
.Lfunc_end0:
.L_simem_size_0:
called_computation_lowered:
.L_overlay_start_0:
0x88: {  	s2 =	sld [smem:$0x3FD9]  }
0x89: {  	s3 =	sld [smem:$0x3FFE];
	_ =	sdelay $0x1  }
0x8a: {  	s1 =	srdreg.scid  }
0x8b: {  	s0 =	sand.u32 $0x1, s1  }
0x8c: {  	s17 =	sshll.u32 s0, $0xA;
	s2 =	sadd.s32 s3, s2  }
0x8d: {  	s2 =	sadd.s32 s2, s17  }
0x8e: {  	[smem:$0x3FC5] =	sst s2  }
0x8f: {  	_ = 	snop  }
0x90: {  	s2 =	sld [smem:$0x3FC9];
	(tm) =	ssettm $0x1  }
0x91: {  	s18 =	sld [smem:$0x3FFB];
	_ =	sdelay $0x3  }
0x92: {  	_ =	strace s18  }
0x93: {  	s3 =	sld [smem:$0x3FFC];
	_ =	sdelay $0x3  }
0x94: {  	_ =	strace s3  }
0x95: {  	s3 =	sld [smem:$0x3FFD];
	_ =	sdelay $0x3  }
0x96: {  	_ =	strace s3  }
0x97: {  	_ =	strace $0x8FFFFFFF  }
0x98: {  	s19 =	sld [smem:$0x3FDB];
	_ =	sdelay $0x1  }
0x99: {  	s4 =	simm.s32 $_scs_section_size  }
0x9a: {  	s5 =	simm.s32 $_size__tile_overlayer_lowered;
	s6 =	simm.s32 $_tile_overlayer_lowered  }
0x9b: {  	s22 =	simm.s32 $0x1BFF;
	s21 =	sshll.u32 s6, $0x1;
	s3 =	sadd.s32 s4, s19  }
0x9c: {  	s7 =	simm.s32 $0x0;
	s20 =	sshll.u32 s5, $0x1;
	s5 =	sadd.s32 s21, s3  }
0x9d: {  	[timem:s7], [sflag:s22] =	dma.local [hbm:s5], s20  }
0x9e: {  	_ =	swait.ge [sflag:s22], s20  }
0x9f: {  	s4 =	ssub.s32 $0x0, s20;
	[sflag:s22] =	ssyncset.done $0x0  }
0xa0: {  	[sflag:s22] =	ssyncadd.s32 s4;
	_ =	sdelay $0x1  }
0xa1: {  	s23 =	simm.s32 $0x1B8B  }
0xa2: {  	_ =	swait.ge [sflag:s23], $0x1  }
0xa3: {  	[sflag:s23] =	ssyncset.done $0x0  }
0xa4: {  	s25 =	simm.s32 $0x1B8E;
	s24 =	sld [smem:$0x3FFE];
	[sflag:s23] =	ssyncadd.s32 $0xFFFFFFFF  }
0xa5: {  	s26 =	simm.s32 $execute0_lowered;
	[smem:$0x3FD2] =	sst s25  }
0xa6: {  	s5 =	sshll.u32 s26, $0x1;
	_ =	strace $0x80000046;
	[dreg:$0x1] =	wrdreg $0xFFFFFFFF  }
0xa7: {  	s28 =	simm.s32 $_size_execute0_lowered;
	s3 =	sadd.s32 s3, s5;
	[dreg:$0x0] =	wrdreg $0x0  }
0xa8: {  	s5 =	sshll.u32 s28, $0x1;
	[dreg:$0x2] =	wrdreg s3  }
0xa9: {  	[dreg:$0x3] =	wrdreg s5  }
0xaa: {  	[dreg:$0x4] =	wrdreg $0xC0  }
0xab: {  	_ =	task [dreg:s7], $0x5FFFF  }
0xac: {  	[dreg:$0x1] =	wrdreg $0xFFFFFFFF  }
0xad: {  	[dreg:$0x0] =	wrdreg $0x60  }
0xae: {  	[dreg:$0x2] =	wrdreg s2  }
0xaf: {  	[dreg:$0x3] =	wrdreg s24  }
0xb0: {  	[dreg:$0x4] =	wrdreg $0x9  }
0xb1: {  	_ =	task.clear_ibuf [dreg:s7], $0x5FFFF;
	_ =	strace $0x90000046  }
0xb2: {  	s29 =	simm.s32 $0x9;
	_ =	strace $0x80000048  }
0xb3: {  	_ =	swait.ge [sflag:s29], $0x1  }
0xb4: {  	[sflag:s29] =	ssyncadd.s32 $0xFFFFFFFF  }
0xb5: {  	_ =	strace $0x90000048  }
0xb6: {  	_ =	sfence  }
0xb7: {  	s30 =	sld [smem:$0x0];
	_ =	sdelay $0x2  }
0xb8: {  	s31 =	sshll.u32 s1, $0xD;
	s1 =	sshrl.u32 s1, $0x2  }
0xb9: {  	s3 =	sand.u32 $0x4000, s31;
	s1 =	sadd.s32 s1, s30  }
0xba: {  	s0 =	sor.u32 s3, s0;
	s1 =	sshll.u32 s1, $0x11  }
0xbb: {  	s0 =	sor.u32 s1, s0  }
0xbc: {  	s0 =	sadd.s32 $0x8F2B, s0  }
0xbd: {  	[sflag:s0] =	ssyncadd.remote.s32 $0x1  }
0xbe: {  	_ =	sfence.sel $0xFFFF  }
0xbf: {  	[dreg:$0x0] =	wrdreg $0xFFFFFFFF;
	(pc) =	sbr.abs _section_cstart, $3  }
0xc0: {  	[dreg:$0x1] =	wrdreg $0xFFFFFFFF  }
0xc1: {  	_ =	task.clear_ibuf [dreg:s7], $0x2FFFF;
	_ =	strace $0x9FFFFFFF  }
0xc2: {  	(tm) =	ssettm $0x7FFFFFFF  }
0xc3: {  	_ =	shalt  }
tec
execute0_lowered:
.L_overlay_start_1:
0x0: {  	(tag) =	ssettag $0x1  }
0x1: {  	s0 =	rddreg [dreg:$0x0]  }
0x2: {  	s2 =	rddreg [dreg:$0x1];
	s1 =	simm.s32 $0x0;
	s4 =	srdreg.scid  }
0x3: {  	s6 =	stileid.u32;
	[smem:$0x7FF] =	sst s1;
	s5 =	sand.u32 $0x1, s4  }
0x4: {  	s3 =	sadd.s32 $0x800, s2;
	s6 =	sshll.u32 s6, $0xA;
	s7 =	sshll.u32 s5, $0x9  }
0x5: {  	s4 =	sadd.s32 $0xF42C00, s2;
	s8 =	sadd.s32 $0x1E85000, s2;
	s6 =	sor.u32 s7, s6  }
0x6: {  	s2 =	sadd.s32 $0x1EC5000, s2;
	_ =	strace $0x80000047;
	s9 =	sshrl.u32 s6, $0x3  }
0x7: {  	s5 =	ssub.s32 $0x2, s5;
	s23 =	sshll.u32 s6, $0x4;
	s0 =	sadd.s32 s0, s9  }
0x8: {  	s22 =	sshrl.u32 s5, $0x1;
	s6 =	sadd.s32 s8, s23;
	[dreg:$0x3] =	wrdreg s0  }
0x9: {  	s5 =	ssub.s32 s5, s22;
	s24 =	sadd.s32 s2, s23;
	[dreg:$0x4] =	wrdreg s6  }
0xa: {  	s25 =	sor.u32 $0x800, s23;
	s31 =	smax.u32 s5, $0x1;
	[dreg:$0x5] =	wrdreg s24  }
0xb: {  	s18 =	simm.s32 $0x3;
	s26 =	sadd.s32 s8, s25;
	[dreg:$0xc] =	wrdreg s31  }
0xc: {  	s28 =	sor.u32 $0x1000, s23;
	s6 =	sadd.s32 s2, s25;
	[dreg:$0x6] =	wrdreg s26  }
0xd: {  	s20 =	simm.s32 $0x5;
	s29 =	sadd.s32 s8, s28;
	[dreg:$0x7] =	wrdreg s6  }
0xe: {  	s0 =	sor.u32 $0x1800, s23;
	[dreg:$0x8] =	wrdreg s29;
	s6 =	sadd.s32 s2, s28  }
0xf: {  	s21 =	simm.s32 $0x6;
	s30 =	sadd.s32 s8, s0;
	[dreg:$0x9] =	wrdreg s6  }
0x10: {  	s22 =	simm.s32 $0x2;
	s0 =	sadd.s32 s2, s0;
	[dreg:$0xa] =	wrdreg s30  }
0x11: {  	s24 =	simm.s32 $0x4;
	s26 =	simm.s32 $0x0;
	[dreg:$0xb] =	wrdreg s0  }
.LBB2_1:
0x12: {  	s0 =	rddreg [dreg:$0x3];
	s29 =	simm.s32 $0x7  }
0x13: {  	[tilespmem:s1], [sflag:$0x7] =	stream.linear.gather [hbm4b:s0+s1], $0x200, $0x38;
	[tilespmem:$0x10400] =	vst v63  }
0x14: {  	_ =	swait.ge [sflag:s29], $0x200  }
0x15: {  	[sflag:s29] =	ssyncset.done $0x0  }
0x16: {  	[sflag:s29] =	ssyncadd.s32 $0xFFFFFE00  }
0x17: {  	v0 =	vld [tilespmem:$0x0]  }
0x18: {  	v1 =	vld [tilespmem:$0x10]  }
0x19: {  	v2 =	vld [tilespmem:$0x20]  }
0x1a: {  	v3 =	vld [tilespmem:$0x30]  }
0x1b: {  	v4 =	vld [tilespmem:$0x40]  }
0x1c: {  	v5 =	vld [tilespmem:$0x50]  }
0x1d: {  	v6 =	vld [tilespmem:$0x60]  }
0x1e: {  	v7 =	vld [tilespmem:$0x70]  }
0x1f: {  	v8 =	vld [tilespmem:$0x80]  }
0x20: {  	v9 =	vld [tilespmem:$0x90]  }
0x21: {  	v10 =	vld [tilespmem:$0xA0]  }
0x22: {  	v11 =	vld [tilespmem:$0xB0]  }
0x23: {  	v12 =	vld [tilespmem:$0xC0]  }
0x24: {  	v13 =	vld [tilespmem:$0xD0]  }
0x25: {  	v14 =	vld [tilespmem:$0xE0]  }
0x26: {  	v15 =	vld [tilespmem:$0xF0]  }
0x27: {  	v16 =	vld [tilespmem:$0x100]  }
0x28: {  	v17 =	vld [tilespmem:$0x110]  }
0x29: {  	v18 =	vld [tilespmem:$0x120]  }
0x2a: {  	v19 =	vld [tilespmem:$0x130]  }
0x2b: {  	v20 =	vld [tilespmem:$0x140];
	v0 =	vmul.f32 $1.000000000e+06, v0;
	v1 =	vmul.f32 $1.000000000e+06, v1  }
0x2c: {  	v21 =	vld [tilespmem:$0x150];
	v2 =	vmul.f32 $1.000000000e+06, v2;
	v3 =	vmul.f32 $1.000000000e+06, v3  }
0x2d: {  	v22 =	vld [tilespmem:$0x160];
	v4 =	vmul.f32 $1.000000000e+06, v4;
	v5 =	vmul.f32 $1.000000000e+06, v5  }
0x2e: {  	v63 =	vld [tilespmem:$0x170];
	v6 =	vmul.f32 $1.000000000e+06, v6;
	v7 =	vmul.f32 $1.000000000e+06, v7  }
0x2f: {  	v26 =	vld [tilespmem:$0x180];
	v8 =	vmul.f32 $1.000000000e+06, v8;
	v9 =	vmul.f32 $1.000000000e+06, v9  }
0x30: {  	v31 =	vld [tilespmem:$0x1A0];
	v10 =	vmul.f32 $1.000000000e+06, v10;
	v11 =	vmul.f32 $1.000000000e+06, v11  }
0x31: {  	v34 =	vld [tilespmem:$0x1B0];
	v12 =	vmul.f32 $1.000000000e+06, v12;
	v13 =	vmul.f32 $1.000000000e+06, v13  }
0x32: {  	v47 =	vld [tilespmem:$0x1C0];
	v14 =	vmul.f32 $1.000000000e+06, v14;
	v15 =	vmul.f32 $1.000000000e+06, v15  }
0x33: {  	v49 =	vld [tilespmem:$0x1D0];
	v16 =	vmul.f32 $1.000000000e+06, v16;
	v17 =	vmul.f32 $1.000000000e+06, v17  }
0x34: {  	v50 =	vld [tilespmem:$0x1E0];
	v18 =	vmul.f32 $1.000000000e+06, v18;
	v19 =	vmul.f32 $1.000000000e+06, v19  }
0x35: {  	v60 =	vmul.f32 $1.000000000e+06, v20;
	v61 =	vmul.f32 $1.000000000e+06, v21  }
0x36: {  	v62 =	vmul.f32 $1.000000000e+06, v22;
	v30 =	vmul.f32 $1.000000000e+06, v63  }
0x37: {  	v36 =	vmul.f32 $1.000000000e+06, v26;
	v41 =	vmul.f32 $1.000000000e+06, v31  }
0x38: {  	v43 =	vmul.f32 $1.000000000e+06, v34;
	v52 =	vmul.f32 $1.000000000e+06, v47  }
0x39: {  	v56 =	vmul.f32 $1.000000000e+06, v49;
	v58 =	vmul.f32 $1.000000000e+06, v50  }
0x3a: {  	v0 =	vtrunc.f32 v0;
	v1 =	vtrunc.f32 v1  }
0x3b: {  	v2 =	vtrunc.f32 v2;
	v3 =	vtrunc.f32 v3  }
0x3c: {  	v4 =	vtrunc.f32 v4;
	v5 =	vtrunc.f32 v5  }
0x3d: {  	v6 =	vtrunc.f32 v6;
	v7 =	vtrunc.f32 v7  }
0x3e: {  	v8 =	vtrunc.f32 v8;
	v9 =	vtrunc.f32 v9  }
0x3f: {  	v10 =	vtrunc.f32 v10;
	v11 =	vtrunc.f32 v11  }
0x40: {  	v12 =	vtrunc.f32 v12;
	v13 =	vtrunc.f32 v13  }
0x41: {  	v14 =	vtrunc.f32 v14;
	v15 =	vtrunc.f32 v15  }
0x42: {  	v16 =	vtrunc.f32 v16;
	v17 =	vtrunc.f32 v17  }
0x43: {  	v18 =	vtrunc.f32 v18;
	v25 =	vtrunc.f32 v62  }
0x44: {  	v46 =	vtrunc.f32 v41;
	v55 =	vtrunc.f32 v52  }
0x45: {  	v59 =	vtrunc.f32 v56;
	v0 =	vcvt.f32.s32 v0  }
0x46: {  	v1 =	vcvt.f32.s32 v1;
	v2 =	vcvt.f32.s32 v2  }
0x47: {  	v3 =	vcvt.f32.s32 v3;
	v4 =	vcvt.f32.s32 v4  }
0x48: {  	v5 =	vcvt.f32.s32 v5;
	v6 =	vcvt.f32.s32 v6  }
0x49: {  	v7 =	vcvt.f32.s32 v7;
	v8 =	vcvt.f32.s32 v8  }
0x4a: {  	v9 =	vcvt.f32.s32 v9;
	v10 =	vcvt.f32.s32 v10  }
0x4b: {  	v11 =	vcvt.f32.s32 v11;
	v12 =	vcvt.f32.s32 v12  }
0x4c: {  	v13 =	vcvt.f32.s32 v13;
	v14 =	vcvt.f32.s32 v14  }
0x4d: {  	v15 =	vcvt.f32.s32 v15;
	v16 =	vcvt.f32.s32 v16  }
0x4e: {  	v17 =	vcvt.f32.s32 v17;
	v18 =	vcvt.f32.s32 v18  }
0x4f: {  	v27 =	vcvt.f32.s32 v25;
	v57 =	vcvt.f32.s32 v55;
	vm0 =	vgt.s32 v0, $0x0  }
0x50: {  	vm10 =	vgt.s32 v1, $0x0;
	vm11 =	vgt.s32 v2, $0x0;
	vm1 =	vgt.s32 v3, $0x0  }
0x51: {  	vm12 =	vgt.s32 v4, $0x0;
	vm13 =	vgt.s32 v5, $0x0;
	vm14 =	vgt.s32 v6, $0x0  }
0x52: {  	vm15 =	vgt.s32 v7, $0x0;
	vm4 =	vgt.s32 v8, $0x0;
	vm5 =	vgt.s32 v9, $0x0  }
0x53: {  	vm6 =	vgt.s32 v10, $0x0;
	vm7 =	vgt.s32 v11, $0x0;
	vm8 =	vgt.s32 v12, $0x0  }
0x54: {  	vm9 =	vgt.s32 v13, $0x0;
	v0 =	vnsel vm0, $0x0, v0;
	v1 =	vnsel vm10, $0x0, v1  }
0x55: {  	v2 =	vnsel vm11, $0x0, v2;
	v3 =	vnsel vm1, $0x0, v3;
	v4 =	vnsel vm12, $0x0, v4  }
0x56: {  	v5 =	vnsel vm13, $0x0, v5;
	v6 =	vnsel vm14, $0x0, v6;
	v7 =	vnsel vm15, $0x0, v7  }
0x57: {  	v8 =	vnsel vm4, $0x0, v8;
	v9 =	vnsel vm5, $0x0, v9;
	v10 =	vnsel vm6, $0x0, v10  }
0x58: {  	v11 =	vnsel vm7, $0x0, v11;
	v12 =	vnsel vm8, $0x0, v12;
	v0 =	vmin.u32 v0, $0xF423F  }
0x59: {  	v13 =	vnsel vm9, $0x0, v13;
	vm10 =	vgt.s32 v14, $0x0;
	v1 =	vmin.u32 v1, $0xF423F;
	[tilespmem:$0x200] =	vst v0  }
0x5a: {  	vm11 =	vgt.s32 v15, $0x0;
	vm12 =	vgt.s32 v16, $0x0;
	v2 =	vmin.u32 v2, $0xF423F;
	[tilespmem:$0x210] =	vst v1  }
0x5b: {  	vm13 =	vgt.s32 v17, $0x0;
	vm14 =	vgt.s32 v18, $0x0;
	v3 =	vmin.u32 v3, $0xF423F;
	[tilespmem:$0x220] =	vst v2  }
0x5c: {  	v29 =	vld [tilespmem:$0x190];
	vm6 =	vgt.s32 v27, $0x0;
	v14 =	vnsel vm10, $0x0, v14;
	v4 =	vmin.u32 v4, $0xF423F;
	[tilespmem:$0x230] =	vst v3  }
0x5d: {  	v5 =	vmin.u32 v5, $0xF423F;
	v15 =	vnsel vm11, $0x0, v15;
	v6 =	vmin.u32 v6, $0xF423F;
	[tilespmem:$0x240] =	vst v4  }
0x5e: {  	v16 =	vnsel vm12, $0x0, v16;
	v7 =	vmin.u32 v7, $0xF423F;
	v8 =	vmin.u32 v8, $0xF423F;
	[tilespmem:$0x250] =	vst v5  }
0x5f: {  	v9 =	vmin.u32 v9, $0xF423F;
	v28 =	vmin.u32 v10, $0xF423F;
	v32 =	vmin.u32 v11, $0xF423F;
	[tilespmem:$0x260] =	vst v6  }
0x60: {  	v51 =	vld [tilespmem:$0x1F0];
	v33 =	vmin.u32 v12, $0xF423F;
	v35 =	vmin.u32 v13, $0xF423F;
	v13 =	vtrunc.f32 v36;
	[tilespmem:$0x270] =	vst v7  }
0x61: {  	v10 =	vmul.f32 $1.000000000e+06, v29;
	vm12 =	vgt.s32 v57, $0x0;
	v0 =	vtrunc.f32 v19;
	[tilespmem:$0x280] =	vst v8  }
0x62: {  	v1 =	vnsel vm13, $0x0, v17;
	v2 =	vtrunc.f32 v60;
	v3 =	vnsel vm14, $0x0, v18;
	[tilespmem:$0x290] =	vst v9  }
0x63: {  	v17 =	vtrunc.f32 v61;
	v5 =	vnsel vm6, $0x0, v27;
	v7 =	vtrunc.f32 v30;
	[tilespmem:$0x2A0] =	vst v28  }
0x64: {  	v37 =	vmin.u32 v14, $0xF423F;
	[tilespmem:$0x2B0] =	vst v32;
	v40 =	vcvt.f32.s32 v13;
	v9 =	vcvt.f32.s32 v46  }
0x65: {  	v38 =	vmin.u32 v15, $0xF423F;
	[tilespmem:$0x2C0] =	vst v33;
	v60 =	vmul.f32 $1.000000000e+06, v51;
	v61 =	vtrunc.f32 v58  }
0x66: {  	v39 =	vmin.u32 v16, $0xF423F;
	[tilespmem:$0x2D0] =	vst v35;
	v0 =	vcvt.f32.s32 v0;
	v2 =	vcvt.f32.s32 v2  }
0x67: {  	v24 =	vcvt.f32.s32 v17;
	v7 =	vcvt.f32.s32 v7;
	v1 =	vmin.u32 v1, $0xF423F;
	[tilespmem:$0x2E0] =	vst v37  }
0x68: {  	v42 =	vtrunc.f32 v10;
	[tilespmem:$0x2F0] =	vst v38;
	v10 =	vtrunc.f32 v43;
	v53 =	vmin.u32 v5, $0xF423F  }
0x69: {  	[tilespmem:$0x300] =	vst v39;
	v45 =	vcvt.f32.s32 v42;
	vm8 =	vgt.s32 v40, $0x0;
	v10 =	vcvt.f32.s32 v10  }
0x6a: {  	[tilespmem:$0x310] =	vst v1;
	v1 =	vmin.u32 v3, $0xF423F;
	vm10 =	vgt.s32 v9, $0x0;
	v62 =	vtrunc.f32 v60  }
0x6b: {  	vm15 =	vgt.s32 v0, $0x0;
	vm4 =	vgt.s32 v2, $0x0;
	[tilespmem:$0x320] =	vst v1;
	v1 =	vnsel vm10, $0x0, v9  }
0x6c: {  	[tilespmem:$0x360] =	vst v53;
	vm5 =	vgt.s32 v24, $0x0;
	v0 =	vnsel vm15, $0x0, v0;
	v1 =	vmin.u32 v1, $0xF423F  }
0x6d: {  	vm7 =	vgt.s32 v7, $0x0;
	v2 =	vnsel vm4, $0x0, v2;
	v0 =	vmin.u32 v0, $0xF423F;
	[tilespmem:$0x3A0] =	vst v1  }
0x6e: {  	v48 =	vnsel vm8, $0x0, v40;
	v4 =	vnsel vm5, $0x0, v24;
	v2 =	vmin.u32 v2, $0xF423F;
	[tilespmem:$0x330] =	vst v0  }
0x6f: {  	v63 =	vcvt.f32.s32 v62;
	vm9 =	vgt.s32 v45, $0x0;
	[tilespmem:$0x340] =	vst v2;
	v2 =	vmin.u32 v4, $0xF423F  }
0x70: {  	v44 =	vnsel vm7, $0x0, v7;
	v3 =	vnsel vm9, $0x0, v45;
	[tilespmem:$0x350] =	vst v2;
	v2 =	vmin.u32 v48, $0xF423F  }
0x71: {  	vm11 =	vgt.s32 v10, $0x0;
	v3 =	vmin.u32 v3, $0xF423F;
	[tilespmem:$0x380] =	vst v2;
	v2 =	vcvt.f32.s32 v59  }
0x72: {  	v54 =	vmin.u32 v44, $0xF423F;
	v0 =	vnsel vm11, $0x0, v10;
	[tilespmem:$0x390] =	vst v3;
	v3 =	vcvt.f32.s32 v61  }
0x73: {  	v1 =	vnsel vm12, $0x0, v57;
	[tilespmem:$0x370] =	vst v54;
	v0 =	vmin.u32 v0, $0xF423F;
	vm13 =	vgt.s32 v2, $0x0  }
0x74: {  	[tilespmem:$0x3B0] =	vst v0;
	v0 =	vmin.u32 v1, $0xF423F;
	vm14 =	vgt.s32 v3, $0x0;
	v1 =	vnsel vm13, $0x0, v2  }
0x75: {  	vm15 =	vgt.s32 v63, $0x0;
	[tilespmem:$0x3C0] =	vst v0;
	v0 =	vmin.u32 v1, $0xF423F;
	v1 =	vnsel vm14, $0x0, v3  }
0x76: {  	[tilespmem:$0x3D0] =	vst v0;
	v0 =	vnsel vm15, $0x0, v63;
	v1 =	vmin.u32 v1, $0xF423F  }
0x77: {  	[tilespmem:$0x3E0] =	vst v1;
	v0 =	vmin.u32 v0, $0xF423F  }
0x78: {  	s30 =	simm.s32 $0x200;
	[tilespmem:$0x3F0] =	vst v0  }
0x79: {  	v0 =	vld [tilespmem:s30+$0x0];
	_ =	sdelay $0x4  }
0x7a: {  	v0 =	vshll.u32 v0, $0x4  }
0x7b: {  	(v2sf) =	vpush v0, $0x0  }
0x7c: {  	(v2sf) =	vpush v0, $0x1  }
0x7d: {  	(v2sf) =	vpush v0, $0x2;
	_ =	sdelay $0x1  }
0x7e: {  	(v2sf) =	vpush v0, $0x4;
	_ =	sdelay $0x1  }
0x7f: {  	(v2sf) =	vpush v0, $0x3  }
0x80: {  	(v2sf) =	vpush v0, $0x5  }
0x81: {  	s31 =	simm.s32 $0x2000;
	s28 =	simm.s32 $0x0;
	s0 =	simm.s32 $0x200;
	(v2sf) =	vpush v0, $0x6  }
.LBB2_2:
0x82: {  	p0 =	sne.s32 s31, $0xE000  }
0x83: {  	s9 =	sadd.s32 $0x480, s28;
	s23 =	sadd.s32 $0x980, s28;
	s2 =	smov.u32 s31  }
0x84: {  	s31 =	sadd.s32 $0x2000, s31;
	s6 =	sadd.s32 $0x780, s28;
	s17 =	sadd.s32 $0xA00, s28;
	(v2sf) =	vpush v0, $0x7  }
0x85: {  	s8 =	sadd.s32 $0x680, s28;
	s25 =	sadd.s32 $0x800, s28;
	s19 =	sadd.s32 $0xA80, s28  }
0x86: {  	s10 =	sadd.s32 $0x400, s28;
	s11 =	sadd.s32 $0x600, s28;
	(v2sf) =	vpush v0, $0x8  }
0x87: {  	s29 =	simm.s32 $0x0;
	s12 =	sadd.s32 $0x700, s28;
	s0 =	sadd.s32 $0x10, s0  }
0x88: {  	s13 =	sadd.s32 $0x500, s28;
	s5 =	sadd.s32 $0x900, s28;
	s7 =	spop (v2sf);
	(v2sf) =	vpush v0, $0x9  }
0x89: {  	s14 =	sand.u32 $0x1FFFFFF0, s7;
	s7 =	sadd.s32 $0x880, s28;
	s15 =	spop (v2sf)  }
0x8a: {  	s14 =	sadd.s32 s3, s14;
	s15 =	sand.u32 $0x1FFFFFF0, s15;
	s16 =	spop (v2sf);
	(v2sf) =	vpush v0, $0xA  }
0x8b: {  	[tilespmem:s10], [sflag:$0x1] =	stream.linear.gather [hbm4b:s14+s29], $0x80, $0x38;
	[tilespmem:$0x10400] =	vst v63  }
0x8c: {  	s10 =	sadd.s32 s3, s15;
	s14 =	sadd.s32 $0x580, s28;
	s15 =	spop (v2sf);
	(v2sf) =	vpush v0, $0xB  }
0x8d: {  	[tilespmem:s9], [sflag:$0x1] =	stream.linear.gather [hbm4b:s10+s29], $0x80, $0x38;
	[tilespmem:$0x10400] =	vst v63  }
0x8e: {  	s9 =	sand.u32 $0x1FFFFFF0, s16;
	s10 =	sand.u32 $0x1FFFFFF0, s15;
	s15 =	spop (v2sf);
	(v2sf) =	vpush v0, $0xC  }
0x8f: {  	s9 =	sadd.s32 s3, s9;
	s15 =	sand.u32 $0x1FFFFFF0, s15;
	s16 =	spop (v2sf)  }
0x90: {  	[tilespmem:s13], [sflag:$0x1] =	stream.linear.gather [hbm4b:s9+s29], $0x80, $0x38;
	(v2sf) =	vpush v0, $0xD;
	[tilespmem:$0x10400] =	vst v63  }
0x91: {  	s9 =	sadd.s32 s3, s15;
	s13 =	sand.u32 $0x1FFFFFF0, s16;
	s15 =	spop (v2sf)  }
0x92: {  	[tilespmem:s14], [sflag:$0x1] =	stream.linear.gather [hbm4b:s9+s29], $0x80, $0x38;
	(v2sf) =	vpush v0, $0xE;
	[tilespmem:$0x10400] =	vst v63  }
0x93: {  	s9 =	sadd.s32 s3, s10;
	s10 =	sand.u32 $0x1FFFFFF0, s15;
	s14 =	spop (v2sf)  }
0x94: {  	[tilespmem:s11], [sflag:$0x1] =	stream.linear.gather [hbm4b:s9+s29], $0x80, $0x38;
	(v2sf) =	vpush v0, $0xF;
	[tilespmem:$0x10400] =	vst v63  }
0x95: {  	s9 =	sadd.s32 s3, s13;
	s11 =	sand.u32 $0x1FFFFFF0, s14;
	s13 =	spop (v2sf)  }
0x96: {  	[tilespmem:s8], [sflag:$0x1] =	stream.linear.gather [hbm4b:s9+s29], $0x80, $0x38;
	[tilespmem:$0x10400] =	vst v63  }
0x97: {  	s8 =	sadd.s32 s3, s10;
	s9 =	sand.u32 $0x1FFFFFF0, s13;
	s10 =	spop (v2sf)  }
0x98: {  	[tilespmem:s12], [sflag:$0x1] =	stream.linear.gather [hbm4b:s8+s29], $0x80, $0x38;
	[tilespmem:$0x10400] =	vst v63  }
0x99: {  	s8 =	sadd.s32 s3, s11;
	s10 =	sand.u32 $0x1FFFFFF0, s10;
	s11 =	spop (v2sf)  }
0x9a: {  	[tilespmem:s6], [sflag:$0x1] =	stream.linear.gather [hbm4b:s8+s29], $0x80, $0x38;
	[tilespmem:$0x10400] =	vst v63  }
0x9b: {  	s6 =	sadd.s32 s3, s9;
	s8 =	sand.u32 $0x1FFFFFF0, s11;
	s9 =	spop (v2sf)  }
0x9c: {  	[tilespmem:s25], [sflag:$0x1] =	stream.linear.gather [hbm4b:s6+s29], $0x80, $0x38;
	[tilespmem:$0x10400] =	vst v63  }
0x9d: {  	s6 =	sadd.s32 s3, s10;
	s9 =	sand.u32 $0x1FFFFFF0, s9;
	s10 =	spop (v2sf)  }
0x9e: {  	[tilespmem:s7], [sflag:$0x1] =	stream.linear.gather [hbm4b:s6+s29], $0x80, $0x38;
	[tilespmem:$0x10400] =	vst v63  }
0x9f: {  	s6 =	sadd.s32 s3, s8;
	s7 =	sand.u32 $0x1FFFFFF0, s10;
	s8 =	spop (v2sf)  }
0xa0: {  	[tilespmem:s5], [sflag:$0x1] =	stream.linear.gather [hbm4b:s6+s29], $0x80, $0x38;
	[tilespmem:$0x10400] =	vst v63  }
0xa1: {  	s5 =	sadd.s32 s3, s9;
	s6 =	sand.u32 $0x1FFFFFF0, s8;
	s8 =	spop (v2sf)  }
0xa2: {  	[tilespmem:s23], [sflag:$0x1] =	stream.linear.gather [hbm4b:s5+s29], $0x80, $0x38;
	[tilespmem:$0x10400] =	vst v63  }
0xa3: {  	s5 =	sadd.s32 s3, s7;
	s7 =	sand.u32 $0x1FFFFFF0, s8;
	s8 =	spop (v2sf)  }
0xa4: {  	[tilespmem:s17], [sflag:$0x1] =	stream.linear.gather [hbm4b:s5+s29], $0x80, $0x38;
	[tilespmem:$0x10400] =	vst v63  }
0xa5: {  	s5 =	sadd.s32 s3, s6;
	s6 =	sand.u32 $0x1FFFFFF0, s8  }
0xa6: {  	[tilespmem:s19], [sflag:$0x1] =	stream.linear.gather [hbm4b:s5+s29], $0x80, $0x38;
	[tilespmem:$0x10400] =	vst v63  }
0xa7: {  	s7 =	sadd.s32 s3, s7;
	s5 =	sadd.s32 $0xB00, s28  }
0xa8: {  	[tilespmem:s5], [sflag:$0x1] =	stream.linear.gather [hbm4b:s7+s29], $0x80, $0x38;
	[tilespmem:$0x10400] =	vst v63  }
0xa9: {  	s6 =	sadd.s32 s3, s6;
	s5 =	sadd.s32 $0xB80, s28  }
0xaa: {  	[tilespmem:s5], [sflag:$0x1] =	stream.linear.gather [hbm4b:s6+s29], $0x80, $0x38;
	[tilespmem:$0x10400] =	vst v63  }
0xab: {  	v0 =	vld [tilespmem:s0+$0x0];
	_ =	sdelay $0x4  }
0xac: {  	v0 =	vshll.u32 v0, $0x4  }
0xad: {  	(v2sf) =	vpush v0, $0x0  }
0xae: {  	(v2sf) =	vpush v0, $0x1  }
0xaf: {  	(v2sf) =	vpush v0, $0x2;
	_ =	sdelay $0x1  }
0xb0: {  	(v2sf) =	vpush v0, $0x4  }
.Ltmp0:
0xb1: {  	(pc) =	sbr.rel @p0 .LBB2_2-.Ltmp0, $3  }
0xb2: {  	(v2sf) =	vpush v0, $0x3  }
0xb3: {  	(v2sf) =	vpush v0, $0x5;
	_ =	sdelay $0x1  }
0xb4: {  	s28 =	sshra.s32 s2, $0x2;
	(v2sf) =	vpush v0, $0x6  }
0xb5: {  	_ =	sdelay $0x1  }
0xb6: {  	s6 =	sadd.s32 $0x480, s28;
	s5 =	sadd.s32 $0x980, s28  }
0xb7: {  	s7 =	sadd.s32 $0x780, s28;
	s0 =	sadd.s32 $0xA00, s28;
	(v2sf) =	vpush v0, $0x7;
	s8 =	sadd.s32 $0x680, s28  }
0xb8: {  	s9 =	sadd.s32 $0x800, s28;
	s2 =	sadd.s32 $0xA80, s28;
	s10 =	sadd.s32 $0x400, s28  }
0xb9: {  	s11 =	sadd.s32 $0x600, s28;
	s12 =	sadd.s32 $0x700, s28;
	(v2sf) =	vpush v0, $0x8;
	s13 =	spop (v2sf)  }
0xba: {  	s14 =	sadd.s32 $0x500, s28;
	s13 =	sand.u32 $0x1FFFFFF0, s13;
	s15 =	spop (v2sf)  }
0xbb: {  	(v2sf) =	vpush v0, $0x9;
	s13 =	sadd.s32 s3, s13;
	s15 =	sand.u32 $0x1FFFFFF0, s15;
	s16 =	spop (v2sf)  }
0xbc: {  	[tilespmem:s10], [sflag:$0x1] =	stream.linear.gather [hbm4b:s13+s29], $0x80, $0x38;
	[tilespmem:$0x10400] =	vst v63  }
0xbd: {  	s17 =	sadd.s32 $0x580, s28;
	(v2sf) =	vpush v0, $0xA;
	s23 =	sadd.s32 s3, s15;
	s25 =	spop (v2sf)  }
0xbe: {  	[tilespmem:s6], [sflag:$0x1] =	stream.linear.gather [hbm4b:s23+s29], $0x80, $0x38;
	[tilespmem:$0x10400] =	vst v63  }
0xbf: {  	s10 =	sadd.s32 $0x900, s28;
	s16 =	sand.u32 $0x1FFFFFF0, s16;
	(v2sf) =	vpush v0, $0xB;
	s19 =	spop (v2sf)  }
0xc0: {  	s13 =	sadd.s32 s3, s16;
	s6 =	sadd.s32 $0x880, s28;
	s16 =	sand.u32 $0x1FFFFFF0, s19  }
0xc1: {  	(v2sf) =	vpush v0, $0xC;
	[tilespmem:s14], [sflag:$0x1] =	stream.linear.gather [hbm4b:s13+s29], $0x80, $0x38;
	[tilespmem:$0x10400] =	vst v63  }
0xc2: {  	s23 =	sand.u32 $0x1FFFFFF0, s25;
	s25 =	spop (v2sf);
	s16 =	sadd.s32 s3, s16  }
0xc3: {  	(v2sf) =	vpush v0, $0xD;
	[tilespmem:s17], [sflag:$0x1] =	stream.linear.gather [hbm4b:s16+s29], $0x80, $0x38;
	[tilespmem:$0x10400] =	vst v63  }
0xc4: {  	s13 =	sadd.s32 s3, s23;
	s14 =	sand.u32 $0x1FFFFFF0, s25;
	s19 =	spop (v2sf)  }
0xc5: {  	(v2sf) =	vpush v0, $0xE;
	[tilespmem:s11], [sflag:$0x1] =	stream.linear.gather [hbm4b:s13+s29], $0x80, $0x38;
	[tilespmem:$0x10400] =	vst v63  }
0xc6: {  	s14 =	sadd.s32 s3, s14;
	s23 =	sand.u32 $0x1FFFFFF0, s19;
	s25 =	spop (v2sf)  }
0xc7: {  	(v2sf) =	vpush v0, $0xF;
	[tilespmem:s8], [sflag:$0x1] =	stream.linear.gather [hbm4b:s14+s29], $0x80, $0x38;
	[tilespmem:$0x10400] =	vst v63  }
0xc8: {  	s15 =	spop (v2sf);
	s11 =	sadd.s32 s3, s23;
	s14 =	sand.u32 $0x1FFFFFF0, s25  }
0xc9: {  	[tilespmem:s12], [sflag:$0x1] =	stream.linear.gather [hbm4b:s11+s29], $0x80, $0x38;
	[tilespmem:$0x10400] =	vst v63  }
0xca: {  	s16 =	sand.u32 $0x1FFFFFF0, s15;
	s8 =	sadd.s32 s3, s14;
	s17 =	spop (v2sf)  }
0xcb: {  	[tilespmem:s7], [sflag:$0x1] =	stream.linear.gather [hbm4b:s8+s29], $0x80, $0x38;
	[tilespmem:$0x10400] =	vst v63  }
0xcc: {  	s11 =	sadd.s32 s3, s16;
	s19 =	sand.u32 $0x1FFFFFF0, s17;
	s23 =	spop (v2sf)  }
0xcd: {  	[tilespmem:s9], [sflag:$0x1] =	stream.linear.gather [hbm4b:s11+s29], $0x80, $0x38;
	[tilespmem:$0x10400] =	vst v63  }
0xce: {  	s8 =	sand.u32 $0x1FFFFFF0, s23;
	s7 =	sadd.s32 s3, s19;
	s25 =	spop (v2sf)  }
0xcf: {  	[tilespmem:s6], [sflag:$0x1] =	stream.linear.gather [hbm4b:s7+s29], $0x80, $0x38;
	[tilespmem:$0x10400] =	vst v63  }
0xd0: {  	s8 =	sadd.s32 s3, s8;
	s11 =	sand.u32 $0x1FFFFFF0, s25;
	s12 =	spop (v2sf)  }
0xd1: {  	[tilespmem:s10], [sflag:$0x1] =	stream.linear.gather [hbm4b:s8+s29], $0x80, $0x38;
	[tilespmem:$0x10400] =	vst v63  }
0xd2: {  	s6 =	sadd.s32 s3, s11;
	s7 =	sand.u32 $0x1FFFFFF0, s12;
	s13 =	spop (v2sf)  }
0xd3: {  	[tilespmem:s5], [sflag:$0x1] =	stream.linear.gather [hbm4b:s6+s29], $0x80, $0x38;
	[tilespmem:$0x10400] =	vst v63  }
0xd4: {  	s14 =	sand.u32 $0x1FFFFFF0, s13;
	s7 =	sadd.s32 s3, s7;
	s15 =	spop (v2sf)  }
0xd5: {  	[tilespmem:s0], [sflag:$0x1] =	stream.linear.gather [hbm4b:s7+s29], $0x80, $0x38;
	[tilespmem:$0x10400] =	vst v63  }
0xd6: {  	s16 =	sand.u32 $0x1FFFFFF0, s15;
	s17 =	spop (v2sf);
	s5 =	sadd.s32 s3, s14  }
0xd7: {  	[tilespmem:s2], [sflag:$0x1] =	stream.linear.gather [hbm4b:s5+s29], $0x80, $0x38;
	[tilespmem:$0x10400] =	vst v63  }
0xd8: {  	s23 =	sadd.s32 $0xB00, s28;
	s19 =	sand.u32 $0x1FFFFFF0, s17;
	s0 =	sadd.s32 s3, s16  }
0xd9: {  	[tilespmem:s23], [sflag:$0x1] =	stream.linear.gather [hbm4b:s0+s29], $0x80, $0x38;
	[tilespmem:$0x10400] =	vst v63  }
0xda: {  	s25 =	sadd.s32 $0xB80, s28;
	s2 =	sadd.s32 s3, s19  }
0xdb: {  	[tilespmem:s25], [sflag:$0x1] =	stream.linear.gather [hbm4b:s2+s29], $0x80, $0x38;
	[tilespmem:$0x10400] =	vst v63  }
0xdc: {  	v0 =	vld [tilespmem:s30+$0x0];
	_ =	sdelay $0x4  }
0xdd: {  	v0 =	vshll.u32 v0, $0x4  }
0xde: {  	(v2sf) =	vpush v0, $0x0  }
0xdf: {  	(v2sf) =	vpush v0, $0x1  }
0xe0: {  	(v2sf) =	vpush v0, $0x2;
	_ =	sdelay $0x1  }
0xe1: {  	(v2sf) =	vpush v0, $0x4;
	_ =	sdelay $0x1  }
0xe2: {  	(v2sf) =	vpush v0, $0x3  }
0xe3: {  	(v2sf) =	vpush v0, $0x5  }
0xe4: {  	s31 =	simm.s32 $0x0;
	s28 =	simm.s32 $0x280;
	s0 =	simm.s32 $0x2000;
	(v2sf) =	vpush v0, $0x6  }
.LBB2_4:
0xe5: {  	p0 =	sne.s32 s0, $0xE000  }
0xe6: {  	s9 =	sadd.s32 $0x8480, s31;
	s23 =	sadd.s32 $0x8980, s31;
	s2 =	smov.u32 s0  }
0xe7: {  	s0 =	sadd.s32 $0x2000, s0;
	s25 =	sadd.s32 $0x8780, s31;
	s17 =	sadd.s32 $0x8A00, s31;
	(v2sf) =	vpush v0, $0x7  }
0xe8: {  	s8 =	sadd.s32 $0x8680, s31;
	s6 =	sadd.s32 $0x8800, s31;
	s19 =	sadd.s32 $0x8A80, s31  }
0xe9: {  	s10 =	sadd.s32 $0x8400, s31;
	s11 =	sadd.s32 $0x8600, s31;
	(v2sf) =	vpush v0, $0x8  }
0xea: {  	s12 =	sadd.s32 $0x8700, s31;
	s30 =	sadd.s32 $0x10, s30  }
0xeb: {  	s13 =	sadd.s32 $0x8500, s31;
	s5 =	sadd.s32 $0x8900, s31;
	s7 =	spop (v2sf);
	(v2sf) =	vpush v0, $0x9  }
0xec: {  	s14 =	sand.u32 $0x1FFFFFF0, s7;
	s7 =	sadd.s32 $0x8880, s31;
	s15 =	spop (v2sf)  }
0xed: {  	s14 =	sadd.s32 s4, s14;
	s15 =	sand.u32 $0x1FFFFFF0, s15;
	s16 =	spop (v2sf);
	(v2sf) =	vpush v0, $0xA  }
0xee: {  	[tilespmem:s10], [sflag:$0x3] =	stream.linear.gather [hbm4b:s14+s29], $0x80, $0x38;
	[tilespmem:$0x10400] =	vst v63  }
0xef: {  	s10 =	sadd.s32 s4, s15;
	s14 =	sadd.s32 $0x8580, s31;
	s15 =	spop (v2sf);
	(v2sf) =	vpush v0, $0xB  }
0xf0: {  	[tilespmem:s9], [sflag:$0x3] =	stream.linear.gather [hbm4b:s10+s29], $0x80, $0x38;
	[tilespmem:$0x10400] =	vst v63  }
0xf1: {  	s9 =	sand.u32 $0x1FFFFFF0, s16;
	s10 =	sand.u32 $0x1FFFFFF0, s15;
	s15 =	spop (v2sf);
	(v2sf) =	vpush v0, $0xC  }
0xf2: {  	s9 =	sadd.s32 s4, s9;
	s15 =	sand.u32 $0x1FFFFFF0, s15;
	s16 =	spop (v2sf)  }
0xf3: {  	[tilespmem:s13], [sflag:$0x3] =	stream.linear.gather [hbm4b:s9+s29], $0x80, $0x38;
	(v2sf) =	vpush v0, $0xD;
	[tilespmem:$0x10400] =	vst v63  }
0xf4: {  	s9 =	sadd.s32 s4, s15;
	s13 =	sand.u32 $0x1FFFFFF0, s16;
	s15 =	spop (v2sf)  }
0xf5: {  	[tilespmem:s14], [sflag:$0x3] =	stream.linear.gather [hbm4b:s9+s29], $0x80, $0x38;
	(v2sf) =	vpush v0, $0xE;
	[tilespmem:$0x10400] =	vst v63  }
0xf6: {  	s9 =	sadd.s32 s4, s10;
	s10 =	sand.u32 $0x1FFFFFF0, s15;
	s14 =	spop (v2sf)  }
0xf7: {  	[tilespmem:s11], [sflag:$0x3] =	stream.linear.gather [hbm4b:s9+s29], $0x80, $0x38;
	(v2sf) =	vpush v0, $0xF;
	[tilespmem:$0x10400] =	vst v63  }
0xf8: {  	s9 =	sadd.s32 s4, s13;
	s11 =	sand.u32 $0x1FFFFFF0, s14;
	s13 =	spop (v2sf)  }
0xf9: {  	[tilespmem:s8], [sflag:$0x3] =	stream.linear.gather [hbm4b:s9+s29], $0x80, $0x38;
	[tilespmem:$0x10400] =	vst v63  }
0xfa: {  	s8 =	sadd.s32 s4, s10;
	s9 =	sand.u32 $0x1FFFFFF0, s13;
	s10 =	spop (v2sf)  }
0xfb: {  	[tilespmem:s12], [sflag:$0x3] =	stream.linear.gather [hbm4b:s8+s29], $0x80, $0x38;
	[tilespmem:$0x10400] =	vst v63  }
0xfc: {  	s8 =	sadd.s32 s4, s11;
	s10 =	sand.u32 $0x1FFFFFF0, s10;
	s11 =	spop (v2sf)  }
0xfd: {  	[tilespmem:s25], [sflag:$0x3] =	stream.linear.gather [hbm4b:s8+s29], $0x80, $0x38;
	[tilespmem:$0x10400] =	vst v63  }
0xfe: {  	s8 =	sadd.s32 s4, s9;
	s9 =	sand.u32 $0x1FFFFFF0, s11;
	s11 =	spop (v2sf)  }
0xff: {  	[tilespmem:s6], [sflag:$0x3] =	stream.linear.gather [hbm4b:s8+s29], $0x80, $0x38;
	[tilespmem:$0x10400] =	vst v63  }
0x100: {  	s6 =	sadd.s32 s4, s10;
	s8 =	sand.u32 $0x1FFFFFF0, s11;
	s10 =	spop (v2sf)  }
0x101: {  	[tilespmem:s7], [sflag:$0x3] =	stream.linear.gather [hbm4b:s6+s29], $0x80, $0x38;
	[tilespmem:$0x10400] =	vst v63  }
0x102: {  	s6 =	sadd.s32 s4, s9;
	s7 =	sand.u32 $0x1FFFFFF0, s10;
	s9 =	spop (v2sf)  }
0x103: {  	[tilespmem:s5], [sflag:$0x3] =	stream.linear.gather [hbm4b:s6+s29], $0x80, $0x38;
	[tilespmem:$0x10400] =	vst v63  }
0x104: {  	s5 =	sadd.s32 s4, s8;
	s6 =	sand.u32 $0x1FFFFFF0, s9;
	s8 =	spop (v2sf)  }
0x105: {  	[tilespmem:s23], [sflag:$0x3] =	stream.linear.gather [hbm4b:s5+s29], $0x80, $0x38;
	[tilespmem:$0x10400] =	vst v63  }
0x106: {  	s5 =	sadd.s32 s4, s7;
	s7 =	sand.u32 $0x1FFFFFF0, s8;
	s8 =	spop (v2sf)  }
0x107: {  	[tilespmem:s17], [sflag:$0x3] =	stream.linear.gather [hbm4b:s5+s29], $0x80, $0x38;
	[tilespmem:$0x10400] =	vst v63  }
0x108: {  	s5 =	sadd.s32 s4, s6;
	s6 =	sand.u32 $0x1FFFFFF0, s8  }
0x109: {  	[tilespmem:s19], [sflag:$0x3] =	stream.linear.gather [hbm4b:s5+s29], $0x80, $0x38;
	[tilespmem:$0x10400] =	vst v63  }
0x10a: {  	s7 =	sadd.s32 s4, s7;
	s5 =	sadd.s32 $0x8B00, s31  }
0x10b: {  	[tilespmem:s5], [sflag:$0x3] =	stream.linear.gather [hbm4b:s7+s29], $0x80, $0x38;
	[tilespmem:$0x10400] =	vst v63  }
0x10c: {  	s6 =	sadd.s32 s4, s6;
	s5 =	sadd.s32 $0x8B80, s31  }
0x10d: {  	[tilespmem:s5], [sflag:$0x3] =	stream.linear.gather [hbm4b:s6+s29], $0x80, $0x38;
	[tilespmem:$0x10400] =	vst v63  }
0x10e: {  	v0 =	vld [tilespmem:s30+$0x0];
	_ =	sdelay $0x4  }
0x10f: {  	v0 =	vshll.u32 v0, $0x4  }
0x110: {  	(v2sf) =	vpush v0, $0x0  }
0x111: {  	(v2sf) =	vpush v0, $0x1  }
0x112: {  	(v2sf) =	vpush v0, $0x2;
	_ =	sdelay $0x1  }
0x113: {  	(v2sf) =	vpush v0, $0x4  }
.Ltmp1:
0x114: {  	(pc) =	sbr.rel @p0 .LBB2_4-.Ltmp1, $3  }
0x115: {  	(v2sf) =	vpush v0, $0x3  }
0x116: {  	(v2sf) =	vpush v0, $0x5;
	_ =	sdelay $0x1  }
0x117: {  	s31 =	sshra.s32 s2, $0x2;
	(v2sf) =	vpush v0, $0x6  }
0x118: {  	_ =	sdelay $0x1  }
0x119: {  	s6 =	sadd.s32 $0x8480, s31;
	s5 =	sadd.s32 $0x8980, s31  }
0x11a: {  	s7 =	sadd.s32 $0x8780, s31;
	s0 =	sadd.s32 $0x8A00, s31;
	(v2sf) =	vpush v0, $0x7;
	s8 =	sadd.s32 $0x8680, s31  }
0x11b: {  	s9 =	sadd.s32 $0x8800, s31;
	s2 =	sadd.s32 $0x8A80, s31;
	s10 =	sadd.s32 $0x8400, s31  }
0x11c: {  	s11 =	sadd.s32 $0x8600, s31;
	s12 =	sadd.s32 $0x8700, s31;
	(v2sf) =	vpush v0, $0x8;
	s13 =	spop (v2sf)  }
0x11d: {  	s14 =	sadd.s32 $0x8500, s31;
	s13 =	sand.u32 $0x1FFFFFF0, s13;
	s15 =	spop (v2sf)  }
0x11e: {  	(v2sf) =	vpush v0, $0x9;
	s13 =	sadd.s32 s4, s13;
	s15 =	sand.u32 $0x1FFFFFF0, s15;
	s16 =	spop (v2sf)  }
0x11f: {  	[tilespmem:s10], [sflag:$0x3] =	stream.linear.gather [hbm4b:s13+s29], $0x80, $0x38;
	[tilespmem:$0x10400] =	vst v63  }
0x120: {  	s17 =	sadd.s32 $0x8580, s31;
	(v2sf) =	vpush v0, $0xA;
	s23 =	sadd.s32 s4, s15;
	s25 =	spop (v2sf)  }
0x121: {  	[tilespmem:s6], [sflag:$0x3] =	stream.linear.gather [hbm4b:s23+s29], $0x80, $0x38;
	[tilespmem:$0x10400] =	vst v63  }
0x122: {  	s10 =	sadd.s32 $0x8900, s31;
	s16 =	sand.u32 $0x1FFFFFF0, s16;
	(v2sf) =	vpush v0, $0xB;
	s19 =	spop (v2sf)  }
0x123: {  	s13 =	sadd.s32 s4, s16;
	s6 =	sadd.s32 $0x8880, s31;
	s16 =	sand.u32 $0x1FFFFFF0, s19  }
0x124: {  	(v2sf) =	vpush v0, $0xC;
	[tilespmem:s14], [sflag:$0x3] =	stream.linear.gather [hbm4b:s13+s29], $0x80, $0x38;
	[tilespmem:$0x10400] =	vst v63  }
0x125: {  	s23 =	sand.u32 $0x1FFFFFF0, s25;
	s25 =	spop (v2sf);
	s16 =	sadd.s32 s4, s16  }
0x126: {  	(v2sf) =	vpush v0, $0xD;
	[tilespmem:s17], [sflag:$0x3] =	stream.linear.gather [hbm4b:s16+s29], $0x80, $0x38;
	[tilespmem:$0x10400] =	vst v63  }
0x127: {  	s13 =	sadd.s32 s4, s23;
	s14 =	sand.u32 $0x1FFFFFF0, s25;
	s19 =	spop (v2sf)  }
0x128: {  	(v2sf) =	vpush v0, $0xE;
	[tilespmem:s11], [sflag:$0x3] =	stream.linear.gather [hbm4b:s13+s29], $0x80, $0x38;
	[tilespmem:$0x10400] =	vst v63  }
0x129: {  	s14 =	sadd.s32 s4, s14;
	s23 =	sand.u32 $0x1FFFFFF0, s19;
	s25 =	spop (v2sf)  }
0x12a: {  	(v2sf) =	vpush v0, $0xF;
	[tilespmem:s8], [sflag:$0x3] =	stream.linear.gather [hbm4b:s14+s29], $0x80, $0x38;
	[tilespmem:$0x10400] =	vst v63  }
0x12b: {  	s15 =	spop (v2sf);
	s11 =	sadd.s32 s4, s23;
	s14 =	sand.u32 $0x1FFFFFF0, s25  }
0x12c: {  	[tilespmem:s12], [sflag:$0x3] =	stream.linear.gather [hbm4b:s11+s29], $0x80, $0x38;
	[tilespmem:$0x10400] =	vst v63  }
0x12d: {  	s16 =	sand.u32 $0x1FFFFFF0, s15;
	s8 =	sadd.s32 s4, s14;
	s17 =	spop (v2sf)  }
0x12e: {  	[tilespmem:s7], [sflag:$0x3] =	stream.linear.gather [hbm4b:s8+s29], $0x80, $0x38;
	[tilespmem:$0x10400] =	vst v63  }
0x12f: {  	s11 =	sadd.s32 s4, s16;
	s19 =	sand.u32 $0x1FFFFFF0, s17;
	s23 =	spop (v2sf)  }
0x130: {  	[tilespmem:s9], [sflag:$0x3] =	stream.linear.gather [hbm4b:s11+s29], $0x80, $0x38;
	[tilespmem:$0x10400] =	vst v63  }
0x131: {  	s8 =	sand.u32 $0x1FFFFFF0, s23;
	s7 =	sadd.s32 s4, s19;
	s25 =	spop (v2sf)  }
0x132: {  	[tilespmem:s6], [sflag:$0x3] =	stream.linear.gather [hbm4b:s7+s29], $0x80, $0x38;
	[tilespmem:$0x10400] =	vst v63  }
0x133: {  	s8 =	sadd.s32 s4, s8;
	s11 =	sand.u32 $0x1FFFFFF0, s25;
	s12 =	spop (v2sf)  }
0x134: {  	[tilespmem:s10], [sflag:$0x3] =	stream.linear.gather [hbm4b:s8+s29], $0x80, $0x38;
	[tilespmem:$0x10400] =	vst v63  }
0x135: {  	s6 =	sadd.s32 s4, s11;
	s7 =	sand.u32 $0x1FFFFFF0, s12;
	s13 =	spop (v2sf)  }
0x136: {  	[tilespmem:s5], [sflag:$0x3] =	stream.linear.gather [hbm4b:s6+s29], $0x80, $0x38;
	[tilespmem:$0x10400] =	vst v63  }
0x137: {  	s14 =	sand.u32 $0x1FFFFFF0, s13;
	s7 =	sadd.s32 s4, s7;
	s15 =	spop (v2sf)  }
0x138: {  	[tilespmem:s0], [sflag:$0x3] =	stream.linear.gather [hbm4b:s7+s29], $0x80, $0x38;
	[tilespmem:$0x10400] =	vst v63  }
0x139: {  	s16 =	sand.u32 $0x1FFFFFF0, s15;
	s17 =	spop (v2sf);
	s5 =	sadd.s32 s4, s14  }
0x13a: {  	[tilespmem:s2], [sflag:$0x3] =	stream.linear.gather [hbm4b:s5+s29], $0x80, $0x38;
	[tilespmem:$0x10400] =	vst v63  }
0x13b: {  	s23 =	sadd.s32 $0x8B00, s31;
	s19 =	sand.u32 $0x1FFFFFF0, s17;
	s0 =	sadd.s32 s4, s16  }
0x13c: {  	[tilespmem:s23], [sflag:$0x3] =	stream.linear.gather [hbm4b:s0+s29], $0x80, $0x38;
	[tilespmem:$0x10400] =	vst v63  }
0x13d: {  	s25 =	sadd.s32 $0x8B80, s31;
	s2 =	sadd.s32 s4, s19  }
0x13e: {  	[tilespmem:s25], [sflag:$0x3] =	stream.linear.gather [hbm4b:s2+s29], $0x80, $0x38;
	[tilespmem:$0x10400] =	vst v63  }
0x13f: {  	v0 =	vld [tilespmem:s28+$0x0];
	_ =	sdelay $0x4  }
0x140: {  	v0 =	vshll.u32 v0, $0x4  }
0x141: {  	(v2sf) =	vpush v0, $0x0  }
0x142: {  	(v2sf) =	vpush v0, $0x1  }
0x143: {  	(v2sf) =	vpush v0, $0x2;
	_ =	sdelay $0x1  }
0x144: {  	(v2sf) =	vpush v0, $0x4;
	_ =	sdelay $0x1  }
0x145: {  	(v2sf) =	vpush v0, $0x3  }
0x146: {  	(v2sf) =	vpush v0, $0x5  }
0x147: {  	s30 =	simm.s32 $0x0;
	s31 =	simm.s32 $0x2000;
	s0 =	simm.s32 $0x280;
	(v2sf) =	vpush v0, $0x6  }
.LBB2_6:
0x148: {  	p0 =	sne.s32 s31, $0xE000  }
0x149: {  	s9 =	sadd.s32 $0x4480, s30;
	s23 =	sadd.s32 $0x4980, s30;
	s2 =	smov.u32 s31  }
0x14a: {  	s31 =	sadd.s32 $0x2000, s31;
	s6 =	sadd.s32 $0x4780, s30;
	s17 =	sadd.s32 $0x4A00, s30;
	(v2sf) =	vpush v0, $0x7  }
0x14b: {  	s8 =	sadd.s32 $0x4680, s30;
	s5 =	sadd.s32 $0x4800, s30;
	s19 =	sadd.s32 $0x4A80, s30  }
0x14c: {  	s10 =	sadd.s32 $0x4400, s30;
	s11 =	sadd.s32 $0x4600, s30;
	(v2sf) =	vpush v0, $0x8  }
0x14d: {  	s29 =	simm.s32 $0x0;
	s12 =	sadd.s32 $0x4700, s30;
	s0 =	sadd.s32 $0x10, s0  }
0x14e: {  	s13 =	sadd.s32 $0x4500, s30;
	s25 =	sadd.s32 $0x4900, s30;
	s7 =	spop (v2sf);
	(v2sf) =	vpush v0, $0x9  }
0x14f: {  	s14 =	sand.u32 $0x1FFFFFF0, s7;
	s7 =	sadd.s32 $0x4880, s30;
	s15 =	spop (v2sf)  }
0x150: {  	s14 =	sadd.s32 s3, s14;
	s15 =	sand.u32 $0x1FFFFFF0, s15;
	s16 =	spop (v2sf);
	(v2sf) =	vpush v0, $0xA  }
0x151: {  	[tilespmem:s10], [sflag:$0x2] =	stream.linear.gather [hbm4b:s14+s29], $0x80, $0x38;
	[tilespmem:$0x10400] =	vst v63  }
0x152: {  	s10 =	sadd.s32 s3, s15;
	s14 =	sadd.s32 $0x4580, s30;
	s15 =	spop (v2sf);
	(v2sf) =	vpush v0, $0xB  }
0x153: {  	[tilespmem:s9], [sflag:$0x2] =	stream.linear.gather [hbm4b:s10+s29], $0x80, $0x38;
	[tilespmem:$0x10400] =	vst v63  }
0x154: {  	s9 =	sand.u32 $0x1FFFFFF0, s16;
	s10 =	sand.u32 $0x1FFFFFF0, s15;
	s15 =	spop (v2sf);
	(v2sf) =	vpush v0, $0xC  }
0x155: {  	s9 =	sadd.s32 s3, s9;
	s15 =	sand.u32 $0x1FFFFFF0, s15;
	s16 =	spop (v2sf)  }
0x156: {  	[tilespmem:s13], [sflag:$0x2] =	stream.linear.gather [hbm4b:s9+s29], $0x80, $0x38;
	(v2sf) =	vpush v0, $0xD;
	[tilespmem:$0x10400] =	vst v63  }
0x157: {  	s9 =	sadd.s32 s3, s15;
	s13 =	sand.u32 $0x1FFFFFF0, s16;
	s15 =	spop (v2sf)  }
0x158: {  	[tilespmem:s14], [sflag:$0x2] =	stream.linear.gather [hbm4b:s9+s29], $0x80, $0x38;
	(v2sf) =	vpush v0, $0xE;
	[tilespmem:$0x10400] =	vst v63  }
0x159: {  	s9 =	sadd.s32 s3, s10;
	s10 =	sand.u32 $0x1FFFFFF0, s15;
	s14 =	spop (v2sf)  }
0x15a: {  	[tilespmem:s11], [sflag:$0x2] =	stream.linear.gather [hbm4b:s9+s29], $0x80, $0x38;
	(v2sf) =	vpush v0, $0xF;
	[tilespmem:$0x10400] =	vst v63  }
0x15b: {  	s9 =	sadd.s32 s3, s13;
	s11 =	sand.u32 $0x1FFFFFF0, s14;
	s13 =	spop (v2sf)  }
0x15c: {  	[tilespmem:s8], [sflag:$0x2] =	stream.linear.gather [hbm4b:s9+s29], $0x80, $0x38;
	[tilespmem:$0x10400] =	vst v63  }
0x15d: {  	s8 =	sadd.s32 s3, s10;
	s9 =	sand.u32 $0x1FFFFFF0, s13;
	s10 =	spop (v2sf)  }
0x15e: {  	[tilespmem:s12], [sflag:$0x2] =	stream.linear.gather [hbm4b:s8+s29], $0x80, $0x38;
	[tilespmem:$0x10400] =	vst v63  }
0x15f: {  	s8 =	sadd.s32 s3, s11;
	s10 =	sand.u32 $0x1FFFFFF0, s10;
	s11 =	spop (v2sf)  }
0x160: {  	[tilespmem:s6], [sflag:$0x2] =	stream.linear.gather [hbm4b:s8+s29], $0x80, $0x38;
	[tilespmem:$0x10400] =	vst v63  }
0x161: {  	s6 =	sadd.s32 s3, s9;
	s8 =	sand.u32 $0x1FFFFFF0, s11;
	s9 =	spop (v2sf)  }
0x162: {  	[tilespmem:s5], [sflag:$0x2] =	stream.linear.gather [hbm4b:s6+s29], $0x80, $0x38;
	[tilespmem:$0x10400] =	vst v63  }
0x163: {  	s5 =	sadd.s32 s3, s10;
	s6 =	sand.u32 $0x1FFFFFF0, s9;
	s9 =	spop (v2sf)  }
0x164: {  	[tilespmem:s7], [sflag:$0x2] =	stream.linear.gather [hbm4b:s5+s29], $0x80, $0x38;
	[tilespmem:$0x10400] =	vst v63  }
0x165: {  	s5 =	sadd.s32 s3, s8;
	s7 =	sand.u32 $0x1FFFFFF0, s9;
	s8 =	spop (v2sf)  }
0x166: {  	[tilespmem:s25], [sflag:$0x2] =	stream.linear.gather [hbm4b:s5+s29], $0x80, $0x38;
	[tilespmem:$0x10400] =	vst v63  }
0x167: {  	s5 =	sadd.s32 s3, s6;
	s6 =	sand.u32 $0x1FFFFFF0, s8;
	s8 =	spop (v2sf)  }
0x168: {  	[tilespmem:s23], [sflag:$0x2] =	stream.linear.gather [hbm4b:s5+s29], $0x80, $0x38;
	[tilespmem:$0x10400] =	vst v63  }
0x169: {  	s5 =	sadd.s32 s3, s7;
	s7 =	sand.u32 $0x1FFFFFF0, s8;
	s8 =	spop (v2sf)  }
0x16a: {  	[tilespmem:s17], [sflag:$0x2] =	stream.linear.gather [hbm4b:s5+s29], $0x80, $0x38;
	[tilespmem:$0x10400] =	vst v63  }
0x16b: {  	s5 =	sadd.s32 s3, s6;
	s6 =	sand.u32 $0x1FFFFFF0, s8  }
0x16c: {  	[tilespmem:s19], [sflag:$0x2] =	stream.linear.gather [hbm4b:s5+s29], $0x80, $0x38;
	[tilespmem:$0x10400] =	vst v63  }
0x16d: {  	s7 =	sadd.s32 s3, s7;
	s5 =	sadd.s32 $0x4B00, s30  }
0x16e: {  	[tilespmem:s5], [sflag:$0x2] =	stream.linear.gather [hbm4b:s7+s29], $0x80, $0x38;
	[tilespmem:$0x10400] =	vst v63  }
0x16f: {  	s6 =	sadd.s32 s3, s6;
	s5 =	sadd.s32 $0x4B80, s30  }
0x170: {  	[tilespmem:s5], [sflag:$0x2] =	stream.linear.gather [hbm4b:s6+s29], $0x80, $0x38;
	[tilespmem:$0x10400] =	vst v63  }
0x171: {  	v0 =	vld [tilespmem:s0+$0x0];
	_ =	sdelay $0x4  }
0x172: {  	v0 =	vshll.u32 v0, $0x4  }
0x173: {  	(v2sf) =	vpush v0, $0x0  }
0x174: {  	(v2sf) =	vpush v0, $0x1  }
0x175: {  	(v2sf) =	vpush v0, $0x2;
	_ =	sdelay $0x1  }
0x176: {  	(v2sf) =	vpush v0, $0x4  }
.Ltmp2:
0x177: {  	(pc) =	sbr.rel @p0 .LBB2_6-.Ltmp2, $3  }
0x178: {  	(v2sf) =	vpush v0, $0x3  }
0x179: {  	(v2sf) =	vpush v0, $0x5;
	_ =	sdelay $0x1  }
0x17a: {  	s30 =	sshra.s32 s2, $0x2;
	(v2sf) =	vpush v0, $0x6  }
0x17b: {  	_ =	sdelay $0x1  }
0x17c: {  	s6 =	sadd.s32 $0x4480, s30;
	s5 =	sadd.s32 $0x4980, s30  }
0x17d: {  	s7 =	sadd.s32 $0x4780, s30;
	s0 =	sadd.s32 $0x4A00, s30;
	(v2sf) =	vpush v0, $0x7;
	s8 =	sadd.s32 $0x4680, s30  }
0x17e: {  	s9 =	sadd.s32 $0x4800, s30;
	s2 =	sadd.s32 $0x4A80, s30;
	s10 =	sadd.s32 $0x4400, s30  }
0x17f: {  	s11 =	sadd.s32 $0x4600, s30;
	s12 =	sadd.s32 $0x4700, s30;
	(v2sf) =	vpush v0, $0x8;
	s13 =	spop (v2sf)  }
0x180: {  	s14 =	sadd.s32 $0x4500, s30;
	s13 =	sand.u32 $0x1FFFFFF0, s13;
	s15 =	spop (v2sf)  }
0x181: {  	(v2sf) =	vpush v0, $0x9;
	s13 =	sadd.s32 s3, s13;
	s15 =	sand.u32 $0x1FFFFFF0, s15;
	s16 =	spop (v2sf)  }
0x182: {  	[tilespmem:s10], [sflag:$0x2] =	stream.linear.gather [hbm4b:s13+s29], $0x80, $0x38;
	[tilespmem:$0x10400] =	vst v63  }
0x183: {  	(v2sf) =	vpush v0, $0xA;
	s17 =	sadd.s32 s3, s15;
	s23 =	sand.u32 $0x1FFFFFF0, s16;
	s19 =	spop (v2sf)  }
0x184: {  	[tilespmem:s6], [sflag:$0x2] =	stream.linear.gather [hbm4b:s17+s29], $0x80, $0x38;
	[tilespmem:$0x10400] =	vst v63  }
0x185: {  	s10 =	sadd.s32 $0x4900, s30;
	(v2sf) =	vpush v0, $0xB;
	s13 =	sadd.s32 s3, s23;
	s25 =	spop (v2sf)  }
0x186: {  	s6 =	sadd.s32 $0x4880, s30;
	s17 =	sadd.s32 $0x4580, s30;
	s16 =	sand.u32 $0x1FFFFFF0, s25  }
0x187: {  	(v2sf) =	vpush v0, $0xC;
	[tilespmem:s14], [sflag:$0x2] =	stream.linear.gather [hbm4b:s13+s29], $0x80, $0x38;
	[tilespmem:$0x10400] =	vst v63  }
0x188: {  	s31 =	sand.u32 $0x1FFFFFF0, s19;
	s19 =	spop (v2sf);
	s23 =	sadd.s32 s3, s16  }
0x189: {  	(v2sf) =	vpush v0, $0xD;
	[tilespmem:s17], [sflag:$0x2] =	stream.linear.gather [hbm4b:s23+s29], $0x80, $0x38;
	[tilespmem:$0x10400] =	vst v63  }
0x18a: {  	s13 =	sadd.s32 s3, s31;
	s14 =	sand.u32 $0x1FFFFFF0, s19;
	s25 =	spop (v2sf)  }
0x18b: {  	(v2sf) =	vpush v0, $0xE;
	[tilespmem:s11], [sflag:$0x2] =	stream.linear.gather [hbm4b:s13+s29], $0x80, $0x38;
	[tilespmem:$0x10400] =	vst v63  }
0x18c: {  	s14 =	sadd.s32 s3, s14;
	s31 =	sand.u32 $0x1FFFFFF0, s25;
	s15 =	spop (v2sf)  }
0x18d: {  	(v2sf) =	vpush v0, $0xF;
	[tilespmem:s8], [sflag:$0x2] =	stream.linear.gather [hbm4b:s14+s29], $0x80, $0x38;
	[tilespmem:$0x10400] =	vst v63  }
0x18e: {  	s16 =	sand.u32 $0x1FFFFFF0, s15;
	s17 =	spop (v2sf);
	s11 =	sadd.s32 s3, s31  }
0x18f: {  	[tilespmem:s12], [sflag:$0x2] =	stream.linear.gather [hbm4b:s11+s29], $0x80, $0x38;
	[tilespmem:$0x10400] =	vst v63  }
0x190: {  	s19 =	sand.u32 $0x1FFFFFF0, s17;
	s8 =	sadd.s32 s3, s16;
	s23 =	spop (v2sf)  }
0x191: {  	[tilespmem:s7], [sflag:$0x2] =	stream.linear.gather [hbm4b:s8+s29], $0x80, $0x38;
	[tilespmem:$0x10400] =	vst v63  }
0x192: {  	s11 =	sadd.s32 s3, s19;
	s25 =	sand.u32 $0x1FFFFFF0, s23;
	s31 =	spop (v2sf)  }
0x193: {  	[tilespmem:s9], [sflag:$0x2] =	stream.linear.gather [hbm4b:s11+s29], $0x80, $0x38;
	[tilespmem:$0x10400] =	vst v63  }
0x194: {  	s8 =	sand.u32 $0x1FFFFFF0, s31;
	s7 =	sadd.s32 s3, s25;
	s11 =	spop (v2sf)  }
0x195: {  	[tilespmem:s6], [sflag:$0x2] =	stream.linear.gather [hbm4b:s7+s29], $0x80, $0x38;
	[tilespmem:$0x10400] =	vst v63  }
0x196: {  	s8 =	sadd.s32 s3, s8;
	s12 =	sand.u32 $0x1FFFFFF0, s11;
	s13 =	spop (v2sf)  }
0x197: {  	[tilespmem:s10], [sflag:$0x2] =	stream.linear.gather [hbm4b:s8+s29], $0x80, $0x38;
	[tilespmem:$0x10400] =	vst v63  }
0x198: {  	s6 =	sadd.s32 s3, s12;
	s7 =	sand.u32 $0x1FFFFFF0, s13;
	s14 =	spop (v2sf)  }
0x199: {  	[tilespmem:s5], [sflag:$0x2] =	stream.linear.gather [hbm4b:s6+s29], $0x80, $0x38;
	[tilespmem:$0x10400] =	vst v63  }
0x19a: {  	s15 =	sand.u32 $0x1FFFFFF0, s14;
	s7 =	sadd.s32 s3, s7;
	s16 =	spop (v2sf)  }
0x19b: {  	[tilespmem:s0], [sflag:$0x2] =	stream.linear.gather [hbm4b:s7+s29], $0x80, $0x38;
	[tilespmem:$0x10400] =	vst v63  }
0x19c: {  	s17 =	sand.u32 $0x1FFFFFF0, s16;
	s19 =	spop (v2sf);
	s5 =	sadd.s32 s3, s15  }
0x19d: {  	[tilespmem:s2], [sflag:$0x2] =	stream.linear.gather [hbm4b:s5+s29], $0x80, $0x38;
	[tilespmem:$0x10400] =	vst v63  }
0x19e: {  	s25 =	sadd.s32 $0x4B00, s30;
	s23 =	sand.u32 $0x1FFFFFF0, s19;
	s0 =	sadd.s32 s3, s17  }
0x19f: {  	[tilespmem:s25], [sflag:$0x2] =	stream.linear.gather [hbm4b:s0+s29], $0x80, $0x38;
	[tilespmem:$0x10400] =	vst v63  }
0x1a0: {  	s31 =	sadd.s32 $0x4B80, s30;
	s2 =	sadd.s32 s3, s23  }
0x1a1: {  	[tilespmem:s31], [sflag:$0x2] =	stream.linear.gather [hbm4b:s2+s29], $0x80, $0x38;
	[tilespmem:$0x10400] =	vst v63  }
0x1a2: {  	v0 =	vld [tilespmem:s28+$0x0];
	_ =	sdelay $0x4  }
0x1a3: {  	v0 =	vshll.u32 v0, $0x4  }
0x1a4: {  	(v2sf) =	vpush v0, $0x0  }
0x1a5: {  	(v2sf) =	vpush v0, $0x1  }
0x1a6: {  	(v2sf) =	vpush v0, $0x2;
	_ =	sdelay $0x1  }
0x1a7: {  	(v2sf) =	vpush v0, $0x4;
	_ =	sdelay $0x1  }
0x1a8: {  	(v2sf) =	vpush v0, $0x3  }
0x1a9: {  	(v2sf) =	vpush v0, $0x5  }
0x1aa: {  	s0 =	simm.s32 $0x2000;
	s29 =	simm.s32 $0x0;
	(v2sf) =	vpush v0, $0x6  }
.LBB2_8:
0x1ab: {  	p0 =	sne.s32 s0, $0xE000  }
0x1ac: {  	s9 =	sadd.s32 $0xC480, s29;
	s23 =	sadd.s32 $0xC980, s29;
	s2 =	smov.u32 s0  }
0x1ad: {  	s0 =	sadd.s32 $0x2000, s0;
	s25 =	sadd.s32 $0xC780, s29;
	s17 =	sadd.s32 $0xCA00, s29;
	(v2sf) =	vpush v0, $0x7  }
0x1ae: {  	s8 =	sadd.s32 $0xC680, s29;
	s6 =	sadd.s32 $0xC800, s29;
	s19 =	sadd.s32 $0xCA80, s29  }
0x1af: {  	s10 =	sadd.s32 $0xC400, s29;
	s11 =	sadd.s32 $0xC600, s29;
	(v2sf) =	vpush v0, $0x8  }
0x1b0: {  	s12 =	sadd.s32 $0xC700, s29;
	s28 =	sadd.s32 $0x10, s28  }
0x1b1: {  	s13 =	sadd.s32 $0xC500, s29;
	s5 =	sadd.s32 $0xC900, s29;
	s7 =	spop (v2sf);
	(v2sf) =	vpush v0, $0x9  }
0x1b2: {  	s14 =	sand.u32 $0x1FFFFFF0, s7;
	s7 =	sadd.s32 $0xC880, s29;
	s15 =	spop (v2sf)  }
0x1b3: {  	s14 =	sadd.s32 s4, s14;
	s15 =	sand.u32 $0x1FFFFFF0, s15;
	s16 =	spop (v2sf);
	(v2sf) =	vpush v0, $0xA  }
0x1b4: {  	[tilespmem:s10], [sflag:$0x4] =	stream.linear.gather [hbm4b:s14+s1], $0x80, $0x38;
	[tilespmem:$0x10400] =	vst v63  }
0x1b5: {  	s10 =	sadd.s32 s4, s15;
	s14 =	sadd.s32 $0xC580, s29;
	s15 =	spop (v2sf);
	(v2sf) =	vpush v0, $0xB  }
0x1b6: {  	[tilespmem:s9], [sflag:$0x4] =	stream.linear.gather [hbm4b:s10+s1], $0x80, $0x38;
	[tilespmem:$0x10400] =	vst v63  }
0x1b7: {  	s9 =	sand.u32 $0x1FFFFFF0, s16;
	s10 =	sand.u32 $0x1FFFFFF0, s15;
	s15 =	spop (v2sf);
	(v2sf) =	vpush v0, $0xC  }
0x1b8: {  	s9 =	sadd.s32 s4, s9;
	s15 =	sand.u32 $0x1FFFFFF0, s15;
	s16 =	spop (v2sf)  }
0x1b9: {  	[tilespmem:s13], [sflag:$0x4] =	stream.linear.gather [hbm4b:s9+s1], $0x80, $0x38;
	(v2sf) =	vpush v0, $0xD;
	[tilespmem:$0x10400] =	vst v63  }
0x1ba: {  	s9 =	sadd.s32 s4, s15;
	s13 =	sand.u32 $0x1FFFFFF0, s16;
	s15 =	spop (v2sf)  }
0x1bb: {  	[tilespmem:s14], [sflag:$0x4] =	stream.linear.gather [hbm4b:s9+s1], $0x80, $0x38;
	(v2sf) =	vpush v0, $0xE;
	[tilespmem:$0x10400] =	vst v63  }
0x1bc: {  	s9 =	sadd.s32 s4, s10;
	s10 =	sand.u32 $0x1FFFFFF0, s15;
	s14 =	spop (v2sf)  }
0x1bd: {  	[tilespmem:s11], [sflag:$0x4] =	stream.linear.gather [hbm4b:s9+s1], $0x80, $0x38;
	(v2sf) =	vpush v0, $0xF;
	[tilespmem:$0x10400] =	vst v63  }
0x1be: {  	s9 =	sadd.s32 s4, s13;
	s11 =	sand.u32 $0x1FFFFFF0, s14;
	s13 =	spop (v2sf)  }
0x1bf: {  	[tilespmem:s8], [sflag:$0x4] =	stream.linear.gather [hbm4b:s9+s1], $0x80, $0x38;
	[tilespmem:$0x10400] =	vst v63  }
0x1c0: {  	s8 =	sadd.s32 s4, s10;
	s9 =	sand.u32 $0x1FFFFFF0, s13;
	s10 =	spop (v2sf)  }
0x1c1: {  	[tilespmem:s12], [sflag:$0x4] =	stream.linear.gather [hbm4b:s8+s1], $0x80, $0x38;
	[tilespmem:$0x10400] =	vst v63  }
0x1c2: {  	s8 =	sadd.s32 s4, s11;
	s10 =	sand.u32 $0x1FFFFFF0, s10;
	s11 =	spop (v2sf)  }
0x1c3: {  	[tilespmem:s25], [sflag:$0x4] =	stream.linear.gather [hbm4b:s8+s1], $0x80, $0x38;
	[tilespmem:$0x10400] =	vst v63  }
0x1c4: {  	s8 =	sadd.s32 s4, s9;
	s9 =	sand.u32 $0x1FFFFFF0, s11;
	s11 =	spop (v2sf)  }
0x1c5: {  	[tilespmem:s6], [sflag:$0x4] =	stream.linear.gather [hbm4b:s8+s1], $0x80, $0x38;
	[tilespmem:$0x10400] =	vst v63  }
0x1c6: {  	s6 =	sadd.s32 s4, s10;
	s8 =	sand.u32 $0x1FFFFFF0, s11;
	s10 =	spop (v2sf)  }
0x1c7: {  	[tilespmem:s7], [sflag:$0x4] =	stream.linear.gather [hbm4b:s6+s1], $0x80, $0x38;
	[tilespmem:$0x10400] =	vst v63  }
0x1c8: {  	s6 =	sadd.s32 s4, s9;
	s7 =	sand.u32 $0x1FFFFFF0, s10;
	s9 =	spop (v2sf)  }
0x1c9: {  	[tilespmem:s5], [sflag:$0x4] =	stream.linear.gather [hbm4b:s6+s1], $0x80, $0x38;
	[tilespmem:$0x10400] =	vst v63  }
0x1ca: {  	s5 =	sadd.s32 s4, s8;
	s6 =	sand.u32 $0x1FFFFFF0, s9;
	s8 =	spop (v2sf)  }
0x1cb: {  	[tilespmem:s23], [sflag:$0x4] =	stream.linear.gather [hbm4b:s5+s1], $0x80, $0x38;
	[tilespmem:$0x10400] =	vst v63  }
0x1cc: {  	s5 =	sadd.s32 s4, s7;
	s7 =	sand.u32 $0x1FFFFFF0, s8;
	s8 =	spop (v2sf)  }
0x1cd: {  	[tilespmem:s17], [sflag:$0x4] =	stream.linear.gather [hbm4b:s5+s1], $0x80, $0x38;
	[tilespmem:$0x10400] =	vst v63  }
0x1ce: {  	s5 =	sadd.s32 s4, s6;
	s6 =	sand.u32 $0x1FFFFFF0, s8  }
0x1cf: {  	[tilespmem:s19], [sflag:$0x4] =	stream.linear.gather [hbm4b:s5+s1], $0x80, $0x38;
	[tilespmem:$0x10400] =	vst v63  }
0x1d0: {  	s7 =	sadd.s32 s4, s7;
	s5 =	sadd.s32 $0xCB00, s29  }
0x1d1: {  	[tilespmem:s5], [sflag:$0x4] =	stream.linear.gather [hbm4b:s7+s1], $0x80, $0x38;
	[tilespmem:$0x10400] =	vst v63  }
0x1d2: {  	s6 =	sadd.s32 s4, s6;
	s5 =	sadd.s32 $0xCB80, s29  }
0x1d3: {  	[tilespmem:s5], [sflag:$0x4] =	stream.linear.gather [hbm4b:s6+s1], $0x80, $0x38;
	[tilespmem:$0x10400] =	vst v63  }
0x1d4: {  	v0 =	vld [tilespmem:s28+$0x0];
	_ =	sdelay $0x4  }
0x1d5: {  	v0 =	vshll.u32 v0, $0x4  }
0x1d6: {  	(v2sf) =	vpush v0, $0x0  }
0x1d7: {  	(v2sf) =	vpush v0, $0x1  }
0x1d8: {  	(v2sf) =	vpush v0, $0x2;
	_ =	sdelay $0x1  }
0x1d9: {  	(v2sf) =	vpush v0, $0x4  }
.Ltmp3:
0x1da: {  	(pc) =	sbr.rel @p0 .LBB2_8-.Ltmp3, $3  }
0x1db: {  	(v2sf) =	vpush v0, $0x3  }
0x1dc: {  	(v2sf) =	vpush v0, $0x5;
	_ =	sdelay $0x1  }
0x1dd: {  	s29 =	sshra.s32 s2, $0x2;
	(v2sf) =	vpush v0, $0x6  }
0x1de: {  	_ =	sdelay $0x1  }
0x1df: {  	s6 =	sadd.s32 $0xC480, s29;
	s5 =	sadd.s32 $0xC980, s29  }
0x1e0: {  	s7 =	sadd.s32 $0xC780, s29;
	s0 =	sadd.s32 $0xCA00, s29;
	(v2sf) =	vpush v0, $0x7;
	s8 =	sadd.s32 $0xC680, s29  }
0x1e1: {  	s9 =	sadd.s32 $0xC800, s29;
	s2 =	sadd.s32 $0xCA80, s29;
	s10 =	sadd.s32 $0xC400, s29  }
0x1e2: {  	s11 =	sadd.s32 $0xC600, s29;
	s12 =	sadd.s32 $0xC700, s29;
	(v2sf) =	vpush v0, $0x8;
	s13 =	spop (v2sf)  }
0x1e3: {  	s14 =	sadd.s32 $0xC500, s29;
	s13 =	sand.u32 $0x1FFFFFF0, s13;
	s15 =	spop (v2sf)  }
0x1e4: {  	(v2sf) =	vpush v0, $0x9;
	s13 =	sadd.s32 s4, s13;
	s15 =	sand.u32 $0x1FFFFFF0, s15;
	s16 =	spop (v2sf)  }
0x1e5: {  	[tilespmem:s10], [sflag:$0x4] =	stream.linear.gather [hbm4b:s13+s1], $0x80, $0x38;
	[tilespmem:$0x10400] =	vst v63  }
0x1e6: {  	(v2sf) =	vpush v0, $0xA;
	s17 =	sadd.s32 s4, s15;
	s23 =	sand.u32 $0x1FFFFFF0, s16;
	s19 =	spop (v2sf)  }
0x1e7: {  	[tilespmem:s6], [sflag:$0x4] =	stream.linear.gather [hbm4b:s17+s1], $0x80, $0x38;
	[tilespmem:$0x10400] =	vst v63  }
0x1e8: {  	s10 =	sadd.s32 $0xC900, s29;
	(v2sf) =	vpush v0, $0xB;
	s13 =	sadd.s32 s4, s23;
	s25 =	spop (v2sf)  }
0x1e9: {  	s6 =	sadd.s32 $0xC880, s29;
	s17 =	sadd.s32 $0xC580, s29;
	s16 =	sand.u32 $0x1FFFFFF0, s25  }
0x1ea: {  	(v2sf) =	vpush v0, $0xC;
	[tilespmem:s14], [sflag:$0x4] =	stream.linear.gather [hbm4b:s13+s1], $0x80, $0x38;
	[tilespmem:$0x10400] =	vst v63  }
0x1eb: {  	s19 =	sand.u32 $0x1FFFFFF0, s19;
	s23 =	spop (v2sf);
	s25 =	sadd.s32 s4, s16  }
0x1ec: {  	(v2sf) =	vpush v0, $0xD;
	[tilespmem:s17], [sflag:$0x4] =	stream.linear.gather [hbm4b:s25+s1], $0x80, $0x38;
	[tilespmem:$0x10400] =	vst v63  }
0x1ed: {  	s13 =	sadd.s32 s4, s19;
	s14 =	sand.u32 $0x1FFFFFF0, s23;
	s16 =	spop (v2sf)  }
0x1ee: {  	(v2sf) =	vpush v0, $0xE;
	[tilespmem:s11], [sflag:$0x4] =	stream.linear.gather [hbm4b:s13+s1], $0x80, $0x38;
	[tilespmem:$0x10400] =	vst v63  }
0x1ef: {  	s14 =	sadd.s32 s4, s14;
	s17 =	sand.u32 $0x1FFFFFF0, s16;
	s19 =	spop (v2sf)  }
0x1f0: {  	(v2sf) =	vpush v0, $0xF;
	[tilespmem:s8], [sflag:$0x4] =	stream.linear.gather [hbm4b:s14+s1], $0x80, $0x38;
	[tilespmem:$0x10400] =	vst v63  }
0x1f1: {  	s23 =	sand.u32 $0x1FFFFFF0, s19;
	s25 =	spop (v2sf);
	s11 =	sadd.s32 s4, s17  }
0x1f2: {  	[tilespmem:s12], [sflag:$0x4] =	stream.linear.gather [hbm4b:s11+s1], $0x80, $0x38;
	[tilespmem:$0x10400] =	vst v63  }
0x1f3: {  	s14 =	sand.u32 $0x1FFFFFF0, s25;
	s8 =	sadd.s32 s4, s23;
	s15 =	spop (v2sf)  }
0x1f4: {  	[tilespmem:s7], [sflag:$0x4] =	stream.linear.gather [hbm4b:s8+s1], $0x80, $0x38;
	[tilespmem:$0x10400] =	vst v63  }
0x1f5: {  	s11 =	sadd.s32 s4, s14;
	s16 =	sand.u32 $0x1FFFFFF0, s15;
	s17 =	spop (v2sf)  }
0x1f6: {  	[tilespmem:s9], [sflag:$0x4] =	stream.linear.gather [hbm4b:s11+s1], $0x80, $0x38;
	[tilespmem:$0x10400] =	vst v63  }
0x1f7: {  	s8 =	sand.u32 $0x1FFFFFF0, s17;
	s7 =	sadd.s32 s4, s16;
	s19 =	spop (v2sf)  }
0x1f8: {  	[tilespmem:s6], [sflag:$0x4] =	stream.linear.gather [hbm4b:s7+s1], $0x80, $0x38;
	[tilespmem:$0x10400] =	vst v63  }
0x1f9: {  	s8 =	sadd.s32 s4, s8;
	s23 =	sand.u32 $0x1FFFFFF0, s19;
	s25 =	spop (v2sf)  }
0x1fa: {  	[tilespmem:s10], [sflag:$0x4] =	stream.linear.gather [hbm4b:s8+s1], $0x80, $0x38;
	[tilespmem:$0x10400] =	vst v63  }
0x1fb: {  	s6 =	sadd.s32 s4, s23;
	s7 =	sand.u32 $0x1FFFFFF0, s25;
	s9 =	spop (v2sf)  }
0x1fc: {  	[tilespmem:s5], [sflag:$0x4] =	stream.linear.gather [hbm4b:s6+s1], $0x80, $0x38;
	[tilespmem:$0x10400] =	vst v63  }
0x1fd: {  	s10 =	sand.u32 $0x1FFFFFF0, s9;
	s7 =	sadd.s32 s4, s7;
	s11 =	spop (v2sf)  }
0x1fe: {  	[tilespmem:s0], [sflag:$0x4] =	stream.linear.gather [hbm4b:s7+s1], $0x80, $0x38;
	[tilespmem:$0x10400] =	vst v63  }
0x1ff: {  	s12 =	sand.u32 $0x1FFFFFF0, s11;
	s13 =	spop (v2sf);
	s5 =	sadd.s32 s4, s10  }
0x200: {  	[tilespmem:s2], [sflag:$0x4] =	stream.linear.gather [hbm4b:s5+s1], $0x80, $0x38;
	[tilespmem:$0x10400] =	vst v63  }
0x201: {  	s15 =	sadd.s32 $0xCB00, s29;
	s14 =	sand.u32 $0x1FFFFFF0, s13;
	s0 =	sadd.s32 s4, s12  }
0x202: {  	[tilespmem:s15], [sflag:$0x4] =	stream.linear.gather [hbm4b:s0+s1], $0x80, $0x38;
	[tilespmem:$0x10400] =	vst v63  }
0x203: {  	s30 =	simm.s32 $0x1;
	s16 =	sadd.s32 $0xCB80, s29;
	s2 =	sadd.s32 s4, s14  }
0x204: {  	[tilespmem:s16], [sflag:$0x4] =	stream.linear.gather [hbm4b:s2+s1], $0x80, $0x38;
	[tilespmem:$0x10400] =	vst v63  }
0x205: {  	_ =	swait.ge [sflag:s30], $0x4000  }
0x206: {  	s31 =	simm.s32 $0x400;
	[sflag:s30] =	ssyncset.done $0x0  }
0x207: {  	s17 =	simm.s32 $0x0;
	s19 =	rddreg [dreg:$0x4];
	[sflag:s30] =	ssyncadd.s32 $0xFFFFC000  }
0x208: {  	[hbm4b:s19+s17] =	stream.linear.scatter [tilespmem:s31], [sflag:$0x5], $0x4000, $0x38;
	[tilespmem:$0x10400] =	vst v63  }
0x209: {  	_ =	swait.ge [sflag:s18], $0x4000  }
0x20a: {  	[sflag:s18] =	ssyncset.done $0x0  }
0x20b: {  	s25 =	simm.s32 $0x8400;
	s23 =	rddreg [dreg:$0x5];
	[sflag:s18] =	ssyncadd.s32 $0xFFFFC000  }
0x20c: {  	[hbm4b:s23+s17] =	stream.linear.scatter [tilespmem:s25], [sflag:$0x6], $0x4000, $0x38;
	[tilespmem:$0x10400] =	vst v63  }
0x20d: {  	_ =	swait.ge [sflag:s20], $0x4000  }
0x20e: {  	[sflag:s20] =	ssyncset.done $0x0  }
0x20f: {  	s29 =	simm.s32 $0x300;
	[sflag:s20] =	ssyncadd.s32 $0xFFFFC000  }
0x210: {  	v0 =	vld [tilespmem:s29+$0x0];
	_ =	sdelay $0x4  }
0x211: {  	v0 =	vshll.u32 v0, $0x4  }
0x212: {  	(v2sf) =	vpush v0, $0x0  }
0x213: {  	(v2sf) =	vpush v0, $0x1  }
0x214: {  	(v2sf) =	vpush v0, $0x2;
	_ =	sdelay $0x1  }
0x215: {  	(v2sf) =	vpush v0, $0x4;
	_ =	sdelay $0x1  }
0x216: {  	(v2sf) =	vpush v0, $0x3  }
0x217: {  	(v2sf) =	vpush v0, $0x5  }
0x218: {  	s28 =	simm.s32 $0x0;
	s0 =	simm.s32 $0x2000;
	(v2sf) =	vpush v0, $0x6  }
.LBB2_10:
0x219: {  	p0 =	sne.s32 s0, $0xE000  }
0x21a: {  	s9 =	sadd.s32 $0x480, s28;
	s23 =	sadd.s32 $0x980, s28;
	s2 =	smov.u32 s0  }
0x21b: {  	s0 =	sadd.s32 $0x2000, s0;
	s25 =	sadd.s32 $0x780, s28;
	s17 =	sadd.s32 $0xA00, s28;
	(v2sf) =	vpush v0, $0x7  }
0x21c: {  	s8 =	sadd.s32 $0x680, s28;
	s6 =	sadd.s32 $0x800, s28;
	s19 =	sadd.s32 $0xA80, s28  }
0x21d: {  	s10 =	sadd.s32 $0x400, s28;
	s11 =	sadd.s32 $0x600, s28;
	(v2sf) =	vpush v0, $0x8  }
0x21e: {  	s12 =	sadd.s32 $0x700, s28;
	s29 =	sadd.s32 $0x10, s29  }
0x21f: {  	s13 =	sadd.s32 $0x500, s28;
	s5 =	sadd.s32 $0x900, s28;
	s7 =	spop (v2sf);
	(v2sf) =	vpush v0, $0x9  }
0x220: {  	s14 =	sand.u32 $0x1FFFFFF0, s7;
	s7 =	sadd.s32 $0x880, s28;
	s15 =	spop (v2sf)  }
0x221: {  	s14 =	sadd.s32 s3, s14;
	s15 =	sand.u32 $0x1FFFFFF0, s15;
	s16 =	spop (v2sf);
	(v2sf) =	vpush v0, $0xA  }
0x222: {  	[tilespmem:s10], [sflag:$0x1] =	stream.linear.gather [hbm4b:s14+s1], $0x80, $0x38;
	[tilespmem:$0x10400] =	vst v63  }
0x223: {  	s10 =	sadd.s32 s3, s15;
	s14 =	sadd.s32 $0x580, s28;
	s15 =	spop (v2sf);
	(v2sf) =	vpush v0, $0xB  }
0x224: {  	[tilespmem:s9], [sflag:$0x1] =	stream.linear.gather [hbm4b:s10+s1], $0x80, $0x38;
	[tilespmem:$0x10400] =	vst v63  }
0x225: {  	s9 =	sand.u32 $0x1FFFFFF0, s16;
	s10 =	sand.u32 $0x1FFFFFF0, s15;
	s15 =	spop (v2sf);
	(v2sf) =	vpush v0, $0xC  }
0x226: {  	s9 =	sadd.s32 s3, s9;
	s15 =	sand.u32 $0x1FFFFFF0, s15;
	s16 =	spop (v2sf)  }
0x227: {  	[tilespmem:s13], [sflag:$0x1] =	stream.linear.gather [hbm4b:s9+s1], $0x80, $0x38;
	(v2sf) =	vpush v0, $0xD;
	[tilespmem:$0x10400] =	vst v63  }
0x228: {  	s9 =	sadd.s32 s3, s15;
	s13 =	sand.u32 $0x1FFFFFF0, s16;
	s15 =	spop (v2sf)  }
0x229: {  	[tilespmem:s14], [sflag:$0x1] =	stream.linear.gather [hbm4b:s9+s1], $0x80, $0x38;
	(v2sf) =	vpush v0, $0xE;
	[tilespmem:$0x10400] =	vst v63  }
0x22a: {  	s9 =	sadd.s32 s3, s10;
	s10 =	sand.u32 $0x1FFFFFF0, s15;
	s14 =	spop (v2sf)  }
0x22b: {  	[tilespmem:s11], [sflag:$0x1] =	stream.linear.gather [hbm4b:s9+s1], $0x80, $0x38;
	(v2sf) =	vpush v0, $0xF;
	[tilespmem:$0x10400] =	vst v63  }
0x22c: {  	s9 =	sadd.s32 s3, s13;
	s11 =	sand.u32 $0x1FFFFFF0, s14;
	s13 =	spop (v2sf)  }
0x22d: {  	[tilespmem:s8], [sflag:$0x1] =	stream.linear.gather [hbm4b:s9+s1], $0x80, $0x38;
	[tilespmem:$0x10400] =	vst v63  }
0x22e: {  	s8 =	sadd.s32 s3, s10;
	s9 =	sand.u32 $0x1FFFFFF0, s13;
	s10 =	spop (v2sf)  }
0x22f: {  	[tilespmem:s12], [sflag:$0x1] =	stream.linear.gather [hbm4b:s8+s1], $0x80, $0x38;
	[tilespmem:$0x10400] =	vst v63  }
0x230: {  	s8 =	sadd.s32 s3, s11;
	s10 =	sand.u32 $0x1FFFFFF0, s10;
	s11 =	spop (v2sf)  }
0x231: {  	[tilespmem:s25], [sflag:$0x1] =	stream.linear.gather [hbm4b:s8+s1], $0x80, $0x38;
	[tilespmem:$0x10400] =	vst v63  }
0x232: {  	s8 =	sadd.s32 s3, s9;
	s9 =	sand.u32 $0x1FFFFFF0, s11;
	s11 =	spop (v2sf)  }
0x233: {  	[tilespmem:s6], [sflag:$0x1] =	stream.linear.gather [hbm4b:s8+s1], $0x80, $0x38;
	[tilespmem:$0x10400] =	vst v63  }
0x234: {  	s6 =	sadd.s32 s3, s10;
	s8 =	sand.u32 $0x1FFFFFF0, s11;
	s10 =	spop (v2sf)  }
0x235: {  	[tilespmem:s7], [sflag:$0x1] =	stream.linear.gather [hbm4b:s6+s1], $0x80, $0x38;
	[tilespmem:$0x10400] =	vst v63  }
0x236: {  	s6 =	sadd.s32 s3, s9;
	s7 =	sand.u32 $0x1FFFFFF0, s10;
	s9 =	spop (v2sf)  }
0x237: {  	[tilespmem:s5], [sflag:$0x1] =	stream.linear.gather [hbm4b:s6+s1], $0x80, $0x38;
	[tilespmem:$0x10400] =	vst v63  }
0x238: {  	s5 =	sadd.s32 s3, s8;
	s6 =	sand.u32 $0x1FFFFFF0, s9;
	s8 =	spop (v2sf)  }
0x239: {  	[tilespmem:s23], [sflag:$0x1] =	stream.linear.gather [hbm4b:s5+s1], $0x80, $0x38;
	[tilespmem:$0x10400] =	vst v63  }
0x23a: {  	s5 =	sadd.s32 s3, s7;
	s7 =	sand.u32 $0x1FFFFFF0, s8;
	s8 =	spop (v2sf)  }
0x23b: {  	[tilespmem:s17], [sflag:$0x1] =	stream.linear.gather [hbm4b:s5+s1], $0x80, $0x38;
	[tilespmem:$0x10400] =	vst v63  }
0x23c: {  	s5 =	sadd.s32 s3, s6;
	s6 =	sand.u32 $0x1FFFFFF0, s8  }
0x23d: {  	[tilespmem:s19], [sflag:$0x1] =	stream.linear.gather [hbm4b:s5+s1], $0x80, $0x38;
	[tilespmem:$0x10400] =	vst v63  }
0x23e: {  	s7 =	sadd.s32 s3, s7;
	s5 =	sadd.s32 $0xB00, s28  }
0x23f: {  	[tilespmem:s5], [sflag:$0x1] =	stream.linear.gather [hbm4b:s7+s1], $0x80, $0x38;
	[tilespmem:$0x10400] =	vst v63  }
0x240: {  	s6 =	sadd.s32 s3, s6;
	s5 =	sadd.s32 $0xB80, s28  }
0x241: {  	[tilespmem:s5], [sflag:$0x1] =	stream.linear.gather [hbm4b:s6+s1], $0x80, $0x38;
	[tilespmem:$0x10400] =	vst v63  }
0x242: {  	v0 =	vld [tilespmem:s29+$0x0];
	_ =	sdelay $0x4  }
0x243: {  	v0 =	vshll.u32 v0, $0x4  }
0x244: {  	(v2sf) =	vpush v0, $0x0  }
0x245: {  	(v2sf) =	vpush v0, $0x1  }
0x246: {  	(v2sf) =	vpush v0, $0x2;
	_ =	sdelay $0x1  }
0x247: {  	(v2sf) =	vpush v0, $0x4  }
.Ltmp4:
0x248: {  	(pc) =	sbr.rel @p0 .LBB2_10-.Ltmp4, $3  }
0x249: {  	(v2sf) =	vpush v0, $0x3  }
0x24a: {  	(v2sf) =	vpush v0, $0x5;
	_ =	sdelay $0x1  }
0x24b: {  	s28 =	sshra.s32 s2, $0x2;
	(v2sf) =	vpush v0, $0x6  }
0x24c: {  	_ =	sdelay $0x1  }
0x24d: {  	s6 =	sadd.s32 $0x480, s28;
	s5 =	sadd.s32 $0x980, s28  }
0x24e: {  	s7 =	sadd.s32 $0x780, s28;
	s0 =	sadd.s32 $0xA00, s28;
	(v2sf) =	vpush v0, $0x7;
	s8 =	sadd.s32 $0x680, s28  }
0x24f: {  	s9 =	sadd.s32 $0x800, s28;
	s2 =	sadd.s32 $0xA80, s28;
	s10 =	sadd.s32 $0x400, s28  }
0x250: {  	s11 =	sadd.s32 $0x600, s28;
	s12 =	sadd.s32 $0x700, s28;
	(v2sf) =	vpush v0, $0x8;
	s13 =	spop (v2sf)  }
0x251: {  	s14 =	sadd.s32 $0x500, s28;
	s13 =	sand.u32 $0x1FFFFFF0, s13;
	s15 =	spop (v2sf)  }
0x252: {  	(v2sf) =	vpush v0, $0x9;
	s13 =	sadd.s32 s3, s13;
	s15 =	sand.u32 $0x1FFFFFF0, s15;
	s16 =	spop (v2sf)  }
0x253: {  	[tilespmem:s10], [sflag:$0x1] =	stream.linear.gather [hbm4b:s13+s1], $0x80, $0x38;
	[tilespmem:$0x10400] =	vst v63  }
0x254: {  	s17 =	sadd.s32 $0x580, s28;
	(v2sf) =	vpush v0, $0xA;
	s23 =	sadd.s32 s3, s15;
	s25 =	spop (v2sf)  }
0x255: {  	[tilespmem:s6], [sflag:$0x1] =	stream.linear.gather [hbm4b:s23+s1], $0x80, $0x38;
	[tilespmem:$0x10400] =	vst v63  }
0x256: {  	s10 =	sadd.s32 $0x900, s28;
	s16 =	sand.u32 $0x1FFFFFF0, s16;
	(v2sf) =	vpush v0, $0xB;
	s19 =	spop (v2sf)  }
0x257: {  	s13 =	sadd.s32 s3, s16;
	s6 =	sadd.s32 $0x880, s28;
	s16 =	sand.u32 $0x1FFFFFF0, s19  }
0x258: {  	(v2sf) =	vpush v0, $0xC;
	[tilespmem:s14], [sflag:$0x1] =	stream.linear.gather [hbm4b:s13+s1], $0x80, $0x38;
	[tilespmem:$0x10400] =	vst v63  }
0x259: {  	s23 =	sand.u32 $0x1FFFFFF0, s25;
	s25 =	spop (v2sf);
	s16 =	sadd.s32 s3, s16  }
0x25a: {  	(v2sf) =	vpush v0, $0xD;
	[tilespmem:s17], [sflag:$0x1] =	stream.linear.gather [hbm4b:s16+s1], $0x80, $0x38;
	[tilespmem:$0x10400] =	vst v63  }
0x25b: {  	s13 =	sadd.s32 s3, s23;
	s14 =	sand.u32 $0x1FFFFFF0, s25;
	s19 =	spop (v2sf)  }
0x25c: {  	(v2sf) =	vpush v0, $0xE;
	[tilespmem:s11], [sflag:$0x1] =	stream.linear.gather [hbm4b:s13+s1], $0x80, $0x38;
	[tilespmem:$0x10400] =	vst v63  }
0x25d: {  	s14 =	sadd.s32 s3, s14;
	s23 =	sand.u32 $0x1FFFFFF0, s19;
	s25 =	spop (v2sf)  }
0x25e: {  	(v2sf) =	vpush v0, $0xF;
	[tilespmem:s8], [sflag:$0x1] =	stream.linear.gather [hbm4b:s14+s1], $0x80, $0x38;
	[tilespmem:$0x10400] =	vst v63  }
0x25f: {  	s15 =	spop (v2sf);
	s11 =	sadd.s32 s3, s23;
	s14 =	sand.u32 $0x1FFFFFF0, s25  }
0x260: {  	[tilespmem:s12], [sflag:$0x1] =	stream.linear.gather [hbm4b:s11+s1], $0x80, $0x38;
	[tilespmem:$0x10400] =	vst v63  }
0x261: {  	s16 =	sand.u32 $0x1FFFFFF0, s15;
	s8 =	sadd.s32 s3, s14;
	s17 =	spop (v2sf)  }
0x262: {  	[tilespmem:s7], [sflag:$0x1] =	stream.linear.gather [hbm4b:s8+s1], $0x80, $0x38;
	[tilespmem:$0x10400] =	vst v63  }
0x263: {  	s11 =	sadd.s32 s3, s16;
	s19 =	sand.u32 $0x1FFFFFF0, s17;
	s23 =	spop (v2sf)  }
0x264: {  	[tilespmem:s9], [sflag:$0x1] =	stream.linear.gather [hbm4b:s11+s1], $0x80, $0x38;
	[tilespmem:$0x10400] =	vst v63  }
0x265: {  	s8 =	sand.u32 $0x1FFFFFF0, s23;
	s7 =	sadd.s32 s3, s19;
	s25 =	spop (v2sf)  }
0x266: {  	[tilespmem:s6], [sflag:$0x1] =	stream.linear.gather [hbm4b:s7+s1], $0x80, $0x38;
	[tilespmem:$0x10400] =	vst v63  }
0x267: {  	s8 =	sadd.s32 s3, s8;
	s11 =	sand.u32 $0x1FFFFFF0, s25;
	s12 =	spop (v2sf)  }
0x268: {  	[tilespmem:s10], [sflag:$0x1] =	stream.linear.gather [hbm4b:s8+s1], $0x80, $0x38;
	[tilespmem:$0x10400] =	vst v63  }
0x269: {  	s6 =	sadd.s32 s3, s11;
	s7 =	sand.u32 $0x1FFFFFF0, s12;
	s13 =	spop (v2sf)  }
0x26a: {  	[tilespmem:s5], [sflag:$0x1] =	stream.linear.gather [hbm4b:s6+s1], $0x80, $0x38;
	[tilespmem:$0x10400] =	vst v63  }
0x26b: {  	s14 =	sand.u32 $0x1FFFFFF0, s13;
	s7 =	sadd.s32 s3, s7;
	s15 =	spop (v2sf)  }
0x26c: {  	[tilespmem:s0], [sflag:$0x1] =	stream.linear.gather [hbm4b:s7+s1], $0x80, $0x38;
	[tilespmem:$0x10400] =	vst v63  }
0x26d: {  	s16 =	sand.u32 $0x1FFFFFF0, s15;
	s17 =	spop (v2sf);
	s5 =	sadd.s32 s3, s14  }
0x26e: {  	[tilespmem:s2], [sflag:$0x1] =	stream.linear.gather [hbm4b:s5+s1], $0x80, $0x38;
	[tilespmem:$0x10400] =	vst v63  }
0x26f: {  	s23 =	sadd.s32 $0xB00, s28;
	s19 =	sand.u32 $0x1FFFFFF0, s17;
	s0 =	sadd.s32 s3, s16  }
0x270: {  	[tilespmem:s23], [sflag:$0x1] =	stream.linear.gather [hbm4b:s0+s1], $0x80, $0x38;
	[tilespmem:$0x10400] =	vst v63  }
0x271: {  	s25 =	sadd.s32 $0xB80, s28;
	s2 =	sadd.s32 s3, s19  }
0x272: {  	[tilespmem:s25], [sflag:$0x1] =	stream.linear.gather [hbm4b:s2+s1], $0x80, $0x38;
	[tilespmem:$0x10400] =	vst v63  }
0x273: {  	_ =	swait.ge [sflag:s21], $0x4000  }
0x274: {  	[sflag:s21] =	ssyncset.done $0x0  }
0x275: {  	s29 =	simm.s32 $0x300;
	[sflag:s21] =	ssyncadd.s32 $0xFFFFC000  }
0x276: {  	v0 =	vld [tilespmem:s29+$0x0];
	_ =	sdelay $0x4  }
0x277: {  	v0 =	vshll.u32 v0, $0x4  }
0x278: {  	(v2sf) =	vpush v0, $0x0  }
0x279: {  	(v2sf) =	vpush v0, $0x1  }
0x27a: {  	(v2sf) =	vpush v0, $0x2;
	_ =	sdelay $0x1  }
0x27b: {  	(v2sf) =	vpush v0, $0x4;
	_ =	sdelay $0x1  }
0x27c: {  	(v2sf) =	vpush v0, $0x3  }
0x27d: {  	(v2sf) =	vpush v0, $0x5  }
0x27e: {  	s28 =	simm.s32 $0x0;
	s0 =	simm.s32 $0x2000;
	(v2sf) =	vpush v0, $0x6  }
.LBB2_12:
0x27f: {  	p0 =	sne.s32 s0, $0xE000  }
0x280: {  	s9 =	sadd.s32 $0x8480, s28;
	s23 =	sadd.s32 $0x8980, s28;
	s2 =	smov.u32 s0  }
0x281: {  	s0 =	sadd.s32 $0x2000, s0;
	s25 =	sadd.s32 $0x8780, s28;
	s17 =	sadd.s32 $0x8A00, s28;
	(v2sf) =	vpush v0, $0x7  }
0x282: {  	s8 =	sadd.s32 $0x8680, s28;
	s6 =	sadd.s32 $0x8800, s28;
	s19 =	sadd.s32 $0x8A80, s28  }
0x283: {  	s10 =	sadd.s32 $0x8400, s28;
	s11 =	sadd.s32 $0x8600, s28;
	(v2sf) =	vpush v0, $0x8  }
0x284: {  	s12 =	sadd.s32 $0x8700, s28;
	s29 =	sadd.s32 $0x10, s29  }
0x285: {  	s13 =	sadd.s32 $0x8500, s28;
	s5 =	sadd.s32 $0x8900, s28;
	s7 =	spop (v2sf);
	(v2sf) =	vpush v0, $0x9  }
0x286: {  	s14 =	sand.u32 $0x1FFFFFF0, s7;
	s7 =	sadd.s32 $0x8880, s28;
	s15 =	spop (v2sf)  }
0x287: {  	s14 =	sadd.s32 s4, s14;
	s15 =	sand.u32 $0x1FFFFFF0, s15;
	s16 =	spop (v2sf);
	(v2sf) =	vpush v0, $0xA  }
0x288: {  	[tilespmem:s10], [sflag:$0x3] =	stream.linear.gather [hbm4b:s14+s1], $0x80, $0x38;
	[tilespmem:$0x10400] =	vst v63  }
0x289: {  	s10 =	sadd.s32 s4, s15;
	s14 =	sadd.s32 $0x8580, s28;
	s15 =	spop (v2sf);
	(v2sf) =	vpush v0, $0xB  }
0x28a: {  	[tilespmem:s9], [sflag:$0x3] =	stream.linear.gather [hbm4b:s10+s1], $0x80, $0x38;
	[tilespmem:$0x10400] =	vst v63  }
0x28b: {  	s9 =	sand.u32 $0x1FFFFFF0, s16;
	s10 =	sand.u32 $0x1FFFFFF0, s15;
	s15 =	spop (v2sf);
	(v2sf) =	vpush v0, $0xC  }
0x28c: {  	s9 =	sadd.s32 s4, s9;
	s15 =	sand.u32 $0x1FFFFFF0, s15;
	s16 =	spop (v2sf)  }
0x28d: {  	[tilespmem:s13], [sflag:$0x3] =	stream.linear.gather [hbm4b:s9+s1], $0x80, $0x38;
	(v2sf) =	vpush v0, $0xD;
	[tilespmem:$0x10400] =	vst v63  }
0x28e: {  	s9 =	sadd.s32 s4, s15;
	s13 =	sand.u32 $0x1FFFFFF0, s16;
	s15 =	spop (v2sf)  }
0x28f: {  	[tilespmem:s14], [sflag:$0x3] =	stream.linear.gather [hbm4b:s9+s1], $0x80, $0x38;
	(v2sf) =	vpush v0, $0xE;
	[tilespmem:$0x10400] =	vst v63  }
0x290: {  	s9 =	sadd.s32 s4, s10;
	s10 =	sand.u32 $0x1FFFFFF0, s15;
	s14 =	spop (v2sf)  }
0x291: {  	[tilespmem:s11], [sflag:$0x3] =	stream.linear.gather [hbm4b:s9+s1], $0x80, $0x38;
	(v2sf) =	vpush v0, $0xF;
	[tilespmem:$0x10400] =	vst v63  }
0x292: {  	s9 =	sadd.s32 s4, s13;
	s11 =	sand.u32 $0x1FFFFFF0, s14;
	s13 =	spop (v2sf)  }
0x293: {  	[tilespmem:s8], [sflag:$0x3] =	stream.linear.gather [hbm4b:s9+s1], $0x80, $0x38;
	[tilespmem:$0x10400] =	vst v63  }
0x294: {  	s8 =	sadd.s32 s4, s10;
	s9 =	sand.u32 $0x1FFFFFF0, s13;
	s10 =	spop (v2sf)  }
0x295: {  	[tilespmem:s12], [sflag:$0x3] =	stream.linear.gather [hbm4b:s8+s1], $0x80, $0x38;
	[tilespmem:$0x10400] =	vst v63  }
0x296: {  	s8 =	sadd.s32 s4, s11;
	s10 =	sand.u32 $0x1FFFFFF0, s10;
	s11 =	spop (v2sf)  }
0x297: {  	[tilespmem:s25], [sflag:$0x3] =	stream.linear.gather [hbm4b:s8+s1], $0x80, $0x38;
	[tilespmem:$0x10400] =	vst v63  }
0x298: {  	s8 =	sadd.s32 s4, s9;
	s9 =	sand.u32 $0x1FFFFFF0, s11;
	s11 =	spop (v2sf)  }
0x299: {  	[tilespmem:s6], [sflag:$0x3] =	stream.linear.gather [hbm4b:s8+s1], $0x80, $0x38;
	[tilespmem:$0x10400] =	vst v63  }
0x29a: {  	s6 =	sadd.s32 s4, s10;
	s8 =	sand.u32 $0x1FFFFFF0, s11;
	s10 =	spop (v2sf)  }
0x29b: {  	[tilespmem:s7], [sflag:$0x3] =	stream.linear.gather [hbm4b:s6+s1], $0x80, $0x38;
	[tilespmem:$0x10400] =	vst v63  }
0x29c: {  	s6 =	sadd.s32 s4, s9;
	s7 =	sand.u32 $0x1FFFFFF0, s10;
	s9 =	spop (v2sf)  }
0x29d: {  	[tilespmem:s5], [sflag:$0x3] =	stream.linear.gather [hbm4b:s6+s1], $0x80, $0x38;
	[tilespmem:$0x10400] =	vst v63  }
0x29e: {  	s5 =	sadd.s32 s4, s8;
	s6 =	sand.u32 $0x1FFFFFF0, s9;
	s8 =	spop (v2sf)  }
0x29f: {  	[tilespmem:s23], [sflag:$0x3] =	stream.linear.gather [hbm4b:s5+s1], $0x80, $0x38;
	[tilespmem:$0x10400] =	vst v63  }
0x2a0: {  	s5 =	sadd.s32 s4, s7;
	s7 =	sand.u32 $0x1FFFFFF0, s8;
	s8 =	spop (v2sf)  }
0x2a1: {  	[tilespmem:s17], [sflag:$0x3] =	stream.linear.gather [hbm4b:s5+s1], $0x80, $0x38;
	[tilespmem:$0x10400] =	vst v63  }
0x2a2: {  	s5 =	sadd.s32 s4, s6;
	s6 =	sand.u32 $0x1FFFFFF0, s8  }
0x2a3: {  	[tilespmem:s19], [sflag:$0x3] =	stream.linear.gather [hbm4b:s5+s1], $0x80, $0x38;
	[tilespmem:$0x10400] =	vst v63  }
0x2a4: {  	s7 =	sadd.s32 s4, s7;
	s5 =	sadd.s32 $0x8B00, s28  }
0x2a5: {  	[tilespmem:s5], [sflag:$0x3] =	stream.linear.gather [hbm4b:s7+s1], $0x80, $0x38;
	[tilespmem:$0x10400] =	vst v63  }
0x2a6: {  	s6 =	sadd.s32 s4, s6;
	s5 =	sadd.s32 $0x8B80, s28  }
0x2a7: {  	[tilespmem:s5], [sflag:$0x3] =	stream.linear.gather [hbm4b:s6+s1], $0x80, $0x38;
	[tilespmem:$0x10400] =	vst v63  }
0x2a8: {  	v0 =	vld [tilespmem:s29+$0x0];
	_ =	sdelay $0x4  }
0x2a9: {  	v0 =	vshll.u32 v0, $0x4  }
0x2aa: {  	(v2sf) =	vpush v0, $0x0  }
0x2ab: {  	(v2sf) =	vpush v0, $0x1  }
0x2ac: {  	(v2sf) =	vpush v0, $0x2;
	_ =	sdelay $0x1  }
0x2ad: {  	(v2sf) =	vpush v0, $0x4  }
.Ltmp5:
0x2ae: {  	(pc) =	sbr.rel @p0 .LBB2_12-.Ltmp5, $3  }
0x2af: {  	(v2sf) =	vpush v0, $0x3  }
0x2b0: {  	(v2sf) =	vpush v0, $0x5;
	_ =	sdelay $0x1  }
0x2b1: {  	s28 =	sshra.s32 s2, $0x2;
	(v2sf) =	vpush v0, $0x6  }
0x2b2: {  	_ =	sdelay $0x1  }
0x2b3: {  	s6 =	sadd.s32 $0x8480, s28;
	s5 =	sadd.s32 $0x8980, s28  }
0x2b4: {  	s7 =	sadd.s32 $0x8780, s28;
	s0 =	sadd.s32 $0x8A00, s28;
	(v2sf) =	vpush v0, $0x7;
	s8 =	sadd.s32 $0x8680, s28  }
0x2b5: {  	s9 =	sadd.s32 $0x8800, s28;
	s2 =	sadd.s32 $0x8A80, s28;
	s10 =	sadd.s32 $0x8400, s28  }
0x2b6: {  	s11 =	sadd.s32 $0x8600, s28;
	s12 =	sadd.s32 $0x8700, s28;
	(v2sf) =	vpush v0, $0x8;
	s13 =	spop (v2sf)  }
0x2b7: {  	s14 =	sadd.s32 $0x8500, s28;
	s13 =	sand.u32 $0x1FFFFFF0, s13;
	s15 =	spop (v2sf)  }
0x2b8: {  	(v2sf) =	vpush v0, $0x9;
	s13 =	sadd.s32 s4, s13;
	s15 =	sand.u32 $0x1FFFFFF0, s15;
	s16 =	spop (v2sf)  }
0x2b9: {  	[tilespmem:s10], [sflag:$0x3] =	stream.linear.gather [hbm4b:s13+s1], $0x80, $0x38;
	[tilespmem:$0x10400] =	vst v63  }
0x2ba: {  	(v2sf) =	vpush v0, $0xA;
	s17 =	sadd.s32 s4, s15;
	s23 =	sand.u32 $0x1FFFFFF0, s16;
	s19 =	spop (v2sf)  }
0x2bb: {  	[tilespmem:s6], [sflag:$0x3] =	stream.linear.gather [hbm4b:s17+s1], $0x80, $0x38;
	[tilespmem:$0x10400] =	vst v63  }
0x2bc: {  	s10 =	sadd.s32 $0x8900, s28;
	(v2sf) =	vpush v0, $0xB;
	s13 =	sadd.s32 s4, s23;
	s25 =	spop (v2sf)  }
0x2bd: {  	s6 =	sadd.s32 $0x8880, s28;
	s17 =	sadd.s32 $0x8580, s28;
	s16 =	sand.u32 $0x1FFFFFF0, s25  }
0x2be: {  	(v2sf) =	vpush v0, $0xC;
	[tilespmem:s14], [sflag:$0x3] =	stream.linear.gather [hbm4b:s13+s1], $0x80, $0x38;
	[tilespmem:$0x10400] =	vst v63  }
0x2bf: {  	s19 =	sand.u32 $0x1FFFFFF0, s19;
	s23 =	spop (v2sf);
	s25 =	sadd.s32 s4, s16  }
0x2c0: {  	(v2sf) =	vpush v0, $0xD;
	[tilespmem:s17], [sflag:$0x3] =	stream.linear.gather [hbm4b:s25+s1], $0x80, $0x38;
	[tilespmem:$0x10400] =	vst v63  }
0x2c1: {  	s13 =	sadd.s32 s4, s19;
	s14 =	sand.u32 $0x1FFFFFF0, s23;
	s16 =	spop (v2sf)  }
0x2c2: {  	(v2sf) =	vpush v0, $0xE;
	[tilespmem:s11], [sflag:$0x3] =	stream.linear.gather [hbm4b:s13+s1], $0x80, $0x38;
	[tilespmem:$0x10400] =	vst v63  }
0x2c3: {  	s14 =	sadd.s32 s4, s14;
	s17 =	sand.u32 $0x1FFFFFF0, s16;
	s19 =	spop (v2sf)  }
0x2c4: {  	(v2sf) =	vpush v0, $0xF;
	[tilespmem:s8], [sflag:$0x3] =	stream.linear.gather [hbm4b:s14+s1], $0x80, $0x38;
	[tilespmem:$0x10400] =	vst v63  }
0x2c5: {  	s23 =	sand.u32 $0x1FFFFFF0, s19;
	s25 =	spop (v2sf);
	s11 =	sadd.s32 s4, s17  }
0x2c6: {  	[tilespmem:s12], [sflag:$0x3] =	stream.linear.gather [hbm4b:s11+s1], $0x80, $0x38;
	[tilespmem:$0x10400] =	vst v63  }
0x2c7: {  	s13 =	sand.u32 $0x1FFFFFF0, s25;
	s8 =	sadd.s32 s4, s23;
	s14 =	spop (v2sf)  }
0x2c8: {  	[tilespmem:s7], [sflag:$0x3] =	stream.linear.gather [hbm4b:s8+s1], $0x80, $0x38;
	[tilespmem:$0x10400] =	vst v63  }
0x2c9: {  	s11 =	sadd.s32 s4, s13;
	s15 =	sand.u32 $0x1FFFFFF0, s14;
	s16 =	spop (v2sf)  }
0x2ca: {  	[tilespmem:s9], [sflag:$0x3] =	stream.linear.gather [hbm4b:s11+s1], $0x80, $0x38;
	[tilespmem:$0x10400] =	vst v63  }
0x2cb: {  	s8 =	sand.u32 $0x1FFFFFF0, s16;
	s7 =	sadd.s32 s4, s15;
	s17 =	spop (v2sf)  }
0x2cc: {  	[tilespmem:s6], [sflag:$0x3] =	stream.linear.gather [hbm4b:s7+s1], $0x80, $0x38;
	[tilespmem:$0x10400] =	vst v63  }
0x2cd: {  	s8 =	sadd.s32 s4, s8;
	s19 =	sand.u32 $0x1FFFFFF0, s17;
	s23 =	spop (v2sf)  }
0x2ce: {  	[tilespmem:s10], [sflag:$0x3] =	stream.linear.gather [hbm4b:s8+s1], $0x80, $0x38;
	[tilespmem:$0x10400] =	vst v63  }
0x2cf: {  	s6 =	sadd.s32 s4, s19;
	s7 =	sand.u32 $0x1FFFFFF0, s23;
	s25 =	spop (v2sf)  }
0x2d0: {  	[tilespmem:s5], [sflag:$0x3] =	stream.linear.gather [hbm4b:s6+s1], $0x80, $0x38;
	[tilespmem:$0x10400] =	vst v63  }
0x2d1: {  	s9 =	sand.u32 $0x1FFFFFF0, s25;
	s7 =	sadd.s32 s4, s7;
	s10 =	spop (v2sf)  }
0x2d2: {  	[tilespmem:s0], [sflag:$0x3] =	stream.linear.gather [hbm4b:s7+s1], $0x80, $0x38;
	[tilespmem:$0x10400] =	vst v63  }
0x2d3: {  	s11 =	sand.u32 $0x1FFFFFF0, s10;
	s12 =	spop (v2sf);
	s5 =	sadd.s32 s4, s9  }
0x2d4: {  	[tilespmem:s2], [sflag:$0x3] =	stream.linear.gather [hbm4b:s5+s1], $0x80, $0x38;
	[tilespmem:$0x10400] =	vst v63  }
0x2d5: {  	s14 =	sadd.s32 $0x8B00, s28;
	s13 =	sand.u32 $0x1FFFFFF0, s12;
	s0 =	sadd.s32 s4, s11  }
0x2d6: {  	[tilespmem:s14], [sflag:$0x3] =	stream.linear.gather [hbm4b:s0+s1], $0x80, $0x38;
	[tilespmem:$0x10400] =	vst v63  }
0x2d7: {  	s15 =	sadd.s32 $0x8B80, s28;
	s2 =	sadd.s32 s4, s13  }
0x2d8: {  	[tilespmem:s15], [sflag:$0x3] =	stream.linear.gather [hbm4b:s2+s1], $0x80, $0x38;
	[tilespmem:$0x10400] =	vst v63  }
0x2d9: {  	_ =	swait.ge [sflag:s22], $0x4000  }
0x2da: {  	s16 =	simm.s32 $0x0;
	[sflag:s22] =	ssyncset.done $0x0  }
0x2db: {  	s19 =	simm.s32 $0x4400;
	s17 =	rddreg [dreg:$0x6];
	[sflag:s22] =	ssyncadd.s32 $0xFFFFC000  }
0x2dc: {  	[hbm4b:s17+s16] =	stream.linear.scatter [tilespmem:s19], [sflag:$0x5], $0x4000, $0x38;
	[tilespmem:$0x10400] =	vst v63  }
0x2dd: {  	_ =	swait.ge [sflag:s24], $0x4000  }
0x2de: {  	[sflag:s24] =	ssyncset.done $0x0  }
0x2df: {  	s25 =	simm.s32 $0xC400;
	s23 =	rddreg [dreg:$0x7];
	[sflag:s24] =	ssyncadd.s32 $0xFFFFC000  }
0x2e0: {  	[hbm4b:s23+s16] =	stream.linear.scatter [tilespmem:s25], [sflag:$0x6], $0x4000, $0x38;
	[tilespmem:$0x10400] =	vst v63  }
0x2e1: {  	_ =	swait.ge [sflag:s20], $0x4000  }
0x2e2: {  	[sflag:s20] =	ssyncset.done $0x0  }
0x2e3: {  	s29 =	simm.s32 $0x380;
	[sflag:s20] =	ssyncadd.s32 $0xFFFFC000  }
0x2e4: {  	v0 =	vld [tilespmem:s29+$0x0];
	_ =	sdelay $0x4  }
0x2e5: {  	v0 =	vshll.u32 v0, $0x4  }
0x2e6: {  	(v2sf) =	vpush v0, $0x0  }
0x2e7: {  	(v2sf) =	vpush v0, $0x1  }
0x2e8: {  	(v2sf) =	vpush v0, $0x2;
	_ =	sdelay $0x1  }
0x2e9: {  	(v2sf) =	vpush v0, $0x4;
	_ =	sdelay $0x1  }
0x2ea: {  	(v2sf) =	vpush v0, $0x3  }
0x2eb: {  	(v2sf) =	vpush v0, $0x5  }
0x2ec: {  	s28 =	simm.s32 $0x0;
	s0 =	simm.s32 $0x2000;
	(v2sf) =	vpush v0, $0x6  }
.LBB2_14:
0x2ed: {  	p0 =	sne.s32 s0, $0xE000  }
0x2ee: {  	s9 =	sadd.s32 $0x4480, s28;
	s23 =	sadd.s32 $0x4980, s28;
	s2 =	smov.u32 s0  }
0x2ef: {  	s0 =	sadd.s32 $0x2000, s0;
	s25 =	sadd.s32 $0x4780, s28;
	s17 =	sadd.s32 $0x4A00, s28;
	(v2sf) =	vpush v0, $0x7  }
0x2f0: {  	s8 =	sadd.s32 $0x4680, s28;
	s6 =	sadd.s32 $0x4800, s28;
	s19 =	sadd.s32 $0x4A80, s28  }
0x2f1: {  	s10 =	sadd.s32 $0x4400, s28;
	s11 =	sadd.s32 $0x4600, s28;
	(v2sf) =	vpush v0, $0x8  }
0x2f2: {  	s12 =	sadd.s32 $0x4700, s28;
	s29 =	sadd.s32 $0x10, s29  }
0x2f3: {  	s13 =	sadd.s32 $0x4500, s28;
	s5 =	sadd.s32 $0x4900, s28;
	s7 =	spop (v2sf);
	(v2sf) =	vpush v0, $0x9  }
0x2f4: {  	s14 =	sand.u32 $0x1FFFFFF0, s7;
	s7 =	sadd.s32 $0x4880, s28;
	s15 =	spop (v2sf)  }
0x2f5: {  	s14 =	sadd.s32 s3, s14;
	s15 =	sand.u32 $0x1FFFFFF0, s15;
	s16 =	spop (v2sf);
	(v2sf) =	vpush v0, $0xA  }
0x2f6: {  	[tilespmem:s10], [sflag:$0x2] =	stream.linear.gather [hbm4b:s14+s1], $0x80, $0x38;
	[tilespmem:$0x10400] =	vst v63  }
0x2f7: {  	s10 =	sadd.s32 s3, s15;
	s14 =	sadd.s32 $0x4580, s28;
	s15 =	spop (v2sf);
	(v2sf) =	vpush v0, $0xB  }
0x2f8: {  	[tilespmem:s9], [sflag:$0x2] =	stream.linear.gather [hbm4b:s10+s1], $0x80, $0x38;
	[tilespmem:$0x10400] =	vst v63  }
0x2f9: {  	s9 =	sand.u32 $0x1FFFFFF0, s16;
	s10 =	sand.u32 $0x1FFFFFF0, s15;
	s15 =	spop (v2sf);
	(v2sf) =	vpush v0, $0xC  }
0x2fa: {  	s9 =	sadd.s32 s3, s9;
	s15 =	sand.u32 $0x1FFFFFF0, s15;
	s16 =	spop (v2sf)  }
0x2fb: {  	[tilespmem:s13], [sflag:$0x2] =	stream.linear.gather [hbm4b:s9+s1], $0x80, $0x38;
	(v2sf) =	vpush v0, $0xD;
	[tilespmem:$0x10400] =	vst v63  }
0x2fc: {  	s9 =	sadd.s32 s3, s15;
	s13 =	sand.u32 $0x1FFFFFF0, s16;
	s15 =	spop (v2sf)  }
0x2fd: {  	[tilespmem:s14], [sflag:$0x2] =	stream.linear.gather [hbm4b:s9+s1], $0x80, $0x38;
	(v2sf) =	vpush v0, $0xE;
	[tilespmem:$0x10400] =	vst v63  }
0x2fe: {  	s9 =	sadd.s32 s3, s10;
	s10 =	sand.u32 $0x1FFFFFF0, s15;
	s14 =	spop (v2sf)  }
0x2ff: {  	[tilespmem:s11], [sflag:$0x2] =	stream.linear.gather [hbm4b:s9+s1], $0x80, $0x38;
	(v2sf) =	vpush v0, $0xF;
	[tilespmem:$0x10400] =	vst v63  }
0x300: {  	s9 =	sadd.s32 s3, s13;
	s11 =	sand.u32 $0x1FFFFFF0, s14;
	s13 =	spop (v2sf)  }
0x301: {  	[tilespmem:s8], [sflag:$0x2] =	stream.linear.gather [hbm4b:s9+s1], $0x80, $0x38;
	[tilespmem:$0x10400] =	vst v63  }
0x302: {  	s8 =	sadd.s32 s3, s10;
	s9 =	sand.u32 $0x1FFFFFF0, s13;
	s10 =	spop (v2sf)  }
0x303: {  	[tilespmem:s12], [sflag:$0x2] =	stream.linear.gather [hbm4b:s8+s1], $0x80, $0x38;
	[tilespmem:$0x10400] =	vst v63  }
0x304: {  	s8 =	sadd.s32 s3, s11;
	s10 =	sand.u32 $0x1FFFFFF0, s10;
	s11 =	spop (v2sf)  }
0x305: {  	[tilespmem:s25], [sflag:$0x2] =	stream.linear.gather [hbm4b:s8+s1], $0x80, $0x38;
	[tilespmem:$0x10400] =	vst v63  }
0x306: {  	s8 =	sadd.s32 s3, s9;
	s9 =	sand.u32 $0x1FFFFFF0, s11;
	s11 =	spop (v2sf)  }
0x307: {  	[tilespmem:s6], [sflag:$0x2] =	stream.linear.gather [hbm4b:s8+s1], $0x80, $0x38;
	[tilespmem:$0x10400] =	vst v63  }
0x308: {  	s6 =	sadd.s32 s3, s10;
	s8 =	sand.u32 $0x1FFFFFF0, s11;
	s10 =	spop (v2sf)  }
0x309: {  	[tilespmem:s7], [sflag:$0x2] =	stream.linear.gather [hbm4b:s6+s1], $0x80, $0x38;
	[tilespmem:$0x10400] =	vst v63  }
0x30a: {  	s6 =	sadd.s32 s3, s9;
	s7 =	sand.u32 $0x1FFFFFF0, s10;
	s9 =	spop (v2sf)  }
0x30b: {  	[tilespmem:s5], [sflag:$0x2] =	stream.linear.gather [hbm4b:s6+s1], $0x80, $0x38;
	[tilespmem:$0x10400] =	vst v63  }
0x30c: {  	s5 =	sadd.s32 s3, s8;
	s6 =	sand.u32 $0x1FFFFFF0, s9;
	s8 =	spop (v2sf)  }
0x30d: {  	[tilespmem:s23], [sflag:$0x2] =	stream.linear.gather [hbm4b:s5+s1], $0x80, $0x38;
	[tilespmem:$0x10400] =	vst v63  }
0x30e: {  	s5 =	sadd.s32 s3, s7;
	s7 =	sand.u32 $0x1FFFFFF0, s8;
	s8 =	spop (v2sf)  }
0x30f: {  	[tilespmem:s17], [sflag:$0x2] =	stream.linear.gather [hbm4b:s5+s1], $0x80, $0x38;
	[tilespmem:$0x10400] =	vst v63  }
0x310: {  	s5 =	sadd.s32 s3, s6;
	s6 =	sand.u32 $0x1FFFFFF0, s8  }
0x311: {  	[tilespmem:s19], [sflag:$0x2] =	stream.linear.gather [hbm4b:s5+s1], $0x80, $0x38;
	[tilespmem:$0x10400] =	vst v63  }
0x312: {  	s7 =	sadd.s32 s3, s7;
	s5 =	sadd.s32 $0x4B00, s28  }
0x313: {  	[tilespmem:s5], [sflag:$0x2] =	stream.linear.gather [hbm4b:s7+s1], $0x80, $0x38;
	[tilespmem:$0x10400] =	vst v63  }
0x314: {  	s6 =	sadd.s32 s3, s6;
	s5 =	sadd.s32 $0x4B80, s28  }
0x315: {  	[tilespmem:s5], [sflag:$0x2] =	stream.linear.gather [hbm4b:s6+s1], $0x80, $0x38;
	[tilespmem:$0x10400] =	vst v63  }
0x316: {  	v0 =	vld [tilespmem:s29+$0x0];
	_ =	sdelay $0x4  }
0x317: {  	v0 =	vshll.u32 v0, $0x4  }
0x318: {  	(v2sf) =	vpush v0, $0x0  }
0x319: {  	(v2sf) =	vpush v0, $0x1  }
0x31a: {  	(v2sf) =	vpush v0, $0x2;
	_ =	sdelay $0x1  }
0x31b: {  	(v2sf) =	vpush v0, $0x4  }
.Ltmp6:
0x31c: {  	(pc) =	sbr.rel @p0 .LBB2_14-.Ltmp6, $3  }
0x31d: {  	(v2sf) =	vpush v0, $0x3  }
0x31e: {  	(v2sf) =	vpush v0, $0x5;
	_ =	sdelay $0x1  }
0x31f: {  	s28 =	sshra.s32 s2, $0x2;
	(v2sf) =	vpush v0, $0x6  }
0x320: {  	_ =	sdelay $0x1  }
0x321: {  	s6 =	sadd.s32 $0x4480, s28;
	s5 =	sadd.s32 $0x4980, s28  }
0x322: {  	s7 =	sadd.s32 $0x4780, s28;
	s0 =	sadd.s32 $0x4A00, s28;
	(v2sf) =	vpush v0, $0x7;
	s8 =	sadd.s32 $0x4680, s28  }
0x323: {  	s9 =	sadd.s32 $0x4800, s28;
	s2 =	sadd.s32 $0x4A80, s28;
	s10 =	sadd.s32 $0x4400, s28  }
0x324: {  	s11 =	sadd.s32 $0x4600, s28;
	s12 =	sadd.s32 $0x4700, s28;
	(v2sf) =	vpush v0, $0x8;
	s13 =	spop (v2sf)  }
0x325: {  	s14 =	sadd.s32 $0x4500, s28;
	s13 =	sand.u32 $0x1FFFFFF0, s13;
	s15 =	spop (v2sf)  }
0x326: {  	(v2sf) =	vpush v0, $0x9;
	s13 =	sadd.s32 s3, s13;
	s15 =	sand.u32 $0x1FFFFFF0, s15;
	s16 =	spop (v2sf)  }
0x327: {  	[tilespmem:s10], [sflag:$0x2] =	stream.linear.gather [hbm4b:s13+s1], $0x80, $0x38;
	[tilespmem:$0x10400] =	vst v63  }
0x328: {  	s17 =	sadd.s32 $0x4580, s28;
	(v2sf) =	vpush v0, $0xA;
	s23 =	sadd.s32 s3, s15;
	s25 =	spop (v2sf)  }
0x329: {  	[tilespmem:s6], [sflag:$0x2] =	stream.linear.gather [hbm4b:s23+s1], $0x80, $0x38;
	[tilespmem:$0x10400] =	vst v63  }
0x32a: {  	s10 =	sadd.s32 $0x4900, s28;
	s16 =	sand.u32 $0x1FFFFFF0, s16;
	(v2sf) =	vpush v0, $0xB;
	s19 =	spop (v2sf)  }
0x32b: {  	s13 =	sadd.s32 s3, s16;
	s6 =	sadd.s32 $0x4880, s28;
	s16 =	sand.u32 $0x1FFFFFF0, s19  }
0x32c: {  	(v2sf) =	vpush v0, $0xC;
	[tilespmem:s14], [sflag:$0x2] =	stream.linear.gather [hbm4b:s13+s1], $0x80, $0x38;
	[tilespmem:$0x10400] =	vst v63  }
0x32d: {  	s23 =	sand.u32 $0x1FFFFFF0, s25;
	s25 =	spop (v2sf);
	s16 =	sadd.s32 s3, s16  }
0x32e: {  	(v2sf) =	vpush v0, $0xD;
	[tilespmem:s17], [sflag:$0x2] =	stream.linear.gather [hbm4b:s16+s1], $0x80, $0x38;
	[tilespmem:$0x10400] =	vst v63  }
0x32f: {  	s13 =	sadd.s32 s3, s23;
	s14 =	sand.u32 $0x1FFFFFF0, s25;
	s19 =	spop (v2sf)  }
0x330: {  	(v2sf) =	vpush v0, $0xE;
	[tilespmem:s11], [sflag:$0x2] =	stream.linear.gather [hbm4b:s13+s1], $0x80, $0x38;
	[tilespmem:$0x10400] =	vst v63  }
0x331: {  	s14 =	sadd.s32 s3, s14;
	s23 =	sand.u32 $0x1FFFFFF0, s19;
	s25 =	spop (v2sf)  }
0x332: {  	(v2sf) =	vpush v0, $0xF;
	[tilespmem:s8], [sflag:$0x2] =	stream.linear.gather [hbm4b:s14+s1], $0x80, $0x38;
	[tilespmem:$0x10400] =	vst v63  }
0x333: {  	s15 =	spop (v2sf);
	s11 =	sadd.s32 s3, s23;
	s14 =	sand.u32 $0x1FFFFFF0, s25  }
0x334: {  	[tilespmem:s12], [sflag:$0x2] =	stream.linear.gather [hbm4b:s11+s1], $0x80, $0x38;
	[tilespmem:$0x10400] =	vst v63  }
0x335: {  	s16 =	sand.u32 $0x1FFFFFF0, s15;
	s8 =	sadd.s32 s3, s14;
	s17 =	spop (v2sf)  }
0x336: {  	[tilespmem:s7], [sflag:$0x2] =	stream.linear.gather [hbm4b:s8+s1], $0x80, $0x38;
	[tilespmem:$0x10400] =	vst v63  }
0x337: {  	s11 =	sadd.s32 s3, s16;
	s19 =	sand.u32 $0x1FFFFFF0, s17;
	s23 =	spop (v2sf)  }
0x338: {  	[tilespmem:s9], [sflag:$0x2] =	stream.linear.gather [hbm4b:s11+s1], $0x80, $0x38;
	[tilespmem:$0x10400] =	vst v63  }
0x339: {  	s8 =	sand.u32 $0x1FFFFFF0, s23;
	s7 =	sadd.s32 s3, s19;
	s25 =	spop (v2sf)  }
0x33a: {  	[tilespmem:s6], [sflag:$0x2] =	stream.linear.gather [hbm4b:s7+s1], $0x80, $0x38;
	[tilespmem:$0x10400] =	vst v63  }
0x33b: {  	s8 =	sadd.s32 s3, s8;
	s11 =	sand.u32 $0x1FFFFFF0, s25;
	s12 =	spop (v2sf)  }
0x33c: {  	[tilespmem:s10], [sflag:$0x2] =	stream.linear.gather [hbm4b:s8+s1], $0x80, $0x38;
	[tilespmem:$0x10400] =	vst v63  }
0x33d: {  	s6 =	sadd.s32 s3, s11;
	s7 =	sand.u32 $0x1FFFFFF0, s12;
	s13 =	spop (v2sf)  }
0x33e: {  	[tilespmem:s5], [sflag:$0x2] =	stream.linear.gather [hbm4b:s6+s1], $0x80, $0x38;
	[tilespmem:$0x10400] =	vst v63  }
0x33f: {  	s14 =	sand.u32 $0x1FFFFFF0, s13;
	s7 =	sadd.s32 s3, s7;
	s15 =	spop (v2sf)  }
0x340: {  	[tilespmem:s0], [sflag:$0x2] =	stream.linear.gather [hbm4b:s7+s1], $0x80, $0x38;
	[tilespmem:$0x10400] =	vst v63  }
0x341: {  	s16 =	sand.u32 $0x1FFFFFF0, s15;
	s17 =	spop (v2sf);
	s5 =	sadd.s32 s3, s14  }
0x342: {  	[tilespmem:s2], [sflag:$0x2] =	stream.linear.gather [hbm4b:s5+s1], $0x80, $0x38;
	[tilespmem:$0x10400] =	vst v63  }
0x343: {  	s23 =	sadd.s32 $0x4B00, s28;
	s19 =	sand.u32 $0x1FFFFFF0, s17;
	s0 =	sadd.s32 s3, s16  }
0x344: {  	[tilespmem:s23], [sflag:$0x2] =	stream.linear.gather [hbm4b:s0+s1], $0x80, $0x38;
	[tilespmem:$0x10400] =	vst v63  }
0x345: {  	s25 =	sadd.s32 $0x4B80, s28;
	s2 =	sadd.s32 s3, s19  }
0x346: {  	[tilespmem:s25], [sflag:$0x2] =	stream.linear.gather [hbm4b:s2+s1], $0x80, $0x38;
	[tilespmem:$0x10400] =	vst v63  }
0x347: {  	_ =	swait.ge [sflag:s21], $0x4000  }
0x348: {  	[sflag:s21] =	ssyncset.done $0x0  }
0x349: {  	s29 =	simm.s32 $0x380;
	[sflag:s21] =	ssyncadd.s32 $0xFFFFC000  }
0x34a: {  	v0 =	vld [tilespmem:s29+$0x0];
	_ =	sdelay $0x4  }
0x34b: {  	v0 =	vshll.u32 v0, $0x4  }
0x34c: {  	(v2sf) =	vpush v0, $0x0  }
0x34d: {  	(v2sf) =	vpush v0, $0x1  }
0x34e: {  	(v2sf) =	vpush v0, $0x2;
	_ =	sdelay $0x1  }
0x34f: {  	(v2sf) =	vpush v0, $0x4;
	_ =	sdelay $0x1  }
0x350: {  	(v2sf) =	vpush v0, $0x3  }
0x351: {  	(v2sf) =	vpush v0, $0x5  }
0x352: {  	s28 =	simm.s32 $0x0;
	s0 =	simm.s32 $0x2000;
	(v2sf) =	vpush v0, $0x6  }
.LBB2_16:
0x353: {  	p0 =	sne.s32 s0, $0xE000  }
0x354: {  	s9 =	sadd.s32 $0xC480, s28;
	s23 =	sadd.s32 $0xC980, s28;
	s2 =	smov.u32 s0  }
0x355: {  	s0 =	sadd.s32 $0x2000, s0;
	s25 =	sadd.s32 $0xC780, s28;
	s17 =	sadd.s32 $0xCA00, s28;
	(v2sf) =	vpush v0, $0x7  }
0x356: {  	s8 =	sadd.s32 $0xC680, s28;
	s6 =	sadd.s32 $0xC800, s28;
	s19 =	sadd.s32 $0xCA80, s28  }
0x357: {  	s10 =	sadd.s32 $0xC400, s28;
	s11 =	sadd.s32 $0xC600, s28;
	(v2sf) =	vpush v0, $0x8  }
0x358: {  	s12 =	sadd.s32 $0xC700, s28;
	s29 =	sadd.s32 $0x10, s29  }
0x359: {  	s13 =	sadd.s32 $0xC500, s28;
	s5 =	sadd.s32 $0xC900, s28;
	s7 =	spop (v2sf);
	(v2sf) =	vpush v0, $0x9  }
0x35a: {  	s14 =	sand.u32 $0x1FFFFFF0, s7;
	s7 =	sadd.s32 $0xC880, s28;
	s15 =	spop (v2sf)  }
0x35b: {  	s14 =	sadd.s32 s4, s14;
	s15 =	sand.u32 $0x1FFFFFF0, s15;
	s16 =	spop (v2sf);
	(v2sf) =	vpush v0, $0xA  }
0x35c: {  	[tilespmem:s10], [sflag:$0x4] =	stream.linear.gather [hbm4b:s14+s1], $0x80, $0x38;
	[tilespmem:$0x10400] =	vst v63  }
0x35d: {  	s10 =	sadd.s32 s4, s15;
	s14 =	sadd.s32 $0xC580, s28;
	s15 =	spop (v2sf);
	(v2sf) =	vpush v0, $0xB  }
0x35e: {  	[tilespmem:s9], [sflag:$0x4] =	stream.linear.gather [hbm4b:s10+s1], $0x80, $0x38;
	[tilespmem:$0x10400] =	vst v63  }
0x35f: {  	s9 =	sand.u32 $0x1FFFFFF0, s16;
	s10 =	sand.u32 $0x1FFFFFF0, s15;
	s15 =	spop (v2sf);
	(v2sf) =	vpush v0, $0xC  }
0x360: {  	s9 =	sadd.s32 s4, s9;
	s15 =	sand.u32 $0x1FFFFFF0, s15;
	s16 =	spop (v2sf)  }
0x361: {  	[tilespmem:s13], [sflag:$0x4] =	stream.linear.gather [hbm4b:s9+s1], $0x80, $0x38;
	(v2sf) =	vpush v0, $0xD;
	[tilespmem:$0x10400] =	vst v63  }
0x362: {  	s9 =	sadd.s32 s4, s15;
	s13 =	sand.u32 $0x1FFFFFF0, s16;
	s15 =	spop (v2sf)  }
0x363: {  	[tilespmem:s14], [sflag:$0x4] =	stream.linear.gather [hbm4b:s9+s1], $0x80, $0x38;
	(v2sf) =	vpush v0, $0xE;
	[tilespmem:$0x10400] =	vst v63  }
0x364: {  	s9 =	sadd.s32 s4, s10;
	s10 =	sand.u32 $0x1FFFFFF0, s15;
	s14 =	spop (v2sf)  }
0x365: {  	[tilespmem:s11], [sflag:$0x4] =	stream.linear.gather [hbm4b:s9+s1], $0x80, $0x38;
	(v2sf) =	vpush v0, $0xF;
	[tilespmem:$0x10400] =	vst v63  }
0x366: {  	s9 =	sadd.s32 s4, s13;
	s11 =	sand.u32 $0x1FFFFFF0, s14;
	s13 =	spop (v2sf)  }
0x367: {  	[tilespmem:s8], [sflag:$0x4] =	stream.linear.gather [hbm4b:s9+s1], $0x80, $0x38;
	[tilespmem:$0x10400] =	vst v63  }
0x368: {  	s8 =	sadd.s32 s4, s10;
	s9 =	sand.u32 $0x1FFFFFF0, s13;
	s10 =	spop (v2sf)  }
0x369: {  	[tilespmem:s12], [sflag:$0x4] =	stream.linear.gather [hbm4b:s8+s1], $0x80, $0x38;
	[tilespmem:$0x10400] =	vst v63  }
0x36a: {  	s8 =	sadd.s32 s4, s11;
	s10 =	sand.u32 $0x1FFFFFF0, s10;
	s11 =	spop (v2sf)  }
0x36b: {  	[tilespmem:s25], [sflag:$0x4] =	stream.linear.gather [hbm4b:s8+s1], $0x80, $0x38;
	[tilespmem:$0x10400] =	vst v63  }
0x36c: {  	s8 =	sadd.s32 s4, s9;
	s9 =	sand.u32 $0x1FFFFFF0, s11;
	s11 =	spop (v2sf)  }
0x36d: {  	[tilespmem:s6], [sflag:$0x4] =	stream.linear.gather [hbm4b:s8+s1], $0x80, $0x38;
	[tilespmem:$0x10400] =	vst v63  }
0x36e: {  	s6 =	sadd.s32 s4, s10;
	s8 =	sand.u32 $0x1FFFFFF0, s11;
	s10 =	spop (v2sf)  }
0x36f: {  	[tilespmem:s7], [sflag:$0x4] =	stream.linear.gather [hbm4b:s6+s1], $0x80, $0x38;
	[tilespmem:$0x10400] =	vst v63  }
0x370: {  	s6 =	sadd.s32 s4, s9;
	s7 =	sand.u32 $0x1FFFFFF0, s10;
	s9 =	spop (v2sf)  }
0x371: {  	[tilespmem:s5], [sflag:$0x4] =	stream.linear.gather [hbm4b:s6+s1], $0x80, $0x38;
	[tilespmem:$0x10400] =	vst v63  }
0x372: {  	s5 =	sadd.s32 s4, s8;
	s6 =	sand.u32 $0x1FFFFFF0, s9;
	s8 =	spop (v2sf)  }
0x373: {  	[tilespmem:s23], [sflag:$0x4] =	stream.linear.gather [hbm4b:s5+s1], $0x80, $0x38;
	[tilespmem:$0x10400] =	vst v63  }
0x374: {  	s5 =	sadd.s32 s4, s7;
	s7 =	sand.u32 $0x1FFFFFF0, s8;
	s8 =	spop (v2sf)  }
0x375: {  	[tilespmem:s17], [sflag:$0x4] =	stream.linear.gather [hbm4b:s5+s1], $0x80, $0x38;
	[tilespmem:$0x10400] =	vst v63  }
0x376: {  	s5 =	sadd.s32 s4, s6;
	s6 =	sand.u32 $0x1FFFFFF0, s8  }
0x377: {  	[tilespmem:s19], [sflag:$0x4] =	stream.linear.gather [hbm4b:s5+s1], $0x80, $0x38;
	[tilespmem:$0x10400] =	vst v63  }
0x378: {  	s7 =	sadd.s32 s4, s7;
	s5 =	sadd.s32 $0xCB00, s28  }
0x379: {  	[tilespmem:s5], [sflag:$0x4] =	stream.linear.gather [hbm4b:s7+s1], $0x80, $0x38;
	[tilespmem:$0x10400] =	vst v63  }
0x37a: {  	s6 =	sadd.s32 s4, s6;
	s5 =	sadd.s32 $0xCB80, s28  }
0x37b: {  	[tilespmem:s5], [sflag:$0x4] =	stream.linear.gather [hbm4b:s6+s1], $0x80, $0x38;
	[tilespmem:$0x10400] =	vst v63  }
0x37c: {  	v0 =	vld [tilespmem:s29+$0x0];
	_ =	sdelay $0x4  }
0x37d: {  	v0 =	vshll.u32 v0, $0x4  }
0x37e: {  	(v2sf) =	vpush v0, $0x0  }
0x37f: {  	(v2sf) =	vpush v0, $0x1  }
0x380: {  	(v2sf) =	vpush v0, $0x2;
	_ =	sdelay $0x1  }
0x381: {  	(v2sf) =	vpush v0, $0x4  }
.Ltmp7:
0x382: {  	(pc) =	sbr.rel @p0 .LBB2_16-.Ltmp7, $3  }
0x383: {  	(v2sf) =	vpush v0, $0x3  }
0x384: {  	(v2sf) =	vpush v0, $0x5;
	_ =	sdelay $0x1  }
0x385: {  	s28 =	sshra.s32 s2, $0x2;
	(v2sf) =	vpush v0, $0x6  }
0x386: {  	_ =	sdelay $0x5  }
0x387: {  	s0 =	spop (v2sf)  }
0x388: {  	s2 =	spop (v2sf)  }
0x389: {  	s29 =	spop (v2sf)  }
0x38a: {  	s7 =	spop (v2sf);
	(v2sf) =	vpush v0, $0x7  }
0x38b: {  	s0 =	sand.u32 $0x1FFFFFF0, s0  }
0x38c: {  	s5 =	sadd.s32 $0xC400, s28;
	s0 =	sadd.s32 s4, s0  }
0x38d: {  	[tilespmem:s5], [sflag:$0x4] =	stream.linear.gather [hbm4b:s0+s1], $0x80, $0x38;
	[tilespmem:$0x10400] =	vst v63  }
0x38e: {  	s2 =	sand.u32 $0x1FFFFFF0, s2;
	s8 =	spop (v2sf);
	(v2sf) =	vpush v0, $0x8  }
0x38f: {  	s25 =	sadd.s32 $0xC480, s28;
	s2 =	sadd.s32 s4, s2  }
0x390: {  	[tilespmem:s25], [sflag:$0x4] =	stream.linear.gather [hbm4b:s2+s1], $0x80, $0x38;
	[tilespmem:$0x10400] =	vst v63  }
0x391: {  	s5 =	sand.u32 $0x1FFFFFF0, s29;
	s12 =	spop (v2sf);
	(v2sf) =	vpush v0, $0x9  }
0x392: {  	s6 =	sadd.s32 $0xC500, s28;
	s0 =	sadd.s32 s4, s5  }
0x393: {  	[tilespmem:s6], [sflag:$0x4] =	stream.linear.gather [hbm4b:s0+s1], $0x80, $0x38;
	[tilespmem:$0x10400] =	vst v63  }
0x394: {  	s0 =	sand.u32 $0x1FFFFFF0, s8;
	s14 =	spop (v2sf);
	(v2sf) =	vpush v0, $0xA  }
0x395: {  	s9 =	sadd.s32 $0xC580, s28;
	s10 =	sand.u32 $0x1FFFFFF0, s7;
	s0 =	sadd.s32 s4, s0  }
0x396: {  	[tilespmem:s9], [sflag:$0x4] =	stream.linear.gather [hbm4b:s0+s1], $0x80, $0x38;
	[tilespmem:$0x10400] =	vst v63  }
0x397: {  	s11 =	sadd.s32 $0xC600, s28;
	s0 =	sadd.s32 s4, s10  }
0x398: {  	[tilespmem:s11], [sflag:$0x4] =	stream.linear.gather [hbm4b:s0+s1], $0x80, $0x38;
	[tilespmem:$0x10400] =	vst v63  }
0x399: {  	s0 =	sand.u32 $0x1FFFFFF0, s12;
	s16 =	spop (v2sf);
	(v2sf) =	vpush v0, $0xB  }
0x39a: {  	s13 =	sadd.s32 $0xC680, s28;
	s0 =	sadd.s32 s4, s0  }
0x39b: {  	[tilespmem:s13], [sflag:$0x4] =	stream.linear.gather [hbm4b:s0+s1], $0x80, $0x38;
	[tilespmem:$0x10400] =	vst v63  }
0x39c: {  	s0 =	sand.u32 $0x1FFFFFF0, s14  }
0x39d: {  	s15 =	sadd.s32 $0xC700, s28;
	s0 =	sadd.s32 s4, s0;
	s19 =	spop (v2sf);
	(v2sf) =	vpush v0, $0xC  }
0x39e: {  	[tilespmem:s15], [sflag:$0x4] =	stream.linear.gather [hbm4b:s0+s1], $0x80, $0x38;
	[tilespmem:$0x10400] =	vst v63  }
0x39f: {  	s0 =	sand.u32 $0x1FFFFFF0, s16  }
0x3a0: {  	s17 =	sadd.s32 $0xC780, s28;
	s0 =	sadd.s32 s4, s0;
	s25 =	spop (v2sf);
	(v2sf) =	vpush v0, $0xD  }
0x3a1: {  	[tilespmem:s17], [sflag:$0x4] =	stream.linear.gather [hbm4b:s0+s1], $0x80, $0x38;
	[tilespmem:$0x10400] =	vst v63  }
0x3a2: {  	s0 =	sand.u32 $0x1FFFFFF0, s19  }
0x3a3: {  	s23 =	sadd.s32 $0xC800, s28;
	s0 =	sadd.s32 s4, s0;
	s5 =	spop (v2sf);
	(v2sf) =	vpush v0, $0xE  }
0x3a4: {  	[tilespmem:s23], [sflag:$0x4] =	stream.linear.gather [hbm4b:s0+s1], $0x80, $0x38;
	[tilespmem:$0x10400] =	vst v63  }
0x3a5: {  	s0 =	sand.u32 $0x1FFFFFF0, s25  }
0x3a6: {  	s29 =	sadd.s32 $0xC880, s28;
	s0 =	sadd.s32 s4, s0  }
0x3a7: {  	[tilespmem:s29], [sflag:$0x4] =	stream.linear.gather [hbm4b:s0+s1], $0x80, $0x38;
	[tilespmem:$0x10400] =	vst v63  }
0x3a8: {  	s0 =	sand.u32 $0x1FFFFFF0, s5;
	s7 =	spop (v2sf);
	(v2sf) =	vpush v0, $0xF  }
0x3a9: {  	s6 =	sadd.s32 $0xC900, s28;
	s0 =	sadd.s32 s4, s0  }
0x3aa: {  	[tilespmem:s6], [sflag:$0x4] =	stream.linear.gather [hbm4b:s0+s1], $0x80, $0x38;
	[tilespmem:$0x10400] =	vst v63  }
0x3ab: {  	s0 =	sand.u32 $0x1FFFFFF0, s7  }
0x3ac: {  	s8 =	sadd.s32 $0xC980, s28;
	s0 =	sadd.s32 s4, s0;
	s9 =	spop (v2sf)  }
0x3ad: {  	[tilespmem:s8], [sflag:$0x4] =	stream.linear.gather [hbm4b:s0+s1], $0x80, $0x38;
	[tilespmem:$0x10400] =	vst v63  }
0x3ae: {  	s0 =	sand.u32 $0x1FFFFFF0, s9  }
0x3af: {  	s10 =	sadd.s32 $0xCA00, s28;
	s11 =	spop (v2sf);
	s0 =	sadd.s32 s4, s0  }
0x3b0: {  	[tilespmem:s10], [sflag:$0x4] =	stream.linear.gather [hbm4b:s0+s1], $0x80, $0x38;
	[tilespmem:$0x10400] =	vst v63  }
0x3b1: {  	s0 =	sand.u32 $0x1FFFFFF0, s11  }
0x3b2: {  	s12 =	sadd.s32 $0xCA80, s28;
	s13 =	spop (v2sf);
	s0 =	sadd.s32 s4, s0  }
0x3b3: {  	[tilespmem:s12], [sflag:$0x4] =	stream.linear.gather [hbm4b:s0+s1], $0x80, $0x38;
	[tilespmem:$0x10400] =	vst v63  }
0x3b4: {  	s0 =	sand.u32 $0x1FFFFFF0, s13  }
0x3b5: {  	s14 =	sadd.s32 $0xCB00, s28;
	s0 =	sadd.s32 s4, s0  }
0x3b6: {  	[tilespmem:s14], [sflag:$0x4] =	stream.linear.gather [hbm4b:s0+s1], $0x80, $0x38;
	[tilespmem:$0x10400] =	vst v63  }
0x3b7: {  	s15 =	spop (v2sf)  }
0x3b8: {  	s0 =	sand.u32 $0x1FFFFFF0, s15  }
0x3b9: {  	s16 =	sadd.s32 $0xCB80, s28;
	s0 =	sadd.s32 s4, s0  }
0x3ba: {  	[tilespmem:s16], [sflag:$0x4] =	stream.linear.gather [hbm4b:s0+s1], $0x80, $0x38;
	[tilespmem:$0x10400] =	vst v63  }
0x3bb: {  	_ =	swait.ge [sflag:s30], $0x4000  }
0x3bc: {  	[sflag:s30] =	ssyncset.done $0x0  }
0x3bd: {  	s17 =	rddreg [dreg:$0x8];
	[sflag:s30] =	ssyncadd.s32 $0xFFFFC000  }
0x3be: {  	[hbm4b:s17+s1] =	stream.linear.scatter [tilespmem:s31], [sflag:$0x5], $0x4000, $0x38;
	[tilespmem:$0x10400] =	vst v63  }
0x3bf: {  	_ =	swait.ge [sflag:s18], $0x4000  }
0x3c0: {  	[sflag:s18] =	ssyncset.done $0x0  }
0x3c1: {  	s23 =	simm.s32 $0x8400;
	s19 =	rddreg [dreg:$0x9];
	[sflag:s18] =	ssyncadd.s32 $0xFFFFC000  }
0x3c2: {  	[hbm4b:s19+s1] =	stream.linear.scatter [tilespmem:s23], [sflag:$0x6], $0x4000, $0x38;
	[tilespmem:$0x10400] =	vst v63  }
0x3c3: {  	_ =	swait.ge [sflag:s22], $0x4000  }
0x3c4: {  	[sflag:s22] =	ssyncset.done $0x0  }
0x3c5: {  	s28 =	simm.s32 $0x4400;
	s25 =	rddreg [dreg:$0xa];
	[sflag:s22] =	ssyncadd.s32 $0xFFFFC000  }
0x3c6: {  	[hbm4b:s25+s1] =	stream.linear.scatter [tilespmem:s28], [sflag:$0x5], $0x4000, $0x38;
	[tilespmem:$0x10400] =	vst v63  }
0x3c7: {  	_ =	swait.ge [sflag:s24], $0x4000  }
0x3c8: {  	[sflag:s24] =	ssyncset.done $0x0  }
0x3c9: {  	s30 =	simm.s32 $0xC400;
	s29 =	rddreg [dreg:$0xb];
	[sflag:s24] =	ssyncadd.s32 $0xFFFFC000  }
0x3ca: {  	[hbm4b:s29+s1] =	stream.linear.scatter [tilespmem:s30], [sflag:$0x6], $0x4000, $0x38;
	[tilespmem:$0x10400] =	vst v63  }
0x3cb: {  	_ =	swait.ge [sflag:s20], $0x4000  }
0x3cc: {  	[sflag:s20] =	ssyncset.done $0x0  }
0x3cd: {  	[sflag:s20] =	ssyncadd.s32 $0xFFFFC000  }
0x3ce: {  	_ =	swait.ge [sflag:s21], $0x4000  }
0x3cf: {  	[sflag:s21] =	ssyncset.done $0x0  }
0x3d0: {  	[sflag:s21] =	ssyncadd.s32 $0xFFFFC000  }
0x3d1: {  	_ =	swait.ge [sflag:s20], $0x4000  }
0x3d2: {  	[sflag:s20] =	ssyncset.done $0x0  }
0x3d3: {  	[sflag:s20] =	ssyncadd.s32 $0xFFFFC000  }
0x3d4: {  	_ =	swait.ge [sflag:s21], $0x4000  }
0x3d5: {  	s26 =	sadd.s32 $0x1, s26;
	s31 =	rddreg [dreg:$0xc]  }
0x3d6: {  	p0 =	sne.s32 s26, s31  }
.Ltmp8:
0x3d7: {  	_ = 	snop;
	(pc) =	sbr.rel @p0 .LBB2_1-.Ltmp8, $3  }
0x3d8: {  	_ =	sdelay $0x1  }
0x3d9: {  	[sflag:s21] =	ssyncset.done $0x0  }
0x3da: {  	[sflag:s21] =	ssyncadd.s32 $0xFFFFC000  }
0x3db: {  	_ =	sfence.sel $0x180000  }
0x3dc: {  	[bflag:$0x0] =	sbarrier.arrive $0xFFFF  }
0x3dd: {  	_ =	strace $0x90000047  }
0x3de: {  	s0 =	stileid.u32;
	[bflag:$0x2] =	sbarrier.arrive $0xFFFF  }
0x3df: {  	p0 =	sne.s32 s0, $0x0;
	s0 =	rddreg [dreg:$0x2]  }
0x3e0: {  	s0 =	sadd.s32 @!p0 $0x100000, s0  }
0x3e1: {  	[sflag:s0] =	ssyncadd.tile.s32 @!p0 $0x1;
	_ =	shalt  }
.Lfunc_end2:
_tile_overlayer_lowered:
.L_overlay_start_2:
0x3e2: {  	(tag) =	ssettag $0x2  }
0x3e3: {  	s0 =	rddreg [dreg:$0x0];
	s2 =	stileid.u32  }
0x3e4: {  	s1 =	rddreg [dreg:$0x1];
	p0 =	sne.s32 s2, $0x0  }
0x3e5: {  	s3 =	rddreg [dreg:$0x2];
	[bflag:$0x3] =	sbarrier.arrive $0xFFFF;
	s2 =	simm.s32 @!p0 $0x1C07  }
0x3e6: {  	[timem:s3], [sflag:s2] =	dma.local @!p0 [hbm:s0], s1  }
0x3e7: {  	s0 =	simm.s32 @!p0 $0x7  }
0x3e8: {  	_ =	swait.ge @!p0 [sflag:s0], s1  }
0x3e9: {  	s1 =	ssub.s32 @!p0 $0x0, s1;
	[sflag:s0] =	ssyncset.done @!p0 $0x0  }
0x3ea: {  	[sflag:s0] =	ssyncadd.s32 @!p0 s1  }
0x3eb: {  	[bflag:$0x3] =	sbarrier.arrive $0xFFFF  }
0x3ec: {  	_ =	shalt  }

</sc_bundles>
